<compile_context>
chip_gen: v7x
topology: tpu7x:2x2x1
jax: 0.10.2.dev20260603
libtpu: 0.0.44.dev20260713+nightly
codegen_flags: <defaults>
</compile_context>

<pallas_src>
import jax
import jax.numpy as jnp
from jax import lax
from jax.experimental import pallas as pl
from jax.experimental.pallas import tpu as pltpu
from jax.experimental.pallas import tpu_sc as plsc

L = 16
NC = 2
NS = 16
NW = NC * NS

B, R, C = 8, 20000, 128
G = C // L
WPB = NW // B
SPAN = 5120
CHUNK = 256
NBUF = 2
NCHUNK = SPAN // CHUNK
GPC = CHUNK // L

BIG = 0x7F000000


def _worker_span(q):
  start = q * 5000 + 8 * (q % 2)
  start = jnp.where(q == WPB - 1, R - SPAN, start)
  return pl.multiple_of(start, 16)


def _body(sim, mcols, mvals, buf0, buf1, ovbuf, oibuf, tv, ti,
          table, mcbuf, mvbuf, pvbuf, prbuf, pvb, prb, pv_sh, pr_sh,
          sem0, sem1):
  core = lax.axis_index("c")
  sub = lax.axis_index("s")
  b = core * (NS // WPB) + sub // WPB
  q = sub % WPB
  start = _worker_span(q)

  iota = lax.broadcasted_iota(jnp.int32, (L,), 0)
  iota16 = iota * L
  ones = jnp.full((L,), 1, jnp.int32)
  idx_cf = [(iota + L * g).astype(jnp.float32) for g in range(G)]
  idx_ci = [iota + L * g for g in range(G)]
  onehot = [iota == r for r in range(L)]
  bigf = jnp.full((L,), 1e9, jnp.float32)
  bigv = jnp.full((L,), BIG, jnp.int32)
  padv = jnp.full((L,), -1.0, jnp.float32)
  padif = jnp.full((L,), float(C), jnp.float32)

  bufs = (buf0, buf1)
  sems = (sem0, sem1)

  def _src(ch):
    row0 = pl.multiple_of(start + ch * CHUNK, 16)
    return sim.at[b, pl.ds(row0, CHUNK)]

  for p in range(NBUF - 1):
    pltpu.async_copy(_src(p), bufs[p], sems[p])

  def chunk_compute(buf, row0, carry):
    def rbody(rloc, cr):
      cmax, crow = cr
      rowvec = jnp.full((L,), row0 + rloc, jnp.int32)
      v = [buf[rloc, pl.ds(L * g, L)] for g in range(G)]
      ncmax, ncrow = [], []
      for g in range(G):
        m = v[g] > cmax[g]
        ncmax.append(jnp.where(m, v[g], cmax[g]))
        ncrow.append(jnp.where(m, rowvec, crow[g]))
      a = list(v)
      n = G
      while n > 1:
        a = [jnp.maximum(a[p], a[p + 1]) for p in range(0, n, 2)]
        n //= 2
      mx = a[0]
      c = [jnp.where(v[g] == mx, idx_cf[g], bigf) for g in range(G)]
      n = G
      while n > 1:
        c = [jnp.minimum(c[p], c[p + 1]) for p in range(0, n, 2)]
        n //= 2
      tv[pl.ds(rloc * L, L)] = mx
      ti[pl.ds(rloc * L, L)] = c[0]
      return tuple(ncmax), tuple(ncrow)

    carry = plsc.parallel_loop(0, CHUNK, 1, unroll=2, carry=carry)(rbody)

    def tbody(t, _):
      base = jnp.full((L,), t * (L * L), jnp.int32) + iota16
      idxv = base
      mxv = plsc.load_gather(tv, [idxv])
      for _j in range(1, L):
        idxv = idxv + ones
        mxv = jnp.maximum(mxv, plsc.load_gather(tv, [idxv]))
      idxv = base
      amv = jnp.where(plsc.load_gather(tv, [idxv]) == mxv,
                      plsc.load_gather(ti, [idxv]), bigf)
      for _j in range(1, L):
        idxv = idxv + ones
        amv = jnp.minimum(
            amv,
            jnp.where(plsc.load_gather(tv, [idxv]) == mxv,
                      plsc.load_gather(ti, [idxv]), bigf))
      padw = mxv < padv
      mxv = jnp.where(padw, padv, mxv)
      amv = jnp.where(padw, padif, amv)
      off = row0 - start + t * L
      ovbuf[pl.ds(off, L)] = mxv
      oibuf[pl.ds(off, L)] = amv.astype(jnp.int32)
      return 0

    plsc.parallel_loop(0, GPC, 1, unroll=1, carry=jnp.int32(0))(tbody)
    return carry

  def outer_body(i, carry):
    for bi in range(NBUF):
      ch = NBUF * i + bi
      pltpu.make_async_copy(_src(ch), bufs[bi], sems[bi]).wait()

      @pl.when(ch + NBUF - 1 < NCHUNK)
      def _():
        nb = (bi + NBUF - 1) % NBUF
        pltpu.async_copy(_src(ch + NBUF - 1), bufs[nb], sems[nb])

      row0 = pl.multiple_of(start + ch * CHUNK, 16)
      carry = chunk_compute(bufs[bi], row0, carry)
    return carry

  cmax0 = tuple(jnp.full((L,), -jnp.inf, jnp.float32) for _ in range(G))
  crow0 = tuple(jnp.zeros((L,), jnp.int32) for _ in range(G))
  cmax, crow = lax.fori_loop(0, NCHUNK // NBUF, outer_body, (cmax0, crow0))

  for g in range(G):
    pvbuf[pl.ds(L * g, L)] = cmax[g]
    prbuf[pl.ds(L * g, L)] = crow[g]
  sofs = pl.multiple_of(sub * C, 16)
  pltpu.sync_copy(pvbuf, pv_sh.at[pl.ds(sofs, C)])
  pltpu.sync_copy(prbuf, pr_sh.at[pl.ds(sofs, C)])
  plsc.subcore_barrier()

  bofs = pl.multiple_of((sub // WPB) * WPB * C, 16)
  pltpu.sync_copy(pv_sh.at[pl.ds(bofs, WPB * C)], pvb)
  pltpu.sync_copy(pr_sh.at[pl.ds(bofs, WPB * C)], prb)
  mrow = []
  for g in range(G):
    cur = pvb[pl.ds(L * g, L)]
    curr = prb[pl.ds(L * g, L)]
    for k in range(1, WPB):
      vk = pvb[pl.ds(k * C + L * g, L)]
      rk = prb[pl.ds(k * C + L * g, L)]
      m = vk > cur
      cur = jnp.where(m, vk, cur)
      curr = jnp.where(m, rk, curr)
    mrow.append(curr)

  def init_body(i, _):
    table[pl.ds(i * L, L)] = bigv
    return 0
  plsc.parallel_loop(0, SPAN // L, 1, unroll=2, carry=jnp.int32(0))(init_body)

  startv = jnp.full((L,), start, jnp.int32)
  pad_idx = jnp.zeros((L,), jnp.int32) - startv
  pad_in = (pad_idx >= 0) & (pad_idx < SPAN)
  plsc.store_scatter(table, [pad_idx], jnp.full((L,), C, jnp.int32),
                     mask=pad_in & onehot[0])
  for g in reversed(range(G)):
    rcl = mrow[g] - startv
    inr = (rcl >= 0) & (rcl < SPAN)
    for lane in reversed(range(L)):
      plsc.store_scatter(table, [rcl], idx_ci[g], mask=inr & onehot[lane])

  one = jnp.full((L,), 1, jnp.int32)
  neg1 = jnp.full((L,), -1, jnp.int32)
  neg2 = jnp.full((L,), -2, jnp.int32)

  def comb_body(i, _):
    sl = pl.ds(i * L, L)
    f = table[sl]
    forced = f < bigv
    rm = ovbuf[sl]
    cls = jnp.where(rm >= jnp.float32(0.5), one,
                    jnp.where(rm >= jnp.float32(0.4), neg2, neg1))
    mcbuf[sl] = jnp.where(forced, f, oibuf[sl])
    mvbuf[sl] = jnp.where(forced, one, cls)
    return 0
  plsc.parallel_loop(0, SPAN // L, 1, unroll=2, carry=jnp.int32(0))(comb_body)

  rofs = pl.multiple_of(b * R + start, 16)
  pltpu.sync_copy(mcbuf, mcols.at[pl.ds(rofs, SPAN)])
  pltpu.sync_copy(mvbuf, mvals.at[pl.ds(rofs, SPAN)])


def kernel(similarity_matrix):
  assert similarity_matrix.shape == (B, R, C)
  mesh = plsc.VectorSubcoreMesh(core_axis_name="c", subcore_axis_name="s")
  params = pltpu.CompilerParams(needs_layout_passes=False)

  mcols, mvals = pl.kernel(
      _body,
      out_type=[
          jax.ShapeDtypeStruct((B * R,), jnp.int32),
          jax.ShapeDtypeStruct((B * R,), jnp.int32),
      ],
      mesh=mesh,
      scratch_types=[
          pltpu.VMEM((CHUNK, C), jnp.float32),
          pltpu.VMEM((CHUNK, C), jnp.float32),
          pltpu.VMEM((SPAN,), jnp.float32),
          pltpu.VMEM((SPAN,), jnp.int32),
          pltpu.VMEM((CHUNK * L,), jnp.float32),
          pltpu.VMEM((CHUNK * L,), jnp.float32),
          pltpu.VMEM((SPAN,), jnp.int32),
          pltpu.VMEM((SPAN,), jnp.int32),
          pltpu.VMEM((SPAN,), jnp.int32),
          pltpu.VMEM((C,), jnp.float32),
          pltpu.VMEM((C,), jnp.int32),
          pltpu.VMEM((WPB * C,), jnp.float32),
          pltpu.VMEM((WPB * C,), jnp.int32),
          pltpu.VMEM_SHARED((NS * C,), jnp.float32),
          pltpu.VMEM_SHARED((NS * C,), jnp.int32),
          pltpu.SemaphoreType.DMA,
          pltpu.SemaphoreType.DMA,
      ],
      compiler_params=params,
  )(similarity_matrix)

  return mcols.reshape(B, R), mvals.reshape(B, R)

# --- scband reference (transcript-rebuilt; emitter-appended) ---
"""Pipeline reference for scband-box-matcher-77369540870770 (READ-ONLY COPY).

The authoritative reference and input builder live on the scoring server;
editing this copy changes nothing except your own understanding.
"""

import jax, jax.numpy as jnp
import numpy as np

THRESHOLDS = [float('-inf'), 0.4, 0.5, float('inf')]
MATCH_VALUES = [-1, -2, 1]
FORCE_MATCH = True


def setup_inputs(seed: int = 0) -> dict:
    key = jax.random.key(seed)
    # IoU-like similarity matrix: [batch, num_anchors(rows), num_gt_boxes(cols)]
    sim = jax.random.uniform(key, (8, 20000, 128), dtype=jnp.float32)
    return {"similarity_matrix": sim}


def reference(similarity_matrix):
    B, R, C = similarity_matrix.shape
    # pad with a -1 column so empty/all-negative rows match the pad column
    padded = jnp.concatenate(
        [similarity_matrix, -jnp.ones((B, R, 1), similarity_matrix.dtype)], axis=-1
    )
    matched_columns = jnp.argmax(padded, axis=-1).astype(jnp.int32)
    matched_vals = jnp.max(padded, axis=-1)
    matched_values = jnp.zeros((B, R), dtype=jnp.int32)
    for ind, low, high in zip(MATCH_VALUES, THRESHOLDS[:-1], THRESHOLDS[1:]):
        mask = jnp.logical_and(matched_vals >= jnp.float32(low), matched_vals < jnp.float32(high))
        # _set_values_using_indicator: overwrite where mask is set
        matched_values = jnp.where(mask, jnp.int32(ind), matched_values)
    if FORCE_MATCH:
        # each column argmax-matched to a row; those rows forced positive
        matching_rows = jnp.argmax(padded, axis=1)  # [B, C+1]
        column_to_row = jax.nn.one_hot(matching_rows, R, dtype=jnp.float32)  # [B, C+1, R]
        force_matched_columns = jnp.argmax(column_to_row, axis=1).astype(jnp.int32)  # [B, R]
        force_matched_column_mask = jnp.max(column_to_row, axis=1).astype(bool)  # [B, R]
        matched_columns = jnp.where(force_matched_column_mask, force_matched_columns, matched_columns)
        matched_values = jnp.where(
            force_matched_column_mask,
            jnp.full((B, R), MATCH_VALUES[-1], dtype=jnp.int32),
            matched_values,
        )
    return matched_columns, matched_values

if __name__ == "__main__":
    import jax
    _d = setup_inputs()
    print(jax.jit(kernel)(*tuple(_d.values())))

</pallas_src>

<mosaic_0001>
#map = affine_map<(d0, d1) -> (0, 0, 0)>
#map1 = affine_map<(d0, d1) -> (0)>
module attributes {stable_mosaic.version = 14 : i64} {
  func.func @_body(%arg0: i32, %arg1: i32, %arg2: memref<8x20000x128xf32, #tpu.memory_space<hbm>>, %arg3: memref<160000xi32, #tpu.memory_space<hbm>>, %arg4: memref<160000xi32, #tpu.memory_space<hbm>>, %arg5: memref<256x128xf32, #tpu.memory_space<vmem>>, %arg6: memref<256x128xf32, #tpu.memory_space<vmem>>, %arg7: memref<5120xf32, #tpu.memory_space<vmem>>, %arg8: memref<5120xi32, #tpu.memory_space<vmem>>, %arg9: memref<4096xf32, #tpu.memory_space<vmem>>, %arg10: memref<4096xf32, #tpu.memory_space<vmem>>, %arg11: memref<5120xi32, #tpu.memory_space<vmem>>, %arg12: memref<5120xi32, #tpu.memory_space<vmem>>, %arg13: memref<5120xi32, #tpu.memory_space<vmem>>, %arg14: memref<128xf32, #tpu.memory_space<vmem>>, %arg15: memref<128xi32, #tpu.memory_space<vmem>>, %arg16: memref<512xf32, #tpu.memory_space<vmem>>, %arg17: memref<512xi32, #tpu.memory_space<vmem>>, %arg18: memref<2048xf32, #tpu.memory_space<vmem_shared>>, %arg19: memref<2048xi32, #tpu.memory_space<vmem_shared>>, %arg20: memref<!tpu.dma_semaphore, #tpu.memory_space<semaphore_mem>>, %arg21: memref<!tpu.dma_semaphore, #tpu.memory_space<semaphore_mem>>) attributes {dimension_semantics = [#tpu.dimension_semantics<core_parallel>, #tpu.dimension_semantics<subcore_parallel>], iteration_bounds = array<i64: 2, 16>, scalar_prefetch = 0 : i64, scratch_operands = 17 : i64, tpu.core_type = #tpu.core_type<sc_vector_subcore>, window_params = [{transform_indices = #map}, {transform_indices = #map1}, {transform_indices = #map1}]} {
    %mul3A = arith.constant 4 : i32
    %mul3A_0 = arith.muli %arg0, %mul3A : i32
    %jit3A = arith.constant 4 : i32
    %div3A = arith.divsi %arg1, %jit3A : i32
    %sign3A = arith.constant 0 : i32
    %sign3A_1 = arith.cmpi sgt, %arg1, %sign3A : i32
    %sign3A_2 = arith.extui %sign3A_1 : i1 to i32
    %sign3A_3 = arith.constant 0 : i32
    %sign3A_4 = arith.cmpi slt, %arg1, %sign3A_3 : i32
    %sign3A_5 = arith.extui %sign3A_4 : i1 to i32
    %sign3A_6 = arith.subi %sign3A_2, %sign3A_5 : i32
    %sign3A_7 = arith.constant 0 : i32
    %sign3A_8 = arith.cmpi sgt, %jit3A, %sign3A_7 : i32
    %sign3A_9 = arith.extui %sign3A_8 : i1 to i32
    %sign3A_10 = arith.constant 0 : i32
    %sign3A_11 = arith.cmpi slt, %jit3A, %sign3A_10 : i32
    %sign3A_12 = arith.extui %sign3A_11 : i1 to i32
    %sign3A_13 = arith.subi %sign3A_9, %sign3A_12 : i32
    %ne3A = arith.cmpi ne, %sign3A_6, %sign3A_13 : i32
    %rem3A = arith.remsi %arg1, %jit3A : i32
    %ne3A_14 = arith.constant 0 : i32
    %ne3A_15 = arith.cmpi ne, %rem3A, %ne3A_14 : i32
    %and3A = arith.andi %ne3A, %ne3A_15 : i1
    %sub3A = arith.constant 1 : i32
    %sub3A_16 = arith.subi %div3A, %sub3A : i32
    %select_n3A = arith.select %and3A, %sub3A_16, %div3A : i32
    %add3A = arith.addi %mul3A_0, %select_n3A : i32
    %jit3A_17 = arith.constant 4 : i32
    %eq3A = arith.constant 0 : i32
    %eq3A_18 = arith.cmpi eq, %jit3A_17, %eq3A : i32
    %jit3A_19 = arith.constant 1 : i32
    %select_n3A_20 = arith.select %eq3A_18, %jit3A_19, %jit3A_17 : i32
    %rem3A_21 = arith.remsi %arg1, %select_n3A_20 : i32
    %ne3A_22 = arith.constant 0 : i32
    %ne3A_23 = arith.cmpi ne, %rem3A_21, %ne3A_22 : i32
    %lt3A = arith.constant 0 : i32
    %lt3A_24 = arith.cmpi slt, %rem3A_21, %lt3A : i32
    %lt3A_25 = arith.constant 0 : i32
    %lt3A_26 = arith.cmpi slt, %select_n3A_20, %lt3A_25 : i32
    %ne3A_27 = arith.xori %lt3A_24, %lt3A_26 : i1
    %and3A_28 = arith.andi %ne3A_27, %ne3A_23 : i1
    %add3A_29 = arith.addi %rem3A_21, %select_n3A_20 : i32
    %select_n3A_30 = arith.select %and3A_28, %add3A_29, %rem3A_21 : i32
    %mul3A_31 = arith.constant 5000 : i32
    %mul3A_32 = arith.muli %select_n3A_30, %mul3A_31 : i32
    %jit3A_33 = arith.constant 2 : i32
    %eq3A_34 = arith.constant 0 : i32
    %eq3A_35 = arith.cmpi eq, %jit3A_33, %eq3A_34 : i32
    %jit3A_36 = arith.constant 1 : i32
    %select_n3A_37 = arith.select %eq3A_35, %jit3A_36, %jit3A_33 : i32
    %rem3A_38 = arith.remsi %select_n3A_30, %select_n3A_37 : i32
    %ne3A_39 = arith.constant 0 : i32
    %ne3A_40 = arith.cmpi ne, %rem3A_38, %ne3A_39 : i32
    %lt3A_41 = arith.constant 0 : i32
    %lt3A_42 = arith.cmpi slt, %rem3A_38, %lt3A_41 : i32
    %lt3A_43 = arith.constant 0 : i32
    %lt3A_44 = arith.cmpi slt, %select_n3A_37, %lt3A_43 : i32
    %ne3A_45 = arith.xori %lt3A_42, %lt3A_44 : i1
    %and3A_46 = arith.andi %ne3A_45, %ne3A_40 : i1
    %add3A_47 = arith.addi %rem3A_38, %select_n3A_37 : i32
    %select_n3A_48 = arith.select %and3A_46, %add3A_47, %rem3A_38 : i32
    %mul3A_49 = arith.constant 8 : i32
    %mul3A_50 = arith.muli %mul3A_49, %select_n3A_48 : i32
    %add3A_51 = arith.addi %mul3A_32, %mul3A_50 : i32
    %eq3A_52 = arith.constant 3 : i32
    %eq3A_53 = arith.cmpi eq, %select_n3A_30, %eq3A_52 : i32
    %jit3A_54 = arith.constant 14880 : i32
    %select_n3A_55 = arith.select %eq3A_53, %jit3A_54, %add3A_51 : i32
    %multiple_of3A = tpu.assume_multiple %select_n3A_55, 16 : i32
    %iota3A = tpu.iota {dimensions = array<i32: 0>} : vector<16xi32>
    %mul3A_56 = arith.constant 16 : i32
    %mul3A_57 = vector.broadcast %mul3A_56 : i32 to vector<16xi32>
    %mul3A_58 = arith.muli %iota3A, %mul3A_57 : vector<16xi32>
    %broadcast_in_dim3A = arith.constant 1 : i32
    %broadcast_in_dim3A_59 = vector.broadcast %broadcast_in_dim3A : i32 to vector<16xi32>
    %add3A_60 = arith.constant 0 : i32
    %add3A_61 = vector.broadcast %add3A_60 : i32 to vector<16xi32>
    %add3A_62 = arith.addi %iota3A, %add3A_61 : vector<16xi32>
    %convert_element_type3A = arith.sitofp %add3A_62 : vector<16xi32> to vector<16xf32>
    %add3A_63 = arith.constant 16 : i32
    %add3A_64 = vector.broadcast %add3A_63 : i32 to vector<16xi32>
    %add3A_65 = arith.addi %iota3A, %add3A_64 : vector<16xi32>
    %convert_element_type3A_66 = arith.sitofp %add3A_65 : vector<16xi32> to vector<16xf32>
    %add3A_67 = arith.constant 32 : i32
    %add3A_68 = vector.broadcast %add3A_67 : i32 to vector<16xi32>
    %add3A_69 = arith.addi %iota3A, %add3A_68 : vector<16xi32>
    %convert_element_type3A_70 = arith.sitofp %add3A_69 : vector<16xi32> to vector<16xf32>
    %add3A_71 = arith.constant 48 : i32
    %add3A_72 = vector.broadcast %add3A_71 : i32 to vector<16xi32>
    %add3A_73 = arith.addi %iota3A, %add3A_72 : vector<16xi32>
    %convert_element_type3A_74 = arith.sitofp %add3A_73 : vector<16xi32> to vector<16xf32>
    %add3A_75 = arith.constant 64 : i32
    %add3A_76 = vector.broadcast %add3A_75 : i32 to vector<16xi32>
    %add3A_77 = arith.addi %iota3A, %add3A_76 : vector<16xi32>
    %convert_element_type3A_78 = arith.sitofp %add3A_77 : vector<16xi32> to vector<16xf32>
    %add3A_79 = arith.constant 80 : i32
    %add3A_80 = vector.broadcast %add3A_79 : i32 to vector<16xi32>
    %add3A_81 = arith.addi %iota3A, %add3A_80 : vector<16xi32>
    %convert_element_type3A_82 = arith.sitofp %add3A_81 : vector<16xi32> to vector<16xf32>
    %add3A_83 = arith.constant 96 : i32
    %add3A_84 = vector.broadcast %add3A_83 : i32 to vector<16xi32>
    %add3A_85 = arith.addi %iota3A, %add3A_84 : vector<16xi32>
    %convert_element_type3A_86 = arith.sitofp %add3A_85 : vector<16xi32> to vector<16xf32>
    %add3A_87 = arith.constant 112 : i32
    %add3A_88 = vector.broadcast %add3A_87 : i32 to vector<16xi32>
    %add3A_89 = arith.addi %iota3A, %add3A_88 : vector<16xi32>
    %convert_element_type3A_90 = arith.sitofp %add3A_89 : vector<16xi32> to vector<16xf32>
    %add3A_91 = arith.constant 0 : i32
    %add3A_92 = vector.broadcast %add3A_91 : i32 to vector<16xi32>
    %add3A_93 = arith.addi %iota3A, %add3A_92 : vector<16xi32>
    %add3A_94 = arith.constant 16 : i32
    %add3A_95 = vector.broadcast %add3A_94 : i32 to vector<16xi32>
    %add3A_96 = arith.addi %iota3A, %add3A_95 : vector<16xi32>
    %add3A_97 = arith.constant 32 : i32
    %add3A_98 = vector.broadcast %add3A_97 : i32 to vector<16xi32>
    %add3A_99 = arith.addi %iota3A, %add3A_98 : vector<16xi32>
    %add3A_100 = arith.constant 48 : i32
    %add3A_101 = vector.broadcast %add3A_100 : i32 to vector<16xi32>
    %add3A_102 = arith.addi %iota3A, %add3A_101 : vector<16xi32>
    %add3A_103 = arith.constant 64 : i32
    %add3A_104 = vector.broadcast %add3A_103 : i32 to vector<16xi32>
    %add3A_105 = arith.addi %iota3A, %add3A_104 : vector<16xi32>
    %add3A_106 = arith.constant 80 : i32
    %add3A_107 = vector.broadcast %add3A_106 : i32 to vector<16xi32>
    %add3A_108 = arith.addi %iota3A, %add3A_107 : vector<16xi32>
    %add3A_109 = arith.constant 96 : i32
    %add3A_110 = vector.broadcast %add3A_109 : i32 to vector<16xi32>
    %add3A_111 = arith.addi %iota3A, %add3A_110 : vector<16xi32>
    %add3A_112 = arith.constant 112 : i32
    %add3A_113 = vector.broadcast %add3A_112 : i32 to vector<16xi32>
    %add3A_114 = arith.addi %iota3A, %add3A_113 : vector<16xi32>
    %eq3A_115 = arith.constant 0 : i32
    %eq3A_116 = vector.broadcast %eq3A_115 : i32 to vector<16xi32>
    %eq3A_117 = arith.cmpi eq, %iota3A, %eq3A_116 : vector<16xi32>
    %eq3A_118 = arith.constant 1 : i32
    %eq3A_119 = vector.broadcast %eq3A_118 : i32 to vector<16xi32>
    %eq3A_120 = arith.cmpi eq, %iota3A, %eq3A_119 : vector<16xi32>
    %eq3A_121 = arith.constant 2 : i32
    %eq3A_122 = vector.broadcast %eq3A_121 : i32 to vector<16xi32>
    %eq3A_123 = arith.cmpi eq, %iota3A, %eq3A_122 : vector<16xi32>
    %eq3A_124 = arith.constant 3 : i32
    %eq3A_125 = vector.broadcast %eq3A_124 : i32 to vector<16xi32>
    %eq3A_126 = arith.cmpi eq, %iota3A, %eq3A_125 : vector<16xi32>
    %eq3A_127 = arith.constant 4 : i32
    %eq3A_128 = vector.broadcast %eq3A_127 : i32 to vector<16xi32>
    %eq3A_129 = arith.cmpi eq, %iota3A, %eq3A_128 : vector<16xi32>
    %eq3A_130 = arith.constant 5 : i32
    %eq3A_131 = vector.broadcast %eq3A_130 : i32 to vector<16xi32>
    %eq3A_132 = arith.cmpi eq, %iota3A, %eq3A_131 : vector<16xi32>
    %eq3A_133 = arith.constant 6 : i32
    %eq3A_134 = vector.broadcast %eq3A_133 : i32 to vector<16xi32>
    %eq3A_135 = arith.cmpi eq, %iota3A, %eq3A_134 : vector<16xi32>
    %eq3A_136 = arith.constant 7 : i32
    %eq3A_137 = vector.broadcast %eq3A_136 : i32 to vector<16xi32>
    %eq3A_138 = arith.cmpi eq, %iota3A, %eq3A_137 : vector<16xi32>
    %eq3A_139 = arith.constant 8 : i32
    %eq3A_140 = vector.broadcast %eq3A_139 : i32 to vector<16xi32>
    %eq3A_141 = arith.cmpi eq, %iota3A, %eq3A_140 : vector<16xi32>
    %eq3A_142 = arith.constant 9 : i32
    %eq3A_143 = vector.broadcast %eq3A_142 : i32 to vector<16xi32>
    %eq3A_144 = arith.cmpi eq, %iota3A, %eq3A_143 : vector<16xi32>
    %eq3A_145 = arith.constant 10 : i32
    %eq3A_146 = vector.broadcast %eq3A_145 : i32 to vector<16xi32>
    %eq3A_147 = arith.cmpi eq, %iota3A, %eq3A_146 : vector<16xi32>
    %eq3A_148 = arith.constant 11 : i32
    %eq3A_149 = vector.broadcast %eq3A_148 : i32 to vector<16xi32>
    %eq3A_150 = arith.cmpi eq, %iota3A, %eq3A_149 : vector<16xi32>
    %eq3A_151 = arith.constant 12 : i32
    %eq3A_152 = vector.broadcast %eq3A_151 : i32 to vector<16xi32>
    %eq3A_153 = arith.cmpi eq, %iota3A, %eq3A_152 : vector<16xi32>
    %eq3A_154 = arith.constant 13 : i32
    %eq3A_155 = vector.broadcast %eq3A_154 : i32 to vector<16xi32>
    %eq3A_156 = arith.cmpi eq, %iota3A, %eq3A_155 : vector<16xi32>
    %eq3A_157 = arith.constant 14 : i32
    %eq3A_158 = vector.broadcast %eq3A_157 : i32 to vector<16xi32>
    %eq3A_159 = arith.cmpi eq, %iota3A, %eq3A_158 : vector<16xi32>
    %eq3A_160 = arith.constant 15 : i32
    %eq3A_161 = vector.broadcast %eq3A_160 : i32 to vector<16xi32>
    %eq3A_162 = arith.cmpi eq, %iota3A, %eq3A_161 : vector<16xi32>
    %broadcast_in_dim3A_163 = arith.constant 1.000000e+09 : f32
    %broadcast_in_dim3A_164 = vector.broadcast %broadcast_in_dim3A_163 : f32 to vector<16xf32>
    %broadcast_in_dim3A_165 = arith.constant 2130706432 : i32
    %broadcast_in_dim3A_166 = vector.broadcast %broadcast_in_dim3A_165 : i32 to vector<16xi32>
    %broadcast_in_dim3A_167 = arith.constant -1.000000e+00 : f32
    %broadcast_in_dim3A_168 = vector.broadcast %broadcast_in_dim3A_167 : f32 to vector<16xf32>
    %broadcast_in_dim3A_169 = arith.constant 1.280000e+02 : f32
    %broadcast_in_dim3A_170 = vector.broadcast %broadcast_in_dim3A_169 : f32 to vector<16xf32>
    %add3A_171 = arith.constant 0 : i32
    %add3A_172 = arith.addi %multiple_of3A, %add3A_171 : i32
    %multiple_of3A_173 = tpu.assume_multiple %add3A_172, 16 : i32
    %dma_start3A = arith.constant 0 : i32
    %dma_start3A_174 = tpu.memref_slice %arg2[%add3A, %multiple_of3A_173, %dma_start3A] : memref<8x20000x128xf32, #tpu.memory_space<hbm>> -> memref<1x256x128xf32, #tpu.memory_space<hbm>>
    %dma_start3A_175 = tpu.memref_squeeze %dma_start3A_174 : memref<1x256x128xf32, #tpu.memory_space<hbm>> -> memref<256x128xf32, #tpu.memory_space<hbm>>
    %dma_start3A_176 = arith.constant 0 : i32
    %dma_start3A_177 = tpu.memref_slice %arg2[%add3A, %multiple_of3A_173, %dma_start3A_176] : memref<8x20000x128xf32, #tpu.memory_space<hbm>> -> memref<1x256x128xf32, #tpu.memory_space<hbm>>
    %dma_start3A_178 = tpu.memref_squeeze %dma_start3A_177 : memref<1x256x128xf32, #tpu.memory_space<hbm>> -> memref<256x128xf32, #tpu.memory_space<hbm>>
    tpu.enqueue_dma source(%dma_start3A_178 : memref<256x128xf32, #tpu.memory_space<hbm>>) target(%arg5 : memref<256x128xf32, #tpu.memory_space<vmem>>) target_semaphore(%arg20 : memref<!tpu.dma_semaphore, #tpu.memory_space<semaphore_mem>>)
    %broadcast_in_dim3A_179 = arith.constant 0xFF800000 : f32
    %broadcast_in_dim3A_180 = vector.broadcast %broadcast_in_dim3A_179 : f32 to vector<16xf32>
    %broadcast_in_dim3A_181 = arith.constant 0xFF800000 : f32
    %broadcast_in_dim3A_182 = vector.broadcast %broadcast_in_dim3A_181 : f32 to vector<16xf32>
    %broadcast_in_dim3A_183 = arith.constant 0xFF800000 : f32
    %broadcast_in_dim3A_184 = vector.broadcast %broadcast_in_dim3A_183 : f32 to vector<16xf32>
    %broadcast_in_dim3A_185 = arith.constant 0xFF800000 : f32
    %broadcast_in_dim3A_186 = vector.broadcast %broadcast_in_dim3A_185 : f32 to vector<16xf32>
    %broadcast_in_dim3A_187 = arith.constant 0xFF800000 : f32
    %broadcast_in_dim3A_188 = vector.broadcast %broadcast_in_dim3A_187 : f32 to vector<16xf32>
    %broadcast_in_dim3A_189 = arith.constant 0xFF800000 : f32
    %broadcast_in_dim3A_190 = vector.broadcast %broadcast_in_dim3A_189 : f32 to vector<16xf32>
    %broadcast_in_dim3A_191 = arith.constant 0xFF800000 : f32
    %broadcast_in_dim3A_192 = vector.broadcast %broadcast_in_dim3A_191 : f32 to vector<16xf32>
    %broadcast_in_dim3A_193 = arith.constant 0xFF800000 : f32
    %broadcast_in_dim3A_194 = vector.broadcast %broadcast_in_dim3A_193 : f32 to vector<16xf32>
    %broadcast_in_dim3A_195 = arith.constant 0 : i32
    %broadcast_in_dim3A_196 = vector.broadcast %broadcast_in_dim3A_195 : i32 to vector<16xi32>
    %broadcast_in_dim3A_197 = arith.constant 0 : i32
    %broadcast_in_dim3A_198 = vector.broadcast %broadcast_in_dim3A_197 : i32 to vector<16xi32>
    %broadcast_in_dim3A_199 = arith.constant 0 : i32
    %broadcast_in_dim3A_200 = vector.broadcast %broadcast_in_dim3A_199 : i32 to vector<16xi32>
    %broadcast_in_dim3A_201 = arith.constant 0 : i32
    %broadcast_in_dim3A_202 = vector.broadcast %broadcast_in_dim3A_201 : i32 to vector<16xi32>
    %broadcast_in_dim3A_203 = arith.constant 0 : i32
    %broadcast_in_dim3A_204 = vector.broadcast %broadcast_in_dim3A_203 : i32 to vector<16xi32>
    %broadcast_in_dim3A_205 = arith.constant 0 : i32
    %broadcast_in_dim3A_206 = vector.broadcast %broadcast_in_dim3A_205 : i32 to vector<16xi32>
    %broadcast_in_dim3A_207 = arith.constant 0 : i32
    %broadcast_in_dim3A_208 = vector.broadcast %broadcast_in_dim3A_207 : i32 to vector<16xi32>
    %broadcast_in_dim3A_209 = arith.constant 0 : i32
    %broadcast_in_dim3A_210 = vector.broadcast %broadcast_in_dim3A_209 : i32 to vector<16xi32>
    %scan3A = arith.constant 0 : i32
    %scan3A_211 = arith.constant 10 : i32
    %scan3A_212 = arith.addi %scan3A, %scan3A_211 : i32
    %scan3A_213 = arith.constant 1 : i32
    %scan3A_214:16 = scf.for %scan3A_701 = %scan3A to %scan3A_212 step %scan3A_213 iter_args(%scan3A_702 = %broadcast_in_dim3A_180, %scan3A_703 = %broadcast_in_dim3A_182, %scan3A_704 = %broadcast_in_dim3A_184, %scan3A_705 = %broadcast_in_dim3A_186, %scan3A_706 = %broadcast_in_dim3A_188, %scan3A_707 = %broadcast_in_dim3A_190, %scan3A_708 = %broadcast_in_dim3A_192, %scan3A_709 = %broadcast_in_dim3A_194, %scan3A_710 = %broadcast_in_dim3A_196, %scan3A_711 = %broadcast_in_dim3A_198, %scan3A_712 = %broadcast_in_dim3A_200, %scan3A_713 = %broadcast_in_dim3A_202, %scan3A_714 = %broadcast_in_dim3A_204, %scan3A_715 = %broadcast_in_dim3A_206, %scan3A_716 = %broadcast_in_dim3A_208, %scan3A_717 = %broadcast_in_dim3A_210) -> (vector<16xf32>, vector<16xf32>, vector<16xf32>, vector<16xf32>, vector<16xf32>, vector<16xf32>, vector<16xf32>, vector<16xf32>, vector<16xi32>, vector<16xi32>, vector<16xi32>, vector<16xi32>, vector<16xi32>, vector<16xi32>, vector<16xi32>, vector<16xi32>)  : i32 {
      %mul3A_718 = arith.constant 2 : i32
      %mul3A_719 = arith.muli %mul3A_718, %scan3A_701 : i32
      %add3A_720 = arith.constant 0 : i32
      %add3A_721 = arith.addi %mul3A_719, %add3A_720 : i32
      %mul3A_722 = arith.constant 256 : i32
      %mul3A_723 = arith.muli %add3A_721, %mul3A_722 : i32
      %add3A_724 = arith.addi %multiple_of3A, %mul3A_723 : i32
      %multiple_of3A_725 = tpu.assume_multiple %add3A_724, 16 : i32
      %dma_wait3A = arith.constant 0 : i32
      %dma_wait3A_726 = tpu.memref_slice %arg2[%add3A, %multiple_of3A_725, %dma_wait3A] : memref<8x20000x128xf32, #tpu.memory_space<hbm>> -> memref<1x256x128xf32, #tpu.memory_space<hbm>>
      %dma_wait3A_727 = tpu.memref_squeeze %dma_wait3A_726 : memref<1x256x128xf32, #tpu.memory_space<hbm>> -> memref<256x128xf32, #tpu.memory_space<hbm>>
      %dma_wait3A_728 = arith.constant 0 : i32
      %dma_wait3A_729 = tpu.memref_slice %arg2[%add3A, %multiple_of3A_725, %dma_wait3A_728] : memref<8x20000x128xf32, #tpu.memory_space<hbm>> -> memref<1x256x128xf32, #tpu.memory_space<hbm>>
      %dma_wait3A_730 = tpu.memref_squeeze %dma_wait3A_729 : memref<1x256x128xf32, #tpu.memory_space<hbm>> -> memref<256x128xf32, #tpu.memory_space<hbm>>
      tpu.wait_dma2 semaphore(%arg20 : memref<!tpu.dma_semaphore, #tpu.memory_space<semaphore_mem>>) src(%dma_wait3A_730 : memref<256x128xf32, #tpu.memory_space<hbm>>) dst(%arg5 : memref<256x128xf32, #tpu.memory_space<vmem>>)
      %add3A_731 = arith.constant 2 : i32
      %add3A_732 = arith.addi %add3A_721, %add3A_731 : i32
      %sub3A_733 = arith.constant 1 : i32
      %sub3A_734 = arith.subi %add3A_732, %sub3A_733 : i32
      %lt3A_735 = arith.constant 20 : i32
      %lt3A_736 = arith.cmpi slt, %sub3A_734, %lt3A_735 : i32
      %convert_element_type3A_737 = arith.extui %lt3A_736 : i1 to i32
      %cond3A = arith.constant 0 : i32
      %cond3A_738 = arith.cmpi ne, %convert_element_type3A_737, %cond3A : i32
      scf.if %cond3A_738 {
        %add3A_788 = arith.constant 2 : i32
        %add3A_789 = arith.addi %add3A_721, %add3A_788 : i32
        %sub3A_790 = arith.constant 1 : i32
        %sub3A_791 = arith.subi %add3A_789, %sub3A_790 : i32
        %mul3A_792 = arith.constant 256 : i32
        %mul3A_793 = arith.muli %sub3A_791, %mul3A_792 : i32
        %add3A_794 = arith.addi %multiple_of3A, %mul3A_793 : i32
        %multiple_of3A_795 = tpu.assume_multiple %add3A_794, 16 : i32
        %dma_start3A_796 = arith.constant 0 : i32
        %dma_start3A_797 = tpu.memref_slice %arg2[%add3A, %multiple_of3A_795, %dma_start3A_796] : memref<8x20000x128xf32, #tpu.memory_space<hbm>> -> memref<1x256x128xf32, #tpu.memory_space<hbm>>
        %dma_start3A_798 = tpu.memref_squeeze %dma_start3A_797 : memref<1x256x128xf32, #tpu.memory_space<hbm>> -> memref<256x128xf32, #tpu.memory_space<hbm>>
        %dma_start3A_799 = arith.constant 0 : i32
        %dma_start3A_800 = tpu.memref_slice %arg2[%add3A, %multiple_of3A_795, %dma_start3A_799] : memref<8x20000x128xf32, #tpu.memory_space<hbm>> -> memref<1x256x128xf32, #tpu.memory_space<hbm>>
        %dma_start3A_801 = tpu.memref_squeeze %dma_start3A_800 : memref<1x256x128xf32, #tpu.memory_space<hbm>> -> memref<256x128xf32, #tpu.memory_space<hbm>>
        tpu.enqueue_dma source(%dma_start3A_801 : memref<256x128xf32, #tpu.memory_space<hbm>>) target(%arg6 : memref<256x128xf32, #tpu.memory_space<vmem>>) target_semaphore(%arg21 : memref<!tpu.dma_semaphore, #tpu.memory_space<semaphore_mem>>)
      } else {
      }
      %mul3A_739 = arith.constant 256 : i32
      %mul3A_740 = arith.muli %add3A_721, %mul3A_739 : i32
      %add3A_741 = arith.addi %multiple_of3A, %mul3A_740 : i32
      %multiple_of3A_742 = tpu.assume_multiple %add3A_741, 16 : i32
      %parallel_loop3A_743 = arith.constant 0 : i32
      %parallel_loop3A_744 = arith.constant 256 : i32
      %parallel_loop3A_745 = arith.constant 1 : i32
      %parallel_loop3A_746:16 = scf.for %parallel_loop3A_788 = %parallel_loop3A_743 to %parallel_loop3A_744 step %parallel_loop3A_745 iter_args(%parallel_loop3A_789 = %scan3A_702, %parallel_loop3A_790 = %scan3A_703, %parallel_loop3A_791 = %scan3A_704, %parallel_loop3A_792 = %scan3A_705, %parallel_loop3A_793 = %scan3A_706, %parallel_loop3A_794 = %scan3A_707, %parallel_loop3A_795 = %scan3A_708, %parallel_loop3A_796 = %scan3A_709, %parallel_loop3A_797 = %scan3A_710, %parallel_loop3A_798 = %scan3A_711, %parallel_loop3A_799 = %scan3A_712, %parallel_loop3A_800 = %scan3A_713, %parallel_loop3A_801 = %scan3A_714, %parallel_loop3A_802 = %scan3A_715, %parallel_loop3A_803 = %scan3A_716, %parallel_loop3A_804 = %scan3A_717) -> (vector<16xf32>, vector<16xf32>, vector<16xf32>, vector<16xf32>, vector<16xf32>, vector<16xf32>, vector<16xf32>, vector<16xf32>, vector<16xi32>, vector<16xi32>, vector<16xi32>, vector<16xi32>, vector<16xi32>, vector<16xi32>, vector<16xi32>, vector<16xi32>)  : i32 {
        %parallel_loop3A_805 = arith.addi %multiple_of3A_742, %parallel_loop3A_788 : i32
        %parallel_loop3A_806 = vector.broadcast %parallel_loop3A_805 : i32 to vector<16xi32>
        %parallel_loop3A_807 = arith.index_cast %parallel_loop3A_788 : i32 to index
        %parallel_loop3A_808 = arith.constant 0 : index
        %parallel_loop3A_809 = tpu.vector_load %arg5[%parallel_loop3A_807, %parallel_loop3A_808] {strides = array<i32>} : memref<256x128xf32, #tpu.memory_space<vmem>>, vector<16xf32>,
        %parallel_loop3A_810 = arith.index_cast %parallel_loop3A_788 : i32 to index
        %parallel_loop3A_811 = arith.constant 16 : index
        %parallel_loop3A_812 = tpu.vector_load %arg5[%parallel_loop3A_810, %parallel_loop3A_811] {strides = array<i32>} : memref<256x128xf32, #tpu.memory_space<vmem>>, vector<16xf32>,
        %parallel_loop3A_813 = arith.index_cast %parallel_loop3A_788 : i32 to index
        %parallel_loop3A_814 = arith.constant 32 : index
        %parallel_loop3A_815 = tpu.vector_load %arg5[%parallel_loop3A_813, %parallel_loop3A_814] {strides = array<i32>} : memref<256x128xf32, #tpu.memory_space<vmem>>, vector<16xf32>,
        %parallel_loop3A_816 = arith.index_cast %parallel_loop3A_788 : i32 to index
        %parallel_loop3A_817 = arith.constant 48 : index
        %parallel_loop3A_818 = tpu.vector_load %arg5[%parallel_loop3A_816, %parallel_loop3A_817] {strides = array<i32>} : memref<256x128xf32, #tpu.memory_space<vmem>>, vector<16xf32>,
        %parallel_loop3A_819 = arith.index_cast %parallel_loop3A_788 : i32 to index
        %parallel_loop3A_820 = arith.constant 64 : index
        %parallel_loop3A_821 = tpu.vector_load %arg5[%parallel_loop3A_819, %parallel_loop3A_820] {strides = array<i32>} : memref<256x128xf32, #tpu.memory_space<vmem>>, vector<16xf32>,
        %parallel_loop3A_822 = arith.index_cast %parallel_loop3A_788 : i32 to index
        %parallel_loop3A_823 = arith.constant 80 : index
        %parallel_loop3A_824 = tpu.vector_load %arg5[%parallel_loop3A_822, %parallel_loop3A_823] {strides = array<i32>} : memref<256x128xf32, #tpu.memory_space<vmem>>, vector<16xf32>,
        %parallel_loop3A_825 = arith.index_cast %parallel_loop3A_788 : i32 to index
        %parallel_loop3A_826 = arith.constant 96 : index
        %parallel_loop3A_827 = tpu.vector_load %arg5[%parallel_loop3A_825, %parallel_loop3A_826] {strides = array<i32>} : memref<256x128xf32, #tpu.memory_space<vmem>>, vector<16xf32>,
        %parallel_loop3A_828 = arith.index_cast %parallel_loop3A_788 : i32 to index
        %parallel_loop3A_829 = arith.constant 112 : index
        %parallel_loop3A_830 = tpu.vector_load %arg5[%parallel_loop3A_828, %parallel_loop3A_829] {strides = array<i32>} : memref<256x128xf32, #tpu.memory_space<vmem>>, vector<16xf32>,
        %parallel_loop3A_831 = arith.cmpf ogt, %parallel_loop3A_809, %parallel_loop3A_789 : vector<16xf32>
        %parallel_loop3A_832 = arith.select %parallel_loop3A_831, %parallel_loop3A_809, %parallel_loop3A_789 : vector<16xi1>, vector<16xf32>
        %parallel_loop3A_833 = arith.select %parallel_loop3A_831, %parallel_loop3A_806, %parallel_loop3A_797 : vector<16xi1>, vector<16xi32>
        %parallel_loop3A_834 = arith.cmpf ogt, %parallel_loop3A_812, %parallel_loop3A_790 : vector<16xf32>
        %parallel_loop3A_835 = arith.select %parallel_loop3A_834, %parallel_loop3A_812, %parallel_loop3A_790 : vector<16xi1>, vector<16xf32>
        %parallel_loop3A_836 = arith.select %parallel_loop3A_834, %parallel_loop3A_806, %parallel_loop3A_798 : vector<16xi1>, vector<16xi32>
        %parallel_loop3A_837 = arith.cmpf ogt, %parallel_loop3A_815, %parallel_loop3A_791 : vector<16xf32>
        %parallel_loop3A_838 = arith.select %parallel_loop3A_837, %parallel_loop3A_815, %parallel_loop3A_791 : vector<16xi1>, vector<16xf32>
        %parallel_loop3A_839 = arith.select %parallel_loop3A_837, %parallel_loop3A_806, %parallel_loop3A_799 : vector<16xi1>, vector<16xi32>
        %parallel_loop3A_840 = arith.cmpf ogt, %parallel_loop3A_818, %parallel_loop3A_792 : vector<16xf32>
        %parallel_loop3A_841 = arith.select %parallel_loop3A_840, %parallel_loop3A_818, %parallel_loop3A_792 : vector<16xi1>, vector<16xf32>
        %parallel_loop3A_842 = arith.select %parallel_loop3A_840, %parallel_loop3A_806, %parallel_loop3A_800 : vector<16xi1>, vector<16xi32>
        %parallel_loop3A_843 = arith.cmpf ogt, %parallel_loop3A_821, %parallel_loop3A_793 : vector<16xf32>
        %parallel_loop3A_844 = arith.select %parallel_loop3A_843, %parallel_loop3A_821, %parallel_loop3A_793 : vector<16xi1>, vector<16xf32>
        %parallel_loop3A_845 = arith.select %parallel_loop3A_843, %parallel_loop3A_806, %parallel_loop3A_801 : vector<16xi1>, vector<16xi32>
        %parallel_loop3A_846 = arith.cmpf ogt, %parallel_loop3A_824, %parallel_loop3A_794 : vector<16xf32>
        %parallel_loop3A_847 = arith.select %parallel_loop3A_846, %parallel_loop3A_824, %parallel_loop3A_794 : vector<16xi1>, vector<16xf32>
        %parallel_loop3A_848 = arith.select %parallel_loop3A_846, %parallel_loop3A_806, %parallel_loop3A_802 : vector<16xi1>, vector<16xi32>
        %parallel_loop3A_849 = arith.cmpf ogt, %parallel_loop3A_827, %parallel_loop3A_795 : vector<16xf32>
        %parallel_loop3A_850 = arith.select %parallel_loop3A_849, %parallel_loop3A_827, %parallel_loop3A_795 : vector<16xi1>, vector<16xf32>
        %parallel_loop3A_851 = arith.select %parallel_loop3A_849, %parallel_loop3A_806, %parallel_loop3A_803 : vector<16xi1>, vector<16xi32>
        %parallel_loop3A_852 = arith.cmpf ogt, %parallel_loop3A_830, %parallel_loop3A_796 : vector<16xf32>
        %parallel_loop3A_853 = arith.select %parallel_loop3A_852, %parallel_loop3A_830, %parallel_loop3A_796 : vector<16xi1>, vector<16xf32>
        %parallel_loop3A_854 = arith.select %parallel_loop3A_852, %parallel_loop3A_806, %parallel_loop3A_804 : vector<16xi1>, vector<16xi32>
        %parallel_loop3A_855 = arith.maximumf %parallel_loop3A_809, %parallel_loop3A_812 : vector<16xf32>
        %parallel_loop3A_856 = arith.maximumf %parallel_loop3A_815, %parallel_loop3A_818 : vector<16xf32>
        %parallel_loop3A_857 = arith.maximumf %parallel_loop3A_821, %parallel_loop3A_824 : vector<16xf32>
        %parallel_loop3A_858 = arith.maximumf %parallel_loop3A_827, %parallel_loop3A_830 : vector<16xf32>
        %parallel_loop3A_859 = arith.maximumf %parallel_loop3A_855, %parallel_loop3A_856 : vector<16xf32>
        %parallel_loop3A_860 = arith.maximumf %parallel_loop3A_857, %parallel_loop3A_858 : vector<16xf32>
        %parallel_loop3A_861 = arith.maximumf %parallel_loop3A_859, %parallel_loop3A_860 : vector<16xf32>
        %parallel_loop3A_862 = arith.cmpf oeq, %parallel_loop3A_809, %parallel_loop3A_861 : vector<16xf32>
        %parallel_loop3A_863 = arith.select %parallel_loop3A_862, %convert_element_type3A, %broadcast_in_dim3A_164 : vector<16xi1>, vector<16xf32>
        %parallel_loop3A_864 = arith.cmpf oeq, %parallel_loop3A_812, %parallel_loop3A_861 : vector<16xf32>
        %parallel_loop3A_865 = arith.select %parallel_loop3A_864, %convert_element_type3A_66, %broadcast_in_dim3A_164 : vector<16xi1>, vector<16xf32>
        %parallel_loop3A_866 = arith.cmpf oeq, %parallel_loop3A_815, %parallel_loop3A_861 : vector<16xf32>
        %parallel_loop3A_867 = arith.select %parallel_loop3A_866, %convert_element_type3A_70, %broadcast_in_dim3A_164 : vector<16xi1>, vector<16xf32>
        %parallel_loop3A_868 = arith.cmpf oeq, %parallel_loop3A_818, %parallel_loop3A_861 : vector<16xf32>
        %parallel_loop3A_869 = arith.select %parallel_loop3A_868, %convert_element_type3A_74, %broadcast_in_dim3A_164 : vector<16xi1>, vector<16xf32>
        %parallel_loop3A_870 = arith.cmpf oeq, %parallel_loop3A_821, %parallel_loop3A_861 : vector<16xf32>
        %parallel_loop3A_871 = arith.select %parallel_loop3A_870, %convert_element_type3A_78, %broadcast_in_dim3A_164 : vector<16xi1>, vector<16xf32>
        %parallel_loop3A_872 = arith.cmpf oeq, %parallel_loop3A_824, %parallel_loop3A_861 : vector<16xf32>
        %parallel_loop3A_873 = arith.select %parallel_loop3A_872, %convert_element_type3A_82, %broadcast_in_dim3A_164 : vector<16xi1>, vector<16xf32>
        %parallel_loop3A_874 = arith.cmpf oeq, %parallel_loop3A_827, %parallel_loop3A_861 : vector<16xf32>
        %parallel_loop3A_875 = arith.select %parallel_loop3A_874, %convert_element_type3A_86, %broadcast_in_dim3A_164 : vector<16xi1>, vector<16xf32>
        %parallel_loop3A_876 = arith.cmpf oeq, %parallel_loop3A_830, %parallel_loop3A_861 : vector<16xf32>
        %parallel_loop3A_877 = arith.select %parallel_loop3A_876, %convert_element_type3A_90, %broadcast_in_dim3A_164 : vector<16xi1>, vector<16xf32>
        %parallel_loop3A_878 = arith.minimumf %parallel_loop3A_863, %parallel_loop3A_865 : vector<16xf32>
        %parallel_loop3A_879 = arith.minimumf %parallel_loop3A_867, %parallel_loop3A_869 : vector<16xf32>
        %parallel_loop3A_880 = arith.minimumf %parallel_loop3A_871, %parallel_loop3A_873 : vector<16xf32>
        %parallel_loop3A_881 = arith.minimumf %parallel_loop3A_875, %parallel_loop3A_877 : vector<16xf32>
        %parallel_loop3A_882 = arith.minimumf %parallel_loop3A_878, %parallel_loop3A_879 : vector<16xf32>
        %parallel_loop3A_883 = arith.minimumf %parallel_loop3A_880, %parallel_loop3A_881 : vector<16xf32>
        %parallel_loop3A_884 = arith.minimumf %parallel_loop3A_882, %parallel_loop3A_883 : vector<16xf32>
        %parallel_loop3A_885 = arith.constant 16 : i32
        %parallel_loop3A_886 = arith.muli %parallel_loop3A_788, %parallel_loop3A_885 : i32
        %parallel_loop3A_887 = arith.index_cast %parallel_loop3A_886 : i32 to index
        %parallel_loop3A_888 = tpu.vector_load %arg9[%parallel_loop3A_887] {strides = array<i32>} : memref<4096xf32, #tpu.memory_space<vmem>>, vector<16xf32>,
        tpu.vector_store %arg9[%parallel_loop3A_887], %parallel_loop3A_861 {strides = array<i32>} : memref<4096xf32, #tpu.memory_space<vmem>>, vector<16xf32>,
        %parallel_loop3A_889 = arith.constant 16 : i32
        %parallel_loop3A_890 = arith.muli %parallel_loop3A_788, %parallel_loop3A_889 : i32
        %parallel_loop3A_891 = arith.index_cast %parallel_loop3A_890 : i32 to index
        %parallel_loop3A_892 = tpu.vector_load %arg10[%parallel_loop3A_891] {strides = array<i32>} : memref<4096xf32, #tpu.memory_space<vmem>>, vector<16xf32>,
        tpu.vector_store %arg10[%parallel_loop3A_891], %parallel_loop3A_884 {strides = array<i32>} : memref<4096xf32, #tpu.memory_space<vmem>>, vector<16xf32>,
        scf.yield %parallel_loop3A_832, %parallel_loop3A_835, %parallel_loop3A_838, %parallel_loop3A_841, %parallel_loop3A_844, %parallel_loop3A_847, %parallel_loop3A_850, %parallel_loop3A_853, %parallel_loop3A_833, %parallel_loop3A_836, %parallel_loop3A_839, %parallel_loop3A_842, %parallel_loop3A_845, %parallel_loop3A_848, %parallel_loop3A_851, %parallel_loop3A_854 : vector<16xf32>, vector<16xf32>, vector<16xf32>, vector<16xf32>, vector<16xf32>, vector<16xf32>, vector<16xf32>, vector<16xf32>, vector<16xi32>, vector<16xi32>, vector<16xi32>, vector<16xi32>, vector<16xi32>, vector<16xi32>, vector<16xi32>, vector<16xi32>
      } {sc.loop_unroll_factor = 2 : i64, sc.parallel_access}
      %parallel_loop3A_747 = arith.constant 0 : i32
      %parallel_loop3A_748 = arith.constant 16 : i32
      %parallel_loop3A_749 = arith.constant 1 : i32
      %parallel_loop3A_750 = arith.constant 0 : i32
      %parallel_loop3A_751 = scf.for %parallel_loop3A_788 = %parallel_loop3A_747 to %parallel_loop3A_748 step %parallel_loop3A_749 iter_args(%parallel_loop3A_789 = %parallel_loop3A_750) -> (i32)  : i32 {
        %parallel_loop3A_790 = arith.constant 256 : i32
        %parallel_loop3A_791 = arith.muli %parallel_loop3A_788, %parallel_loop3A_790 : i32
        %parallel_loop3A_792 = vector.broadcast %parallel_loop3A_791 : i32 to vector<16xi32>
        %parallel_loop3A_793 = arith.addi %parallel_loop3A_792, %mul3A_58 : vector<16xi32>
        %parallel_loop3A_794 = tpu.vector_load_idx %arg9[%parallel_loop3A_793] : memref<4096xf32, #tpu.memory_space<vmem>>[vector<16xi32>], vector<16xf32>,
        %parallel_loop3A_795 = arith.addi %parallel_loop3A_793, %broadcast_in_dim3A_59 : vector<16xi32>
        %parallel_loop3A_796 = tpu.vector_load_idx %arg9[%parallel_loop3A_795] : memref<4096xf32, #tpu.memory_space<vmem>>[vector<16xi32>], vector<16xf32>,
        %parallel_loop3A_797 = arith.maximumf %parallel_loop3A_794, %parallel_loop3A_796 : vector<16xf32>
        %parallel_loop3A_798 = arith.addi %parallel_loop3A_795, %broadcast_in_dim3A_59 : vector<16xi32>
        %parallel_loop3A_799 = tpu.vector_load_idx %arg9[%parallel_loop3A_798] : memref<4096xf32, #tpu.memory_space<vmem>>[vector<16xi32>], vector<16xf32>,
        %parallel_loop3A_800 = arith.maximumf %parallel_loop3A_797, %parallel_loop3A_799 : vector<16xf32>
        %parallel_loop3A_801 = arith.addi %parallel_loop3A_798, %broadcast_in_dim3A_59 : vector<16xi32>
        %parallel_loop3A_802 = tpu.vector_load_idx %arg9[%parallel_loop3A_801] : memref<4096xf32, #tpu.memory_space<vmem>>[vector<16xi32>], vector<16xf32>,
        %parallel_loop3A_803 = arith.maximumf %parallel_loop3A_800, %parallel_loop3A_802 : vector<16xf32>
        %parallel_loop3A_804 = arith.addi %parallel_loop3A_801, %broadcast_in_dim3A_59 : vector<16xi32>
        %parallel_loop3A_805 = tpu.vector_load_idx %arg9[%parallel_loop3A_804] : memref<4096xf32, #tpu.memory_space<vmem>>[vector<16xi32>], vector<16xf32>,
        %parallel_loop3A_806 = arith.maximumf %parallel_loop3A_803, %parallel_loop3A_805 : vector<16xf32>
        %parallel_loop3A_807 = arith.addi %parallel_loop3A_804, %broadcast_in_dim3A_59 : vector<16xi32>
        %parallel_loop3A_808 = tpu.vector_load_idx %arg9[%parallel_loop3A_807] : memref<4096xf32, #tpu.memory_space<vmem>>[vector<16xi32>], vector<16xf32>,
        %parallel_loop3A_809 = arith.maximumf %parallel_loop3A_806, %parallel_loop3A_808 : vector<16xf32>
        %parallel_loop3A_810 = arith.addi %parallel_loop3A_807, %broadcast_in_dim3A_59 : vector<16xi32>
        %parallel_loop3A_811 = tpu.vector_load_idx %arg9[%parallel_loop3A_810] : memref<4096xf32, #tpu.memory_space<vmem>>[vector<16xi32>], vector<16xf32>,
        %parallel_loop3A_812 = arith.maximumf %parallel_loop3A_809, %parallel_loop3A_811 : vector<16xf32>
        %parallel_loop3A_813 = arith.addi %parallel_loop3A_810, %broadcast_in_dim3A_59 : vector<16xi32>
        %parallel_loop3A_814 = tpu.vector_load_idx %arg9[%parallel_loop3A_813] : memref<4096xf32, #tpu.memory_space<vmem>>[vector<16xi32>], vector<16xf32>,
        %parallel_loop3A_815 = arith.maximumf %parallel_loop3A_812, %parallel_loop3A_814 : vector<16xf32>
        %parallel_loop3A_816 = arith.addi %parallel_loop3A_813, %broadcast_in_dim3A_59 : vector<16xi32>
        %parallel_loop3A_817 = tpu.vector_load_idx %arg9[%parallel_loop3A_816] : memref<4096xf32, #tpu.memory_space<vmem>>[vector<16xi32>], vector<16xf32>,
        %parallel_loop3A_818 = arith.maximumf %parallel_loop3A_815, %parallel_loop3A_817 : vector<16xf32>
        %parallel_loop3A_819 = arith.addi %parallel_loop3A_816, %broadcast_in_dim3A_59 : vector<16xi32>
        %parallel_loop3A_820 = tpu.vector_load_idx %arg9[%parallel_loop3A_819] : memref<4096xf32, #tpu.memory_space<vmem>>[vector<16xi32>], vector<16xf32>,
        %parallel_loop3A_821 = arith.maximumf %parallel_loop3A_818, %parallel_loop3A_820 : vector<16xf32>
        %parallel_loop3A_822 = arith.addi %parallel_loop3A_819, %broadcast_in_dim3A_59 : vector<16xi32>
        %parallel_loop3A_823 = tpu.vector_load_idx %arg9[%parallel_loop3A_822] : memref<4096xf32, #tpu.memory_space<vmem>>[vector<16xi32>], vector<16xf32>,
        %parallel_loop3A_824 = arith.maximumf %parallel_loop3A_821, %parallel_loop3A_823 : vector<16xf32>
        %parallel_loop3A_825 = arith.addi %parallel_loop3A_822, %broadcast_in_dim3A_59 : vector<16xi32>
        %parallel_loop3A_826 = tpu.vector_load_idx %arg9[%parallel_loop3A_825] : memref<4096xf32, #tpu.memory_space<vmem>>[vector<16xi32>], vector<16xf32>,
        %parallel_loop3A_827 = arith.maximumf %parallel_loop3A_824, %parallel_loop3A_826 : vector<16xf32>
        %parallel_loop3A_828 = arith.addi %parallel_loop3A_825, %broadcast_in_dim3A_59 : vector<16xi32>
        %parallel_loop3A_829 = tpu.vector_load_idx %arg9[%parallel_loop3A_828] : memref<4096xf32, #tpu.memory_space<vmem>>[vector<16xi32>], vector<16xf32>,
        %parallel_loop3A_830 = arith.maximumf %parallel_loop3A_827, %parallel_loop3A_829 : vector<16xf32>
        %parallel_loop3A_831 = arith.addi %parallel_loop3A_828, %broadcast_in_dim3A_59 : vector<16xi32>
        %parallel_loop3A_832 = tpu.vector_load_idx %arg9[%parallel_loop3A_831] : memref<4096xf32, #tpu.memory_space<vmem>>[vector<16xi32>], vector<16xf32>,
        %parallel_loop3A_833 = arith.maximumf %parallel_loop3A_830, %parallel_loop3A_832 : vector<16xf32>
        %parallel_loop3A_834 = arith.addi %parallel_loop3A_831, %broadcast_in_dim3A_59 : vector<16xi32>
        %parallel_loop3A_835 = tpu.vector_load_idx %arg9[%parallel_loop3A_834] : memref<4096xf32, #tpu.memory_space<vmem>>[vector<16xi32>], vector<16xf32>,
        %parallel_loop3A_836 = arith.maximumf %parallel_loop3A_833, %parallel_loop3A_835 : vector<16xf32>
        %parallel_loop3A_837 = arith.addi %parallel_loop3A_834, %broadcast_in_dim3A_59 : vector<16xi32>
        %parallel_loop3A_838 = tpu.vector_load_idx %arg9[%parallel_loop3A_837] : memref<4096xf32, #tpu.memory_space<vmem>>[vector<16xi32>], vector<16xf32>,
        %parallel_loop3A_839 = arith.maximumf %parallel_loop3A_836, %parallel_loop3A_838 : vector<16xf32>
        %parallel_loop3A_840 = tpu.vector_load_idx %arg9[%parallel_loop3A_793] : memref<4096xf32, #tpu.memory_space<vmem>>[vector<16xi32>], vector<16xf32>,
        %parallel_loop3A_841 = arith.cmpf oeq, %parallel_loop3A_840, %parallel_loop3A_839 : vector<16xf32>
        %parallel_loop3A_842 = tpu.vector_load_idx %arg10[%parallel_loop3A_793] : memref<4096xf32, #tpu.memory_space<vmem>>[vector<16xi32>], vector<16xf32>,
        %parallel_loop3A_843 = arith.select %parallel_loop3A_841, %parallel_loop3A_842, %broadcast_in_dim3A_164 : vector<16xi1>, vector<16xf32>
        %parallel_loop3A_844 = arith.addi %parallel_loop3A_793, %broadcast_in_dim3A_59 : vector<16xi32>
        %parallel_loop3A_845 = tpu.vector_load_idx %arg9[%parallel_loop3A_844] : memref<4096xf32, #tpu.memory_space<vmem>>[vector<16xi32>], vector<16xf32>,
        %parallel_loop3A_846 = arith.cmpf oeq, %parallel_loop3A_845, %parallel_loop3A_839 : vector<16xf32>
        %parallel_loop3A_847 = tpu.vector_load_idx %arg10[%parallel_loop3A_844] : memref<4096xf32, #tpu.memory_space<vmem>>[vector<16xi32>], vector<16xf32>,
        %parallel_loop3A_848 = arith.select %parallel_loop3A_846, %parallel_loop3A_847, %broadcast_in_dim3A_164 : vector<16xi1>, vector<16xf32>
        %parallel_loop3A_849 = arith.minimumf %parallel_loop3A_843, %parallel_loop3A_848 : vector<16xf32>
        %parallel_loop3A_850 = arith.addi %parallel_loop3A_844, %broadcast_in_dim3A_59 : vector<16xi32>
        %parallel_loop3A_851 = tpu.vector_load_idx %arg9[%parallel_loop3A_850] : memref<4096xf32, #tpu.memory_space<vmem>>[vector<16xi32>], vector<16xf32>,
        %parallel_loop3A_852 = arith.cmpf oeq, %parallel_loop3A_851, %parallel_loop3A_839 : vector<16xf32>
        %parallel_loop3A_853 = tpu.vector_load_idx %arg10[%parallel_loop3A_850] : memref<4096xf32, #tpu.memory_space<vmem>>[vector<16xi32>], vector<16xf32>,
        %parallel_loop3A_854 = arith.select %parallel_loop3A_852, %parallel_loop3A_853, %broadcast_in_dim3A_164 : vector<16xi1>, vector<16xf32>
        %parallel_loop3A_855 = arith.minimumf %parallel_loop3A_849, %parallel_loop3A_854 : vector<16xf32>
        %parallel_loop3A_856 = arith.addi %parallel_loop3A_850, %broadcast_in_dim3A_59 : vector<16xi32>
        %parallel_loop3A_857 = tpu.vector_load_idx %arg9[%parallel_loop3A_856] : memref<4096xf32, #tpu.memory_space<vmem>>[vector<16xi32>], vector<16xf32>,
        %parallel_loop3A_858 = arith.cmpf oeq, %parallel_loop3A_857, %parallel_loop3A_839 : vector<16xf32>
        %parallel_loop3A_859 = tpu.vector_load_idx %arg10[%parallel_loop3A_856] : memref<4096xf32, #tpu.memory_space<vmem>>[vector<16xi32>], vector<16xf32>,
        %parallel_loop3A_860 = arith.select %parallel_loop3A_858, %parallel_loop3A_859, %broadcast_in_dim3A_164 : vector<16xi1>, vector<16xf32>
        %parallel_loop3A_861 = arith.minimumf %parallel_loop3A_855, %parallel_loop3A_860 : vector<16xf32>
        %parallel_loop3A_862 = arith.addi %parallel_loop3A_856, %broadcast_in_dim3A_59 : vector<16xi32>
        %parallel_loop3A_863 = tpu.vector_load_idx %arg9[%parallel_loop3A_862] : memref<4096xf32, #tpu.memory_space<vmem>>[vector<16xi32>], vector<16xf32>,
        %parallel_loop3A_864 = arith.cmpf oeq, %parallel_loop3A_863, %parallel_loop3A_839 : vector<16xf32>
        %parallel_loop3A_865 = tpu.vector_load_idx %arg10[%parallel_loop3A_862] : memref<4096xf32, #tpu.memory_space<vmem>>[vector<16xi32>], vector<16xf32>,
        %parallel_loop3A_866 = arith.select %parallel_loop3A_864, %parallel_loop3A_865, %broadcast_in_dim3A_164 : vector<16xi1>, vector<16xf32>
        %parallel_loop3A_867 = arith.minimumf %parallel_loop3A_861, %parallel_loop3A_866 : vector<16xf32>
        %parallel_loop3A_868 = arith.addi %parallel_loop3A_862, %broadcast_in_dim3A_59 : vector<16xi32>
        %parallel_loop3A_869 = tpu.vector_load_idx %arg9[%parallel_loop3A_868] : memref<4096xf32, #tpu.memory_space<vmem>>[vector<16xi32>], vector<16xf32>,
        %parallel_loop3A_870 = arith.cmpf oeq, %parallel_loop3A_869, %parallel_loop3A_839 : vector<16xf32>
        %parallel_loop3A_871 = tpu.vector_load_idx %arg10[%parallel_loop3A_868] : memref<4096xf32, #tpu.memory_space<vmem>>[vector<16xi32>], vector<16xf32>,
        %parallel_loop3A_872 = arith.select %parallel_loop3A_870, %parallel_loop3A_871, %broadcast_in_dim3A_164 : vector<16xi1>, vector<16xf32>
        %parallel_loop3A_873 = arith.minimumf %parallel_loop3A_867, %parallel_loop3A_872 : vector<16xf32>
        %parallel_loop3A_874 = arith.addi %parallel_loop3A_868, %broadcast_in_dim3A_59 : vector<16xi32>
        %parallel_loop3A_875 = tpu.vector_load_idx %arg9[%parallel_loop3A_874] : memref<4096xf32, #tpu.memory_space<vmem>>[vector<16xi32>], vector<16xf32>,
        %parallel_loop3A_876 = arith.cmpf oeq, %parallel_loop3A_875, %parallel_loop3A_839 : vector<16xf32>
        %parallel_loop3A_877 = tpu.vector_load_idx %arg10[%parallel_loop3A_874] : memref<4096xf32, #tpu.memory_space<vmem>>[vector<16xi32>], vector<16xf32>,
        %parallel_loop3A_878 = arith.select %parallel_loop3A_876, %parallel_loop3A_877, %broadcast_in_dim3A_164 : vector<16xi1>, vector<16xf32>
        %parallel_loop3A_879 = arith.minimumf %parallel_loop3A_873, %parallel_loop3A_878 : vector<16xf32>
        %parallel_loop3A_880 = arith.addi %parallel_loop3A_874, %broadcast_in_dim3A_59 : vector<16xi32>
        %parallel_loop3A_881 = tpu.vector_load_idx %arg9[%parallel_loop3A_880] : memref<4096xf32, #tpu.memory_space<vmem>>[vector<16xi32>], vector<16xf32>,
        %parallel_loop3A_882 = arith.cmpf oeq, %parallel_loop3A_881, %parallel_loop3A_839 : vector<16xf32>
        %parallel_loop3A_883 = tpu.vector_load_idx %arg10[%parallel_loop3A_880] : memref<4096xf32, #tpu.memory_space<vmem>>[vector<16xi32>], vector<16xf32>,
        %parallel_loop3A_884 = arith.select %parallel_loop3A_882, %parallel_loop3A_883, %broadcast_in_dim3A_164 : vector<16xi1>, vector<16xf32>
        %parallel_loop3A_885 = arith.minimumf %parallel_loop3A_879, %parallel_loop3A_884 : vector<16xf32>
        %parallel_loop3A_886 = arith.addi %parallel_loop3A_880, %broadcast_in_dim3A_59 : vector<16xi32>
        %parallel_loop3A_887 = tpu.vector_load_idx %arg9[%parallel_loop3A_886] : memref<4096xf32, #tpu.memory_space<vmem>>[vector<16xi32>], vector<16xf32>,
        %parallel_loop3A_888 = arith.cmpf oeq, %parallel_loop3A_887, %parallel_loop3A_839 : vector<16xf32>
        %parallel_loop3A_889 = tpu.vector_load_idx %arg10[%parallel_loop3A_886] : memref<4096xf32, #tpu.memory_space<vmem>>[vector<16xi32>], vector<16xf32>,
        %parallel_loop3A_890 = arith.select %parallel_loop3A_888, %parallel_loop3A_889, %broadcast_in_dim3A_164 : vector<16xi1>, vector<16xf32>
        %parallel_loop3A_891 = arith.minimumf %parallel_loop3A_885, %parallel_loop3A_890 : vector<16xf32>
        %parallel_loop3A_892 = arith.addi %parallel_loop3A_886, %broadcast_in_dim3A_59 : vector<16xi32>
        %parallel_loop3A_893 = tpu.vector_load_idx %arg9[%parallel_loop3A_892] : memref<4096xf32, #tpu.memory_space<vmem>>[vector<16xi32>], vector<16xf32>,
        %parallel_loop3A_894 = arith.cmpf oeq, %parallel_loop3A_893, %parallel_loop3A_839 : vector<16xf32>
        %parallel_loop3A_895 = tpu.vector_load_idx %arg10[%parallel_loop3A_892] : memref<4096xf32, #tpu.memory_space<vmem>>[vector<16xi32>], vector<16xf32>,
        %parallel_loop3A_896 = arith.select %parallel_loop3A_894, %parallel_loop3A_895, %broadcast_in_dim3A_164 : vector<16xi1>, vector<16xf32>
        %parallel_loop3A_897 = arith.minimumf %parallel_loop3A_891, %parallel_loop3A_896 : vector<16xf32>
        %parallel_loop3A_898 = arith.addi %parallel_loop3A_892, %broadcast_in_dim3A_59 : vector<16xi32>
        %parallel_loop3A_899 = tpu.vector_load_idx %arg9[%parallel_loop3A_898] : memref<4096xf32, #tpu.memory_space<vmem>>[vector<16xi32>], vector<16xf32>,
        %parallel_loop3A_900 = arith.cmpf oeq, %parallel_loop3A_899, %parallel_loop3A_839 : vector<16xf32>
        %parallel_loop3A_901 = tpu.vector_load_idx %arg10[%parallel_loop3A_898] : memref<4096xf32, #tpu.memory_space<vmem>>[vector<16xi32>], vector<16xf32>,
        %parallel_loop3A_902 = arith.select %parallel_loop3A_900, %parallel_loop3A_901, %broadcast_in_dim3A_164 : vector<16xi1>, vector<16xf32>
        %parallel_loop3A_903 = arith.minimumf %parallel_loop3A_897, %parallel_loop3A_902 : vector<16xf32>
        %parallel_loop3A_904 = arith.addi %parallel_loop3A_898, %broadcast_in_dim3A_59 : vector<16xi32>
        %parallel_loop3A_905 = tpu.vector_load_idx %arg9[%parallel_loop3A_904] : memref<4096xf32, #tpu.memory_space<vmem>>[vector<16xi32>], vector<16xf32>,
        %parallel_loop3A_906 = arith.cmpf oeq, %parallel_loop3A_905, %parallel_loop3A_839 : vector<16xf32>
        %parallel_loop3A_907 = tpu.vector_load_idx %arg10[%parallel_loop3A_904] : memref<4096xf32, #tpu.memory_space<vmem>>[vector<16xi32>], vector<16xf32>,
        %parallel_loop3A_908 = arith.select %parallel_loop3A_906, %parallel_loop3A_907, %broadcast_in_dim3A_164 : vector<16xi1>, vector<16xf32>
        %parallel_loop3A_909 = arith.minimumf %parallel_loop3A_903, %parallel_loop3A_908 : vector<16xf32>
        %parallel_loop3A_910 = arith.addi %parallel_loop3A_904, %broadcast_in_dim3A_59 : vector<16xi32>
        %parallel_loop3A_911 = tpu.vector_load_idx %arg9[%parallel_loop3A_910] : memref<4096xf32, #tpu.memory_space<vmem>>[vector<16xi32>], vector<16xf32>,
        %parallel_loop3A_912 = arith.cmpf oeq, %parallel_loop3A_911, %parallel_loop3A_839 : vector<16xf32>
        %parallel_loop3A_913 = tpu.vector_load_idx %arg10[%parallel_loop3A_910] : memref<4096xf32, #tpu.memory_space<vmem>>[vector<16xi32>], vector<16xf32>,
        %parallel_loop3A_914 = arith.select %parallel_loop3A_912, %parallel_loop3A_913, %broadcast_in_dim3A_164 : vector<16xi1>, vector<16xf32>
        %parallel_loop3A_915 = arith.minimumf %parallel_loop3A_909, %parallel_loop3A_914 : vector<16xf32>
        %parallel_loop3A_916 = arith.addi %parallel_loop3A_910, %broadcast_in_dim3A_59 : vector<16xi32>
        %parallel_loop3A_917 = tpu.vector_load_idx %arg9[%parallel_loop3A_916] : memref<4096xf32, #tpu.memory_space<vmem>>[vector<16xi32>], vector<16xf32>,
        %parallel_loop3A_918 = arith.cmpf oeq, %parallel_loop3A_917, %parallel_loop3A_839 : vector<16xf32>
        %parallel_loop3A_919 = tpu.vector_load_idx %arg10[%parallel_loop3A_916] : memref<4096xf32, #tpu.memory_space<vmem>>[vector<16xi32>], vector<16xf32>,
        %parallel_loop3A_920 = arith.select %parallel_loop3A_918, %parallel_loop3A_919, %broadcast_in_dim3A_164 : vector<16xi1>, vector<16xf32>
        %parallel_loop3A_921 = arith.minimumf %parallel_loop3A_915, %parallel_loop3A_920 : vector<16xf32>
        %parallel_loop3A_922 = arith.addi %parallel_loop3A_916, %broadcast_in_dim3A_59 : vector<16xi32>
        %parallel_loop3A_923 = tpu.vector_load_idx %arg9[%parallel_loop3A_922] : memref<4096xf32, #tpu.memory_space<vmem>>[vector<16xi32>], vector<16xf32>,
        %parallel_loop3A_924 = arith.cmpf oeq, %parallel_loop3A_923, %parallel_loop3A_839 : vector<16xf32>
        %parallel_loop3A_925 = tpu.vector_load_idx %arg10[%parallel_loop3A_922] : memref<4096xf32, #tpu.memory_space<vmem>>[vector<16xi32>], vector<16xf32>,
        %parallel_loop3A_926 = arith.select %parallel_loop3A_924, %parallel_loop3A_925, %broadcast_in_dim3A_164 : vector<16xi1>, vector<16xf32>
        %parallel_loop3A_927 = arith.minimumf %parallel_loop3A_921, %parallel_loop3A_926 : vector<16xf32>
        %parallel_loop3A_928 = arith.addi %parallel_loop3A_922, %broadcast_in_dim3A_59 : vector<16xi32>
        %parallel_loop3A_929 = tpu.vector_load_idx %arg9[%parallel_loop3A_928] : memref<4096xf32, #tpu.memory_space<vmem>>[vector<16xi32>], vector<16xf32>,
        %parallel_loop3A_930 = arith.cmpf oeq, %parallel_loop3A_929, %parallel_loop3A_839 : vector<16xf32>
        %parallel_loop3A_931 = tpu.vector_load_idx %arg10[%parallel_loop3A_928] : memref<4096xf32, #tpu.memory_space<vmem>>[vector<16xi32>], vector<16xf32>,
        %parallel_loop3A_932 = arith.select %parallel_loop3A_930, %parallel_loop3A_931, %broadcast_in_dim3A_164 : vector<16xi1>, vector<16xf32>
        %parallel_loop3A_933 = arith.minimumf %parallel_loop3A_927, %parallel_loop3A_932 : vector<16xf32>
        %parallel_loop3A_934 = arith.cmpf olt, %parallel_loop3A_839, %broadcast_in_dim3A_168 : vector<16xf32>
        %parallel_loop3A_935 = arith.select %parallel_loop3A_934, %broadcast_in_dim3A_168, %parallel_loop3A_839 : vector<16xi1>, vector<16xf32>
        %parallel_loop3A_936 = arith.select %parallel_loop3A_934, %broadcast_in_dim3A_170, %parallel_loop3A_933 : vector<16xi1>, vector<16xf32>
        %parallel_loop3A_937 = arith.subi %multiple_of3A_742, %multiple_of3A : i32
        %parallel_loop3A_938 = arith.constant 16 : i32
        %parallel_loop3A_939 = arith.muli %parallel_loop3A_788, %parallel_loop3A_938 : i32
        %parallel_loop3A_940 = arith.addi %parallel_loop3A_937, %parallel_loop3A_939 : i32
        %parallel_loop3A_941 = arith.index_cast %parallel_loop3A_940 : i32 to index
        %parallel_loop3A_942 = tpu.vector_load %arg7[%parallel_loop3A_941] {strides = array<i32>} : memref<5120xf32, #tpu.memory_space<vmem>>, vector<16xf32>,
        tpu.vector_store %arg7[%parallel_loop3A_941], %parallel_loop3A_935 {strides = array<i32>} : memref<5120xf32, #tpu.memory_space<vmem>>, vector<16xf32>,
        %parallel_loop3A_943 = arith.fptosi %parallel_loop3A_936 : vector<16xf32> to vector<16xi32>
        %parallel_loop3A_944 = arith.index_cast %parallel_loop3A_940 : i32 to index
        %parallel_loop3A_945 = tpu.vector_load %arg8[%parallel_loop3A_944] {strides = array<i32>} : memref<5120xi32, #tpu.memory_space<vmem>>, vector<16xi32>,
        tpu.vector_store %arg8[%parallel_loop3A_944], %parallel_loop3A_943 {strides = array<i32>} : memref<5120xi32, #tpu.memory_space<vmem>>, vector<16xi32>,
        %parallel_loop3A_946 = arith.constant 0 : i32
        scf.yield %parallel_loop3A_946 : i32
      } {sc.loop_unroll_factor = 1 : i64, sc.parallel_access}
      %mul3A_752 = arith.constant 2 : i32
      %mul3A_753 = arith.muli %mul3A_752, %scan3A_701 : i32
      %add3A_754 = arith.constant 1 : i32
      %add3A_755 = arith.addi %mul3A_753, %add3A_754 : i32
      %mul3A_756 = arith.constant 256 : i32
      %mul3A_757 = arith.muli %add3A_755, %mul3A_756 : i32
      %add3A_758 = arith.addi %multiple_of3A, %mul3A_757 : i32
      %multiple_of3A_759 = tpu.assume_multiple %add3A_758, 16 : i32
      %dma_wait3A_760 = arith.constant 0 : i32
      %dma_wait3A_761 = tpu.memref_slice %arg2[%add3A, %multiple_of3A_759, %dma_wait3A_760] : memref<8x20000x128xf32, #tpu.memory_space<hbm>> -> memref<1x256x128xf32, #tpu.memory_space<hbm>>
      %dma_wait3A_762 = tpu.memref_squeeze %dma_wait3A_761 : memref<1x256x128xf32, #tpu.memory_space<hbm>> -> memref<256x128xf32, #tpu.memory_space<hbm>>
      %dma_wait3A_763 = arith.constant 0 : i32
      %dma_wait3A_764 = tpu.memref_slice %arg2[%add3A, %multiple_of3A_759, %dma_wait3A_763] : memref<8x20000x128xf32, #tpu.memory_space<hbm>> -> memref<1x256x128xf32, #tpu.memory_space<hbm>>
      %dma_wait3A_765 = tpu.memref_squeeze %dma_wait3A_764 : memref<1x256x128xf32, #tpu.memory_space<hbm>> -> memref<256x128xf32, #tpu.memory_space<hbm>>
      tpu.wait_dma2 semaphore(%arg21 : memref<!tpu.dma_semaphore, #tpu.memory_space<semaphore_mem>>) src(%dma_wait3A_765 : memref<256x128xf32, #tpu.memory_space<hbm>>) dst(%arg6 : memref<256x128xf32, #tpu.memory_space<vmem>>)
      %add3A_766 = arith.constant 2 : i32
      %add3A_767 = arith.addi %add3A_755, %add3A_766 : i32
      %sub3A_768 = arith.constant 1 : i32
      %sub3A_769 = arith.subi %add3A_767, %sub3A_768 : i32
      %lt3A_770 = arith.constant 20 : i32
      %lt3A_771 = arith.cmpi slt, %sub3A_769, %lt3A_770 : i32
      %convert_element_type3A_772 = arith.extui %lt3A_771 : i1 to i32
      %cond3A_773 = arith.constant 0 : i32
      %cond3A_774 = arith.cmpi ne, %convert_element_type3A_772, %cond3A_773 : i32
      scf.if %cond3A_774 {
        %add3A_788 = arith.constant 2 : i32
        %add3A_789 = arith.addi %add3A_755, %add3A_788 : i32
        %sub3A_790 = arith.constant 1 : i32
        %sub3A_791 = arith.subi %add3A_789, %sub3A_790 : i32
        %mul3A_792 = arith.constant 256 : i32
        %mul3A_793 = arith.muli %sub3A_791, %mul3A_792 : i32
        %add3A_794 = arith.addi %multiple_of3A, %mul3A_793 : i32
        %multiple_of3A_795 = tpu.assume_multiple %add3A_794, 16 : i32
        %dma_start3A_796 = arith.constant 0 : i32
        %dma_start3A_797 = tpu.memref_slice %arg2[%add3A, %multiple_of3A_795, %dma_start3A_796] : memref<8x20000x128xf32, #tpu.memory_space<hbm>> -> memref<1x256x128xf32, #tpu.memory_space<hbm>>
        %dma_start3A_798 = tpu.memref_squeeze %dma_start3A_797 : memref<1x256x128xf32, #tpu.memory_space<hbm>> -> memref<256x128xf32, #tpu.memory_space<hbm>>
        %dma_start3A_799 = arith.constant 0 : i32
        %dma_start3A_800 = tpu.memref_slice %arg2[%add3A, %multiple_of3A_795, %dma_start3A_799] : memref<8x20000x128xf32, #tpu.memory_space<hbm>> -> memref<1x256x128xf32, #tpu.memory_space<hbm>>
        %dma_start3A_801 = tpu.memref_squeeze %dma_start3A_800 : memref<1x256x128xf32, #tpu.memory_space<hbm>> -> memref<256x128xf32, #tpu.memory_space<hbm>>
        tpu.enqueue_dma source(%dma_start3A_801 : memref<256x128xf32, #tpu.memory_space<hbm>>) target(%arg5 : memref<256x128xf32, #tpu.memory_space<vmem>>) target_semaphore(%arg20 : memref<!tpu.dma_semaphore, #tpu.memory_space<semaphore_mem>>)
      } else {
      }
      %mul3A_775 = arith.constant 256 : i32
      %mul3A_776 = arith.muli %add3A_755, %mul3A_775 : i32
      %add3A_777 = arith.addi %multiple_of3A, %mul3A_776 : i32
      %multiple_of3A_778 = tpu.assume_multiple %add3A_777, 16 : i32
      %parallel_loop3A_779 = arith.constant 0 : i32
      %parallel_loop3A_780 = arith.constant 256 : i32
      %parallel_loop3A_781 = arith.constant 1 : i32
      %parallel_loop3A_782:16 = scf.for %parallel_loop3A_788 = %parallel_loop3A_779 to %parallel_loop3A_780 step %parallel_loop3A_781 iter_args(%parallel_loop3A_789 = %parallel_loop3A_746#0, %parallel_loop3A_790 = %parallel_loop3A_746#1, %parallel_loop3A_791 = %parallel_loop3A_746#2, %parallel_loop3A_792 = %parallel_loop3A_746#3, %parallel_loop3A_793 = %parallel_loop3A_746#4, %parallel_loop3A_794 = %parallel_loop3A_746#5, %parallel_loop3A_795 = %parallel_loop3A_746#6, %parallel_loop3A_796 = %parallel_loop3A_746#7, %parallel_loop3A_797 = %parallel_loop3A_746#8, %parallel_loop3A_798 = %parallel_loop3A_746#9, %parallel_loop3A_799 = %parallel_loop3A_746#10, %parallel_loop3A_800 = %parallel_loop3A_746#11, %parallel_loop3A_801 = %parallel_loop3A_746#12, %parallel_loop3A_802 = %parallel_loop3A_746#13, %parallel_loop3A_803 = %parallel_loop3A_746#14, %parallel_loop3A_804 = %parallel_loop3A_746#15) -> (vector<16xf32>, vector<16xf32>, vector<16xf32>, vector<16xf32>, vector<16xf32>, vector<16xf32>, vector<16xf32>, vector<16xf32>, vector<16xi32>, vector<16xi32>, vector<16xi32>, vector<16xi32>, vector<16xi32>, vector<16xi32>, vector<16xi32>, vector<16xi32>)  : i32 {
        %parallel_loop3A_805 = arith.addi %multiple_of3A_778, %parallel_loop3A_788 : i32
        %parallel_loop3A_806 = vector.broadcast %parallel_loop3A_805 : i32 to vector<16xi32>
        %parallel_loop3A_807 = arith.index_cast %parallel_loop3A_788 : i32 to index
        %parallel_loop3A_808 = arith.constant 0 : index
        %parallel_loop3A_809 = tpu.vector_load %arg6[%parallel_loop3A_807, %parallel_loop3A_808] {strides = array<i32>} : memref<256x128xf32, #tpu.memory_space<vmem>>, vector<16xf32>,
        %parallel_loop3A_810 = arith.index_cast %parallel_loop3A_788 : i32 to index
        %parallel_loop3A_811 = arith.constant 16 : index
        %parallel_loop3A_812 = tpu.vector_load %arg6[%parallel_loop3A_810, %parallel_loop3A_811] {strides = array<i32>} : memref<256x128xf32, #tpu.memory_space<vmem>>, vector<16xf32>,
        %parallel_loop3A_813 = arith.index_cast %parallel_loop3A_788 : i32 to index
        %parallel_loop3A_814 = arith.constant 32 : index
        %parallel_loop3A_815 = tpu.vector_load %arg6[%parallel_loop3A_813, %parallel_loop3A_814] {strides = array<i32>} : memref<256x128xf32, #tpu.memory_space<vmem>>, vector<16xf32>,
        %parallel_loop3A_816 = arith.index_cast %parallel_loop3A_788 : i32 to index
        %parallel_loop3A_817 = arith.constant 48 : index
        %parallel_loop3A_818 = tpu.vector_load %arg6[%parallel_loop3A_816, %parallel_loop3A_817] {strides = array<i32>} : memref<256x128xf32, #tpu.memory_space<vmem>>, vector<16xf32>,
        %parallel_loop3A_819 = arith.index_cast %parallel_loop3A_788 : i32 to index
        %parallel_loop3A_820 = arith.constant 64 : index
        %parallel_loop3A_821 = tpu.vector_load %arg6[%parallel_loop3A_819, %parallel_loop3A_820] {strides = array<i32>} : memref<256x128xf32, #tpu.memory_space<vmem>>, vector<16xf32>,
        %parallel_loop3A_822 = arith.index_cast %parallel_loop3A_788 : i32 to index
        %parallel_loop3A_823 = arith.constant 80 : index
        %parallel_loop3A_824 = tpu.vector_load %arg6[%parallel_loop3A_822, %parallel_loop3A_823] {strides = array<i32>} : memref<256x128xf32, #tpu.memory_space<vmem>>, vector<16xf32>,
        %parallel_loop3A_825 = arith.index_cast %parallel_loop3A_788 : i32 to index
        %parallel_loop3A_826 = arith.constant 96 : index
        %parallel_loop3A_827 = tpu.vector_load %arg6[%parallel_loop3A_825, %parallel_loop3A_826] {strides = array<i32>} : memref<256x128xf32, #tpu.memory_space<vmem>>, vector<16xf32>,
        %parallel_loop3A_828 = arith.index_cast %parallel_loop3A_788 : i32 to index
        %parallel_loop3A_829 = arith.constant 112 : index
        %parallel_loop3A_830 = tpu.vector_load %arg6[%parallel_loop3A_828, %parallel_loop3A_829] {strides = array<i32>} : memref<256x128xf32, #tpu.memory_space<vmem>>, vector<16xf32>,
        %parallel_loop3A_831 = arith.cmpf ogt, %parallel_loop3A_809, %parallel_loop3A_789 : vector<16xf32>
        %parallel_loop3A_832 = arith.select %parallel_loop3A_831, %parallel_loop3A_809, %parallel_loop3A_789 : vector<16xi1>, vector<16xf32>
        %parallel_loop3A_833 = arith.select %parallel_loop3A_831, %parallel_loop3A_806, %parallel_loop3A_797 : vector<16xi1>, vector<16xi32>
        %parallel_loop3A_834 = arith.cmpf ogt, %parallel_loop3A_812, %parallel_loop3A_790 : vector<16xf32>
        %parallel_loop3A_835 = arith.select %parallel_loop3A_834, %parallel_loop3A_812, %parallel_loop3A_790 : vector<16xi1>, vector<16xf32>
        %parallel_loop3A_836 = arith.select %parallel_loop3A_834, %parallel_loop3A_806, %parallel_loop3A_798 : vector<16xi1>, vector<16xi32>
        %parallel_loop3A_837 = arith.cmpf ogt, %parallel_loop3A_815, %parallel_loop3A_791 : vector<16xf32>
        %parallel_loop3A_838 = arith.select %parallel_loop3A_837, %parallel_loop3A_815, %parallel_loop3A_791 : vector<16xi1>, vector<16xf32>
        %parallel_loop3A_839 = arith.select %parallel_loop3A_837, %parallel_loop3A_806, %parallel_loop3A_799 : vector<16xi1>, vector<16xi32>
        %parallel_loop3A_840 = arith.cmpf ogt, %parallel_loop3A_818, %parallel_loop3A_792 : vector<16xf32>
        %parallel_loop3A_841 = arith.select %parallel_loop3A_840, %parallel_loop3A_818, %parallel_loop3A_792 : vector<16xi1>, vector<16xf32>
        %parallel_loop3A_842 = arith.select %parallel_loop3A_840, %parallel_loop3A_806, %parallel_loop3A_800 : vector<16xi1>, vector<16xi32>
        %parallel_loop3A_843 = arith.cmpf ogt, %parallel_loop3A_821, %parallel_loop3A_793 : vector<16xf32>
        %parallel_loop3A_844 = arith.select %parallel_loop3A_843, %parallel_loop3A_821, %parallel_loop3A_793 : vector<16xi1>, vector<16xf32>
        %parallel_loop3A_845 = arith.select %parallel_loop3A_843, %parallel_loop3A_806, %parallel_loop3A_801 : vector<16xi1>, vector<16xi32>
        %parallel_loop3A_846 = arith.cmpf ogt, %parallel_loop3A_824, %parallel_loop3A_794 : vector<16xf32>
        %parallel_loop3A_847 = arith.select %parallel_loop3A_846, %parallel_loop3A_824, %parallel_loop3A_794 : vector<16xi1>, vector<16xf32>
        %parallel_loop3A_848 = arith.select %parallel_loop3A_846, %parallel_loop3A_806, %parallel_loop3A_802 : vector<16xi1>, vector<16xi32>
        %parallel_loop3A_849 = arith.cmpf ogt, %parallel_loop3A_827, %parallel_loop3A_795 : vector<16xf32>
        %parallel_loop3A_850 = arith.select %parallel_loop3A_849, %parallel_loop3A_827, %parallel_loop3A_795 : vector<16xi1>, vector<16xf32>
        %parallel_loop3A_851 = arith.select %parallel_loop3A_849, %parallel_loop3A_806, %parallel_loop3A_803 : vector<16xi1>, vector<16xi32>
        %parallel_loop3A_852 = arith.cmpf ogt, %parallel_loop3A_830, %parallel_loop3A_796 : vector<16xf32>
        %parallel_loop3A_853 = arith.select %parallel_loop3A_852, %parallel_loop3A_830, %parallel_loop3A_796 : vector<16xi1>, vector<16xf32>
        %parallel_loop3A_854 = arith.select %parallel_loop3A_852, %parallel_loop3A_806, %parallel_loop3A_804 : vector<16xi1>, vector<16xi32>
        %parallel_loop3A_855 = arith.maximumf %parallel_loop3A_809, %parallel_loop3A_812 : vector<16xf32>
        %parallel_loop3A_856 = arith.maximumf %parallel_loop3A_815, %parallel_loop3A_818 : vector<16xf32>
        %parallel_loop3A_857 = arith.maximumf %parallel_loop3A_821, %parallel_loop3A_824 : vector<16xf32>
        %parallel_loop3A_858 = arith.maximumf %parallel_loop3A_827, %parallel_loop3A_830 : vector<16xf32>
        %parallel_loop3A_859 = arith.maximumf %parallel_loop3A_855, %parallel_loop3A_856 : vector<16xf32>
        %parallel_loop3A_860 = arith.maximumf %parallel_loop3A_857, %parallel_loop3A_858 : vector<16xf32>
        %parallel_loop3A_861 = arith.maximumf %parallel_loop3A_859, %parallel_loop3A_860 : vector<16xf32>
        %parallel_loop3A_862 = arith.cmpf oeq, %parallel_loop3A_809, %parallel_loop3A_861 : vector<16xf32>
        %parallel_loop3A_863 = arith.select %parallel_loop3A_862, %convert_element_type3A, %broadcast_in_dim3A_164 : vector<16xi1>, vector<16xf32>
        %parallel_loop3A_864 = arith.cmpf oeq, %parallel_loop3A_812, %parallel_loop3A_861 : vector<16xf32>
        %parallel_loop3A_865 = arith.select %parallel_loop3A_864, %convert_element_type3A_66, %broadcast_in_dim3A_164 : vector<16xi1>, vector<16xf32>
        %parallel_loop3A_866 = arith.cmpf oeq, %parallel_loop3A_815, %parallel_loop3A_861 : vector<16xf32>
        %parallel_loop3A_867 = arith.select %parallel_loop3A_866, %convert_element_type3A_70, %broadcast_in_dim3A_164 : vector<16xi1>, vector<16xf32>
        %parallel_loop3A_868 = arith.cmpf oeq, %parallel_loop3A_818, %parallel_loop3A_861 : vector<16xf32>
        %parallel_loop3A_869 = arith.select %parallel_loop3A_868, %convert_element_type3A_74, %broadcast_in_dim3A_164 : vector<16xi1>, vector<16xf32>
        %parallel_loop3A_870 = arith.cmpf oeq, %parallel_loop3A_821, %parallel_loop3A_861 : vector<16xf32>
        %parallel_loop3A_871 = arith.select %parallel_loop3A_870, %convert_element_type3A_78, %broadcast_in_dim3A_164 : vector<16xi1>, vector<16xf32>
        %parallel_loop3A_872 = arith.cmpf oeq, %parallel_loop3A_824, %parallel_loop3A_861 : vector<16xf32>
        %parallel_loop3A_873 = arith.select %parallel_loop3A_872, %convert_element_type3A_82, %broadcast_in_dim3A_164 : vector<16xi1>, vector<16xf32>
        %parallel_loop3A_874 = arith.cmpf oeq, %parallel_loop3A_827, %parallel_loop3A_861 : vector<16xf32>
        %parallel_loop3A_875 = arith.select %parallel_loop3A_874, %convert_element_type3A_86, %broadcast_in_dim3A_164 : vector<16xi1>, vector<16xf32>
        %parallel_loop3A_876 = arith.cmpf oeq, %parallel_loop3A_830, %parallel_loop3A_861 : vector<16xf32>
        %parallel_loop3A_877 = arith.select %parallel_loop3A_876, %convert_element_type3A_90, %broadcast_in_dim3A_164 : vector<16xi1>, vector<16xf32>
        %parallel_loop3A_878 = arith.minimumf %parallel_loop3A_863, %parallel_loop3A_865 : vector<16xf32>
        %parallel_loop3A_879 = arith.minimumf %parallel_loop3A_867, %parallel_loop3A_869 : vector<16xf32>
        %parallel_loop3A_880 = arith.minimumf %parallel_loop3A_871, %parallel_loop3A_873 : vector<16xf32>
        %parallel_loop3A_881 = arith.minimumf %parallel_loop3A_875, %parallel_loop3A_877 : vector<16xf32>
        %parallel_loop3A_882 = arith.minimumf %parallel_loop3A_878, %parallel_loop3A_879 : vector<16xf32>
        %parallel_loop3A_883 = arith.minimumf %parallel_loop3A_880, %parallel_loop3A_881 : vector<16xf32>
        %parallel_loop3A_884 = arith.minimumf %parallel_loop3A_882, %parallel_loop3A_883 : vector<16xf32>
        %parallel_loop3A_885 = arith.constant 16 : i32
        %parallel_loop3A_886 = arith.muli %parallel_loop3A_788, %parallel_loop3A_885 : i32
        %parallel_loop3A_887 = arith.index_cast %parallel_loop3A_886 : i32 to index
        %parallel_loop3A_888 = tpu.vector_load %arg9[%parallel_loop3A_887] {strides = array<i32>} : memref<4096xf32, #tpu.memory_space<vmem>>, vector<16xf32>,
        tpu.vector_store %arg9[%parallel_loop3A_887], %parallel_loop3A_861 {strides = array<i32>} : memref<4096xf32, #tpu.memory_space<vmem>>, vector<16xf32>,
        %parallel_loop3A_889 = arith.constant 16 : i32
        %parallel_loop3A_890 = arith.muli %parallel_loop3A_788, %parallel_loop3A_889 : i32
        %parallel_loop3A_891 = arith.index_cast %parallel_loop3A_890 : i32 to index
        %parallel_loop3A_892 = tpu.vector_load %arg10[%parallel_loop3A_891] {strides = array<i32>} : memref<4096xf32, #tpu.memory_space<vmem>>, vector<16xf32>,
        tpu.vector_store %arg10[%parallel_loop3A_891], %parallel_loop3A_884 {strides = array<i32>} : memref<4096xf32, #tpu.memory_space<vmem>>, vector<16xf32>,
        scf.yield %parallel_loop3A_832, %parallel_loop3A_835, %parallel_loop3A_838, %parallel_loop3A_841, %parallel_loop3A_844, %parallel_loop3A_847, %parallel_loop3A_850, %parallel_loop3A_853, %parallel_loop3A_833, %parallel_loop3A_836, %parallel_loop3A_839, %parallel_loop3A_842, %parallel_loop3A_845, %parallel_loop3A_848, %parallel_loop3A_851, %parallel_loop3A_854 : vector<16xf32>, vector<16xf32>, vector<16xf32>, vector<16xf32>, vector<16xf32>, vector<16xf32>, vector<16xf32>, vector<16xf32>, vector<16xi32>, vector<16xi32>, vector<16xi32>, vector<16xi32>, vector<16xi32>, vector<16xi32>, vector<16xi32>, vector<16xi32>
      } {sc.loop_unroll_factor = 2 : i64, sc.parallel_access}
      %parallel_loop3A_783 = arith.constant 0 : i32
      %parallel_loop3A_784 = arith.constant 16 : i32
      %parallel_loop3A_785 = arith.constant 1 : i32
      %parallel_loop3A_786 = arith.constant 0 : i32
      %parallel_loop3A_787 = scf.for %parallel_loop3A_788 = %parallel_loop3A_783 to %parallel_loop3A_784 step %parallel_loop3A_785 iter_args(%parallel_loop3A_789 = %parallel_loop3A_786) -> (i32)  : i32 {
        %parallel_loop3A_790 = arith.constant 256 : i32
        %parallel_loop3A_791 = arith.muli %parallel_loop3A_788, %parallel_loop3A_790 : i32
        %parallel_loop3A_792 = vector.broadcast %parallel_loop3A_791 : i32 to vector<16xi32>
        %parallel_loop3A_793 = arith.addi %parallel_loop3A_792, %mul3A_58 : vector<16xi32>
        %parallel_loop3A_794 = tpu.vector_load_idx %arg9[%parallel_loop3A_793] : memref<4096xf32, #tpu.memory_space<vmem>>[vector<16xi32>], vector<16xf32>,
        %parallel_loop3A_795 = arith.addi %parallel_loop3A_793, %broadcast_in_dim3A_59 : vector<16xi32>
        %parallel_loop3A_796 = tpu.vector_load_idx %arg9[%parallel_loop3A_795] : memref<4096xf32, #tpu.memory_space<vmem>>[vector<16xi32>], vector<16xf32>,
        %parallel_loop3A_797 = arith.maximumf %parallel_loop3A_794, %parallel_loop3A_796 : vector<16xf32>
        %parallel_loop3A_798 = arith.addi %parallel_loop3A_795, %broadcast_in_dim3A_59 : vector<16xi32>
        %parallel_loop3A_799 = tpu.vector_load_idx %arg9[%parallel_loop3A_798] : memref<4096xf32, #tpu.memory_space<vmem>>[vector<16xi32>], vector<16xf32>,
        %parallel_loop3A_800 = arith.maximumf %parallel_loop3A_797, %parallel_loop3A_799 : vector<16xf32>
        %parallel_loop3A_801 = arith.addi %parallel_loop3A_798, %broadcast_in_dim3A_59 : vector<16xi32>
        %parallel_loop3A_802 = tpu.vector_load_idx %arg9[%parallel_loop3A_801] : memref<4096xf32, #tpu.memory_space<vmem>>[vector<16xi32>], vector<16xf32>,
        %parallel_loop3A_803 = arith.maximumf %parallel_loop3A_800, %parallel_loop3A_802 : vector<16xf32>
        %parallel_loop3A_804 = arith.addi %parallel_loop3A_801, %broadcast_in_dim3A_59 : vector<16xi32>
        %parallel_loop3A_805 = tpu.vector_load_idx %arg9[%parallel_loop3A_804] : memref<4096xf32, #tpu.memory_space<vmem>>[vector<16xi32>], vector<16xf32>,
        %parallel_loop3A_806 = arith.maximumf %parallel_loop3A_803, %parallel_loop3A_805 : vector<16xf32>
        %parallel_loop3A_807 = arith.addi %parallel_loop3A_804, %broadcast_in_dim3A_59 : vector<16xi32>
        %parallel_loop3A_808 = tpu.vector_load_idx %arg9[%parallel_loop3A_807] : memref<4096xf32, #tpu.memory_space<vmem>>[vector<16xi32>], vector<16xf32>,
        %parallel_loop3A_809 = arith.maximumf %parallel_loop3A_806, %parallel_loop3A_808 : vector<16xf32>
        %parallel_loop3A_810 = arith.addi %parallel_loop3A_807, %broadcast_in_dim3A_59 : vector<16xi32>
        %parallel_loop3A_811 = tpu.vector_load_idx %arg9[%parallel_loop3A_810] : memref<4096xf32, #tpu.memory_space<vmem>>[vector<16xi32>], vector<16xf32>,
        %parallel_loop3A_812 = arith.maximumf %parallel_loop3A_809, %parallel_loop3A_811 : vector<16xf32>
        %parallel_loop3A_813 = arith.addi %parallel_loop3A_810, %broadcast_in_dim3A_59 : vector<16xi32>
        %parallel_loop3A_814 = tpu.vector_load_idx %arg9[%parallel_loop3A_813] : memref<4096xf32, #tpu.memory_space<vmem>>[vector<16xi32>], vector<16xf32>,
        %parallel_loop3A_815 = arith.maximumf %parallel_loop3A_812, %parallel_loop3A_814 : vector<16xf32>
        %parallel_loop3A_816 = arith.addi %parallel_loop3A_813, %broadcast_in_dim3A_59 : vector<16xi32>
        %parallel_loop3A_817 = tpu.vector_load_idx %arg9[%parallel_loop3A_816] : memref<4096xf32, #tpu.memory_space<vmem>>[vector<16xi32>], vector<16xf32>,
        %parallel_loop3A_818 = arith.maximumf %parallel_loop3A_815, %parallel_loop3A_817 : vector<16xf32>
        %parallel_loop3A_819 = arith.addi %parallel_loop3A_816, %broadcast_in_dim3A_59 : vector<16xi32>
        %parallel_loop3A_820 = tpu.vector_load_idx %arg9[%parallel_loop3A_819] : memref<4096xf32, #tpu.memory_space<vmem>>[vector<16xi32>], vector<16xf32>,
        %parallel_loop3A_821 = arith.maximumf %parallel_loop3A_818, %parallel_loop3A_820 : vector<16xf32>
        %parallel_loop3A_822 = arith.addi %parallel_loop3A_819, %broadcast_in_dim3A_59 : vector<16xi32>
        %parallel_loop3A_823 = tpu.vector_load_idx %arg9[%parallel_loop3A_822] : memref<4096xf32, #tpu.memory_space<vmem>>[vector<16xi32>], vector<16xf32>,
        %parallel_loop3A_824 = arith.maximumf %parallel_loop3A_821, %parallel_loop3A_823 : vector<16xf32>
        %parallel_loop3A_825 = arith.addi %parallel_loop3A_822, %broadcast_in_dim3A_59 : vector<16xi32>
        %parallel_loop3A_826 = tpu.vector_load_idx %arg9[%parallel_loop3A_825] : memref<4096xf32, #tpu.memory_space<vmem>>[vector<16xi32>], vector<16xf32>,
        %parallel_loop3A_827 = arith.maximumf %parallel_loop3A_824, %parallel_loop3A_826 : vector<16xf32>
        %parallel_loop3A_828 = arith.addi %parallel_loop3A_825, %broadcast_in_dim3A_59 : vector<16xi32>
        %parallel_loop3A_829 = tpu.vector_load_idx %arg9[%parallel_loop3A_828] : memref<4096xf32, #tpu.memory_space<vmem>>[vector<16xi32>], vector<16xf32>,
        %parallel_loop3A_830 = arith.maximumf %parallel_loop3A_827, %parallel_loop3A_829 : vector<16xf32>
        %parallel_loop3A_831 = arith.addi %parallel_loop3A_828, %broadcast_in_dim3A_59 : vector<16xi32>
        %parallel_loop3A_832 = tpu.vector_load_idx %arg9[%parallel_loop3A_831] : memref<4096xf32, #tpu.memory_space<vmem>>[vector<16xi32>], vector<16xf32>,
        %parallel_loop3A_833 = arith.maximumf %parallel_loop3A_830, %parallel_loop3A_832 : vector<16xf32>
        %parallel_loop3A_834 = arith.addi %parallel_loop3A_831, %broadcast_in_dim3A_59 : vector<16xi32>
        %parallel_loop3A_835 = tpu.vector_load_idx %arg9[%parallel_loop3A_834] : memref<4096xf32, #tpu.memory_space<vmem>>[vector<16xi32>], vector<16xf32>,
        %parallel_loop3A_836 = arith.maximumf %parallel_loop3A_833, %parallel_loop3A_835 : vector<16xf32>
        %parallel_loop3A_837 = arith.addi %parallel_loop3A_834, %broadcast_in_dim3A_59 : vector<16xi32>
        %parallel_loop3A_838 = tpu.vector_load_idx %arg9[%parallel_loop3A_837] : memref<4096xf32, #tpu.memory_space<vmem>>[vector<16xi32>], vector<16xf32>,
        %parallel_loop3A_839 = arith.maximumf %parallel_loop3A_836, %parallel_loop3A_838 : vector<16xf32>
        %parallel_loop3A_840 = tpu.vector_load_idx %arg9[%parallel_loop3A_793] : memref<4096xf32, #tpu.memory_space<vmem>>[vector<16xi32>], vector<16xf32>,
        %parallel_loop3A_841 = arith.cmpf oeq, %parallel_loop3A_840, %parallel_loop3A_839 : vector<16xf32>
        %parallel_loop3A_842 = tpu.vector_load_idx %arg10[%parallel_loop3A_793] : memref<4096xf32, #tpu.memory_space<vmem>>[vector<16xi32>], vector<16xf32>,
        %parallel_loop3A_843 = arith.select %parallel_loop3A_841, %parallel_loop3A_842, %broadcast_in_dim3A_164 : vector<16xi1>, vector<16xf32>
        %parallel_loop3A_844 = arith.addi %parallel_loop3A_793, %broadcast_in_dim3A_59 : vector<16xi32>
        %parallel_loop3A_845 = tpu.vector_load_idx %arg9[%parallel_loop3A_844] : memref<4096xf32, #tpu.memory_space<vmem>>[vector<16xi32>], vector<16xf32>,
        %parallel_loop3A_846 = arith.cmpf oeq, %parallel_loop3A_845, %parallel_loop3A_839 : vector<16xf32>
        %parallel_loop3A_847 = tpu.vector_load_idx %arg10[%parallel_loop3A_844] : memref<4096xf32, #tpu.memory_space<vmem>>[vector<16xi32>], vector<16xf32>,
        %parallel_loop3A_848 = arith.select %parallel_loop3A_846, %parallel_loop3A_847, %broadcast_in_dim3A_164 : vector<16xi1>, vector<16xf32>
        %parallel_loop3A_849 = arith.minimumf %parallel_loop3A_843, %parallel_loop3A_848 : vector<16xf32>
        %parallel_loop3A_850 = arith.addi %parallel_loop3A_844, %broadcast_in_dim3A_59 : vector<16xi32>
        %parallel_loop3A_851 = tpu.vector_load_idx %arg9[%parallel_loop3A_850] : memref<4096xf32, #tpu.memory_space<vmem>>[vector<16xi32>], vector<16xf32>,
        %parallel_loop3A_852 = arith.cmpf oeq, %parallel_loop3A_851, %parallel_loop3A_839 : vector<16xf32>
        %parallel_loop3A_853 = tpu.vector_load_idx %arg10[%parallel_loop3A_850] : memref<4096xf32, #tpu.memory_space<vmem>>[vector<16xi32>], vector<16xf32>,
        %parallel_loop3A_854 = arith.select %parallel_loop3A_852, %parallel_loop3A_853, %broadcast_in_dim3A_164 : vector<16xi1>, vector<16xf32>
        %parallel_loop3A_855 = arith.minimumf %parallel_loop3A_849, %parallel_loop3A_854 : vector<16xf32>
        %parallel_loop3A_856 = arith.addi %parallel_loop3A_850, %broadcast_in_dim3A_59 : vector<16xi32>
        %parallel_loop3A_857 = tpu.vector_load_idx %arg9[%parallel_loop3A_856] : memref<4096xf32, #tpu.memory_space<vmem>>[vector<16xi32>], vector<16xf32>,
        %parallel_loop3A_858 = arith.cmpf oeq, %parallel_loop3A_857, %parallel_loop3A_839 : vector<16xf32>
        %parallel_loop3A_859 = tpu.vector_load_idx %arg10[%parallel_loop3A_856] : memref<4096xf32, #tpu.memory_space<vmem>>[vector<16xi32>], vector<16xf32>,
        %parallel_loop3A_860 = arith.select %parallel_loop3A_858, %parallel_loop3A_859, %broadcast_in_dim3A_164 : vector<16xi1>, vector<16xf32>
        %parallel_loop3A_861 = arith.minimumf %parallel_loop3A_855, %parallel_loop3A_860 : vector<16xf32>
        %parallel_loop3A_862 = arith.addi %parallel_loop3A_856, %broadcast_in_dim3A_59 : vector<16xi32>
        %parallel_loop3A_863 = tpu.vector_load_idx %arg9[%parallel_loop3A_862] : memref<4096xf32, #tpu.memory_space<vmem>>[vector<16xi32>], vector<16xf32>,
        %parallel_loop3A_864 = arith.cmpf oeq, %parallel_loop3A_863, %parallel_loop3A_839 : vector<16xf32>
        %parallel_loop3A_865 = tpu.vector_load_idx %arg10[%parallel_loop3A_862] : memref<4096xf32, #tpu.memory_space<vmem>>[vector<16xi32>], vector<16xf32>,
        %parallel_loop3A_866 = arith.select %parallel_loop3A_864, %parallel_loop3A_865, %broadcast_in_dim3A_164 : vector<16xi1>, vector<16xf32>
        %parallel_loop3A_867 = arith.minimumf %parallel_loop3A_861, %parallel_loop3A_866 : vector<16xf32>
        %parallel_loop3A_868 = arith.addi %parallel_loop3A_862, %broadcast_in_dim3A_59 : vector<16xi32>
        %parallel_loop3A_869 = tpu.vector_load_idx %arg9[%parallel_loop3A_868] : memref<4096xf32, #tpu.memory_space<vmem>>[vector<16xi32>], vector<16xf32>,
        %parallel_loop3A_870 = arith.cmpf oeq, %parallel_loop3A_869, %parallel_loop3A_839 : vector<16xf32>
        %parallel_loop3A_871 = tpu.vector_load_idx %arg10[%parallel_loop3A_868] : memref<4096xf32, #tpu.memory_space<vmem>>[vector<16xi32>], vector<16xf32>,
        %parallel_loop3A_872 = arith.select %parallel_loop3A_870, %parallel_loop3A_871, %broadcast_in_dim3A_164 : vector<16xi1>, vector<16xf32>
        %parallel_loop3A_873 = arith.minimumf %parallel_loop3A_867, %parallel_loop3A_872 : vector<16xf32>
        %parallel_loop3A_874 = arith.addi %parallel_loop3A_868, %broadcast_in_dim3A_59 : vector<16xi32>
        %parallel_loop3A_875 = tpu.vector_load_idx %arg9[%parallel_loop3A_874] : memref<4096xf32, #tpu.memory_space<vmem>>[vector<16xi32>], vector<16xf32>,
        %parallel_loop3A_876 = arith.cmpf oeq, %parallel_loop3A_875, %parallel_loop3A_839 : vector<16xf32>
        %parallel_loop3A_877 = tpu.vector_load_idx %arg10[%parallel_loop3A_874] : memref<4096xf32, #tpu.memory_space<vmem>>[vector<16xi32>], vector<16xf32>,
        %parallel_loop3A_878 = arith.select %parallel_loop3A_876, %parallel_loop3A_877, %broadcast_in_dim3A_164 : vector<16xi1>, vector<16xf32>
        %parallel_loop3A_879 = arith.minimumf %parallel_loop3A_873, %parallel_loop3A_878 : vector<16xf32>
        %parallel_loop3A_880 = arith.addi %parallel_loop3A_874, %broadcast_in_dim3A_59 : vector<16xi32>
        %parallel_loop3A_881 = tpu.vector_load_idx %arg9[%parallel_loop3A_880] : memref<4096xf32, #tpu.memory_space<vmem>>[vector<16xi32>], vector<16xf32>,
        %parallel_loop3A_882 = arith.cmpf oeq, %parallel_loop3A_881, %parallel_loop3A_839 : vector<16xf32>
        %parallel_loop3A_883 = tpu.vector_load_idx %arg10[%parallel_loop3A_880] : memref<4096xf32, #tpu.memory_space<vmem>>[vector<16xi32>], vector<16xf32>,
        %parallel_loop3A_884 = arith.select %parallel_loop3A_882, %parallel_loop3A_883, %broadcast_in_dim3A_164 : vector<16xi1>, vector<16xf32>
        %parallel_loop3A_885 = arith.minimumf %parallel_loop3A_879, %parallel_loop3A_884 : vector<16xf32>
        %parallel_loop3A_886 = arith.addi %parallel_loop3A_880, %broadcast_in_dim3A_59 : vector<16xi32>
        %parallel_loop3A_887 = tpu.vector_load_idx %arg9[%parallel_loop3A_886] : memref<4096xf32, #tpu.memory_space<vmem>>[vector<16xi32>], vector<16xf32>,
        %parallel_loop3A_888 = arith.cmpf oeq, %parallel_loop3A_887, %parallel_loop3A_839 : vector<16xf32>
        %parallel_loop3A_889 = tpu.vector_load_idx %arg10[%parallel_loop3A_886] : memref<4096xf32, #tpu.memory_space<vmem>>[vector<16xi32>], vector<16xf32>,
        %parallel_loop3A_890 = arith.select %parallel_loop3A_888, %parallel_loop3A_889, %broadcast_in_dim3A_164 : vector<16xi1>, vector<16xf32>
        %parallel_loop3A_891 = arith.minimumf %parallel_loop3A_885, %parallel_loop3A_890 : vector<16xf32>
        %parallel_loop3A_892 = arith.addi %parallel_loop3A_886, %broadcast_in_dim3A_59 : vector<16xi32>
        %parallel_loop3A_893 = tpu.vector_load_idx %arg9[%parallel_loop3A_892] : memref<4096xf32, #tpu.memory_space<vmem>>[vector<16xi32>], vector<16xf32>,
        %parallel_loop3A_894 = arith.cmpf oeq, %parallel_loop3A_893, %parallel_loop3A_839 : vector<16xf32>
        %parallel_loop3A_895 = tpu.vector_load_idx %arg10[%parallel_loop3A_892] : memref<4096xf32, #tpu.memory_space<vmem>>[vector<16xi32>], vector<16xf32>,
        %parallel_loop3A_896 = arith.select %parallel_loop3A_894, %parallel_loop3A_895, %broadcast_in_dim3A_164 : vector<16xi1>, vector<16xf32>
        %parallel_loop3A_897 = arith.minimumf %parallel_loop3A_891, %parallel_loop3A_896 : vector<16xf32>
        %parallel_loop3A_898 = arith.addi %parallel_loop3A_892, %broadcast_in_dim3A_59 : vector<16xi32>
        %parallel_loop3A_899 = tpu.vector_load_idx %arg9[%parallel_loop3A_898] : memref<4096xf32, #tpu.memory_space<vmem>>[vector<16xi32>], vector<16xf32>,
        %parallel_loop3A_900 = arith.cmpf oeq, %parallel_loop3A_899, %parallel_loop3A_839 : vector<16xf32>
        %parallel_loop3A_901 = tpu.vector_load_idx %arg10[%parallel_loop3A_898] : memref<4096xf32, #tpu.memory_space<vmem>>[vector<16xi32>], vector<16xf32>,
        %parallel_loop3A_902 = arith.select %parallel_loop3A_900, %parallel_loop3A_901, %broadcast_in_dim3A_164 : vector<16xi1>, vector<16xf32>
        %parallel_loop3A_903 = arith.minimumf %parallel_loop3A_897, %parallel_loop3A_902 : vector<16xf32>
        %parallel_loop3A_904 = arith.addi %parallel_loop3A_898, %broadcast_in_dim3A_59 : vector<16xi32>
        %parallel_loop3A_905 = tpu.vector_load_idx %arg9[%parallel_loop3A_904] : memref<4096xf32, #tpu.memory_space<vmem>>[vector<16xi32>], vector<16xf32>,
        %parallel_loop3A_906 = arith.cmpf oeq, %parallel_loop3A_905, %parallel_loop3A_839 : vector<16xf32>
        %parallel_loop3A_907 = tpu.vector_load_idx %arg10[%parallel_loop3A_904] : memref<4096xf32, #tpu.memory_space<vmem>>[vector<16xi32>], vector<16xf32>,
        %parallel_loop3A_908 = arith.select %parallel_loop3A_906, %parallel_loop3A_907, %broadcast_in_dim3A_164 : vector<16xi1>, vector<16xf32>
        %parallel_loop3A_909 = arith.minimumf %parallel_loop3A_903, %parallel_loop3A_908 : vector<16xf32>
        %parallel_loop3A_910 = arith.addi %parallel_loop3A_904, %broadcast_in_dim3A_59 : vector<16xi32>
        %parallel_loop3A_911 = tpu.vector_load_idx %arg9[%parallel_loop3A_910] : memref<4096xf32, #tpu.memory_space<vmem>>[vector<16xi32>], vector<16xf32>,
        %parallel_loop3A_912 = arith.cmpf oeq, %parallel_loop3A_911, %parallel_loop3A_839 : vector<16xf32>
        %parallel_loop3A_913 = tpu.vector_load_idx %arg10[%parallel_loop3A_910] : memref<4096xf32, #tpu.memory_space<vmem>>[vector<16xi32>], vector<16xf32>,
        %parallel_loop3A_914 = arith.select %parallel_loop3A_912, %parallel_loop3A_913, %broadcast_in_dim3A_164 : vector<16xi1>, vector<16xf32>
        %parallel_loop3A_915 = arith.minimumf %parallel_loop3A_909, %parallel_loop3A_914 : vector<16xf32>
        %parallel_loop3A_916 = arith.addi %parallel_loop3A_910, %broadcast_in_dim3A_59 : vector<16xi32>
        %parallel_loop3A_917 = tpu.vector_load_idx %arg9[%parallel_loop3A_916] : memref<4096xf32, #tpu.memory_space<vmem>>[vector<16xi32>], vector<16xf32>,
        %parallel_loop3A_918 = arith.cmpf oeq, %parallel_loop3A_917, %parallel_loop3A_839 : vector<16xf32>
        %parallel_loop3A_919 = tpu.vector_load_idx %arg10[%parallel_loop3A_916] : memref<4096xf32, #tpu.memory_space<vmem>>[vector<16xi32>], vector<16xf32>,
        %parallel_loop3A_920 = arith.select %parallel_loop3A_918, %parallel_loop3A_919, %broadcast_in_dim3A_164 : vector<16xi1>, vector<16xf32>
        %parallel_loop3A_921 = arith.minimumf %parallel_loop3A_915, %parallel_loop3A_920 : vector<16xf32>
        %parallel_loop3A_922 = arith.addi %parallel_loop3A_916, %broadcast_in_dim3A_59 : vector<16xi32>
        %parallel_loop3A_923 = tpu.vector_load_idx %arg9[%parallel_loop3A_922] : memref<4096xf32, #tpu.memory_space<vmem>>[vector<16xi32>], vector<16xf32>,
        %parallel_loop3A_924 = arith.cmpf oeq, %parallel_loop3A_923, %parallel_loop3A_839 : vector<16xf32>
        %parallel_loop3A_925 = tpu.vector_load_idx %arg10[%parallel_loop3A_922] : memref<4096xf32, #tpu.memory_space<vmem>>[vector<16xi32>], vector<16xf32>,
        %parallel_loop3A_926 = arith.select %parallel_loop3A_924, %parallel_loop3A_925, %broadcast_in_dim3A_164 : vector<16xi1>, vector<16xf32>
        %parallel_loop3A_927 = arith.minimumf %parallel_loop3A_921, %parallel_loop3A_926 : vector<16xf32>
        %parallel_loop3A_928 = arith.addi %parallel_loop3A_922, %broadcast_in_dim3A_59 : vector<16xi32>
        %parallel_loop3A_929 = tpu.vector_load_idx %arg9[%parallel_loop3A_928] : memref<4096xf32, #tpu.memory_space<vmem>>[vector<16xi32>], vector<16xf32>,
        %parallel_loop3A_930 = arith.cmpf oeq, %parallel_loop3A_929, %parallel_loop3A_839 : vector<16xf32>
        %parallel_loop3A_931 = tpu.vector_load_idx %arg10[%parallel_loop3A_928] : memref<4096xf32, #tpu.memory_space<vmem>>[vector<16xi32>], vector<16xf32>,
        %parallel_loop3A_932 = arith.select %parallel_loop3A_930, %parallel_loop3A_931, %broadcast_in_dim3A_164 : vector<16xi1>, vector<16xf32>
        %parallel_loop3A_933 = arith.minimumf %parallel_loop3A_927, %parallel_loop3A_932 : vector<16xf32>
        %parallel_loop3A_934 = arith.cmpf olt, %parallel_loop3A_839, %broadcast_in_dim3A_168 : vector<16xf32>
        %parallel_loop3A_935 = arith.select %parallel_loop3A_934, %broadcast_in_dim3A_168, %parallel_loop3A_839 : vector<16xi1>, vector<16xf32>
        %parallel_loop3A_936 = arith.select %parallel_loop3A_934, %broadcast_in_dim3A_170, %parallel_loop3A_933 : vector<16xi1>, vector<16xf32>
        %parallel_loop3A_937 = arith.subi %multiple_of3A_778, %multiple_of3A : i32
        %parallel_loop3A_938 = arith.constant 16 : i32
        %parallel_loop3A_939 = arith.muli %parallel_loop3A_788, %parallel_loop3A_938 : i32
        %parallel_loop3A_940 = arith.addi %parallel_loop3A_937, %parallel_loop3A_939 : i32
        %parallel_loop3A_941 = arith.index_cast %parallel_loop3A_940 : i32 to index
        %parallel_loop3A_942 = tpu.vector_load %arg7[%parallel_loop3A_941] {strides = array<i32>} : memref<5120xf32, #tpu.memory_space<vmem>>, vector<16xf32>,
        tpu.vector_store %arg7[%parallel_loop3A_941], %parallel_loop3A_935 {strides = array<i32>} : memref<5120xf32, #tpu.memory_space<vmem>>, vector<16xf32>,
        %parallel_loop3A_943 = arith.fptosi %parallel_loop3A_936 : vector<16xf32> to vector<16xi32>
        %parallel_loop3A_944 = arith.index_cast %parallel_loop3A_940 : i32 to index
        %parallel_loop3A_945 = tpu.vector_load %arg8[%parallel_loop3A_944] {strides = array<i32>} : memref<5120xi32, #tpu.memory_space<vmem>>, vector<16xi32>,
        tpu.vector_store %arg8[%parallel_loop3A_944], %parallel_loop3A_943 {strides = array<i32>} : memref<5120xi32, #tpu.memory_space<vmem>>, vector<16xi32>,
        %parallel_loop3A_946 = arith.constant 0 : i32
        scf.yield %parallel_loop3A_946 : i32
      } {sc.loop_unroll_factor = 1 : i64, sc.parallel_access}
      scf.yield %parallel_loop3A_782#0, %parallel_loop3A_782#1, %parallel_loop3A_782#2, %parallel_loop3A_782#3, %parallel_loop3A_782#4, %parallel_loop3A_782#5, %parallel_loop3A_782#6, %parallel_loop3A_782#7, %parallel_loop3A_782#8, %parallel_loop3A_782#9, %parallel_loop3A_782#10, %parallel_loop3A_782#11, %parallel_loop3A_782#12, %parallel_loop3A_782#13, %parallel_loop3A_782#14, %parallel_loop3A_782#15 : vector<16xf32>, vector<16xf32>, vector<16xf32>, vector<16xf32>, vector<16xf32>, vector<16xf32>, vector<16xf32>, vector<16xf32>, vector<16xi32>, vector<16xi32>, vector<16xi32>, vector<16xi32>, vector<16xi32>, vector<16xi32>, vector<16xi32>, vector<16xi32>
    }
    %scan3A_215 = arith.constant 10 : i32
    %swap3A = arith.constant 0 : index
    %swap3A_216 = tpu.vector_load %arg14[%swap3A] {strides = array<i32>} : memref<128xf32, #tpu.memory_space<vmem>>, vector<16xf32>,
    tpu.vector_store %arg14[%swap3A], %scan3A_214#0 {strides = array<i32>} : memref<128xf32, #tpu.memory_space<vmem>>, vector<16xf32>,
    %swap3A_217 = arith.constant 0 : index
    %swap3A_218 = tpu.vector_load %arg15[%swap3A_217] {strides = array<i32>} : memref<128xi32, #tpu.memory_space<vmem>>, vector<16xi32>,
    tpu.vector_store %arg15[%swap3A_217], %scan3A_214#8 {strides = array<i32>} : memref<128xi32, #tpu.memory_space<vmem>>, vector<16xi32>,
    %swap3A_219 = arith.constant 16 : index
    %swap3A_220 = tpu.vector_load %arg14[%swap3A_219] {strides = array<i32>} : memref<128xf32, #tpu.memory_space<vmem>>, vector<16xf32>,
    tpu.vector_store %arg14[%swap3A_219], %scan3A_214#1 {strides = array<i32>} : memref<128xf32, #tpu.memory_space<vmem>>, vector<16xf32>,
    %swap3A_221 = arith.constant 16 : index
    %swap3A_222 = tpu.vector_load %arg15[%swap3A_221] {strides = array<i32>} : memref<128xi32, #tpu.memory_space<vmem>>, vector<16xi32>,
    tpu.vector_store %arg15[%swap3A_221], %scan3A_214#9 {strides = array<i32>} : memref<128xi32, #tpu.memory_space<vmem>>, vector<16xi32>,
    %swap3A_223 = arith.constant 32 : index
    %swap3A_224 = tpu.vector_load %arg14[%swap3A_223] {strides = array<i32>} : memref<128xf32, #tpu.memory_space<vmem>>, vector<16xf32>,
    tpu.vector_store %arg14[%swap3A_223], %scan3A_214#2 {strides = array<i32>} : memref<128xf32, #tpu.memory_space<vmem>>, vector<16xf32>,
    %swap3A_225 = arith.constant 32 : index
    %swap3A_226 = tpu.vector_load %arg15[%swap3A_225] {strides = array<i32>} : memref<128xi32, #tpu.memory_space<vmem>>, vector<16xi32>,
    tpu.vector_store %arg15[%swap3A_225], %scan3A_214#10 {strides = array<i32>} : memref<128xi32, #tpu.memory_space<vmem>>, vector<16xi32>,
    %swap3A_227 = arith.constant 48 : index
    %swap3A_228 = tpu.vector_load %arg14[%swap3A_227] {strides = array<i32>} : memref<128xf32, #tpu.memory_space<vmem>>, vector<16xf32>,
    tpu.vector_store %arg14[%swap3A_227], %scan3A_214#3 {strides = array<i32>} : memref<128xf32, #tpu.memory_space<vmem>>, vector<16xf32>,
    %swap3A_229 = arith.constant 48 : index
    %swap3A_230 = tpu.vector_load %arg15[%swap3A_229] {strides = array<i32>} : memref<128xi32, #tpu.memory_space<vmem>>, vector<16xi32>,
    tpu.vector_store %arg15[%swap3A_229], %scan3A_214#11 {strides = array<i32>} : memref<128xi32, #tpu.memory_space<vmem>>, vector<16xi32>,
    %swap3A_231 = arith.constant 64 : index
    %swap3A_232 = tpu.vector_load %arg14[%swap3A_231] {strides = array<i32>} : memref<128xf32, #tpu.memory_space<vmem>>, vector<16xf32>,
    tpu.vector_store %arg14[%swap3A_231], %scan3A_214#4 {strides = array<i32>} : memref<128xf32, #tpu.memory_space<vmem>>, vector<16xf32>,
    %swap3A_233 = arith.constant 64 : index
    %swap3A_234 = tpu.vector_load %arg15[%swap3A_233] {strides = array<i32>} : memref<128xi32, #tpu.memory_space<vmem>>, vector<16xi32>,
    tpu.vector_store %arg15[%swap3A_233], %scan3A_214#12 {strides = array<i32>} : memref<128xi32, #tpu.memory_space<vmem>>, vector<16xi32>,
    %swap3A_235 = arith.constant 80 : index
    %swap3A_236 = tpu.vector_load %arg14[%swap3A_235] {strides = array<i32>} : memref<128xf32, #tpu.memory_space<vmem>>, vector<16xf32>,
    tpu.vector_store %arg14[%swap3A_235], %scan3A_214#5 {strides = array<i32>} : memref<128xf32, #tpu.memory_space<vmem>>, vector<16xf32>,
    %swap3A_237 = arith.constant 80 : index
    %swap3A_238 = tpu.vector_load %arg15[%swap3A_237] {strides = array<i32>} : memref<128xi32, #tpu.memory_space<vmem>>, vector<16xi32>,
    tpu.vector_store %arg15[%swap3A_237], %scan3A_214#13 {strides = array<i32>} : memref<128xi32, #tpu.memory_space<vmem>>, vector<16xi32>,
    %swap3A_239 = arith.constant 96 : index
    %swap3A_240 = tpu.vector_load %arg14[%swap3A_239] {strides = array<i32>} : memref<128xf32, #tpu.memory_space<vmem>>, vector<16xf32>,
    tpu.vector_store %arg14[%swap3A_239], %scan3A_214#6 {strides = array<i32>} : memref<128xf32, #tpu.memory_space<vmem>>, vector<16xf32>,
    %swap3A_241 = arith.constant 96 : index
    %swap3A_242 = tpu.vector_load %arg15[%swap3A_241] {strides = array<i32>} : memref<128xi32, #tpu.memory_space<vmem>>, vector<16xi32>,
    tpu.vector_store %arg15[%swap3A_241], %scan3A_214#14 {strides = array<i32>} : memref<128xi32, #tpu.memory_space<vmem>>, vector<16xi32>,
    %swap3A_243 = arith.constant 112 : index
    %swap3A_244 = tpu.vector_load %arg14[%swap3A_243] {strides = array<i32>} : memref<128xf32, #tpu.memory_space<vmem>>, vector<16xf32>,
    tpu.vector_store %arg14[%swap3A_243], %scan3A_214#7 {strides = array<i32>} : memref<128xf32, #tpu.memory_space<vmem>>, vector<16xf32>,
    %swap3A_245 = arith.constant 112 : index
    %swap3A_246 = tpu.vector_load %arg15[%swap3A_245] {strides = array<i32>} : memref<128xi32, #tpu.memory_space<vmem>>, vector<16xi32>,
    tpu.vector_store %arg15[%swap3A_245], %scan3A_214#15 {strides = array<i32>} : memref<128xi32, #tpu.memory_space<vmem>>, vector<16xi32>,
    %mul3A_247 = arith.constant 128 : i32
    %mul3A_248 = arith.muli %arg1, %mul3A_247 : i32
    %multiple_of3A_249 = tpu.assume_multiple %mul3A_248, 16 : i32
    "tpu.region"() ({
      %run_scoped3A = tpu.sem_alloc : memref<!tpu.dma_semaphore, #tpu.memory_space<semaphore_mem>>
      %dma_start3A_701 = tpu.memref_slice %arg18[%multiple_of3A_249] : memref<2048xf32, #tpu.memory_space<vmem_shared>> -> memref<128xf32, #tpu.memory_space<vmem_shared>>
      %dma_start3A_702 = tpu.memref_slice %arg18[%multiple_of3A_249] : memref<2048xf32, #tpu.memory_space<vmem_shared>> -> memref<128xf32, #tpu.memory_space<vmem_shared>>
      tpu.enqueue_dma source(%arg14 : memref<128xf32, #tpu.memory_space<vmem>>) target(%dma_start3A_702 : memref<128xf32, #tpu.memory_space<vmem_shared>>) target_semaphore(%run_scoped3A : memref<!tpu.dma_semaphore, #tpu.memory_space<semaphore_mem>>)
      %dma_wait3A = tpu.memref_slice %arg18[%multiple_of3A_249] : memref<2048xf32, #tpu.memory_space<vmem_shared>> -> memref<128xf32, #tpu.memory_space<vmem_shared>>
      %dma_wait3A_703 = tpu.memref_slice %arg18[%multiple_of3A_249] : memref<2048xf32, #tpu.memory_space<vmem_shared>> -> memref<128xf32, #tpu.memory_space<vmem_shared>>
      tpu.wait_dma2 semaphore(%run_scoped3A : memref<!tpu.dma_semaphore, #tpu.memory_space<semaphore_mem>>) src(%arg14 : memref<128xf32, #tpu.memory_space<vmem>>) dst(%dma_wait3A_703 : memref<128xf32, #tpu.memory_space<vmem_shared>>)
      tpu.yield
    }) : () -> ()
    "tpu.region"() ({
      %run_scoped3A = tpu.sem_alloc : memref<!tpu.dma_semaphore, #tpu.memory_space<semaphore_mem>>
      %dma_start3A_701 = tpu.memref_slice %arg19[%multiple_of3A_249] : memref<2048xi32, #tpu.memory_space<vmem_shared>> -> memref<128xi32, #tpu.memory_space<vmem_shared>>
      %dma_start3A_702 = tpu.memref_slice %arg19[%multiple_of3A_249] : memref<2048xi32, #tpu.memory_space<vmem_shared>> -> memref<128xi32, #tpu.memory_space<vmem_shared>>
      tpu.enqueue_dma source(%arg15 : memref<128xi32, #tpu.memory_space<vmem>>) target(%dma_start3A_702 : memref<128xi32, #tpu.memory_space<vmem_shared>>) target_semaphore(%run_scoped3A : memref<!tpu.dma_semaphore, #tpu.memory_space<semaphore_mem>>)
      %dma_wait3A = tpu.memref_slice %arg19[%multiple_of3A_249] : memref<2048xi32, #tpu.memory_space<vmem_shared>> -> memref<128xi32, #tpu.memory_space<vmem_shared>>
      %dma_wait3A_703 = tpu.memref_slice %arg19[%multiple_of3A_249] : memref<2048xi32, #tpu.memory_space<vmem_shared>> -> memref<128xi32, #tpu.memory_space<vmem_shared>>
      tpu.wait_dma2 semaphore(%run_scoped3A : memref<!tpu.dma_semaphore, #tpu.memory_space<semaphore_mem>>) src(%arg15 : memref<128xi32, #tpu.memory_space<vmem>>) dst(%dma_wait3A_703 : memref<128xi32, #tpu.memory_space<vmem_shared>>)
      tpu.yield
    }) : () -> ()
    %barrier3A = arith.constant 0 : index
    tpu.barrier barrier_id(%barrier3A)
    %jit3A_250 = arith.constant 4 : i32
    %div3A_251 = arith.divsi %arg1, %jit3A_250 : i32
    %sign3A_252 = arith.constant 0 : i32
    %sign3A_253 = arith.cmpi sgt, %arg1, %sign3A_252 : i32
    %sign3A_254 = arith.extui %sign3A_253 : i1 to i32
    %sign3A_255 = arith.constant 0 : i32
    %sign3A_256 = arith.cmpi slt, %arg1, %sign3A_255 : i32
    %sign3A_257 = arith.extui %sign3A_256 : i1 to i32
    %sign3A_258 = arith.subi %sign3A_254, %sign3A_257 : i32
    %sign3A_259 = arith.constant 0 : i32
    %sign3A_260 = arith.cmpi sgt, %jit3A_250, %sign3A_259 : i32
    %sign3A_261 = arith.extui %sign3A_260 : i1 to i32
    %sign3A_262 = arith.constant 0 : i32
    %sign3A_263 = arith.cmpi slt, %jit3A_250, %sign3A_262 : i32
    %sign3A_264 = arith.extui %sign3A_263 : i1 to i32
    %sign3A_265 = arith.subi %sign3A_261, %sign3A_264 : i32
    %ne3A_266 = arith.cmpi ne, %sign3A_258, %sign3A_265 : i32
    %rem3A_267 = arith.remsi %arg1, %jit3A_250 : i32
    %ne3A_268 = arith.constant 0 : i32
    %ne3A_269 = arith.cmpi ne, %rem3A_267, %ne3A_268 : i32
    %and3A_270 = arith.andi %ne3A_266, %ne3A_269 : i1
    %sub3A_271 = arith.constant 1 : i32
    %sub3A_272 = arith.subi %div3A_251, %sub3A_271 : i32
    %select_n3A_273 = arith.select %and3A_270, %sub3A_272, %div3A_251 : i32
    %mul3A_274 = arith.constant 4 : i32
    %mul3A_275 = arith.muli %select_n3A_273, %mul3A_274 : i32
    %mul3A_276 = arith.constant 128 : i32
    %mul3A_277 = arith.muli %mul3A_275, %mul3A_276 : i32
    %multiple_of3A_278 = tpu.assume_multiple %mul3A_277, 16 : i32
    "tpu.region"() ({
      %run_scoped3A = tpu.sem_alloc : memref<!tpu.dma_semaphore, #tpu.memory_space<semaphore_mem>>
      %dma_start3A_701 = tpu.memref_slice %arg18[%multiple_of3A_278] : memref<2048xf32, #tpu.memory_space<vmem_shared>> -> memref<512xf32, #tpu.memory_space<vmem_shared>>
      %dma_start3A_702 = tpu.memref_slice %arg18[%multiple_of3A_278] : memref<2048xf32, #tpu.memory_space<vmem_shared>> -> memref<512xf32, #tpu.memory_space<vmem_shared>>
      tpu.enqueue_dma source(%dma_start3A_702 : memref<512xf32, #tpu.memory_space<vmem_shared>>) target(%arg16 : memref<512xf32, #tpu.memory_space<vmem>>) target_semaphore(%run_scoped3A : memref<!tpu.dma_semaphore, #tpu.memory_space<semaphore_mem>>)
      %dma_wait3A = tpu.memref_slice %arg18[%multiple_of3A_278] : memref<2048xf32, #tpu.memory_space<vmem_shared>> -> memref<512xf32, #tpu.memory_space<vmem_shared>>
      %dma_wait3A_703 = tpu.memref_slice %arg18[%multiple_of3A_278] : memref<2048xf32, #tpu.memory_space<vmem_shared>> -> memref<512xf32, #tpu.memory_space<vmem_shared>>
      tpu.wait_dma2 semaphore(%run_scoped3A : memref<!tpu.dma_semaphore, #tpu.memory_space<semaphore_mem>>) src(%dma_wait3A_703 : memref<512xf32, #tpu.memory_space<vmem_shared>>) dst(%arg16 : memref<512xf32, #tpu.memory_space<vmem>>)
      tpu.yield
    }) : () -> ()
    "tpu.region"() ({
      %run_scoped3A = tpu.sem_alloc : memref<!tpu.dma_semaphore, #tpu.memory_space<semaphore_mem>>
      %dma_start3A_701 = tpu.memref_slice %arg19[%multiple_of3A_278] : memref<2048xi32, #tpu.memory_space<vmem_shared>> -> memref<512xi32, #tpu.memory_space<vmem_shared>>
      %dma_start3A_702 = tpu.memref_slice %arg19[%multiple_of3A_278] : memref<2048xi32, #tpu.memory_space<vmem_shared>> -> memref<512xi32, #tpu.memory_space<vmem_shared>>
      tpu.enqueue_dma source(%dma_start3A_702 : memref<512xi32, #tpu.memory_space<vmem_shared>>) target(%arg17 : memref<512xi32, #tpu.memory_space<vmem>>) target_semaphore(%run_scoped3A : memref<!tpu.dma_semaphore, #tpu.memory_space<semaphore_mem>>)
      %dma_wait3A = tpu.memref_slice %arg19[%multiple_of3A_278] : memref<2048xi32, #tpu.memory_space<vmem_shared>> -> memref<512xi32, #tpu.memory_space<vmem_shared>>
      %dma_wait3A_703 = tpu.memref_slice %arg19[%multiple_of3A_278] : memref<2048xi32, #tpu.memory_space<vmem_shared>> -> memref<512xi32, #tpu.memory_space<vmem_shared>>
      tpu.wait_dma2 semaphore(%run_scoped3A : memref<!tpu.dma_semaphore, #tpu.memory_space<semaphore_mem>>) src(%dma_wait3A_703 : memref<512xi32, #tpu.memory_space<vmem_shared>>) dst(%arg17 : memref<512xi32, #tpu.memory_space<vmem>>)
      tpu.yield
    }) : () -> ()
    %get3A = arith.constant 0 : index
    %get3A_279 = tpu.vector_load %arg16[%get3A] {strides = array<i32>} : memref<512xf32, #tpu.memory_space<vmem>>, vector<16xf32>,
    %get3A_280 = arith.constant 0 : index
    %get3A_281 = tpu.vector_load %arg17[%get3A_280] {strides = array<i32>} : memref<512xi32, #tpu.memory_space<vmem>>, vector<16xi32>,
    %get3A_282 = arith.constant 128 : index
    %get3A_283 = tpu.vector_load %arg16[%get3A_282] {strides = array<i32>} : memref<512xf32, #tpu.memory_space<vmem>>, vector<16xf32>,
    %get3A_284 = arith.constant 128 : index
    %get3A_285 = tpu.vector_load %arg17[%get3A_284] {strides = array<i32>} : memref<512xi32, #tpu.memory_space<vmem>>, vector<16xi32>,
    %gt3A = arith.cmpf ogt, %get3A_283, %get3A_279 : vector<16xf32>
    %select_n3A_286 = arith.select %gt3A, %get3A_283, %get3A_279 : vector<16xi1>, vector<16xf32>
    %select_n3A_287 = arith.select %gt3A, %get3A_285, %get3A_281 : vector<16xi1>, vector<16xi32>
    %get3A_288 = arith.constant 256 : index
    %get3A_289 = tpu.vector_load %arg16[%get3A_288] {strides = array<i32>} : memref<512xf32, #tpu.memory_space<vmem>>, vector<16xf32>,
    %get3A_290 = arith.constant 256 : index
    %get3A_291 = tpu.vector_load %arg17[%get3A_290] {strides = array<i32>} : memref<512xi32, #tpu.memory_space<vmem>>, vector<16xi32>,
    %gt3A_292 = arith.cmpf ogt, %get3A_289, %select_n3A_286 : vector<16xf32>
    %select_n3A_293 = arith.select %gt3A_292, %get3A_289, %select_n3A_286 : vector<16xi1>, vector<16xf32>
    %select_n3A_294 = arith.select %gt3A_292, %get3A_291, %select_n3A_287 : vector<16xi1>, vector<16xi32>
    %get3A_295 = arith.constant 384 : index
    %get3A_296 = tpu.vector_load %arg16[%get3A_295] {strides = array<i32>} : memref<512xf32, #tpu.memory_space<vmem>>, vector<16xf32>,
    %get3A_297 = arith.constant 384 : index
    %get3A_298 = tpu.vector_load %arg17[%get3A_297] {strides = array<i32>} : memref<512xi32, #tpu.memory_space<vmem>>, vector<16xi32>,
    %gt3A_299 = arith.cmpf ogt, %get3A_296, %select_n3A_293 : vector<16xf32>
    %select_n3A_300 = arith.select %gt3A_299, %get3A_296, %select_n3A_293 : vector<16xi1>, vector<16xf32>
    %select_n3A_301 = arith.select %gt3A_299, %get3A_298, %select_n3A_294 : vector<16xi1>, vector<16xi32>
    %get3A_302 = arith.constant 16 : index
    %get3A_303 = tpu.vector_load %arg16[%get3A_302] {strides = array<i32>} : memref<512xf32, #tpu.memory_space<vmem>>, vector<16xf32>,
    %get3A_304 = arith.constant 16 : index
    %get3A_305 = tpu.vector_load %arg17[%get3A_304] {strides = array<i32>} : memref<512xi32, #tpu.memory_space<vmem>>, vector<16xi32>,
    %get3A_306 = arith.constant 144 : index
    %get3A_307 = tpu.vector_load %arg16[%get3A_306] {strides = array<i32>} : memref<512xf32, #tpu.memory_space<vmem>>, vector<16xf32>,
    %get3A_308 = arith.constant 144 : index
    %get3A_309 = tpu.vector_load %arg17[%get3A_308] {strides = array<i32>} : memref<512xi32, #tpu.memory_space<vmem>>, vector<16xi32>,
    %gt3A_310 = arith.cmpf ogt, %get3A_307, %get3A_303 : vector<16xf32>
    %select_n3A_311 = arith.select %gt3A_310, %get3A_307, %get3A_303 : vector<16xi1>, vector<16xf32>
    %select_n3A_312 = arith.select %gt3A_310, %get3A_309, %get3A_305 : vector<16xi1>, vector<16xi32>
    %get3A_313 = arith.constant 272 : index
    %get3A_314 = tpu.vector_load %arg16[%get3A_313] {strides = array<i32>} : memref<512xf32, #tpu.memory_space<vmem>>, vector<16xf32>,
    %get3A_315 = arith.constant 272 : index
    %get3A_316 = tpu.vector_load %arg17[%get3A_315] {strides = array<i32>} : memref<512xi32, #tpu.memory_space<vmem>>, vector<16xi32>,
    %gt3A_317 = arith.cmpf ogt, %get3A_314, %select_n3A_311 : vector<16xf32>
    %select_n3A_318 = arith.select %gt3A_317, %get3A_314, %select_n3A_311 : vector<16xi1>, vector<16xf32>
    %select_n3A_319 = arith.select %gt3A_317, %get3A_316, %select_n3A_312 : vector<16xi1>, vector<16xi32>
    %get3A_320 = arith.constant 400 : index
    %get3A_321 = tpu.vector_load %arg16[%get3A_320] {strides = array<i32>} : memref<512xf32, #tpu.memory_space<vmem>>, vector<16xf32>,
    %get3A_322 = arith.constant 400 : index
    %get3A_323 = tpu.vector_load %arg17[%get3A_322] {strides = array<i32>} : memref<512xi32, #tpu.memory_space<vmem>>, vector<16xi32>,
    %gt3A_324 = arith.cmpf ogt, %get3A_321, %select_n3A_318 : vector<16xf32>
    %select_n3A_325 = arith.select %gt3A_324, %get3A_321, %select_n3A_318 : vector<16xi1>, vector<16xf32>
    %select_n3A_326 = arith.select %gt3A_324, %get3A_323, %select_n3A_319 : vector<16xi1>, vector<16xi32>
    %get3A_327 = arith.constant 32 : index
    %get3A_328 = tpu.vector_load %arg16[%get3A_327] {strides = array<i32>} : memref<512xf32, #tpu.memory_space<vmem>>, vector<16xf32>,
    %get3A_329 = arith.constant 32 : index
    %get3A_330 = tpu.vector_load %arg17[%get3A_329] {strides = array<i32>} : memref<512xi32, #tpu.memory_space<vmem>>, vector<16xi32>,
    %get3A_331 = arith.constant 160 : index
    %get3A_332 = tpu.vector_load %arg16[%get3A_331] {strides = array<i32>} : memref<512xf32, #tpu.memory_space<vmem>>, vector<16xf32>,
    %get3A_333 = arith.constant 160 : index
    %get3A_334 = tpu.vector_load %arg17[%get3A_333] {strides = array<i32>} : memref<512xi32, #tpu.memory_space<vmem>>, vector<16xi32>,
    %gt3A_335 = arith.cmpf ogt, %get3A_332, %get3A_328 : vector<16xf32>
    %select_n3A_336 = arith.select %gt3A_335, %get3A_332, %get3A_328 : vector<16xi1>, vector<16xf32>
    %select_n3A_337 = arith.select %gt3A_335, %get3A_334, %get3A_330 : vector<16xi1>, vector<16xi32>
    %get3A_338 = arith.constant 288 : index
    %get3A_339 = tpu.vector_load %arg16[%get3A_338] {strides = array<i32>} : memref<512xf32, #tpu.memory_space<vmem>>, vector<16xf32>,
    %get3A_340 = arith.constant 288 : index
    %get3A_341 = tpu.vector_load %arg17[%get3A_340] {strides = array<i32>} : memref<512xi32, #tpu.memory_space<vmem>>, vector<16xi32>,
    %gt3A_342 = arith.cmpf ogt, %get3A_339, %select_n3A_336 : vector<16xf32>
    %select_n3A_343 = arith.select %gt3A_342, %get3A_339, %select_n3A_336 : vector<16xi1>, vector<16xf32>
    %select_n3A_344 = arith.select %gt3A_342, %get3A_341, %select_n3A_337 : vector<16xi1>, vector<16xi32>
    %get3A_345 = arith.constant 416 : index
    %get3A_346 = tpu.vector_load %arg16[%get3A_345] {strides = array<i32>} : memref<512xf32, #tpu.memory_space<vmem>>, vector<16xf32>,
    %get3A_347 = arith.constant 416 : index
    %get3A_348 = tpu.vector_load %arg17[%get3A_347] {strides = array<i32>} : memref<512xi32, #tpu.memory_space<vmem>>, vector<16xi32>,
    %gt3A_349 = arith.cmpf ogt, %get3A_346, %select_n3A_343 : vector<16xf32>
    %select_n3A_350 = arith.select %gt3A_349, %get3A_346, %select_n3A_343 : vector<16xi1>, vector<16xf32>
    %select_n3A_351 = arith.select %gt3A_349, %get3A_348, %select_n3A_344 : vector<16xi1>, vector<16xi32>
    %get3A_352 = arith.constant 48 : index
    %get3A_353 = tpu.vector_load %arg16[%get3A_352] {strides = array<i32>} : memref<512xf32, #tpu.memory_space<vmem>>, vector<16xf32>,
    %get3A_354 = arith.constant 48 : index
    %get3A_355 = tpu.vector_load %arg17[%get3A_354] {strides = array<i32>} : memref<512xi32, #tpu.memory_space<vmem>>, vector<16xi32>,
    %get3A_356 = arith.constant 176 : index
    %get3A_357 = tpu.vector_load %arg16[%get3A_356] {strides = array<i32>} : memref<512xf32, #tpu.memory_space<vmem>>, vector<16xf32>,
    %get3A_358 = arith.constant 176 : index
    %get3A_359 = tpu.vector_load %arg17[%get3A_358] {strides = array<i32>} : memref<512xi32, #tpu.memory_space<vmem>>, vector<16xi32>,
    %gt3A_360 = arith.cmpf ogt, %get3A_357, %get3A_353 : vector<16xf32>
    %select_n3A_361 = arith.select %gt3A_360, %get3A_357, %get3A_353 : vector<16xi1>, vector<16xf32>
    %select_n3A_362 = arith.select %gt3A_360, %get3A_359, %get3A_355 : vector<16xi1>, vector<16xi32>
    %get3A_363 = arith.constant 304 : index
    %get3A_364 = tpu.vector_load %arg16[%get3A_363] {strides = array<i32>} : memref<512xf32, #tpu.memory_space<vmem>>, vector<16xf32>,
    %get3A_365 = arith.constant 304 : index
    %get3A_366 = tpu.vector_load %arg17[%get3A_365] {strides = array<i32>} : memref<512xi32, #tpu.memory_space<vmem>>, vector<16xi32>,
    %gt3A_367 = arith.cmpf ogt, %get3A_364, %select_n3A_361 : vector<16xf32>
    %select_n3A_368 = arith.select %gt3A_367, %get3A_364, %select_n3A_361 : vector<16xi1>, vector<16xf32>
    %select_n3A_369 = arith.select %gt3A_367, %get3A_366, %select_n3A_362 : vector<16xi1>, vector<16xi32>
    %get3A_370 = arith.constant 432 : index
    %get3A_371 = tpu.vector_load %arg16[%get3A_370] {strides = array<i32>} : memref<512xf32, #tpu.memory_space<vmem>>, vector<16xf32>,
    %get3A_372 = arith.constant 432 : index
    %get3A_373 = tpu.vector_load %arg17[%get3A_372] {strides = array<i32>} : memref<512xi32, #tpu.memory_space<vmem>>, vector<16xi32>,
    %gt3A_374 = arith.cmpf ogt, %get3A_371, %select_n3A_368 : vector<16xf32>
    %select_n3A_375 = arith.select %gt3A_374, %get3A_371, %select_n3A_368 : vector<16xi1>, vector<16xf32>
    %select_n3A_376 = arith.select %gt3A_374, %get3A_373, %select_n3A_369 : vector<16xi1>, vector<16xi32>
    %get3A_377 = arith.constant 64 : index
    %get3A_378 = tpu.vector_load %arg16[%get3A_377] {strides = array<i32>} : memref<512xf32, #tpu.memory_space<vmem>>, vector<16xf32>,
    %get3A_379 = arith.constant 64 : index
    %get3A_380 = tpu.vector_load %arg17[%get3A_379] {strides = array<i32>} : memref<512xi32, #tpu.memory_space<vmem>>, vector<16xi32>,
    %get3A_381 = arith.constant 192 : index
    %get3A_382 = tpu.vector_load %arg16[%get3A_381] {strides = array<i32>} : memref<512xf32, #tpu.memory_space<vmem>>, vector<16xf32>,
    %get3A_383 = arith.constant 192 : index
    %get3A_384 = tpu.vector_load %arg17[%get3A_383] {strides = array<i32>} : memref<512xi32, #tpu.memory_space<vmem>>, vector<16xi32>,
    %gt3A_385 = arith.cmpf ogt, %get3A_382, %get3A_378 : vector<16xf32>
    %select_n3A_386 = arith.select %gt3A_385, %get3A_382, %get3A_378 : vector<16xi1>, vector<16xf32>
    %select_n3A_387 = arith.select %gt3A_385, %get3A_384, %get3A_380 : vector<16xi1>, vector<16xi32>
    %get3A_388 = arith.constant 320 : index
    %get3A_389 = tpu.vector_load %arg16[%get3A_388] {strides = array<i32>} : memref<512xf32, #tpu.memory_space<vmem>>, vector<16xf32>,
    %get3A_390 = arith.constant 320 : index
    %get3A_391 = tpu.vector_load %arg17[%get3A_390] {strides = array<i32>} : memref<512xi32, #tpu.memory_space<vmem>>, vector<16xi32>,
    %gt3A_392 = arith.cmpf ogt, %get3A_389, %select_n3A_386 : vector<16xf32>
    %select_n3A_393 = arith.select %gt3A_392, %get3A_389, %select_n3A_386 : vector<16xi1>, vector<16xf32>
    %select_n3A_394 = arith.select %gt3A_392, %get3A_391, %select_n3A_387 : vector<16xi1>, vector<16xi32>
    %get3A_395 = arith.constant 448 : index
    %get3A_396 = tpu.vector_load %arg16[%get3A_395] {strides = array<i32>} : memref<512xf32, #tpu.memory_space<vmem>>, vector<16xf32>,
    %get3A_397 = arith.constant 448 : index
    %get3A_398 = tpu.vector_load %arg17[%get3A_397] {strides = array<i32>} : memref<512xi32, #tpu.memory_space<vmem>>, vector<16xi32>,
    %gt3A_399 = arith.cmpf ogt, %get3A_396, %select_n3A_393 : vector<16xf32>
    %select_n3A_400 = arith.select %gt3A_399, %get3A_396, %select_n3A_393 : vector<16xi1>, vector<16xf32>
    %select_n3A_401 = arith.select %gt3A_399, %get3A_398, %select_n3A_394 : vector<16xi1>, vector<16xi32>
    %get3A_402 = arith.constant 80 : index
    %get3A_403 = tpu.vector_load %arg16[%get3A_402] {strides = array<i32>} : memref<512xf32, #tpu.memory_space<vmem>>, vector<16xf32>,
    %get3A_404 = arith.constant 80 : index
    %get3A_405 = tpu.vector_load %arg17[%get3A_404] {strides = array<i32>} : memref<512xi32, #tpu.memory_space<vmem>>, vector<16xi32>,
    %get3A_406 = arith.constant 208 : index
    %get3A_407 = tpu.vector_load %arg16[%get3A_406] {strides = array<i32>} : memref<512xf32, #tpu.memory_space<vmem>>, vector<16xf32>,
    %get3A_408 = arith.constant 208 : index
    %get3A_409 = tpu.vector_load %arg17[%get3A_408] {strides = array<i32>} : memref<512xi32, #tpu.memory_space<vmem>>, vector<16xi32>,
    %gt3A_410 = arith.cmpf ogt, %get3A_407, %get3A_403 : vector<16xf32>
    %select_n3A_411 = arith.select %gt3A_410, %get3A_407, %get3A_403 : vector<16xi1>, vector<16xf32>
    %select_n3A_412 = arith.select %gt3A_410, %get3A_409, %get3A_405 : vector<16xi1>, vector<16xi32>
    %get3A_413 = arith.constant 336 : index
    %get3A_414 = tpu.vector_load %arg16[%get3A_413] {strides = array<i32>} : memref<512xf32, #tpu.memory_space<vmem>>, vector<16xf32>,
    %get3A_415 = arith.constant 336 : index
    %get3A_416 = tpu.vector_load %arg17[%get3A_415] {strides = array<i32>} : memref<512xi32, #tpu.memory_space<vmem>>, vector<16xi32>,
    %gt3A_417 = arith.cmpf ogt, %get3A_414, %select_n3A_411 : vector<16xf32>
    %select_n3A_418 = arith.select %gt3A_417, %get3A_414, %select_n3A_411 : vector<16xi1>, vector<16xf32>
    %select_n3A_419 = arith.select %gt3A_417, %get3A_416, %select_n3A_412 : vector<16xi1>, vector<16xi32>
    %get3A_420 = arith.constant 464 : index
    %get3A_421 = tpu.vector_load %arg16[%get3A_420] {strides = array<i32>} : memref<512xf32, #tpu.memory_space<vmem>>, vector<16xf32>,
    %get3A_422 = arith.constant 464 : index
    %get3A_423 = tpu.vector_load %arg17[%get3A_422] {strides = array<i32>} : memref<512xi32, #tpu.memory_space<vmem>>, vector<16xi32>,
    %gt3A_424 = arith.cmpf ogt, %get3A_421, %select_n3A_418 : vector<16xf32>
    %select_n3A_425 = arith.select %gt3A_424, %get3A_421, %select_n3A_418 : vector<16xi1>, vector<16xf32>
    %select_n3A_426 = arith.select %gt3A_424, %get3A_423, %select_n3A_419 : vector<16xi1>, vector<16xi32>
    %get3A_427 = arith.constant 96 : index
    %get3A_428 = tpu.vector_load %arg16[%get3A_427] {strides = array<i32>} : memref<512xf32, #tpu.memory_space<vmem>>, vector<16xf32>,
    %get3A_429 = arith.constant 96 : index
    %get3A_430 = tpu.vector_load %arg17[%get3A_429] {strides = array<i32>} : memref<512xi32, #tpu.memory_space<vmem>>, vector<16xi32>,
    %get3A_431 = arith.constant 224 : index
    %get3A_432 = tpu.vector_load %arg16[%get3A_431] {strides = array<i32>} : memref<512xf32, #tpu.memory_space<vmem>>, vector<16xf32>,
    %get3A_433 = arith.constant 224 : index
    %get3A_434 = tpu.vector_load %arg17[%get3A_433] {strides = array<i32>} : memref<512xi32, #tpu.memory_space<vmem>>, vector<16xi32>,
    %gt3A_435 = arith.cmpf ogt, %get3A_432, %get3A_428 : vector<16xf32>
    %select_n3A_436 = arith.select %gt3A_435, %get3A_432, %get3A_428 : vector<16xi1>, vector<16xf32>
    %select_n3A_437 = arith.select %gt3A_435, %get3A_434, %get3A_430 : vector<16xi1>, vector<16xi32>
    %get3A_438 = arith.constant 352 : index
    %get3A_439 = tpu.vector_load %arg16[%get3A_438] {strides = array<i32>} : memref<512xf32, #tpu.memory_space<vmem>>, vector<16xf32>,
    %get3A_440 = arith.constant 352 : index
    %get3A_441 = tpu.vector_load %arg17[%get3A_440] {strides = array<i32>} : memref<512xi32, #tpu.memory_space<vmem>>, vector<16xi32>,
    %gt3A_442 = arith.cmpf ogt, %get3A_439, %select_n3A_436 : vector<16xf32>
    %select_n3A_443 = arith.select %gt3A_442, %get3A_439, %select_n3A_436 : vector<16xi1>, vector<16xf32>
    %select_n3A_444 = arith.select %gt3A_442, %get3A_441, %select_n3A_437 : vector<16xi1>, vector<16xi32>
    %get3A_445 = arith.constant 480 : index
    %get3A_446 = tpu.vector_load %arg16[%get3A_445] {strides = array<i32>} : memref<512xf32, #tpu.memory_space<vmem>>, vector<16xf32>,
    %get3A_447 = arith.constant 480 : index
    %get3A_448 = tpu.vector_load %arg17[%get3A_447] {strides = array<i32>} : memref<512xi32, #tpu.memory_space<vmem>>, vector<16xi32>,
    %gt3A_449 = arith.cmpf ogt, %get3A_446, %select_n3A_443 : vector<16xf32>
    %select_n3A_450 = arith.select %gt3A_449, %get3A_446, %select_n3A_443 : vector<16xi1>, vector<16xf32>
    %select_n3A_451 = arith.select %gt3A_449, %get3A_448, %select_n3A_444 : vector<16xi1>, vector<16xi32>
    %get3A_452 = arith.constant 112 : index
    %get3A_453 = tpu.vector_load %arg16[%get3A_452] {strides = array<i32>} : memref<512xf32, #tpu.memory_space<vmem>>, vector<16xf32>,
    %get3A_454 = arith.constant 112 : index
    %get3A_455 = tpu.vector_load %arg17[%get3A_454] {strides = array<i32>} : memref<512xi32, #tpu.memory_space<vmem>>, vector<16xi32>,
    %get3A_456 = arith.constant 240 : index
    %get3A_457 = tpu.vector_load %arg16[%get3A_456] {strides = array<i32>} : memref<512xf32, #tpu.memory_space<vmem>>, vector<16xf32>,
    %get3A_458 = arith.constant 240 : index
    %get3A_459 = tpu.vector_load %arg17[%get3A_458] {strides = array<i32>} : memref<512xi32, #tpu.memory_space<vmem>>, vector<16xi32>,
    %gt3A_460 = arith.cmpf ogt, %get3A_457, %get3A_453 : vector<16xf32>
    %select_n3A_461 = arith.select %gt3A_460, %get3A_457, %get3A_453 : vector<16xi1>, vector<16xf32>
    %select_n3A_462 = arith.select %gt3A_460, %get3A_459, %get3A_455 : vector<16xi1>, vector<16xi32>
    %get3A_463 = arith.constant 368 : index
    %get3A_464 = tpu.vector_load %arg16[%get3A_463] {strides = array<i32>} : memref<512xf32, #tpu.memory_space<vmem>>, vector<16xf32>,
    %get3A_465 = arith.constant 368 : index
    %get3A_466 = tpu.vector_load %arg17[%get3A_465] {strides = array<i32>} : memref<512xi32, #tpu.memory_space<vmem>>, vector<16xi32>,
    %gt3A_467 = arith.cmpf ogt, %get3A_464, %select_n3A_461 : vector<16xf32>
    %select_n3A_468 = arith.select %gt3A_467, %get3A_464, %select_n3A_461 : vector<16xi1>, vector<16xf32>
    %select_n3A_469 = arith.select %gt3A_467, %get3A_466, %select_n3A_462 : vector<16xi1>, vector<16xi32>
    %get3A_470 = arith.constant 496 : index
    %get3A_471 = tpu.vector_load %arg16[%get3A_470] {strides = array<i32>} : memref<512xf32, #tpu.memory_space<vmem>>, vector<16xf32>,
    %get3A_472 = arith.constant 496 : index
    %get3A_473 = tpu.vector_load %arg17[%get3A_472] {strides = array<i32>} : memref<512xi32, #tpu.memory_space<vmem>>, vector<16xi32>,
    %gt3A_474 = arith.cmpf ogt, %get3A_471, %select_n3A_468 : vector<16xf32>
    %select_n3A_475 = arith.select %gt3A_474, %get3A_471, %select_n3A_468 : vector<16xi1>, vector<16xf32>
    %select_n3A_476 = arith.select %gt3A_474, %get3A_473, %select_n3A_469 : vector<16xi1>, vector<16xi32>
    %parallel_loop3A = arith.constant 0 : i32
    %parallel_loop3A_477 = arith.constant 320 : i32
    %parallel_loop3A_478 = arith.constant 1 : i32
    %parallel_loop3A_479 = arith.constant 0 : i32
    %parallel_loop3A_480 = scf.for %parallel_loop3A_701 = %parallel_loop3A to %parallel_loop3A_477 step %parallel_loop3A_478 iter_args(%parallel_loop3A_702 = %parallel_loop3A_479) -> (i32)  : i32 {
      %parallel_loop3A_703 = arith.constant 16 : i32
      %parallel_loop3A_704 = arith.muli %parallel_loop3A_701, %parallel_loop3A_703 : i32
      %parallel_loop3A_705 = arith.index_cast %parallel_loop3A_704 : i32 to index
      %parallel_loop3A_706 = tpu.vector_load %arg11[%parallel_loop3A_705] {strides = array<i32>} : memref<5120xi32, #tpu.memory_space<vmem>>, vector<16xi32>,
      tpu.vector_store %arg11[%parallel_loop3A_705], %broadcast_in_dim3A_166 {strides = array<i32>} : memref<5120xi32, #tpu.memory_space<vmem>>, vector<16xi32>,
      %parallel_loop3A_707 = arith.constant 0 : i32
      scf.yield %parallel_loop3A_707 : i32
    } {sc.loop_unroll_factor = 2 : i64, sc.parallel_access}
    %broadcast_in_dim3A_481 = vector.broadcast %multiple_of3A : i32 to vector<16xi32>
    %broadcast_in_dim3A_482 = arith.constant 0 : i32
    %broadcast_in_dim3A_483 = vector.broadcast %broadcast_in_dim3A_482 : i32 to vector<16xi32>
    %sub3A_484 = arith.subi %broadcast_in_dim3A_483, %broadcast_in_dim3A_481 : vector<16xi32>
    %ge3A = arith.constant 0 : i32
    %ge3A_485 = vector.broadcast %ge3A : i32 to vector<16xi32>
    %ge3A_486 = arith.cmpi sge, %sub3A_484, %ge3A_485 : vector<16xi32>
    %lt3A_487 = arith.constant 5120 : i32
    %lt3A_488 = vector.broadcast %lt3A_487 : i32 to vector<16xi32>
    %lt3A_489 = arith.cmpi slt, %sub3A_484, %lt3A_488 : vector<16xi32>
    %and3A_490 = arith.andi %ge3A_486, %lt3A_489 : vector<16xi1>
    %broadcast_in_dim3A_491 = arith.constant 128 : i32
    %broadcast_in_dim3A_492 = vector.broadcast %broadcast_in_dim3A_491 : i32 to vector<16xi32>
    %and3A_493 = arith.andi %and3A_490, %eq3A_117 : vector<16xi1>
    tpu.vector_store_idx %arg11[%sub3A_484], %broadcast_in_dim3A_492 masked %and3A_493 : memref<5120xi32, #tpu.memory_space<vmem>>[vector<16xi32>], vector<16xi32>, vector<16xi1>
    %sub3A_494 = arith.subi %select_n3A_476, %broadcast_in_dim3A_481 : vector<16xi32>
    %ge3A_495 = arith.constant 0 : i32
    %ge3A_496 = vector.broadcast %ge3A_495 : i32 to vector<16xi32>
    %ge3A_497 = arith.cmpi sge, %sub3A_494, %ge3A_496 : vector<16xi32>
    %lt3A_498 = arith.constant 5120 : i32
    %lt3A_499 = vector.broadcast %lt3A_498 : i32 to vector<16xi32>
    %lt3A_500 = arith.cmpi slt, %sub3A_494, %lt3A_499 : vector<16xi32>
    %and3A_501 = arith.andi %ge3A_497, %lt3A_500 : vector<16xi1>
    %and3A_502 = arith.andi %and3A_501, %eq3A_162 : vector<16xi1>
    tpu.vector_store_idx %arg11[%sub3A_494], %add3A_114 masked %and3A_502 : memref<5120xi32, #tpu.memory_space<vmem>>[vector<16xi32>], vector<16xi32>, vector<16xi1>
    %and3A_503 = arith.andi %and3A_501, %eq3A_159 : vector<16xi1>
    tpu.vector_store_idx %arg11[%sub3A_494], %add3A_114 masked %and3A_503 : memref<5120xi32, #tpu.memory_space<vmem>>[vector<16xi32>], vector<16xi32>, vector<16xi1>
    %and3A_504 = arith.andi %and3A_501, %eq3A_156 : vector<16xi1>
    tpu.vector_store_idx %arg11[%sub3A_494], %add3A_114 masked %and3A_504 : memref<5120xi32, #tpu.memory_space<vmem>>[vector<16xi32>], vector<16xi32>, vector<16xi1>
    %and3A_505 = arith.andi %and3A_501, %eq3A_153 : vector<16xi1>
    tpu.vector_store_idx %arg11[%sub3A_494], %add3A_114 masked %and3A_505 : memref<5120xi32, #tpu.memory_space<vmem>>[vector<16xi32>], vector<16xi32>, vector<16xi1>
    %and3A_506 = arith.andi %and3A_501, %eq3A_150 : vector<16xi1>
    tpu.vector_store_idx %arg11[%sub3A_494], %add3A_114 masked %and3A_506 : memref<5120xi32, #tpu.memory_space<vmem>>[vector<16xi32>], vector<16xi32>, vector<16xi1>
    %and3A_507 = arith.andi %and3A_501, %eq3A_147 : vector<16xi1>
    tpu.vector_store_idx %arg11[%sub3A_494], %add3A_114 masked %and3A_507 : memref<5120xi32, #tpu.memory_space<vmem>>[vector<16xi32>], vector<16xi32>, vector<16xi1>
    %and3A_508 = arith.andi %and3A_501, %eq3A_144 : vector<16xi1>
    tpu.vector_store_idx %arg11[%sub3A_494], %add3A_114 masked %and3A_508 : memref<5120xi32, #tpu.memory_space<vmem>>[vector<16xi32>], vector<16xi32>, vector<16xi1>
    %and3A_509 = arith.andi %and3A_501, %eq3A_141 : vector<16xi1>
    tpu.vector_store_idx %arg11[%sub3A_494], %add3A_114 masked %and3A_509 : memref<5120xi32, #tpu.memory_space<vmem>>[vector<16xi32>], vector<16xi32>, vector<16xi1>
    %and3A_510 = arith.andi %and3A_501, %eq3A_138 : vector<16xi1>
    tpu.vector_store_idx %arg11[%sub3A_494], %add3A_114 masked %and3A_510 : memref<5120xi32, #tpu.memory_space<vmem>>[vector<16xi32>], vector<16xi32>, vector<16xi1>
    %and3A_511 = arith.andi %and3A_501, %eq3A_135 : vector<16xi1>
    tpu.vector_store_idx %arg11[%sub3A_494], %add3A_114 masked %and3A_511 : memref<5120xi32, #tpu.memory_space<vmem>>[vector<16xi32>], vector<16xi32>, vector<16xi1>
    %and3A_512 = arith.andi %and3A_501, %eq3A_132 : vector<16xi1>
    tpu.vector_store_idx %arg11[%sub3A_494], %add3A_114 masked %and3A_512 : memref<5120xi32, #tpu.memory_space<vmem>>[vector<16xi32>], vector<16xi32>, vector<16xi1>
    %and3A_513 = arith.andi %and3A_501, %eq3A_129 : vector<16xi1>
    tpu.vector_store_idx %arg11[%sub3A_494], %add3A_114 masked %and3A_513 : memref<5120xi32, #tpu.memory_space<vmem>>[vector<16xi32>], vector<16xi32>, vector<16xi1>
    %and3A_514 = arith.andi %and3A_501, %eq3A_126 : vector<16xi1>
    tpu.vector_store_idx %arg11[%sub3A_494], %add3A_114 masked %and3A_514 : memref<5120xi32, #tpu.memory_space<vmem>>[vector<16xi32>], vector<16xi32>, vector<16xi1>
    %and3A_515 = arith.andi %and3A_501, %eq3A_123 : vector<16xi1>
    tpu.vector_store_idx %arg11[%sub3A_494], %add3A_114 masked %and3A_515 : memref<5120xi32, #tpu.memory_space<vmem>>[vector<16xi32>], vector<16xi32>, vector<16xi1>
    %and3A_516 = arith.andi %and3A_501, %eq3A_120 : vector<16xi1>
    tpu.vector_store_idx %arg11[%sub3A_494], %add3A_114 masked %and3A_516 : memref<5120xi32, #tpu.memory_space<vmem>>[vector<16xi32>], vector<16xi32>, vector<16xi1>
    %and3A_517 = arith.andi %and3A_501, %eq3A_117 : vector<16xi1>
    tpu.vector_store_idx %arg11[%sub3A_494], %add3A_114 masked %and3A_517 : memref<5120xi32, #tpu.memory_space<vmem>>[vector<16xi32>], vector<16xi32>, vector<16xi1>
    %sub3A_518 = arith.subi %select_n3A_451, %broadcast_in_dim3A_481 : vector<16xi32>
    %ge3A_519 = arith.constant 0 : i32
    %ge3A_520 = vector.broadcast %ge3A_519 : i32 to vector<16xi32>
    %ge3A_521 = arith.cmpi sge, %sub3A_518, %ge3A_520 : vector<16xi32>
    %lt3A_522 = arith.constant 5120 : i32
    %lt3A_523 = vector.broadcast %lt3A_522 : i32 to vector<16xi32>
    %lt3A_524 = arith.cmpi slt, %sub3A_518, %lt3A_523 : vector<16xi32>
    %and3A_525 = arith.andi %ge3A_521, %lt3A_524 : vector<16xi1>
    %and3A_526 = arith.andi %and3A_525, %eq3A_162 : vector<16xi1>
    tpu.vector_store_idx %arg11[%sub3A_518], %add3A_111 masked %and3A_526 : memref<5120xi32, #tpu.memory_space<vmem>>[vector<16xi32>], vector<16xi32>, vector<16xi1>
    %and3A_527 = arith.andi %and3A_525, %eq3A_159 : vector<16xi1>
    tpu.vector_store_idx %arg11[%sub3A_518], %add3A_111 masked %and3A_527 : memref<5120xi32, #tpu.memory_space<vmem>>[vector<16xi32>], vector<16xi32>, vector<16xi1>
    %and3A_528 = arith.andi %and3A_525, %eq3A_156 : vector<16xi1>
    tpu.vector_store_idx %arg11[%sub3A_518], %add3A_111 masked %and3A_528 : memref<5120xi32, #tpu.memory_space<vmem>>[vector<16xi32>], vector<16xi32>, vector<16xi1>
    %and3A_529 = arith.andi %and3A_525, %eq3A_153 : vector<16xi1>
    tpu.vector_store_idx %arg11[%sub3A_518], %add3A_111 masked %and3A_529 : memref<5120xi32, #tpu.memory_space<vmem>>[vector<16xi32>], vector<16xi32>, vector<16xi1>
    %and3A_530 = arith.andi %and3A_525, %eq3A_150 : vector<16xi1>
    tpu.vector_store_idx %arg11[%sub3A_518], %add3A_111 masked %and3A_530 : memref<5120xi32, #tpu.memory_space<vmem>>[vector<16xi32>], vector<16xi32>, vector<16xi1>
    %and3A_531 = arith.andi %and3A_525, %eq3A_147 : vector<16xi1>
    tpu.vector_store_idx %arg11[%sub3A_518], %add3A_111 masked %and3A_531 : memref<5120xi32, #tpu.memory_space<vmem>>[vector<16xi32>], vector<16xi32>, vector<16xi1>
    %and3A_532 = arith.andi %and3A_525, %eq3A_144 : vector<16xi1>
    tpu.vector_store_idx %arg11[%sub3A_518], %add3A_111 masked %and3A_532 : memref<5120xi32, #tpu.memory_space<vmem>>[vector<16xi32>], vector<16xi32>, vector<16xi1>
    %and3A_533 = arith.andi %and3A_525, %eq3A_141 : vector<16xi1>
    tpu.vector_store_idx %arg11[%sub3A_518], %add3A_111 masked %and3A_533 : memref<5120xi32, #tpu.memory_space<vmem>>[vector<16xi32>], vector<16xi32>, vector<16xi1>
    %and3A_534 = arith.andi %and3A_525, %eq3A_138 : vector<16xi1>
    tpu.vector_store_idx %arg11[%sub3A_518], %add3A_111 masked %and3A_534 : memref<5120xi32, #tpu.memory_space<vmem>>[vector<16xi32>], vector<16xi32>, vector<16xi1>
    %and3A_535 = arith.andi %and3A_525, %eq3A_135 : vector<16xi1>
    tpu.vector_store_idx %arg11[%sub3A_518], %add3A_111 masked %and3A_535 : memref<5120xi32, #tpu.memory_space<vmem>>[vector<16xi32>], vector<16xi32>, vector<16xi1>
    %and3A_536 = arith.andi %and3A_525, %eq3A_132 : vector<16xi1>
    tpu.vector_store_idx %arg11[%sub3A_518], %add3A_111 masked %and3A_536 : memref<5120xi32, #tpu.memory_space<vmem>>[vector<16xi32>], vector<16xi32>, vector<16xi1>
    %and3A_537 = arith.andi %and3A_525, %eq3A_129 : vector<16xi1>
    tpu.vector_store_idx %arg11[%sub3A_518], %add3A_111 masked %and3A_537 : memref<5120xi32, #tpu.memory_space<vmem>>[vector<16xi32>], vector<16xi32>, vector<16xi1>
    %and3A_538 = arith.andi %and3A_525, %eq3A_126 : vector<16xi1>
    tpu.vector_store_idx %arg11[%sub3A_518], %add3A_111 masked %and3A_538 : memref<5120xi32, #tpu.memory_space<vmem>>[vector<16xi32>], vector<16xi32>, vector<16xi1>
    %and3A_539 = arith.andi %and3A_525, %eq3A_123 : vector<16xi1>
    tpu.vector_store_idx %arg11[%sub3A_518], %add3A_111 masked %and3A_539 : memref<5120xi32, #tpu.memory_space<vmem>>[vector<16xi32>], vector<16xi32>, vector<16xi1>
    %and3A_540 = arith.andi %and3A_525, %eq3A_120 : vector<16xi1>
    tpu.vector_store_idx %arg11[%sub3A_518], %add3A_111 masked %and3A_540 : memref<5120xi32, #tpu.memory_space<vmem>>[vector<16xi32>], vector<16xi32>, vector<16xi1>
    %and3A_541 = arith.andi %and3A_525, %eq3A_117 : vector<16xi1>
    tpu.vector_store_idx %arg11[%sub3A_518], %add3A_111 masked %and3A_541 : memref<5120xi32, #tpu.memory_space<vmem>>[vector<16xi32>], vector<16xi32>, vector<16xi1>
    %sub3A_542 = arith.subi %select_n3A_426, %broadcast_in_dim3A_481 : vector<16xi32>
    %ge3A_543 = arith.constant 0 : i32
    %ge3A_544 = vector.broadcast %ge3A_543 : i32 to vector<16xi32>
    %ge3A_545 = arith.cmpi sge, %sub3A_542, %ge3A_544 : vector<16xi32>
    %lt3A_546 = arith.constant 5120 : i32
    %lt3A_547 = vector.broadcast %lt3A_546 : i32 to vector<16xi32>
    %lt3A_548 = arith.cmpi slt, %sub3A_542, %lt3A_547 : vector<16xi32>
    %and3A_549 = arith.andi %ge3A_545, %lt3A_548 : vector<16xi1>
    %and3A_550 = arith.andi %and3A_549, %eq3A_162 : vector<16xi1>
    tpu.vector_store_idx %arg11[%sub3A_542], %add3A_108 masked %and3A_550 : memref<5120xi32, #tpu.memory_space<vmem>>[vector<16xi32>], vector<16xi32>, vector<16xi1>
    %and3A_551 = arith.andi %and3A_549, %eq3A_159 : vector<16xi1>
    tpu.vector_store_idx %arg11[%sub3A_542], %add3A_108 masked %and3A_551 : memref<5120xi32, #tpu.memory_space<vmem>>[vector<16xi32>], vector<16xi32>, vector<16xi1>
    %and3A_552 = arith.andi %and3A_549, %eq3A_156 : vector<16xi1>
    tpu.vector_store_idx %arg11[%sub3A_542], %add3A_108 masked %and3A_552 : memref<5120xi32, #tpu.memory_space<vmem>>[vector<16xi32>], vector<16xi32>, vector<16xi1>
    %and3A_553 = arith.andi %and3A_549, %eq3A_153 : vector<16xi1>
    tpu.vector_store_idx %arg11[%sub3A_542], %add3A_108 masked %and3A_553 : memref<5120xi32, #tpu.memory_space<vmem>>[vector<16xi32>], vector<16xi32>, vector<16xi1>
    %and3A_554 = arith.andi %and3A_549, %eq3A_150 : vector<16xi1>
    tpu.vector_store_idx %arg11[%sub3A_542], %add3A_108 masked %and3A_554 : memref<5120xi32, #tpu.memory_space<vmem>>[vector<16xi32>], vector<16xi32>, vector<16xi1>
    %and3A_555 = arith.andi %and3A_549, %eq3A_147 : vector<16xi1>
    tpu.vector_store_idx %arg11[%sub3A_542], %add3A_108 masked %and3A_555 : memref<5120xi32, #tpu.memory_space<vmem>>[vector<16xi32>], vector<16xi32>, vector<16xi1>
    %and3A_556 = arith.andi %and3A_549, %eq3A_144 : vector<16xi1>
    tpu.vector_store_idx %arg11[%sub3A_542], %add3A_108 masked %and3A_556 : memref<5120xi32, #tpu.memory_space<vmem>>[vector<16xi32>], vector<16xi32>, vector<16xi1>
    %and3A_557 = arith.andi %and3A_549, %eq3A_141 : vector<16xi1>
    tpu.vector_store_idx %arg11[%sub3A_542], %add3A_108 masked %and3A_557 : memref<5120xi32, #tpu.memory_space<vmem>>[vector<16xi32>], vector<16xi32>, vector<16xi1>
    %and3A_558 = arith.andi %and3A_549, %eq3A_138 : vector<16xi1>
    tpu.vector_store_idx %arg11[%sub3A_542], %add3A_108 masked %and3A_558 : memref<5120xi32, #tpu.memory_space<vmem>>[vector<16xi32>], vector<16xi32>, vector<16xi1>
    %and3A_559 = arith.andi %and3A_549, %eq3A_135 : vector<16xi1>
    tpu.vector_store_idx %arg11[%sub3A_542], %add3A_108 masked %and3A_559 : memref<5120xi32, #tpu.memory_space<vmem>>[vector<16xi32>], vector<16xi32>, vector<16xi1>
    %and3A_560 = arith.andi %and3A_549, %eq3A_132 : vector<16xi1>
    tpu.vector_store_idx %arg11[%sub3A_542], %add3A_108 masked %and3A_560 : memref<5120xi32, #tpu.memory_space<vmem>>[vector<16xi32>], vector<16xi32>, vector<16xi1>
    %and3A_561 = arith.andi %and3A_549, %eq3A_129 : vector<16xi1>
    tpu.vector_store_idx %arg11[%sub3A_542], %add3A_108 masked %and3A_561 : memref<5120xi32, #tpu.memory_space<vmem>>[vector<16xi32>], vector<16xi32>, vector<16xi1>
    %and3A_562 = arith.andi %and3A_549, %eq3A_126 : vector<16xi1>
    tpu.vector_store_idx %arg11[%sub3A_542], %add3A_108 masked %and3A_562 : memref<5120xi32, #tpu.memory_space<vmem>>[vector<16xi32>], vector<16xi32>, vector<16xi1>
    %and3A_563 = arith.andi %and3A_549, %eq3A_123 : vector<16xi1>
    tpu.vector_store_idx %arg11[%sub3A_542], %add3A_108 masked %and3A_563 : memref<5120xi32, #tpu.memory_space<vmem>>[vector<16xi32>], vector<16xi32>, vector<16xi1>
    %and3A_564 = arith.andi %and3A_549, %eq3A_120 : vector<16xi1>
    tpu.vector_store_idx %arg11[%sub3A_542], %add3A_108 masked %and3A_564 : memref<5120xi32, #tpu.memory_space<vmem>>[vector<16xi32>], vector<16xi32>, vector<16xi1>
    %and3A_565 = arith.andi %and3A_549, %eq3A_117 : vector<16xi1>
    tpu.vector_store_idx %arg11[%sub3A_542], %add3A_108 masked %and3A_565 : memref<5120xi32, #tpu.memory_space<vmem>>[vector<16xi32>], vector<16xi32>, vector<16xi1>
    %sub3A_566 = arith.subi %select_n3A_401, %broadcast_in_dim3A_481 : vector<16xi32>
    %ge3A_567 = arith.constant 0 : i32
    %ge3A_568 = vector.broadcast %ge3A_567 : i32 to vector<16xi32>
    %ge3A_569 = arith.cmpi sge, %sub3A_566, %ge3A_568 : vector<16xi32>
    %lt3A_570 = arith.constant 5120 : i32
    %lt3A_571 = vector.broadcast %lt3A_570 : i32 to vector<16xi32>
    %lt3A_572 = arith.cmpi slt, %sub3A_566, %lt3A_571 : vector<16xi32>
    %and3A_573 = arith.andi %ge3A_569, %lt3A_572 : vector<16xi1>
    %and3A_574 = arith.andi %and3A_573, %eq3A_162 : vector<16xi1>
    tpu.vector_store_idx %arg11[%sub3A_566], %add3A_105 masked %and3A_574 : memref<5120xi32, #tpu.memory_space<vmem>>[vector<16xi32>], vector<16xi32>, vector<16xi1>
    %and3A_575 = arith.andi %and3A_573, %eq3A_159 : vector<16xi1>
    tpu.vector_store_idx %arg11[%sub3A_566], %add3A_105 masked %and3A_575 : memref<5120xi32, #tpu.memory_space<vmem>>[vector<16xi32>], vector<16xi32>, vector<16xi1>
    %and3A_576 = arith.andi %and3A_573, %eq3A_156 : vector<16xi1>
    tpu.vector_store_idx %arg11[%sub3A_566], %add3A_105 masked %and3A_576 : memref<5120xi32, #tpu.memory_space<vmem>>[vector<16xi32>], vector<16xi32>, vector<16xi1>
    %and3A_577 = arith.andi %and3A_573, %eq3A_153 : vector<16xi1>
    tpu.vector_store_idx %arg11[%sub3A_566], %add3A_105 masked %and3A_577 : memref<5120xi32, #tpu.memory_space<vmem>>[vector<16xi32>], vector<16xi32>, vector<16xi1>
    %and3A_578 = arith.andi %and3A_573, %eq3A_150 : vector<16xi1>
    tpu.vector_store_idx %arg11[%sub3A_566], %add3A_105 masked %and3A_578 : memref<5120xi32, #tpu.memory_space<vmem>>[vector<16xi32>], vector<16xi32>, vector<16xi1>
    %and3A_579 = arith.andi %and3A_573, %eq3A_147 : vector<16xi1>
    tpu.vector_store_idx %arg11[%sub3A_566], %add3A_105 masked %and3A_579 : memref<5120xi32, #tpu.memory_space<vmem>>[vector<16xi32>], vector<16xi32>, vector<16xi1>
    %and3A_580 = arith.andi %and3A_573, %eq3A_144 : vector<16xi1>
    tpu.vector_store_idx %arg11[%sub3A_566], %add3A_105 masked %and3A_580 : memref<5120xi32, #tpu.memory_space<vmem>>[vector<16xi32>], vector<16xi32>, vector<16xi1>
    %and3A_581 = arith.andi %and3A_573, %eq3A_141 : vector<16xi1>
    tpu.vector_store_idx %arg11[%sub3A_566], %add3A_105 masked %and3A_581 : memref<5120xi32, #tpu.memory_space<vmem>>[vector<16xi32>], vector<16xi32>, vector<16xi1>
    %and3A_582 = arith.andi %and3A_573, %eq3A_138 : vector<16xi1>
    tpu.vector_store_idx %arg11[%sub3A_566], %add3A_105 masked %and3A_582 : memref<5120xi32, #tpu.memory_space<vmem>>[vector<16xi32>], vector<16xi32>, vector<16xi1>
    %and3A_583 = arith.andi %and3A_573, %eq3A_135 : vector<16xi1>
    tpu.vector_store_idx %arg11[%sub3A_566], %add3A_105 masked %and3A_583 : memref<5120xi32, #tpu.memory_space<vmem>>[vector<16xi32>], vector<16xi32>, vector<16xi1>
    %and3A_584 = arith.andi %and3A_573, %eq3A_132 : vector<16xi1>
    tpu.vector_store_idx %arg11[%sub3A_566], %add3A_105 masked %and3A_584 : memref<5120xi32, #tpu.memory_space<vmem>>[vector<16xi32>], vector<16xi32>, vector<16xi1>
    %and3A_585 = arith.andi %and3A_573, %eq3A_129 : vector<16xi1>
    tpu.vector_store_idx %arg11[%sub3A_566], %add3A_105 masked %and3A_585 : memref<5120xi32, #tpu.memory_space<vmem>>[vector<16xi32>], vector<16xi32>, vector<16xi1>
    %and3A_586 = arith.andi %and3A_573, %eq3A_126 : vector<16xi1>
    tpu.vector_store_idx %arg11[%sub3A_566], %add3A_105 masked %and3A_586 : memref<5120xi32, #tpu.memory_space<vmem>>[vector<16xi32>], vector<16xi32>, vector<16xi1>
    %and3A_587 = arith.andi %and3A_573, %eq3A_123 : vector<16xi1>
    tpu.vector_store_idx %arg11[%sub3A_566], %add3A_105 masked %and3A_587 : memref<5120xi32, #tpu.memory_space<vmem>>[vector<16xi32>], vector<16xi32>, vector<16xi1>
    %and3A_588 = arith.andi %and3A_573, %eq3A_120 : vector<16xi1>
    tpu.vector_store_idx %arg11[%sub3A_566], %add3A_105 masked %and3A_588 : memref<5120xi32, #tpu.memory_space<vmem>>[vector<16xi32>], vector<16xi32>, vector<16xi1>
    %and3A_589 = arith.andi %and3A_573, %eq3A_117 : vector<16xi1>
    tpu.vector_store_idx %arg11[%sub3A_566], %add3A_105 masked %and3A_589 : memref<5120xi32, #tpu.memory_space<vmem>>[vector<16xi32>], vector<16xi32>, vector<16xi1>
    %sub3A_590 = arith.subi %select_n3A_376, %broadcast_in_dim3A_481 : vector<16xi32>
    %ge3A_591 = arith.constant 0 : i32
    %ge3A_592 = vector.broadcast %ge3A_591 : i32 to vector<16xi32>
    %ge3A_593 = arith.cmpi sge, %sub3A_590, %ge3A_592 : vector<16xi32>
    %lt3A_594 = arith.constant 5120 : i32
    %lt3A_595 = vector.broadcast %lt3A_594 : i32 to vector<16xi32>
    %lt3A_596 = arith.cmpi slt, %sub3A_590, %lt3A_595 : vector<16xi32>
    %and3A_597 = arith.andi %ge3A_593, %lt3A_596 : vector<16xi1>
    %and3A_598 = arith.andi %and3A_597, %eq3A_162 : vector<16xi1>
    tpu.vector_store_idx %arg11[%sub3A_590], %add3A_102 masked %and3A_598 : memref<5120xi32, #tpu.memory_space<vmem>>[vector<16xi32>], vector<16xi32>, vector<16xi1>
    %and3A_599 = arith.andi %and3A_597, %eq3A_159 : vector<16xi1>
    tpu.vector_store_idx %arg11[%sub3A_590], %add3A_102 masked %and3A_599 : memref<5120xi32, #tpu.memory_space<vmem>>[vector<16xi32>], vector<16xi32>, vector<16xi1>
    %and3A_600 = arith.andi %and3A_597, %eq3A_156 : vector<16xi1>
    tpu.vector_store_idx %arg11[%sub3A_590], %add3A_102 masked %and3A_600 : memref<5120xi32, #tpu.memory_space<vmem>>[vector<16xi32>], vector<16xi32>, vector<16xi1>
    %and3A_601 = arith.andi %and3A_597, %eq3A_153 : vector<16xi1>
    tpu.vector_store_idx %arg11[%sub3A_590], %add3A_102 masked %and3A_601 : memref<5120xi32, #tpu.memory_space<vmem>>[vector<16xi32>], vector<16xi32>, vector<16xi1>
    %and3A_602 = arith.andi %and3A_597, %eq3A_150 : vector<16xi1>
    tpu.vector_store_idx %arg11[%sub3A_590], %add3A_102 masked %and3A_602 : memref<5120xi32, #tpu.memory_space<vmem>>[vector<16xi32>], vector<16xi32>, vector<16xi1>
    %and3A_603 = arith.andi %and3A_597, %eq3A_147 : vector<16xi1>
    tpu.vector_store_idx %arg11[%sub3A_590], %add3A_102 masked %and3A_603 : memref<5120xi32, #tpu.memory_space<vmem>>[vector<16xi32>], vector<16xi32>, vector<16xi1>
    %and3A_604 = arith.andi %and3A_597, %eq3A_144 : vector<16xi1>
    tpu.vector_store_idx %arg11[%sub3A_590], %add3A_102 masked %and3A_604 : memref<5120xi32, #tpu.memory_space<vmem>>[vector<16xi32>], vector<16xi32>, vector<16xi1>
    %and3A_605 = arith.andi %and3A_597, %eq3A_141 : vector<16xi1>
    tpu.vector_store_idx %arg11[%sub3A_590], %add3A_102 masked %and3A_605 : memref<5120xi32, #tpu.memory_space<vmem>>[vector<16xi32>], vector<16xi32>, vector<16xi1>
    %and3A_606 = arith.andi %and3A_597, %eq3A_138 : vector<16xi1>
    tpu.vector_store_idx %arg11[%sub3A_590], %add3A_102 masked %and3A_606 : memref<5120xi32, #tpu.memory_space<vmem>>[vector<16xi32>], vector<16xi32>, vector<16xi1>
    %and3A_607 = arith.andi %and3A_597, %eq3A_135 : vector<16xi1>
    tpu.vector_store_idx %arg11[%sub3A_590], %add3A_102 masked %and3A_607 : memref<5120xi32, #tpu.memory_space<vmem>>[vector<16xi32>], vector<16xi32>, vector<16xi1>
    %and3A_608 = arith.andi %and3A_597, %eq3A_132 : vector<16xi1>
    tpu.vector_store_idx %arg11[%sub3A_590], %add3A_102 masked %and3A_608 : memref<5120xi32, #tpu.memory_space<vmem>>[vector<16xi32>], vector<16xi32>, vector<16xi1>
    %and3A_609 = arith.andi %and3A_597, %eq3A_129 : vector<16xi1>
    tpu.vector_store_idx %arg11[%sub3A_590], %add3A_102 masked %and3A_609 : memref<5120xi32, #tpu.memory_space<vmem>>[vector<16xi32>], vector<16xi32>, vector<16xi1>
    %and3A_610 = arith.andi %and3A_597, %eq3A_126 : vector<16xi1>
    tpu.vector_store_idx %arg11[%sub3A_590], %add3A_102 masked %and3A_610 : memref<5120xi32, #tpu.memory_space<vmem>>[vector<16xi32>], vector<16xi32>, vector<16xi1>
    %and3A_611 = arith.andi %and3A_597, %eq3A_123 : vector<16xi1>
    tpu.vector_store_idx %arg11[%sub3A_590], %add3A_102 masked %and3A_611 : memref<5120xi32, #tpu.memory_space<vmem>>[vector<16xi32>], vector<16xi32>, vector<16xi1>
    %and3A_612 = arith.andi %and3A_597, %eq3A_120 : vector<16xi1>
    tpu.vector_store_idx %arg11[%sub3A_590], %add3A_102 masked %and3A_612 : memref<5120xi32, #tpu.memory_space<vmem>>[vector<16xi32>], vector<16xi32>, vector<16xi1>
    %and3A_613 = arith.andi %and3A_597, %eq3A_117 : vector<16xi1>
    tpu.vector_store_idx %arg11[%sub3A_590], %add3A_102 masked %and3A_613 : memref<5120xi32, #tpu.memory_space<vmem>>[vector<16xi32>], vector<16xi32>, vector<16xi1>
    %sub3A_614 = arith.subi %select_n3A_351, %broadcast_in_dim3A_481 : vector<16xi32>
    %ge3A_615 = arith.constant 0 : i32
    %ge3A_616 = vector.broadcast %ge3A_615 : i32 to vector<16xi32>
    %ge3A_617 = arith.cmpi sge, %sub3A_614, %ge3A_616 : vector<16xi32>
    %lt3A_618 = arith.constant 5120 : i32
    %lt3A_619 = vector.broadcast %lt3A_618 : i32 to vector<16xi32>
    %lt3A_620 = arith.cmpi slt, %sub3A_614, %lt3A_619 : vector<16xi32>
    %and3A_621 = arith.andi %ge3A_617, %lt3A_620 : vector<16xi1>
    %and3A_622 = arith.andi %and3A_621, %eq3A_162 : vector<16xi1>
    tpu.vector_store_idx %arg11[%sub3A_614], %add3A_99 masked %and3A_622 : memref<5120xi32, #tpu.memory_space<vmem>>[vector<16xi32>], vector<16xi32>, vector<16xi1>
    %and3A_623 = arith.andi %and3A_621, %eq3A_159 : vector<16xi1>
    tpu.vector_store_idx %arg11[%sub3A_614], %add3A_99 masked %and3A_623 : memref<5120xi32, #tpu.memory_space<vmem>>[vector<16xi32>], vector<16xi32>, vector<16xi1>
    %and3A_624 = arith.andi %and3A_621, %eq3A_156 : vector<16xi1>
    tpu.vector_store_idx %arg11[%sub3A_614], %add3A_99 masked %and3A_624 : memref<5120xi32, #tpu.memory_space<vmem>>[vector<16xi32>], vector<16xi32>, vector<16xi1>
    %and3A_625 = arith.andi %and3A_621, %eq3A_153 : vector<16xi1>
    tpu.vector_store_idx %arg11[%sub3A_614], %add3A_99 masked %and3A_625 : memref<5120xi32, #tpu.memory_space<vmem>>[vector<16xi32>], vector<16xi32>, vector<16xi1>
    %and3A_626 = arith.andi %and3A_621, %eq3A_150 : vector<16xi1>
    tpu.vector_store_idx %arg11[%sub3A_614], %add3A_99 masked %and3A_626 : memref<5120xi32, #tpu.memory_space<vmem>>[vector<16xi32>], vector<16xi32>, vector<16xi1>
    %and3A_627 = arith.andi %and3A_621, %eq3A_147 : vector<16xi1>
    tpu.vector_store_idx %arg11[%sub3A_614], %add3A_99 masked %and3A_627 : memref<5120xi32, #tpu.memory_space<vmem>>[vector<16xi32>], vector<16xi32>, vector<16xi1>
    %and3A_628 = arith.andi %and3A_621, %eq3A_144 : vector<16xi1>
    tpu.vector_store_idx %arg11[%sub3A_614], %add3A_99 masked %and3A_628 : memref<5120xi32, #tpu.memory_space<vmem>>[vector<16xi32>], vector<16xi32>, vector<16xi1>
    %and3A_629 = arith.andi %and3A_621, %eq3A_141 : vector<16xi1>
    tpu.vector_store_idx %arg11[%sub3A_614], %add3A_99 masked %and3A_629 : memref<5120xi32, #tpu.memory_space<vmem>>[vector<16xi32>], vector<16xi32>, vector<16xi1>
    %and3A_630 = arith.andi %and3A_621, %eq3A_138 : vector<16xi1>
    tpu.vector_store_idx %arg11[%sub3A_614], %add3A_99 masked %and3A_630 : memref<5120xi32, #tpu.memory_space<vmem>>[vector<16xi32>], vector<16xi32>, vector<16xi1>
    %and3A_631 = arith.andi %and3A_621, %eq3A_135 : vector<16xi1>
    tpu.vector_store_idx %arg11[%sub3A_614], %add3A_99 masked %and3A_631 : memref<5120xi32, #tpu.memory_space<vmem>>[vector<16xi32>], vector<16xi32>, vector<16xi1>
    %and3A_632 = arith.andi %and3A_621, %eq3A_132 : vector<16xi1>
    tpu.vector_store_idx %arg11[%sub3A_614], %add3A_99 masked %and3A_632 : memref<5120xi32, #tpu.memory_space<vmem>>[vector<16xi32>], vector<16xi32>, vector<16xi1>
    %and3A_633 = arith.andi %and3A_621, %eq3A_129 : vector<16xi1>
    tpu.vector_store_idx %arg11[%sub3A_614], %add3A_99 masked %and3A_633 : memref<5120xi32, #tpu.memory_space<vmem>>[vector<16xi32>], vector<16xi32>, vector<16xi1>
    %and3A_634 = arith.andi %and3A_621, %eq3A_126 : vector<16xi1>
    tpu.vector_store_idx %arg11[%sub3A_614], %add3A_99 masked %and3A_634 : memref<5120xi32, #tpu.memory_space<vmem>>[vector<16xi32>], vector<16xi32>, vector<16xi1>
    %and3A_635 = arith.andi %and3A_621, %eq3A_123 : vector<16xi1>
    tpu.vector_store_idx %arg11[%sub3A_614], %add3A_99 masked %and3A_635 : memref<5120xi32, #tpu.memory_space<vmem>>[vector<16xi32>], vector<16xi32>, vector<16xi1>
    %and3A_636 = arith.andi %and3A_621, %eq3A_120 : vector<16xi1>
    tpu.vector_store_idx %arg11[%sub3A_614], %add3A_99 masked %and3A_636 : memref<5120xi32, #tpu.memory_space<vmem>>[vector<16xi32>], vector<16xi32>, vector<16xi1>
    %and3A_637 = arith.andi %and3A_621, %eq3A_117 : vector<16xi1>
    tpu.vector_store_idx %arg11[%sub3A_614], %add3A_99 masked %and3A_637 : memref<5120xi32, #tpu.memory_space<vmem>>[vector<16xi32>], vector<16xi32>, vector<16xi1>
    %sub3A_638 = arith.subi %select_n3A_326, %broadcast_in_dim3A_481 : vector<16xi32>
    %ge3A_639 = arith.constant 0 : i32
    %ge3A_640 = vector.broadcast %ge3A_639 : i32 to vector<16xi32>
    %ge3A_641 = arith.cmpi sge, %sub3A_638, %ge3A_640 : vector<16xi32>
    %lt3A_642 = arith.constant 5120 : i32
    %lt3A_643 = vector.broadcast %lt3A_642 : i32 to vector<16xi32>
    %lt3A_644 = arith.cmpi slt, %sub3A_638, %lt3A_643 : vector<16xi32>
    %and3A_645 = arith.andi %ge3A_641, %lt3A_644 : vector<16xi1>
    %and3A_646 = arith.andi %and3A_645, %eq3A_162 : vector<16xi1>
    tpu.vector_store_idx %arg11[%sub3A_638], %add3A_96 masked %and3A_646 : memref<5120xi32, #tpu.memory_space<vmem>>[vector<16xi32>], vector<16xi32>, vector<16xi1>
    %and3A_647 = arith.andi %and3A_645, %eq3A_159 : vector<16xi1>
    tpu.vector_store_idx %arg11[%sub3A_638], %add3A_96 masked %and3A_647 : memref<5120xi32, #tpu.memory_space<vmem>>[vector<16xi32>], vector<16xi32>, vector<16xi1>
    %and3A_648 = arith.andi %and3A_645, %eq3A_156 : vector<16xi1>
    tpu.vector_store_idx %arg11[%sub3A_638], %add3A_96 masked %and3A_648 : memref<5120xi32, #tpu.memory_space<vmem>>[vector<16xi32>], vector<16xi32>, vector<16xi1>
    %and3A_649 = arith.andi %and3A_645, %eq3A_153 : vector<16xi1>
    tpu.vector_store_idx %arg11[%sub3A_638], %add3A_96 masked %and3A_649 : memref<5120xi32, #tpu.memory_space<vmem>>[vector<16xi32>], vector<16xi32>, vector<16xi1>
    %and3A_650 = arith.andi %and3A_645, %eq3A_150 : vector<16xi1>
    tpu.vector_store_idx %arg11[%sub3A_638], %add3A_96 masked %and3A_650 : memref<5120xi32, #tpu.memory_space<vmem>>[vector<16xi32>], vector<16xi32>, vector<16xi1>
    %and3A_651 = arith.andi %and3A_645, %eq3A_147 : vector<16xi1>
    tpu.vector_store_idx %arg11[%sub3A_638], %add3A_96 masked %and3A_651 : memref<5120xi32, #tpu.memory_space<vmem>>[vector<16xi32>], vector<16xi32>, vector<16xi1>
    %and3A_652 = arith.andi %and3A_645, %eq3A_144 : vector<16xi1>
    tpu.vector_store_idx %arg11[%sub3A_638], %add3A_96 masked %and3A_652 : memref<5120xi32, #tpu.memory_space<vmem>>[vector<16xi32>], vector<16xi32>, vector<16xi1>
    %and3A_653 = arith.andi %and3A_645, %eq3A_141 : vector<16xi1>
    tpu.vector_store_idx %arg11[%sub3A_638], %add3A_96 masked %and3A_653 : memref<5120xi32, #tpu.memory_space<vmem>>[vector<16xi32>], vector<16xi32>, vector<16xi1>
    %and3A_654 = arith.andi %and3A_645, %eq3A_138 : vector<16xi1>
    tpu.vector_store_idx %arg11[%sub3A_638], %add3A_96 masked %and3A_654 : memref<5120xi32, #tpu.memory_space<vmem>>[vector<16xi32>], vector<16xi32>, vector<16xi1>
    %and3A_655 = arith.andi %and3A_645, %eq3A_135 : vector<16xi1>
    tpu.vector_store_idx %arg11[%sub3A_638], %add3A_96 masked %and3A_655 : memref<5120xi32, #tpu.memory_space<vmem>>[vector<16xi32>], vector<16xi32>, vector<16xi1>
    %and3A_656 = arith.andi %and3A_645, %eq3A_132 : vector<16xi1>
    tpu.vector_store_idx %arg11[%sub3A_638], %add3A_96 masked %and3A_656 : memref<5120xi32, #tpu.memory_space<vmem>>[vector<16xi32>], vector<16xi32>, vector<16xi1>
    %and3A_657 = arith.andi %and3A_645, %eq3A_129 : vector<16xi1>
    tpu.vector_store_idx %arg11[%sub3A_638], %add3A_96 masked %and3A_657 : memref<5120xi32, #tpu.memory_space<vmem>>[vector<16xi32>], vector<16xi32>, vector<16xi1>
    %and3A_658 = arith.andi %and3A_645, %eq3A_126 : vector<16xi1>
    tpu.vector_store_idx %arg11[%sub3A_638], %add3A_96 masked %and3A_658 : memref<5120xi32, #tpu.memory_space<vmem>>[vector<16xi32>], vector<16xi32>, vector<16xi1>
    %and3A_659 = arith.andi %and3A_645, %eq3A_123 : vector<16xi1>
    tpu.vector_store_idx %arg11[%sub3A_638], %add3A_96 masked %and3A_659 : memref<5120xi32, #tpu.memory_space<vmem>>[vector<16xi32>], vector<16xi32>, vector<16xi1>
    %and3A_660 = arith.andi %and3A_645, %eq3A_120 : vector<16xi1>
    tpu.vector_store_idx %arg11[%sub3A_638], %add3A_96 masked %and3A_660 : memref<5120xi32, #tpu.memory_space<vmem>>[vector<16xi32>], vector<16xi32>, vector<16xi1>
    %and3A_661 = arith.andi %and3A_645, %eq3A_117 : vector<16xi1>
    tpu.vector_store_idx %arg11[%sub3A_638], %add3A_96 masked %and3A_661 : memref<5120xi32, #tpu.memory_space<vmem>>[vector<16xi32>], vector<16xi32>, vector<16xi1>
    %sub3A_662 = arith.subi %select_n3A_301, %broadcast_in_dim3A_481 : vector<16xi32>
    %ge3A_663 = arith.constant 0 : i32
    %ge3A_664 = vector.broadcast %ge3A_663 : i32 to vector<16xi32>
    %ge3A_665 = arith.cmpi sge, %sub3A_662, %ge3A_664 : vector<16xi32>
    %lt3A_666 = arith.constant 5120 : i32
    %lt3A_667 = vector.broadcast %lt3A_666 : i32 to vector<16xi32>
    %lt3A_668 = arith.cmpi slt, %sub3A_662, %lt3A_667 : vector<16xi32>
    %and3A_669 = arith.andi %ge3A_665, %lt3A_668 : vector<16xi1>
    %and3A_670 = arith.andi %and3A_669, %eq3A_162 : vector<16xi1>
    tpu.vector_store_idx %arg11[%sub3A_662], %add3A_93 masked %and3A_670 : memref<5120xi32, #tpu.memory_space<vmem>>[vector<16xi32>], vector<16xi32>, vector<16xi1>
    %and3A_671 = arith.andi %and3A_669, %eq3A_159 : vector<16xi1>
    tpu.vector_store_idx %arg11[%sub3A_662], %add3A_93 masked %and3A_671 : memref<5120xi32, #tpu.memory_space<vmem>>[vector<16xi32>], vector<16xi32>, vector<16xi1>
    %and3A_672 = arith.andi %and3A_669, %eq3A_156 : vector<16xi1>
    tpu.vector_store_idx %arg11[%sub3A_662], %add3A_93 masked %and3A_672 : memref<5120xi32, #tpu.memory_space<vmem>>[vector<16xi32>], vector<16xi32>, vector<16xi1>
    %and3A_673 = arith.andi %and3A_669, %eq3A_153 : vector<16xi1>
    tpu.vector_store_idx %arg11[%sub3A_662], %add3A_93 masked %and3A_673 : memref<5120xi32, #tpu.memory_space<vmem>>[vector<16xi32>], vector<16xi32>, vector<16xi1>
    %and3A_674 = arith.andi %and3A_669, %eq3A_150 : vector<16xi1>
    tpu.vector_store_idx %arg11[%sub3A_662], %add3A_93 masked %and3A_674 : memref<5120xi32, #tpu.memory_space<vmem>>[vector<16xi32>], vector<16xi32>, vector<16xi1>
    %and3A_675 = arith.andi %and3A_669, %eq3A_147 : vector<16xi1>
    tpu.vector_store_idx %arg11[%sub3A_662], %add3A_93 masked %and3A_675 : memref<5120xi32, #tpu.memory_space<vmem>>[vector<16xi32>], vector<16xi32>, vector<16xi1>
    %and3A_676 = arith.andi %and3A_669, %eq3A_144 : vector<16xi1>
    tpu.vector_store_idx %arg11[%sub3A_662], %add3A_93 masked %and3A_676 : memref<5120xi32, #tpu.memory_space<vmem>>[vector<16xi32>], vector<16xi32>, vector<16xi1>
    %and3A_677 = arith.andi %and3A_669, %eq3A_141 : vector<16xi1>
    tpu.vector_store_idx %arg11[%sub3A_662], %add3A_93 masked %and3A_677 : memref<5120xi32, #tpu.memory_space<vmem>>[vector<16xi32>], vector<16xi32>, vector<16xi1>
    %and3A_678 = arith.andi %and3A_669, %eq3A_138 : vector<16xi1>
    tpu.vector_store_idx %arg11[%sub3A_662], %add3A_93 masked %and3A_678 : memref<5120xi32, #tpu.memory_space<vmem>>[vector<16xi32>], vector<16xi32>, vector<16xi1>
    %and3A_679 = arith.andi %and3A_669, %eq3A_135 : vector<16xi1>
    tpu.vector_store_idx %arg11[%sub3A_662], %add3A_93 masked %and3A_679 : memref<5120xi32, #tpu.memory_space<vmem>>[vector<16xi32>], vector<16xi32>, vector<16xi1>
    %and3A_680 = arith.andi %and3A_669, %eq3A_132 : vector<16xi1>
    tpu.vector_store_idx %arg11[%sub3A_662], %add3A_93 masked %and3A_680 : memref<5120xi32, #tpu.memory_space<vmem>>[vector<16xi32>], vector<16xi32>, vector<16xi1>
    %and3A_681 = arith.andi %and3A_669, %eq3A_129 : vector<16xi1>
    tpu.vector_store_idx %arg11[%sub3A_662], %add3A_93 masked %and3A_681 : memref<5120xi32, #tpu.memory_space<vmem>>[vector<16xi32>], vector<16xi32>, vector<16xi1>
    %and3A_682 = arith.andi %and3A_669, %eq3A_126 : vector<16xi1>
    tpu.vector_store_idx %arg11[%sub3A_662], %add3A_93 masked %and3A_682 : memref<5120xi32, #tpu.memory_space<vmem>>[vector<16xi32>], vector<16xi32>, vector<16xi1>
    %and3A_683 = arith.andi %and3A_669, %eq3A_123 : vector<16xi1>
    tpu.vector_store_idx %arg11[%sub3A_662], %add3A_93 masked %and3A_683 : memref<5120xi32, #tpu.memory_space<vmem>>[vector<16xi32>], vector<16xi32>, vector<16xi1>
    %and3A_684 = arith.andi %and3A_669, %eq3A_120 : vector<16xi1>
    tpu.vector_store_idx %arg11[%sub3A_662], %add3A_93 masked %and3A_684 : memref<5120xi32, #tpu.memory_space<vmem>>[vector<16xi32>], vector<16xi32>, vector<16xi1>
    %and3A_685 = arith.andi %and3A_669, %eq3A_117 : vector<16xi1>
    tpu.vector_store_idx %arg11[%sub3A_662], %add3A_93 masked %and3A_685 : memref<5120xi32, #tpu.memory_space<vmem>>[vector<16xi32>], vector<16xi32>, vector<16xi1>
    %broadcast_in_dim3A_686 = arith.constant 1 : i32
    %broadcast_in_dim3A_687 = vector.broadcast %broadcast_in_dim3A_686 : i32 to vector<16xi32>
    %broadcast_in_dim3A_688 = arith.constant -1 : i32
    %broadcast_in_dim3A_689 = vector.broadcast %broadcast_in_dim3A_688 : i32 to vector<16xi32>
    %broadcast_in_dim3A_690 = arith.constant -2 : i32
    %broadcast_in_dim3A_691 = vector.broadcast %broadcast_in_dim3A_690 : i32 to vector<16xi32>
    %parallel_loop3A_692 = arith.constant 0 : i32
    %parallel_loop3A_693 = arith.constant 320 : i32
    %parallel_loop3A_694 = arith.constant 1 : i32
    %parallel_loop3A_695 = arith.constant 0 : i32
    %parallel_loop3A_696 = scf.for %parallel_loop3A_701 = %parallel_loop3A_692 to %parallel_loop3A_693 step %parallel_loop3A_694 iter_args(%parallel_loop3A_702 = %parallel_loop3A_695) -> (i32)  : i32 {
      %parallel_loop3A_703 = arith.constant 16 : i32
      %parallel_loop3A_704 = arith.muli %parallel_loop3A_701, %parallel_loop3A_703 : i32
      %parallel_loop3A_705 = arith.index_cast %parallel_loop3A_704 : i32 to index
      %parallel_loop3A_706 = tpu.vector_load %arg11[%parallel_loop3A_705] {strides = array<i32>} : memref<5120xi32, #tpu.memory_space<vmem>>, vector<16xi32>,
      %parallel_loop3A_707 = arith.cmpi slt, %parallel_loop3A_706, %broadcast_in_dim3A_166 : vector<16xi32>
      %parallel_loop3A_708 = arith.index_cast %parallel_loop3A_704 : i32 to index
      %parallel_loop3A_709 = tpu.vector_load %arg7[%parallel_loop3A_708] {strides = array<i32>} : memref<5120xf32, #tpu.memory_space<vmem>>, vector<16xf32>,
      %parallel_loop3A_710 = arith.constant 5.000000e-01 : f32
      %parallel_loop3A_711 = vector.broadcast %parallel_loop3A_710 : f32 to vector<16xf32>
      %parallel_loop3A_712 = arith.cmpf oge, %parallel_loop3A_709, %parallel_loop3A_711 : vector<16xf32>
      %parallel_loop3A_713 = arith.constant 4.000000e-01 : f32
      %parallel_loop3A_714 = vector.broadcast %parallel_loop3A_713 : f32 to vector<16xf32>
      %parallel_loop3A_715 = arith.cmpf oge, %parallel_loop3A_709, %parallel_loop3A_714 : vector<16xf32>
      %parallel_loop3A_716 = arith.select %parallel_loop3A_715, %broadcast_in_dim3A_691, %broadcast_in_dim3A_689 : vector<16xi1>, vector<16xi32>
      %parallel_loop3A_717 = arith.select %parallel_loop3A_712, %broadcast_in_dim3A_687, %parallel_loop3A_716 : vector<16xi1>, vector<16xi32>
      %parallel_loop3A_718 = arith.index_cast %parallel_loop3A_704 : i32 to index
      %parallel_loop3A_719 = tpu.vector_load %arg8[%parallel_loop3A_718] {strides = array<i32>} : memref<5120xi32, #tpu.memory_space<vmem>>, vector<16xi32>,
      %parallel_loop3A_720 = arith.select %parallel_loop3A_707, %parallel_loop3A_706, %parallel_loop3A_719 : vector<16xi1>, vector<16xi32>
      %parallel_loop3A_721 = arith.index_cast %parallel_loop3A_704 : i32 to index
      %parallel_loop3A_722 = tpu.vector_load %arg12[%parallel_loop3A_721] {strides = array<i32>} : memref<5120xi32, #tpu.memory_space<vmem>>, vector<16xi32>,
      tpu.vector_store %arg12[%parallel_loop3A_721], %parallel_loop3A_720 {strides = array<i32>} : memref<5120xi32, #tpu.memory_space<vmem>>, vector<16xi32>,
      %parallel_loop3A_723 = arith.select %parallel_loop3A_707, %broadcast_in_dim3A_687, %parallel_loop3A_717 : vector<16xi1>, vector<16xi32>
      %parallel_loop3A_724 = arith.index_cast %parallel_loop3A_704 : i32 to index
      %parallel_loop3A_725 = tpu.vector_load %arg13[%parallel_loop3A_724] {strides = array<i32>} : memref<5120xi32, #tpu.memory_space<vmem>>, vector<16xi32>,
      tpu.vector_store %arg13[%parallel_loop3A_724], %parallel_loop3A_723 {strides = array<i32>} : memref<5120xi32, #tpu.memory_space<vmem>>, vector<16xi32>,
      %parallel_loop3A_726 = arith.constant 0 : i32
      scf.yield %parallel_loop3A_726 : i32
    } {sc.loop_unroll_factor = 2 : i64, sc.parallel_access}
    %mul3A_697 = arith.constant 20000 : i32
    %mul3A_698 = arith.muli %add3A, %mul3A_697 : i32
    %add3A_699 = arith.addi %mul3A_698, %multiple_of3A : i32
    %multiple_of3A_700 = tpu.assume_multiple %add3A_699, 16 : i32
    "tpu.region"() ({
      %run_scoped3A = tpu.sem_alloc : memref<!tpu.dma_semaphore, #tpu.memory_space<semaphore_mem>>
      %dma_start3A_701 = tpu.memref_slice %arg3[%multiple_of3A_700] : memref<160000xi32, #tpu.memory_space<hbm>> -> memref<5120xi32, #tpu.memory_space<hbm>>
      %dma_start3A_702 = tpu.memref_slice %arg3[%multiple_of3A_700] : memref<160000xi32, #tpu.memory_space<hbm>> -> memref<5120xi32, #tpu.memory_space<hbm>>
      tpu.enqueue_dma source(%arg12 : memref<5120xi32, #tpu.memory_space<vmem>>) target(%dma_start3A_702 : memref<5120xi32, #tpu.memory_space<hbm>>) target_semaphore(%run_scoped3A : memref<!tpu.dma_semaphore, #tpu.memory_space<semaphore_mem>>)
      %dma_wait3A = tpu.memref_slice %arg3[%multiple_of3A_700] : memref<160000xi32, #tpu.memory_space<hbm>> -> memref<5120xi32, #tpu.memory_space<hbm>>
      %dma_wait3A_703 = tpu.memref_slice %arg3[%multiple_of3A_700] : memref<160000xi32, #tpu.memory_space<hbm>> -> memref<5120xi32, #tpu.memory_space<hbm>>
      tpu.wait_dma2 semaphore(%run_scoped3A : memref<!tpu.dma_semaphore, #tpu.memory_space<semaphore_mem>>) src(%arg12 : memref<5120xi32, #tpu.memory_space<vmem>>) dst(%dma_wait3A_703 : memref<5120xi32, #tpu.memory_space<hbm>>)
      tpu.yield
    }) : () -> ()
    "tpu.region"() ({
      %run_scoped3A = tpu.sem_alloc : memref<!tpu.dma_semaphore, #tpu.memory_space<semaphore_mem>>
      %dma_start3A_701 = tpu.memref_slice %arg4[%multiple_of3A_700] : memref<160000xi32, #tpu.memory_space<hbm>> -> memref<5120xi32, #tpu.memory_space<hbm>>
      %dma_start3A_702 = tpu.memref_slice %arg4[%multiple_of3A_700] : memref<160000xi32, #tpu.memory_space<hbm>> -> memref<5120xi32, #tpu.memory_space<hbm>>
      tpu.enqueue_dma source(%arg13 : memref<5120xi32, #tpu.memory_space<vmem>>) target(%dma_start3A_702 : memref<5120xi32, #tpu.memory_space<hbm>>) target_semaphore(%run_scoped3A : memref<!tpu.dma_semaphore, #tpu.memory_space<semaphore_mem>>)
      %dma_wait3A = tpu.memref_slice %arg4[%multiple_of3A_700] : memref<160000xi32, #tpu.memory_space<hbm>> -> memref<5120xi32, #tpu.memory_space<hbm>>
      %dma_wait3A_703 = tpu.memref_slice %arg4[%multiple_of3A_700] : memref<160000xi32, #tpu.memory_space<hbm>> -> memref<5120xi32, #tpu.memory_space<hbm>>
      tpu.wait_dma2 semaphore(%run_scoped3A : memref<!tpu.dma_semaphore, #tpu.memory_space<semaphore_mem>>) src(%arg13 : memref<5120xi32, #tpu.memory_space<vmem>>) dst(%dma_wait3A_703 : memref<5120xi32, #tpu.memory_space<hbm>>)
      tpu.yield
    }) : () -> ()
    return
  }
}

</mosaic_0001>

<sc_bundles>
// kernel: kernel.3.cloned.1.call-start
scs
__scs_entry_jumppad:
0x0: {  	(pc) =	sbr.rel $0x88, $3  }
0x1: {  	(tag) =	ssettag $0x0;
	lr =	simm.s32 $0x1  }
0x2: {  	[smem:$0x3FA0] =	sst lr;
	_ =	strace $0xD0000000  }
0x3: {  	_ = 	snop  }
0x4: {  	_ = 	snop  }
0x5: {  	_ = 	snop  }
0x6: {  	_ = 	snop  }
0x7: {  	_ = 	snop  }
__scs_overlays_trampoline_lowered:
0x8: {  	[smem:$0x3FAF] =	sst s0  }
0x9: {  	[smem:$0x3FB0] =	sst s1  }
0xa: {  	[smem:$0x3FB1] =	sst s2  }
0xb: {  	[smem:$0x3FB2] =	sst s3  }
0xc: {  	[smem:$0x3FB3] =	sst s4  }
0xd: {  	[smem:$0x3FB4] =	sst s5  }
0xe: {  	[smem:$0x3FB5] =	sst s6  }
0xf: {  	[smem:$0x3FB6] =	sst s7  }
0x10: {  	[smem:$0x3FB7] =	sst s8  }
0x11: {  	[smem:$0x3FB8] =	sst s9;
	s0 =	simm.s32 @!p0 $0x0  }
0x12: {  	s1 =	sld [smem:$0x3F9E];
	s0 =	simm.s32 @p0 $0x1  }
0x13: {  	[smem:$0x3FB9] =	sst s0;
	s0 =	simm.s32 @!p1 $0x0  }
0x14: {  	s2 =	sld [smem:$0x3F9D];
	s0 =	simm.s32 @p1 $0x1  }
0x15: {  	[smem:$0x3FBA] =	sst s0;
	s0 =	simm.s32 @!p2 $0x0  }
0x16: {  	s3 =	sld [smem:$0x3FDB];
	s0 =	simm.s32 @p2 $0x1  }
0x17: {  	s4 =	simm.s32 $0x1BF5;
	[smem:$0x3FBC] =	sst s0  }
0x18: {  	s0 =	sld [smem:$0x3F9F];
	_ =	swait.ge [sflag:s4], $0x0  }
0x19: {  	s7 =	sld [smem:$0x3FA0]  }
0x1a: {  	s8 =	sadd.s32 $0xFFFFE003, lr  }
0x1b: {  	s9 =	sadd.s32 $0xFFFFFEF7, lr;
	s5 =	simm.s32 $0xFFFFFFFF;
	p2 =	slt.u32 s8, $0xFFFFF086  }
0x1c: {  	p1 =	slt.u32 s9, $0xF7A;
	s5 =	simm.s32 @!p2 $0x0  }
0x1d: {  	s5 =	simm.s32 @p1 $0x1;
	p0 =	seq.s32 s7, s2  }
0x1e: {  	s7 =	smul.u32 @!p0 $0xF7A, s2;
	p2 =	seq.s32 @!p0 s5, $0x0  }
0x1f: {  	s9 =	smul.u32 $0xF7A, s1;
	s8 =	simm.s32 @!p0 $0x1BF5;
	p2 =	por !p2, p0  }
0x20: {  	[sflag:s8] =	ssyncset.s32 @!p0 $0xFFFFF086;
	s6 =	sadd.s32 @!p0 s3, s7;
	s7 =	simm.s32 @!p0 $0x108  }
0x21: {  	s3 =	sadd.s32 s3, s9;
	s6 =	sadd.s32 @!p0 $0x88, s6;
	s7 =	simm.s32 @p2 $0x1082  }
0x22: {  	[simem:s7], [sflag:s8] =	dma.local @!p0 [hbm:s6], $0xF7A  }
0x23: {  	s9 =	sor.u32 $0xD0000000, s2;
	s6 =	simm.s32 $0x108;
	_ =	swait.ge @!p0 [sflag:s8], $0x0  }
0x24: {  	s3 =	sadd.s32 $0x88, s3;
	s6 =	simm.s32 @!p1 $0x1082;
	[sflag:s4] =	ssyncset.s32 $0xFFFFF086  }
0x25: {  	[simem:s6], [sflag:s4] =	dma.local [hbm:s3], $0xF7A  }
0x26: {  	[smem:$0x3FA0] =	sst s1;
	(tag) =	ssettag s2;
	_ =	strace s9  }
0x27: {  	s1 =	sld [smem:$0x3FB0]  }
0x28: {  	s2 =	sld [smem:$0x3FB1]  }
0x29: {  	s4 =	sld [smem:$0x3FB3]  }
0x2a: {  	p0 =	seq.s32 s5, $0x0;
	s5 =	sld [smem:$0x3FB4]  }
0x2b: {  	s6 =	sld [smem:$0x3FB5]  }
0x2c: {  	s7 =	sld [smem:$0x3FB6]  }
0x2d: {  	s3 =	simm.s32 $0x108;
	s8 =	sld [smem:$0x3FB7]  }
0x2e: {  	s3 =	simm.s32 @!p0 $0x1082;
	s9 =	sld [smem:$0x3FB8]  }
0x2f: {  	lr =	sadd.s32 s0, s3;
	s0 =	sld [smem:$0x3FAF]  }
0x30: {  	s3 =	sld [smem:$0x3FB2]  }
0x31: {  	[smem:$0x3FBB] =	sst s10  }
0x32: {  	s10 =	sld [smem:$0x3FB9];
	_ =	sdelay $0x3  }
0x33: {  	p0 =	seq.s32 s10, $0x1;
	s10 =	sld [smem:$0x3FBB];
	_ =	sdelay $0x3  }
0x34: {  	[smem:$0x3FBB] =	sst s10  }
0x35: {  	s10 =	sld [smem:$0x3FBA];
	_ =	sdelay $0x3  }
0x36: {  	p1 =	seq.s32 s10, $0x1;
	s10 =	sld [smem:$0x3FBB];
	_ =	sdelay $0x3  }
0x37: {  	[smem:$0x3FBB] =	sst s10  }
0x38: {  	s10 =	sld [smem:$0x3FBC]  }
0x39: {  	_ = 	snop;
	(pc) =	sbr.ind lr, $3  }
0x3a: {  	_ = 	snop  }
0x3b: {  	_ = 	snop  }
0x3c: {  	p2 =	seq.s32 s10, $0x1;
	s10 =	sld [smem:$0x3FBB]  }
0x3d: {  	_ =	shalt  }
0x3e: {  	_ =	shalt  }
0x3f: {  	_ =	shalt  }
0x40: {  	_ =	shalt  }
0x41: {  	_ =	shalt  }
0x42: {  	_ =	shalt  }
0x43: {  	_ =	shalt  }
0x44: {  	_ =	shalt  }
0x45: {  	_ =	shalt  }
0x46: {  	_ =	shalt  }
0x47: {  	_ =	shalt  }
0x48: {  	_ =	shalt  }
0x49: {  	_ =	shalt  }
0x4a: {  	_ =	shalt  }
0x4b: {  	_ =	shalt  }
0x4c: {  	_ =	shalt  }
0x4d: {  	_ =	shalt  }
0x4e: {  	_ =	shalt  }
0x4f: {  	_ =	shalt  }
0x50: {  	_ =	shalt  }
0x51: {  	_ =	shalt  }
0x52: {  	_ =	shalt  }
0x53: {  	_ =	shalt  }
0x54: {  	_ =	shalt  }
0x55: {  	_ =	shalt  }
0x56: {  	_ =	shalt  }
0x57: {  	_ =	shalt  }
0x58: {  	_ =	shalt  }
0x59: {  	_ =	shalt  }
0x5a: {  	_ =	shalt  }
0x5b: {  	_ =	shalt  }
0x5c: {  	_ =	shalt  }
0x5d: {  	_ =	shalt  }
0x5e: {  	_ =	shalt  }
0x5f: {  	_ =	shalt  }
0x60: {  	_ =	shalt  }
0x61: {  	_ =	shalt  }
0x62: {  	_ =	shalt  }
0x63: {  	_ =	shalt  }
0x64: {  	_ =	shalt  }
0x65: {  	_ =	shalt  }
0x66: {  	_ =	shalt  }
0x67: {  	_ =	shalt  }
0x68: {  	_ =	shalt  }
0x69: {  	_ =	shalt  }
0x6a: {  	_ =	shalt  }
0x6b: {  	_ =	shalt  }
0x6c: {  	_ =	shalt  }
0x6d: {  	_ =	shalt  }
0x6e: {  	_ =	shalt  }
0x6f: {  	_ =	shalt  }
0x70: {  	_ =	shalt  }
0x71: {  	_ =	shalt  }
0x72: {  	_ =	shalt  }
0x73: {  	_ =	shalt  }
0x74: {  	_ =	shalt  }
0x75: {  	_ =	shalt  }
0x76: {  	_ =	shalt  }
0x77: {  	_ =	shalt  }
0x78: {  	_ =	shalt  }
0x79: {  	_ =	shalt  }
0x7a: {  	_ =	shalt  }
0x7b: {  	_ =	shalt  }
0x7c: {  	_ =	shalt  }
0x7d: {  	_ =	shalt  }
0x7e: {  	_ =	shalt  }
0x7f: {  	_ =	shalt  }
0x80: {  	_ =	shalt  }
0x81: {  	_ =	shalt  }
0x82: {  	_ =	shalt  }
0x83: {  	_ =	shalt  }
0x84: {  	_ =	shalt  }
0x85: {  	_ =	shalt  }
0x86: {  	_ =	shalt  }
0x87: {  	_ =	shalt  }
.Lfunc_end0:
.L_simem_size_0:
called_computation_lowered:
.L_overlay_start_0:
0x88: {  	s2 =	sld [smem:$0x3FD9]  }
0x89: {  	s3 =	sld [smem:$0x3FFE];
	_ =	sdelay $0x1  }
0x8a: {  	s1 =	srdreg.scid  }
0x8b: {  	s0 =	sand.u32 $0x1, s1  }
0x8c: {  	s14 =	sshll.u32 s0, $0xA;
	s2 =	sadd.s32 s3, s2  }
0x8d: {  	s2 =	sadd.s32 s2, s14  }
0x8e: {  	[smem:$0x3FC7] =	sst s2  }
0x8f: {  	_ = 	snop  }
0x90: {  	s2 =	sld [smem:$0x3FD0];
	_ =	sdelay $0x2  }
0x91: {  	s4 =	simm.s32 $0xA;
	s5 =	simm.s32 $0x10;
	s15 =	sld [smem:$0x3FC9]  }
0x92: {  	[smem:s5], [sflag:s4] =	dma.local [hbm:s2], $0x1  }
0x93: {  	_ =	swait.eq [sflag:s4], $0x1  }
0x94: {  	[sflag:s4] =	ssyncset.done $0x0  }
0x95: {  	[sflag:s4] =	ssyncadd.s32 $0xFFFFFFFF  }
0x96: {  	s16 =	sld [smem:$0x11];
	(tm) =	ssettm $0x1  }
0x97: {  	s17 =	sld [smem:$0x3FFB];
	_ =	sdelay $0x3  }
0x98: {  	_ =	strace s17  }
0x99: {  	s4 =	sld [smem:$0x3FFC];
	_ =	sdelay $0x3  }
0x9a: {  	_ =	strace s4  }
0x9b: {  	s4 =	sld [smem:$0x3FFD];
	_ =	sdelay $0x3  }
0x9c: {  	_ =	strace s4  }
0x9d: {  	_ =	strace $0x8FFFFFFF  }
0x9e: {  	s18 =	sld [smem:$0x3FDB];
	_ =	sdelay $0x1  }
0x9f: {  	s19 =	simm.s32 $_scs_section_size  }
0xa0: {  	s6 =	simm.s32 $_size__tile_overlayer_lowered;
	s7 =	simm.s32 $_tile_overlayer_lowered  }
0xa1: {  	s22 =	simm.s32 $0x1BFF;
	s21 =	sshll.u32 s7, $0x1;
	s4 =	sadd.s32 s19, s18  }
0xa2: {  	s8 =	simm.s32 $0x0;
	s20 =	sshll.u32 s6, $0x1;
	s6 =	sadd.s32 s21, s4  }
0xa3: {  	[timem:s8], [sflag:s22] =	dma.local [hbm:s6], s20  }
0xa4: {  	_ =	swait.ge [sflag:s22], s20  }
0xa5: {  	s5 =	ssub.s32 $0x0, s20;
	[sflag:s22] =	ssyncset.done $0x0  }
0xa6: {  	[sflag:s22] =	ssyncadd.s32 s5;
	_ =	sdelay $0x1  }
0xa7: {  	s23 =	simm.s32 $0x1B8B  }
0xa8: {  	_ =	swait.ge [sflag:s23], $0x1  }
0xa9: {  	[sflag:s23] =	ssyncset.done $0x0  }
0xaa: {  	s25 =	simm.s32 $0x1B8E;
	s24 =	sld [smem:$0x3FFE];
	[sflag:s23] =	ssyncadd.s32 $0xFFFFFFFF  }
0xab: {  	s26 =	simm.s32 $execute0_lowered;
	[smem:$0x3FD2] =	sst s25  }
0xac: {  	s6 =	sshll.u32 s26, $0x1;
	_ =	strace $0x80000046;
	[dreg:$0x1] =	wrdreg $0xFFFFFFFF  }
0xad: {  	s28 =	simm.s32 $_size_execute0_lowered;
	s4 =	sadd.s32 s4, s6;
	[dreg:$0x0] =	wrdreg $0x0  }
0xae: {  	s6 =	sshll.u32 s28, $0x1;
	[dreg:$0x2] =	wrdreg s4  }
0xaf: {  	[dreg:$0x3] =	wrdreg s6  }
0xb0: {  	[dreg:$0x4] =	wrdreg $0xC0  }
0xb1: {  	_ =	task [dreg:s8], $0x5FFFF  }
0xb2: {  	[dreg:$0x1] =	wrdreg $0xFFFFFFFF  }
0xb3: {  	[dreg:$0x0] =	wrdreg $0x60  }
0xb4: {  	[dreg:$0x2] =	wrdreg s15  }
0xb5: {  	[dreg:$0x3] =	wrdreg s16  }
0xb6: {  	[dreg:$0x4] =	wrdreg s24  }
0xb7: {  	[dreg:$0x5] =	wrdreg $0x189000  }
0xb8: {  	[dreg:$0x6] =	wrdreg $0x189800  }
0xb9: {  	[dreg:$0x7] =	wrdreg $0x9  }
0xba: {  	_ =	task.clear_ibuf [dreg:s8], $0x8FFFF;
	_ =	strace $0x90000046  }
0xbb: {  	s29 =	simm.s32 $0x9;
	_ =	strace $0x80000048  }
0xbc: {  	_ =	swait.ge [sflag:s29], $0x1  }
0xbd: {  	[sflag:s29] =	ssyncadd.s32 $0xFFFFFFFF  }
0xbe: {  	_ =	strace $0x90000048  }
0xbf: {  	_ =	sfence  }
0xc0: {  	s30 =	sld [smem:$0x0];
	_ =	sdelay $0x2  }
0xc1: {  	s31 =	sshll.u32 s1, $0xD;
	s1 =	sshrl.u32 s1, $0x2  }
0xc2: {  	s3 =	sand.u32 $0x4000, s31;
	s1 =	sadd.s32 s1, s30  }
0xc3: {  	s0 =	sor.u32 s3, s0;
	s1 =	sshll.u32 s1, $0x11  }
0xc4: {  	s0 =	sor.u32 s1, s0  }
0xc5: {  	s0 =	sadd.s32 $0x8F2B, s0  }
0xc6: {  	[sflag:s0] =	ssyncadd.remote.s32 $0x1  }
0xc7: {  	_ =	sfence.sel $0xFFFF  }
0xc8: {  	[dreg:$0x0] =	wrdreg $0xFFFFFFFF;
	(pc) =	sbr.abs _section_cstart, $3  }
0xc9: {  	[dreg:$0x1] =	wrdreg $0xFFFFFFFF  }
0xca: {  	_ =	task.clear_ibuf [dreg:s8], $0x2FFFF;
	_ =	strace $0x9FFFFFFF  }
0xcb: {  	(tm) =	ssettm $0x7FFFFFFF  }
tec
execute0_lowered:
.L_overlay_start_1:
0x0: {  	(tag) =	ssettag $0x1  }
0x1: {  	v46 =	vimm.f32 $1.500000000e+01;
	vm0 =	vcmask $0x300;
	v1 =	vimm.s32 $0x0  }
0x2: {  	s10 =	stileid.u32;
	vm2 =	vcmask $0x704;
	vm3 =	vcmask $0xB08;
	vm4 =	vcmask $0xF0C  }
0x3: {  	v47 =	vimm.f32 $3.100000000e+01;
	vm5 =	vcmask $0x1310;
	vm6 =	vcmask $0x1714;
	s0 =	sand.u32 $0x3, s10  }
0x4: {  	vm7 =	vcmask $0x1B18;
	vm8 =	vcmask $0x1F1C;
	vm9 =	vcmask $0x2320;
	s2 =	sshll.u32 s10, $0x3;
	s1 =	smul.u32 $0x1388, s0  }
0x5: {  	vm10 =	vcmask $0x2724;
	vm11 =	vcmask $0x2B28;
	vm12 =	vcmask $0x2F2C;
	s2 =	sand.u32 $0x8, s2  }
0x6: {  	vm13 =	vcmask $0x3330;
	vm14 =	vcmask $0x3734;
	vm15 =	vmmov $0x1;
	p0 =	seq.s32 s0, $0x3;
	s20 =	sadd.s32 s2, s1  }
0x7: {  	v2 =	vimm.f32 $4.700000000e+01;
	v3 =	vimm.f32 $6.300000000e+01;
	v48 =	vimm.f32 $7.900000000e+01;
	s20 =	simm.s32 @p0 $0x3A20  }
0x8: {  	v49 =	vimm.f32 $9.500000000e+01;
	v50 =	vimm.f32 $1.110000000e+02;
	v0 =	vmov s20  }
0x9: {  	v51 =	vimm.f32 $1.270000000e+02;
	v52 =	vimm.s32 $0x0;
	[tilespmem:$0x1FF40] =	vst v0;
	v0 =	vsub.s32 $0x0, v0  }
0xa: {  	v53 =	vimm.s32 $0x0;
	v4 =	vsel vm0, $0x42000000, v2;
	[tilespmem:$0x1FF50] =	vst v0;
	v0 =	vsel vm0, $0x0, v46  }
0xb: {  	vm1 =	veq.s32 v1, s20;
	v1 =	vsel vm0, $0x41800000, v47;
	v0 =	vsel vm2, $0x3F800000, v0  }
0xc: {  	v5 =	vsel vm0, $0x42400000, v3;
	v1 =	vsel vm2, $0x41880000, v1;
	v0 =	vsel vm3, $0x40000000, v0  }
0xd: {  	v6 =	vsel vm0, $0x42800000, v48;
	v1 =	vsel vm3, $0x41900000, v1;
	v0 =	vsel vm4, $0x40400000, v0  }
0xe: {  	v7 =	vsel vm0, $0x42A00000, v49;
	v1 =	vsel vm4, $0x41980000, v1;
	v0 =	vsel vm5, $0x40800000, v0  }
0xf: {  	v8 =	vsel vm0, $0x42C00000, v50;
	v1 =	vsel vm5, $0x41A00000, v1;
	v0 =	vsel vm6, $0x40A00000, v0  }
0x10: {  	v9 =	vsel vm0, $0x42E00000, v51;
	v1 =	vsel vm6, $0x41A80000, v1;
	v0 =	vsel vm7, $0x40C00000, v0  }
0x11: {  	v2 =	vsel vm15, $0xFFFFFFFF, v52;
	v1 =	vsel vm7, $0x41B00000, v1;
	v0 =	vsel vm8, $0x40E00000, v0  }
0x12: {  	v55 =	vsel vm2, $0x42040000, v4;
	v1 =	vsel vm8, $0x41B80000, v1;
	v0 =	vsel vm9, $0x41000000, v0  }
0x13: {  	v56 =	vsel vm2, $0x42440000, v5;
	v1 =	vsel vm9, $0x41C00000, v1;
	v0 =	vsel vm10, $0x41100000, v0  }
0x14: {  	v57 =	vsel vm2, $0x42820000, v6;
	v1 =	vsel vm10, $0x41C80000, v1;
	v0 =	vsel vm11, $0x41200000, v0  }
0x15: {  	v60 =	vsel vm2, $0x42A20000, v7;
	v1 =	vsel vm11, $0x41D00000, v1;
	v0 =	vsel vm12, $0x41300000, v0  }
0x16: {  	v61 =	vsel vm2, $0x42C20000, v8;
	v1 =	vsel vm12, $0x41D80000, v1;
	v0 =	vsel vm13, $0x41400000, v0  }
0x17: {  	vm0 =	vcmask $0x3B38;
	v1 =	vsel vm13, $0x41E00000, v1;
	v0 =	vsel vm14, $0x41500000, v0  }
0x18: {  	v7 =	vsel vm2, $0x42E20000, v9;
	v54 =	vsel vm14, $0x41E80000, v1;
	v0 =	vsel vm0, $0x41600000, v0  }
0x19: {  	v4 =	vsel vm3, $0x42840000, v57;
	v7 =	vsel vm3, $0x42E40000, v7;
	[tilespmem:$0x1FF80] =	vst v0;
	v0 =	vsel vm0, $0x41F00000, v54  }
0x1a: {  	v4 =	vsel vm4, $0x42860000, v4;
	v7 =	vsel vm4, $0x42E60000, v7;
	[tilespmem:$0x1FF90] =	vst v0;
	v0 =	vsel vm3, $0x42080000, v55  }
0x1b: {  	v4 =	vsel vm5, $0x42880000, v4;
	v1 =	vsel vm3, $0x42480000, v56;
	v0 =	vsel vm4, $0x420C0000, v0  }
0x1c: {  	v7 =	vsel vm5, $0x42E80000, v7;
	v1 =	vsel vm4, $0x424C0000, v1;
	v0 =	vsel vm5, $0x42100000, v0  }
0x1d: {  	v4 =	vsel vm6, $0x428A0000, v4;
	v1 =	vsel vm5, $0x42500000, v1;
	v0 =	vsel vm6, $0x42140000, v0  }
0x1e: {  	v7 =	vsel vm6, $0x42EA0000, v7;
	v1 =	vsel vm6, $0x42540000, v1;
	v0 =	vsel vm7, $0x42180000, v0  }
0x1f: {  	v4 =	vsel vm7, $0x428C0000, v4;
	v1 =	vsel vm7, $0x42580000, v1;
	v0 =	vsel vm8, $0x421C0000, v0  }
0x20: {  	v4 =	vsel vm8, $0x428E0000, v4;
	v1 =	vsel vm8, $0x425C0000, v1;
	v0 =	vsel vm9, $0x42200000, v0  }
0x21: {  	v4 =	vsel vm9, $0x42900000, v4;
	v1 =	vsel vm9, $0x42600000, v1;
	v0 =	vsel vm10, $0x42240000, v0  }
0x22: {  	v4 =	vsel vm10, $0x42920000, v4;
	v1 =	vsel vm10, $0x42640000, v1;
	v0 =	vsel vm11, $0x42280000, v0  }
0x23: {  	v4 =	vsel vm11, $0x42940000, v4;
	v1 =	vsel vm11, $0x42680000, v1;
	v0 =	vsel vm12, $0x422C0000, v0  }
0x24: {  	v4 =	vsel vm12, $0x42960000, v4;
	v1 =	vsel vm12, $0x426C0000, v1;
	v0 =	vsel vm13, $0x42300000, v0  }
0x25: {  	s25 =	rddreg [dreg:$0x1];
	v6 =	vsel vm13, $0x42980000, v4;
	v1 =	vsel vm13, $0x42700000, v1;
	v0 =	vsel vm14, $0x42340000, v0  }
0x26: {  	s3 =	rddreg [dreg:$0x2];
	v59 =	vsel vm14, $0x429A0000, v6;
	v1 =	vsel vm14, $0x42740000, v1;
	v0 =	vsel vm0, $0x42380000, v0  }
0x27: {  	s26 =	srdreg.scid;
	s6 =	rddreg [dreg:$0x3];
	v58 =	vsel vm0, $0x42780000, v1;
	v1 =	vsel vm3, $0x42C40000, v61;
	[tilespmem:$0x1FFA0] =	vst v0;
	v0 =	vsel vm0, $0x429C0000, v59  }
0x28: {  	s11 =	rddreg [dreg:$0x4];
	s15 =	simm.s32 $0x1;
	s16 =	simm.s32 $0x8000;
	vm1 =	vmand vm1, vm15;
	v1 =	vsel vm4, $0x42C60000, v1;
	[tilespmem:$0x1FFC0] =	vst v0;
	v0 =	vsel vm3, $0x42A40000, v60  }
0x29: {  	s17 =	simm.s32 $0x12800;
	s18 =	simm.s32 $0x13800;
	s19 =	simm.s32 $0x2;
	v7 =	vsel vm7, $0x42EC0000, v7;
	v1 =	vsel vm5, $0x42C80000, v1;
	v0 =	vsel vm4, $0x42A60000, v0  }
0x2a: {  	s21 =	simm.s32 $0x3;
	s29 =	simm.s32 $0x0;
	[tilespmem:$0x1FF60] =	vst v2;
	s1 =	sand.u32 $0x1, s26;
	v2 =	vsel vm1, $0xFFFFFFFF, v53;
	v1 =	vsel vm6, $0x42CA0000, v1;
	v0 =	vsel vm5, $0x42A80000, v0  }
0x2b: {  	s8 =	sshrl.u32 s10, $0x2;
	s31 =	sshll.u32 s10, $0x7;
	s4 =	sshll.u32 s1, $0x2;
	v7 =	vsel vm8, $0x42EE0000, v7;
	v1 =	vsel vm7, $0x42CC0000, v1;
	v0 =	vsel vm6, $0x42AA0000, v0  }
0x2c: {  	s10 =	sadd.s32 s31, s6;
	s2 =	rddreg [dreg:$0x0];
	s5 =	sor.u32 s8, s4;
	v7 =	vsel vm9, $0x42F00000, v7;
	v1 =	vsel vm8, $0x42CE0000, v1;
	v0 =	vsel vm7, $0x42AC0000, v0  }
0x2d: {  	s1 =	ssub.s32 $0x2, s1;
	s4 =	simm.s32 $0x0;
	s7 =	smul.u32 $0x4E20, s5;
	v7 =	vsel vm10, $0x42F20000, v7;
	v1 =	vsel vm9, $0x42D00000, v1;
	v0 =	vsel vm8, $0x42AE0000, v0  }
0x2e: {  	s9 =	sshll.u32 s20, $0x7;
	s28 =	sshrl.u32 s1, $0x1;
	s5 =	smul.u32 $0x271000, s5;
	v7 =	vsel vm11, $0x42F40000, v7;
	v1 =	vsel vm10, $0x42D20000, v1;
	v0 =	vsel vm9, $0x42B00000, v0  }
0x2f: {  	s8 =	sshll.u32 s8, $0x9;
	[smem:$0x7FF] =	sst s4;
	s1 =	ssub.s32 s1, s28;
	v7 =	vsel vm12, $0x42F60000, v7;
	v1 =	vsel vm11, $0x42D40000, v1;
	v0 =	vsel vm10, $0x42B20000, v0  }
0x30: {  	s14 =	smax.u32 s1, $0x1;
	s7 =	sadd.s32 s7, s20;
	s5 =	sadd.s32 s5, s9;
	v9 =	vsel vm13, $0x42F80000, v7;
	v1 =	vsel vm12, $0x42D60000, v1;
	v0 =	vsel vm11, $0x42B40000, v0  }
0x31: {  	[tilespmem:$0x1FF70] =	vst v2;
	s12 =	sshrl.u32 s7, $0x3;
	s9 =	sshrl.u32 s5, $0x3;
	s7 =	sadd.s32 $0x10000, s5;
	v63 =	vsel vm14, $0x42FA0000, v9;
	v1 =	vsel vm13, $0x42D80000, v1;
	v0 =	vsel vm12, $0x42B60000, v0  }
0x32: {  	s3 =	sadd.s32 s12, s3;
	s30 =	sadd.s32 s2, s9;
	s9 =	sadd.s32 s31, s11;
	v9 =	vsel vm0, $0x42FC0000, v63;
	[tilespmem:$0x1FFB0] =	vst v58;
	v1 =	vsel vm14, $0x42DA0000, v1;
	v0 =	vsel vm13, $0x42B80000, v0  }
0x33: {  	s11 =	sadd.s32 s8, s11;
	_ =	strace $0x80000047;
	[dreg:$0x6] =	wrdreg s30;
	[tilespmem:$0x1FFF0] =	vst v9;
	v62 =	vsel vm0, $0x42DC0000, v1;
	v0 =	vsel vm14, $0x42BA0000, v0  }
0x34: {  	s12 =	sadd.s32 s25, s12;
	s25 =	simm.s32 $0x14800;
	[dreg:$0x7] =	wrdreg s10;
	[tilespmem:$0x1FFD0] =	vst v62;
	v8 =	vsel vm0, $0x42BC0000, v0  }
0x35: {  	s13 =	sadd.s32 $0x800, s3;
	[dreg:$0x8] =	wrdreg s9;
	s10 =	sadd.s32 s8, s6;
	[tilespmem:$0x1FFE0] =	vst v8  }
.LBB2_1:
0x36: {  	v51 =	vimm.f32 $-Inf  }
0x37: {  	v45 =	vimm.s32 $0x0;
	v46 =	vimm.s32 $0x0;
	v47 =	vimm.s32 $0x0  }
0x38: {  	v48 =	vimm.s32 $0x0;
	v49 =	vimm.s32 $0x0;
	v50 =	vimm.s32 $0x0;
	s0 =	rddreg [dreg:$0x6]  }
0x39: {  	v2 =	vimm.s32 $0x0;
	v52 =	vimm.s32 $0x0;
	v53 =	vimm.f32 $-Inf;
	s24 =	simm.s32 $0x10000;
	s23 =	simm.s32 $0x11400;
	s3 =	simm.s32 $0x10100  }
0x3a: {  	v54 =	vimm.f32 $-Inf;
	v57 =	vimm.f32 $-Inf;
	v58 =	vimm.f32 $-Inf;
	[tilespmem:s4], [sflag:$0x1] =	stream.linear.gather [hbm4b:s0+s4], $0x8000, $0x38;
	[tilespmem:$0x18A00] =	vst v63  }
0x3b: {  	s1 =	smov.u32 s20;
	v56 =	vimm.f32 $-Inf;
	v59 =	vimm.f32 $-Inf;
	v60 =	vimm.f32 $-Inf;
	s22 =	simm.s32 $0x0;
	s0 =	simm.s32 $0x11500  }
.LBB2_2:
0x3c: {  	s6 =	sshll.u32 s22, $0x10  }
0x3d: {  	s6 =	sadd.s32 s6, s5  }
0x3e: {  	_ =	swait.ge [sflag:s15], $0x8000;
	s6 =	sadd.s32 $0x8000, s6  }
0x3f: {  	[sflag:s15] =	ssyncset.done $0x0;
	s6 =	sshrl.u32 s6, $0x3  }
0x40: {  	s8 =	simm.s32 $0x80;
	[sflag:s15] =	ssyncadd.s32 $0xFFFF8000;
	s6 =	sadd.s32 s2, s6  }
0x41: {  	[tilespmem:s16], [sflag:$0x2] =	stream.linear.gather [hbm4b:s6+s4], $0x8000, $0x38;
	[tilespmem:$0x18A00] =	vst v63  }
0x42: {  	v11 =	vld [tilespmem:s8+$0xFFFFFF80]  }
0x43: {  	v12 =	vld [tilespmem:s8+$0xFFFFFF90]  }
0x44: {  	v13 =	vld [tilespmem:s8+$0xFFFFFFA0]  }
0x45: {  	v14 =	vld [tilespmem:s8+$0xFFFFFFB0]  }
0x46: {  	v15 =	vld [tilespmem:s8+$0xFFFFFFC0]  }
0x47: {  	v16 =	vld [tilespmem:s8+$0xFFFFFFD0]  }
0x48: {  	v17 =	vld [tilespmem:s8+$0x0]  }
0x49: {  	v23 =	vld [tilespmem:s8+$0x10]  }
0x4a: {  	v24 =	vld [tilespmem:s8+$0x20]  }
0x4b: {  	v25 =	vld [tilespmem:s8+$0x30]  }
0x4c: {  	v26 =	vld [tilespmem:s8+$0x40]  }
0x4d: {  	v27 =	vld [tilespmem:s8+$0xFFFFFFE0]  }
0x4e: {  	v29 =	vld [tilespmem:s8+$0xFFFFFFF0]  }
0x4f: {  	v30 =	vld [tilespmem:s8+$0x50]  }
0x50: {  	v31 =	vld [tilespmem:s8+$0x60]  }
0x51: {  	v32 =	vld [tilespmem:s8+$0x70]  }
0x52: {  	v0 =	vmax.f32 v11, v12;
	v1 =	vmax.f32 v13, v14  }
0x53: {  	vm1 =	vgt.f32 v11, v60;
	vm0 =	vgt.f32 v12, v59;
	vm2 =	vgt.f32 v13, v56  }
0x54: {  	vm3 =	vgt.f32 v14, v58;
	vm4 =	vgt.f32 v15, v57;
	vm9 =	vgt.f32 v16, v54  }
0x55: {  	vm10 =	vgt.f32 v27, v53;
	vm11 =	vgt.f32 v29, v51;
	v36 =	vmax.f32 v17, v23  }
0x56: {  	s26 =	sadd.s32 $0xFFFFFFFE, s1;
	v37 =	vmax.f32 v24, v25;
	v38 =	vmax.f32 v26, v30;
	v39 =	vmax.f32 v31, v32  }
0x57: {  	s6 =	sadd.s32 $0x2, s26;
	v0 =	vmax.f32 v0, v1;
	v1 =	vmax.f32 v15, v16;
	v10 =	vsel vm1, v11, v60  }
0x58: {  	v19 =	vsel vm0, v12, v59;
	v28 =	vsel vm0, s6, v2;
	v21 =	vsel vm3, v14, v58  }
0x59: {  	v22 =	vsel vm4, v15, v57;
	v33 =	vsel vm9, v16, v54;
	v34 =	vsel vm10, v27, v53  }
0x5a: {  	v35 =	vsel vm11, v29, v51;
	v36 =	vmax.f32 v36, v37;
	v58 =	vmax.f32 v38, v39  }
0x5b: {  	v3 =	vld [tilespmem:$0x1FF90];
	v48 =	vsel vm4, s6, v48;
	vm0 =	vgt.f32 v17, v10;
	vm5 =	vgt.f32 v23, v19  }
0x5c: {  	v4 =	vld [tilespmem:$0x1FFA0];
	vm7 =	vgt.f32 v25, v21;
	v18 =	vsel vm0, v17, v10;
	v10 =	vsel vm2, v13, v56  }
0x5d: {  	v2 =	vld [tilespmem:$0x1FF80];
	vm8 =	vgt.f32 v26, v22;
	vm12 =	vgt.f32 v30, v33;
	vm6 =	vgt.f32 v24, v10  }
0x5e: {  	v7 =	vld [tilespmem:$0x1FFD0];
	v19 =	vsel vm5, v23, v19;
	v20 =	vsel vm6, v24, v10;
	v10 =	vmax.f32 v27, v29  }
0x5f: {  	v5 =	vld [tilespmem:$0x1FFB0];
	s26 =	sadd.s32 $0x3, s26;
	v21 =	vsel vm7, v25, v21;
	v22 =	vsel vm8, v26, v22;
	v1 =	vmax.f32 v1, v10  }
0x60: {  	v6 =	vld [tilespmem:$0x1FFC0];
	v28 =	vsel vm5, s26, v28;
	v1 =	vmax.f32 v0, v1;
	v0 =	vmax.f32 v36, v58  }
0x61: {  	vm13 =	veq.f32 v11, v1;
	vm14 =	veq.f32 v12, v1;
	vm15 =	veq.f32 v31, v0  }
0x62: {  	v36 =	vnsel vm13, $0x4E6E6B28, v2;
	vm13 =	veq.f32 v13, v1;
	v59 =	vnsel vm14, $0x4E6E6B28, v3  }
0x63: {  	s9 =	simm.s32 $0x180;
	vm14 =	veq.f32 v14, v1;
	v53 =	vnsel vm15, $0x4E6E6B28, v7;
	v38 =	vnsel vm13, $0x4E6E6B28, v4  }
0x64: {  	v10 =	vld [tilespmem:s9+$0xFFFFFF80];
	vm13 =	veq.f32 v15, v1;
	v39 =	vnsel vm14, $0x4E6E6B28, v5;
	vm14 =	veq.f32 v16, v1  }
0x65: {  	v11 =	vld [tilespmem:s9+$0xFFFFFF90];
	v59 =	vmin.f32 v36, v59;
	v40 =	vnsel vm13, $0x4E6E6B28, v6;
	vm13 =	veq.f32 v27, v1  }
0x66: {  	v27 =	vnsel vm14, $0x4E6E6B28, v8;
	vm14 =	veq.f32 v29, v1;
	v60 =	vmin.f32 v38, v39  }
0x67: {  	v12 =	vld [tilespmem:s9+$0xFFFFFFA0];
	v29 =	vnsel vm13, $0x4E6E6B28, v7;
	vm13 =	veq.f32 v17, v0;
	v41 =	vnsel vm14, $0x4E6E6B28, v9  }
0x68: {  	v13 =	vld [tilespmem:s9+$0xFFFFFFB0];
	vm14 =	veq.f32 v23, v0;
	v27 =	vmin.f32 v40, v27;
	v55 =	vmin.f32 v59, v60  }
0x69: {  	v42 =	vnsel vm13, $0x4E6E6B28, v2;
	vm13 =	veq.f32 v24, v0;
	v43 =	vnsel vm14, $0x4E6E6B28, v3  }
0x6a: {  	v14 =	vld [tilespmem:s9+$0xFFFFFFC0];
	vm14 =	veq.f32 v25, v0;
	v29 =	vmin.f32 v29, v41;
	v56 =	vmax.f32 v10, v11  }
0x6b: {  	v16 =	vld [tilespmem:s9+$0xFFFFFFD0];
	v25 =	vnsel vm13, $0x4E6E6B28, v4;
	vm13 =	veq.f32 v26, v0;
	v26 =	vnsel vm14, $0x4E6E6B28, v5  }
0x6c: {  	vm14 =	veq.f32 v30, v0;
	v30 =	vsel vm12, v30, v33;
	v63 =	vmin.f32 v42, v43  }
0x6d: {  	v61 =	vld [tilespmem:s9+$0x30];
	v59 =	vmax.f32 v12, v13;
	v27 =	vmin.f32 v27, v29;
	v44 =	vnsel vm13, $0x4E6E6B28, v6  }
0x6e: {  	v15 =	vld [tilespmem:s9+$0x0];
	v57 =	vnsel vm14, $0x4E6E6B28, v8;
	vm13 =	vgt.f32 v31, v34;
	vm14 =	veq.f32 v32, v0  }
0x6f: {  	v17 =	vld [tilespmem:s9+$0x10];
	v25 =	vmin.f32 v25, v26;
	v29 =	vmax.f32 v56, v59;
	v26 =	vmin.f32 v55, v27  }
0x70: {  	v23 =	vld [tilespmem:s9+$0x20];
	v60 =	vmax.f32 v14, v16;
	v56 =	vsel vm1, s6, v52;
	v59 =	vsel vm11, s6, v45  }
0x71: {  	v24 =	vld [tilespmem:s9+$0xFFFFFFE0];
	vm1 =	vgt.f32 v10, v18;
	v58 =	vnsel vm14, $0x4E6E6B28, v9;
	vm14 =	vgt.f32 v32, v35  }
0x72: {  	v33 =	vld [tilespmem:s9+$0xFFFFFFF0];
	v31 =	vsel vm13, v31, v34;
	v57 =	vmin.f32 v44, v57;
	v25 =	vmin.f32 v63, v25  }
0x73: {  	v40 =	vsel vm0, s26, v56;
	vm0 =	vgt.f32 v11, v19;
	v18 =	vsel vm1, v10, v18  }
0x74: {  	v37 =	vld [tilespmem:s9+$0x60];
	v32 =	vsel vm14, v32, v35;
	v58 =	vmin.f32 v53, v58;
	v51 =	vmax.f32 v15, v17  }
0x75: {  	v34 =	vld [tilespmem:s9+$0x70];
	v53 =	vmax.f32 v23, v61;
	v43 =	vsel vm14, s26, v59;
	v19 =	vsel vm0, v11, v19  }
0x76: {  	v62 =	vld [tilespmem:s9+$0x40];
	v27 =	vmin.f32 v57, v58;
	v38 =	vmax.f32 v51, v53;
	v57 =	vsel vm9, s6, v47  }
0x77: {  	v35 =	vld [tilespmem:s9+$0x50];
	v58 =	vsel vm10, s6, v46;
	v46 =	vsel vm8, s26, v48;
	v63 =	vmax.f32 v24, v33  }
0x78: {  	v41 =	vsel vm12, s26, v57;
	v42 =	vsel vm13, s26, v58;
	v36 =	vmax.f32 v60, v63  }
0x79: {  	v60 =	vsel vm2, s6, v50;
	v63 =	vsel vm3, s6, v49;
	vm2 =	vgt.f32 v13, v21  }
0x7a: {  	s9 =	sadd.s32 $0x0, s1;
	vm3 =	vgt.f32 v14, v22;
	v55 =	vmax.f32 v37, v34;
	v44 =	vsel vm6, s26, v60  }
0x7b: {  	v47 =	vsel vm7, s26, v63;
	s26 =	sadd.s32 $0x2, s9;
	v50 =	vsel vm2, v13, v21;
	v51 =	vsel vm3, v14, v22  }
0x7c: {  	vm7 =	vgt.f32 v16, v30;
	v54 =	vmax.f32 v62, v35;
	v28 =	vsel vm0, s26, v28  }
0x7d: {  	vm0 =	vgt.f32 v15, v18;
	v40 =	vsel vm1, s26, v40;
	vm1 =	vgt.f32 v17, v19  }
0x7e: {  	vm5 =	vgt.f32 v61, v50;
	vm6 =	vgt.f32 v62, v51;
	v53 =	vsel vm7, v16, v30  }
0x7f: {  	s6 =	sadd.s32 $0x3, s9;
	v57 =	vsel vm7, s26, v41;
	vm7 =	vgt.f32 v24, v31;
	v39 =	vmax.f32 v54, v55  }
0x80: {  	v60 =	vsel vm0, v15, v18;
	v59 =	vsel vm1, v17, v19;
	v45 =	vsel vm1, s6, v28  }
0x81: {  	vm1 =	vgt.f32 v12, v20;
	v56 =	vsel vm5, v61, v50;
	v54 =	vsel vm6, v62, v51  }
0x82: {  	v58 =	vsel vm7, v24, v31;
	v41 =	vsel vm7, s26, v42;
	vm7 =	vgt.f32 v33, v32  }
0x83: {  	v52 =	vsel vm0, s6, v40;
	v49 =	vsel vm1, v12, v20;
	v42 =	vsel vm7, v33, v32  }
0x84: {  	v63 =	vsel vm7, s26, v43;
	vm7 =	vgt.f32 v35, v53;
	v32 =	vsel vm1, s26, v44  }
0x85: {  	v43 =	vmax.f32 v29, v36;
	v44 =	vmax.f32 v38, v39;
	vm4 =	vgt.f32 v23, v49  }
0x86: {  	v53 =	vsel vm7, v35, v53;
	vm13 =	veq.f32 v10, v43;
	vm14 =	veq.f32 v11, v43  }
0x87: {  	vm0 =	veq.f32 v12, v43;
	vm1 =	veq.f32 v16, v43;
	vm8 =	veq.f32 v33, v43  }
0x88: {  	vm9 =	veq.f32 v17, v44;
	vm10 =	veq.f32 v23, v44;
	vm11 =	veq.f32 v62, v44  }
0x89: {  	vm12 =	veq.f32 v35, v44;
	v55 =	vsel vm4, v23, v49;
	v49 =	vsel vm7, s6, v57  }
0x8a: {  	s9 =	simm.s32 $0x12810;
	vm7 =	vgt.f32 v37, v58;
	v48 =	vsel vm4, s6, v32;
	vm4 =	veq.f32 v13, v43  }
0x8b: {  	[tilespmem:s9+$0xFFFFFFF0] =	vst v1;
	v13 =	vnsel vm13, $0x4E6E6B28, v2;
	vm13 =	veq.f32 v34, v44;
	v57 =	vsel vm7, v37, v58  }
0x8c: {  	s28 =	simm.s32 $0x12830;
	[tilespmem:s9+$0x0] =	vst v0;
	v50 =	vsel vm7, s6, v41;
	vm7 =	vgt.f32 v34, v42;
	v41 =	vsel vm2, s26, v47  }
0x8d: {  	[tilespmem:s28+$0xFFFFFFF0] =	vst v43;
	vm2 =	veq.f32 v37, v44;
	v58 =	vsel vm7, v34, v42;
	v51 =	vsel vm7, s6, v63  }
0x8e: {  	[tilespmem:s28+$0x0] =	vst v44;
	v42 =	vsel vm3, s26, v46;
	v46 =	vsel vm5, s6, v41;
	v63 =	vmin.f32 v25, v27;
	s26 =	simm.s32 $0x13810  }
0x8f: {  	vm5 =	veq.f32 v14, v43;
	vm7 =	veq.f32 v24, v43;
	vm3 =	veq.f32 v15, v44;
	[tilespmem:s26+$0xFFFFFFF0] =	vst v26  }
0x90: {  	s30 =	simm.s32 $0x2;
	s31 =	simm.s32 $0x280;
	v14 =	vnsel vm14, $0x4E6E6B28, v3;
	v47 =	vsel vm6, s6, v42;
	vm6 =	veq.f32 v61, v44;
	[tilespmem:s26+$0x0] =	vst v63  }
.LBB2_3:
0x91: {  	v0 =	vld [tilespmem:s31+$0xFFFFFF80];
	v15 =	vnsel vm0, $0x4E6E6B28, v4;
	v16 =	vnsel vm4, $0x4E6E6B28, v5;
	v17 =	vnsel vm5, $0x4E6E6B28, v6;
	s6 =	smov.u32 s30  }
0x92: {  	v18 =	vnsel vm1, $0x4E6E6B28, v8;
	v19 =	vnsel vm7, $0x4E6E6B28, v7;
	v20 =	vnsel vm8, $0x4E6E6B28, v9;
	v1 =	vld [tilespmem:s31+$0xFFFFFF90]  }
0x93: {  	v21 =	vnsel vm3, $0x4E6E6B28, v2;
	v22 =	vnsel vm9, $0x4E6E6B28, v3;
	v23 =	vnsel vm10, $0x4E6E6B28, v4;
	v10 =	vld [tilespmem:s31+$0xFFFFFFA0]  }
0x94: {  	v24 =	vnsel vm6, $0x4E6E6B28, v5;
	v25 =	vnsel vm11, $0x4E6E6B28, v6;
	v26 =	vnsel vm12, $0x4E6E6B28, v8;
	v11 =	vld [tilespmem:s31+$0xFFFFFFB0]  }
0x95: {  	v13 =	vmin.f32 v13, v14;
	v14 =	vnsel vm2, $0x4E6E6B28, v7;
	v27 =	vnsel vm13, $0x4E6E6B28, v9;
	v12 =	vld [tilespmem:s31+$0xFFFFFFC0]  }
0x96: {  	v15 =	vmin.f32 v15, v16;
	v16 =	vmin.f32 v17, v18;
	v17 =	vmin.f32 v19, v20;
	v28 =	vld [tilespmem:s31+$0xFFFFFFD0]  }
0x97: {  	v20 =	vmin.f32 v21, v22;
	v21 =	vmin.f32 v23, v24;
	v18 =	vmax.f32 v0, v1;
	v19 =	vld [tilespmem:s31+$0x0]  }
0x98: {  	v14 =	vmin.f32 v14, v27;
	v13 =	vmin.f32 v13, v15;
	v15 =	vmin.f32 v25, v26;
	v22 =	vld [tilespmem:s31+$0x10]  }
0x99: {  	s30 =	sadd.s32 $0x2, s30;
	v16 =	vmin.f32 v16, v17;
	v17 =	vmin.f32 v20, v21;
	v23 =	vld [tilespmem:s31+$0xFFFFFFE0];
	v24 =	vmax.f32 v10, v11  }
0x9a: {  	s26 =	sadd.s32 $0x20, s26;
	s6 =	sadd.s32 s6, s1;
	p0 =	slt.u32 s30, $0xFE;
	v13 =	vmin.f32 v13, v16;
	v14 =	vmin.f32 v15, v14;
	v18 =	vmax.f32 v18, v24;
	v20 =	vld [tilespmem:s31+$0x20]  }
0x9b: {  	s8 =	sadd.s32 $0x2, s6;
	vm0 =	vgt.f32 v0, v60;
	vm1 =	vgt.f32 v1, v59;
	v15 =	vmax.f32 v12, v28;
	v16 =	vld [tilespmem:s31+$0x30];
	[tilespmem:s26+$0xFFFFFFF0] =	vst v13  }
0x9c: {  	v21 =	vsel vm1, v1, v59;
	v24 =	vsel vm1, s8, v45;
	v13 =	vsel vm0, v0, v60;
	v25 =	vld [tilespmem:s31+$0x40]  }
0x9d: {  	s9 =	sadd.s32 $0x3, s6;
	v27 =	vsel vm0, s8, v52;
	vm0 =	vgt.f32 v19, v13;
	v26 =	vld [tilespmem:s31+$0xFFFFFFF0];
	vm1 =	vgt.f32 v22, v21  }
0x9e: {  	v60 =	vsel vm0, v19, v13;
	v29 =	vld [tilespmem:s31+$0x50];
	v59 =	vsel vm1, v22, v21;
	v45 =	vsel vm1, s9, v24  }
0x9f: {  	vm2 =	vgt.f32 v11, v56;
	vm3 =	vgt.f32 v12, v54;
	vm1 =	vgt.f32 v10, v55;
	v13 =	vld [tilespmem:s31+$0x60]  }
0xa0: {  	v30 =	vsel vm3, v12, v54;
	v24 =	vsel vm2, v11, v56;
	v21 =	vsel vm1, v10, v55;
	v31 =	vld [tilespmem:s31+$0x70]  }
0xa1: {  	vm4 =	vgt.f32 v20, v21;
	vm5 =	vgt.f32 v16, v24;
	vm6 =	vgt.f32 v25, v30  }
0xa2: {  	v55 =	vsel vm4, v20, v21;
	v56 =	vsel vm5, v16, v24;
	v54 =	vsel vm6, v25, v30  }
0xa3: {  	vm7 =	vgt.f32 v28, v53;
	vm8 =	vgt.f32 v23, v57;
	vm9 =	vgt.f32 v26, v58  }
0xa4: {  	v21 =	vsel vm7, v28, v53;
	v24 =	vsel vm8, v23, v57;
	v30 =	vsel vm9, v26, v58  }
0xa5: {  	vm10 =	vgt.f32 v29, v21;
	vm11 =	vgt.f32 v13, v24;
	vm12 =	vgt.f32 v31, v30  }
0xa6: {  	s6 =	simm.s32 $0x0;
	v53 =	vsel vm10, v29, v21;
	v57 =	vsel vm11, v13, v24;
	v58 =	vsel vm12, v31, v30  }
0xa7: {  	v21 =	vsel vm7, s8, v49;
	v24 =	vsel vm8, s8, v50;
	v30 =	vsel vm9, s8, v51  }
0xa8: {  	v49 =	vsel vm10, s9, v21;
	v50 =	vsel vm11, s9, v24;
	v51 =	vsel vm12, s9, v30  }
0xa9: {  	v21 =	vsel vm1, s8, v48;
	v24 =	vsel vm2, s8, v46;
	v30 =	vsel vm3, s8, v47  }
0xaa: {  	v48 =	vsel vm4, s9, v21;
	v46 =	vsel vm5, s9, v24;
	v47 =	vsel vm6, s9, v30  }
0xab: {  	v52 =	vsel vm0, s9, v27;
	v21 =	vmax.f32 v23, v26;
	v24 =	vmax.f32 v19, v22  }
0xac: {  	v27 =	vmax.f32 v20, v16;
	v32 =	vmax.f32 v13, v31;
	v30 =	vmax.f32 v25, v29  }
0xad: {  	v15 =	vmax.f32 v15, v21;
	v21 =	vmax.f32 v24, v27;
	v24 =	vmax.f32 v30, v32  }
0xae: {  	s28 =	sadd.s32 $0x20, s28;
	v14 =	vmin.f32 v17, v14;
	v15 =	vmax.f32 v18, v15;
	v18 =	vmax.f32 v21, v24  }
0xaf: {  	vm13 =	veq.f32 v0, v15;
	vm14 =	veq.f32 v1, v15;
	vm0 =	veq.f32 v10, v15;
	[tilespmem:s28+$0xFFFFFFF0] =	vst v15  }
.Ltmp0:
0xb0: {  	vm4 =	veq.f32 v11, v15;
	vm5 =	veq.f32 v12, v15;
	vm1 =	veq.f32 v28, v15;
	[tilespmem:s28+$0x0] =	vst v18;
	(pc) =	sbr.rel @p0 .LBB2_3-.Ltmp0, $4  }
0xb1: {  	vm7 =	veq.f32 v23, v15;
	vm8 =	veq.f32 v26, v15;
	vm3 =	veq.f32 v19, v18;
	[tilespmem:s26+$0x0] =	vst v14  }
0xb2: {  	vm9 =	veq.f32 v22, v18;
	vm10 =	veq.f32 v20, v18;
	vm6 =	veq.f32 v16, v18  }
0xb3: {  	vm11 =	veq.f32 v25, v18;
	vm12 =	veq.f32 v29, v18;
	vm2 =	veq.f32 v13, v18  }
0xb4: {  	s31 =	sadd.s32 $0x100, s31;
	v13 =	vnsel vm13, $0x4E6E6B28, v2;
	vm13 =	veq.f32 v31, v18;
	v14 =	vnsel vm14, $0x4E6E6B28, v3  }
0xb5: {  	v0 =	vnsel vm0, $0x4E6E6B28, v4;
	v1 =	vnsel vm4, $0x4E6E6B28, v5  }
0xb6: {  	v10 =	vnsel vm5, $0x4E6E6B28, v6;
	v11 =	vnsel vm1, $0x4E6E6B28, v8;
	v12 =	vnsel vm7, $0x4E6E6B28, v7  }
0xb7: {  	v15 =	vnsel vm8, $0x4E6E6B28, v9;
	v16 =	vnsel vm3, $0x4E6E6B28, v2;
	v17 =	vnsel vm9, $0x4E6E6B28, v3  }
0xb8: {  	v18 =	vnsel vm10, $0x4E6E6B28, v4;
	v19 =	vnsel vm6, $0x4E6E6B28, v5;
	v20 =	vnsel vm11, $0x4E6E6B28, v6  }
0xb9: {  	v21 =	vnsel vm12, $0x4E6E6B28, v8;
	v13 =	vmin.f32 v13, v14;
	v14 =	vnsel vm2, $0x4E6E6B28, v7  }
0xba: {  	v22 =	vnsel vm13, $0x4E6E6B28, v9;
	v0 =	vmin.f32 v0, v1;
	v1 =	vmin.f32 v10, v11  }
0xbb: {  	v10 =	vmin.f32 v12, v15;
	v11 =	vmin.f32 v16, v17;
	v12 =	vmin.f32 v18, v19  }
0xbc: {  	v14 =	vmin.f32 v14, v22;
	v0 =	vmin.f32 v13, v0;
	v13 =	vmin.f32 v20, v21  }
0xbd: {  	v1 =	vmin.f32 v1, v10;
	v10 =	vmin.f32 v11, v12;
	v12 =	vlaneseq.u32  }
0xbe: {  	v11 =	vmin.f32 v13, v14;
	v14 =	vmul.u32 $0x10, v12;
	_ =	sdelay $0x1  }
0xbf: {  	v4 =	vor.u32 $0xE, v14  }
0xc0: {  	v34 =	vor.u32 $0xC, v14;
	[tilespmem:$0x1FE00] =	vst v4  }
0xc1: {  	v5 =	vor.u32 $0xD, v14;
	[tilespmem:$0x1FDC0] =	vst v34  }
0xc2: {  	v8 =	vor.u32 $0xA, v14;
	[tilespmem:$0x1FDE0] =	vst v5  }
0xc3: {  	v7 =	vor.u32 $0xB, v14;
	[tilespmem:$0x1FD80] =	vst v8  }
0xc4: {  	v9 =	vor.u32 $0x8, v14;
	[tilespmem:$0x1FDA0] =	vst v7  }
0xc5: {  	v0 =	vmin.f32 v0, v1;
	v24 =	vor.u32 $0x9, v14;
	[tilespmem:$0x1FD40] =	vst v9  }
0xc6: {  	v1 =	vmin.f32 v10, v11;
	v10 =	vand.u32 $0x7, v12;
	v6 =	vor.u32 $0x6, v14;
	[tilespmem:$0x1FD60] =	vst v24  }
0xc7: {  	v61 =	vmul.u32 $0x10, v10;
	v3 =	vor.u32 $0x3, v14;
	[tilespmem:$0x1FD10] =	vst v6  }
0xc8: {  	v2 =	vor.u32 $0x2, v14;
	[tilespmem:$0x1FF20] =	vst v3  }
0xc9: {  	v32 =	vor.u32 $0x1, v14;
	[tilespmem:$0x1FF30] =	vst v2;
	v11 =	vor.u32 s6, v5;
	v5 =	vor.u32 $0xFFFFFF81, v61  }
0xca: {  	v12 =	vor.u32 s6, v32;
	v13 =	vor.u32 s6, v2;
	v2 =	vor.u32 $0xFFFFFF83, v61;
	[tilespmem:$0x1FCB0] =	vst v5  }
0xcb: {  	v12 =	vand.u32 v5, v12;
	v5 =	vor.u32 $0xFFFFFF82, v61;
	[tilespmem:$0x1FCD0] =	vst v2  }
0xcc: {  	s8 =	sadd.s32 $0x20, s26;
	v10 =	vor.u32 s6, v14;
	v39 =	vor.u32 $0xFFFFFF80, v61;
	[tilespmem:$0x1FCC0] =	vst v5  }
0xcd: {  	v26 =	vor.u32 $0x7, v14;
	v28 =	vor.u32 $0x5, v14;
	v10 =	vand.u32 v39, v10;
	[tilespmem:s8+$0xFFFFFFF0] =	vst v0  }
0xce: {  	v42 =	vor.u32 $0xFFFFFF86, v61;
	[tilespmem:s8+$0x0] =	vst v1;
	v1 =	vor.u32 s6, v28;
	v0 =	vor.u32 $0xFFFFFF85, v61  }
0xcf: {  	v13 =	vand.u32 v5, v13;
	v17 =	vand.u32 v0, v1;
	v1 =	vor.u32 s6, v6  }
0xd0: {  	v27 =	vor.u32 $0x4, v14;
	v15 =	vor.u32 s6, v3;
	v19 =	vand.u32 v42, v1  }
0xd1: {  	v62 =	vor.u32 $0xFFFFFF84, v61;
	v38 =	vor.u32 $0xFFFFFF88, v61;
	v63 =	vand.u32 v2, v15;
	[tilespmem:$0x1FD00] =	vst v0  }
0xd2: {  	v43 =	vor.u32 $0xFFFFFF89, v61;
	v0 =	vor.u32 $0xFFFFFF87, v61;
	v1 =	vor.u32 s6, v26;
	v16 =	vld.idx.msk [tilespmem:v10+s17+$0x0], $0xffff  }
0xd3: {  	v15 =	vor.u32 s6, v27;
	v18 =	vld.idx.msk [tilespmem:v12+s17+$0x0], $0xffff;
	[tilespmem:$0x1FD30] =	vst v0;
	v21 =	vand.u32 v0, v1;
	v1 =	vor.u32 s6, v9  }
0xd4: {  	v15 =	vand.u32 v62, v15;
	v20 =	vld.idx.msk [tilespmem:v13+s17+$0x0], $0xffff;
	v23 =	vand.u32 v38, v1;
	v1 =	vor.u32 s6, v24  }
0xd5: {  	v31 =	vor.u32 $0xFFFFFF8A, v61;
	v25 =	vand.u32 v43, v1;
	v1 =	vor.u32 s6, v8;
	v2 =	vld.idx.msk [tilespmem:v19+s17+$0x0], $0xffff  }
0xd6: {  	v22 =	vld.idx.msk [tilespmem:v63+s17+$0x0], $0xffff;
	v30 =	vand.u32 v31, v1  }
0xd7: {  	v8 =	vor.u32 $0xFFFFFF8B, v61;
	v1 =	vor.u32 s6, v7  }
0xd8: {  	v9 =	vor.u32 $0xFFFFFF8C, v61;
	v33 =	vand.u32 v8, v1;
	v1 =	vor.u32 s6, v34  }
0xd9: {  	v29 =	vld.idx.msk [tilespmem:v15+s17+$0x0], $0xffff;
	v36 =	vand.u32 v9, v1;
	v1 =	vmax.f32 v16, v18  }
0xda: {  	v40 =	vld.idx.msk [tilespmem:v17+s17+$0x0], $0xffff;
	v1 =	vmax.f32 v1, v20;
	[tilespmem:$0x1FCF0] =	vst v2  }
0xdb: {  	v0 =	vmax.f32 v1, v22;
	v1 =	vld.idx.msk [tilespmem:v30+s17+$0x0], $0xffff;
	_ =	sdelay $0x2  }
0xdc: {  	v7 =	vld.idx.msk [tilespmem:v21+s17+$0x0], $0xffff  }
0xdd: {  	v6 =	vld.idx.msk [tilespmem:v23+s17+$0x0], $0xffff  }
0xde: {  	v5 =	vld.idx.msk [tilespmem:v25+s17+$0x0], $0xffff;
	[tilespmem:$0x1FE60] =	vst v1  }
0xdf: {  	v41 =	vor.u32 s6, v4;
	v4 =	vld.idx.msk [tilespmem:v33+s17+$0x0], $0xffff;
	_ =	sdelay $0x4  }
0xe0: {  	[tilespmem:$0x1FE70] =	vst v4  }
0xe1: {  	v24 =	vor.u32 $0xFFFFFF8D, v61;
	v3 =	vld.idx.msk [tilespmem:v36+s17+$0x0], $0xffff  }
0xe2: {  	v11 =	vand.u32 v24, v11;
	_ =	sdelay $0x2  }
0xe3: {  	v0 =	vmax.f32 v0, v29  }
0xe4: {  	v0 =	vmax.f32 v0, v40;
	[tilespmem:$0x1FEA0] =	vst v3  }
0xe5: {  	v35 =	vor.u32 $0xFFFFFF8E, v61;
	v0 =	vmax.f32 v0, v2;
	v2 =	vld.idx.msk [tilespmem:v11+s17+$0x0], $0xffff  }
0xe6: {  	v34 =	vand.u32 v35, v41;
	_ =	sdelay $0x3  }
0xe7: {  	[tilespmem:$0x1FEB0] =	vst v2  }
0xe8: {  	v37 =	vor.u32 $0xF, v14;
	v44 =	vmax.f32 v0, v7;
	v0 =	vld.idx.msk [tilespmem:v34+s17+$0x0], $0xffff  }
0xe9: {  	v41 =	vor.u32 s6, v37;
	_ =	sdelay $0x2  }
0xea: {  	v44 =	vmax.f32 v44, v6  }
0xeb: {  	v44 =	vmax.f32 v44, v5;
	[tilespmem:$0x1FEE0] =	vst v0  }
0xec: {  	v44 =	vmax.f32 v44, v1;
	v1 =	vld.idx.msk [tilespmem:v41+s17+$0x0], $0xffff;
	_ =	sdelay $0x1  }
0xed: {  	v44 =	vmax.f32 v44, v4  }
0xee: {  	v44 =	vmax.f32 v44, v3  }
0xef: {  	v44 =	vmax.f32 v44, v2;
	v10 =	vld.idx.msk [tilespmem:v10+s18+$0x0], $0xffff  }
0xf0: {  	v44 =	vmax.f32 v44, v0;
	v12 =	vld.idx.msk [tilespmem:v12+s18+$0x0], $0xffff;
	[tilespmem:$0x1FEF0] =	vst v1  }
0xf1: {  	v0 =	vmax.f32 v44, v1;
	v1 =	vld.idx.msk [tilespmem:v21+s18+$0x0], $0xffff  }
0xf2: {  	v13 =	vld.idx.msk [tilespmem:v13+s18+$0x0], $0xffff  }
0xf3: {  	v63 =	vld.idx.msk [tilespmem:v63+s18+$0x0], $0xffff  }
0xf4: {  	v15 =	vld.idx.msk [tilespmem:v15+s18+$0x0], $0xffff  }
0xf5: {  	v17 =	vld.idx.msk [tilespmem:v17+s18+$0x0], $0xffff  }
0xf6: {  	v19 =	vld.idx.msk [tilespmem:v19+s18+$0x0], $0xffff;
	[tilespmem:$0x1FE10] =	vst v1  }
0xf7: {  	v1 =	vld.idx.msk [tilespmem:v23+s18+$0x0], $0xffff;
	_ =	sdelay $0x4  }
0xf8: {  	[tilespmem:$0x1FE40] =	vst v1;
	v1 =	vld [tilespmem:$0x1FF20];
	_ =	sdelay $0x3  }
0xf9: {  	s26 =	simm.s32 $0x100  }
0xfa: {  	v21 =	vor.u32 s26, v1;
	v1 =	vld.idx.msk [tilespmem:v25+s18+$0x0], $0xffff;
	_ =	sdelay $0x4  }
0xfb: {  	[tilespmem:$0x1FE50] =	vst v1;
	v1 =	vld [tilespmem:$0x1FF30];
	_ =	sdelay $0x4  }
0xfc: {  	v44 =	vor.u32 s26, v1;
	v1 =	vld.idx.msk [tilespmem:v30+s18+$0x0], $0xffff;
	_ =	sdelay $0x4  }
0xfd: {  	[tilespmem:$0x1FE80] =	vst v1  }
0xfe: {  	v1 =	vld.idx.msk [tilespmem:v33+s18+$0x0], $0xffff;
	_ =	sdelay $0x3  }
0xff: {  	[tilespmem:$0x1FCA0] =	vst v39  }
0x100: {  	[tilespmem:$0x1FE90] =	vst v1  }
0x101: {  	v1 =	vld.idx.msk [tilespmem:v36+s18+$0x0], $0xffff;
	_ =	sdelay $0x4  }
0x102: {  	[tilespmem:$0x1FEC0] =	vst v1;
	v1 =	vld [tilespmem:$0x1FCB0];
	_ =	sdelay $0x3  }
0x103: {  	v30 =	vor.u32 s26, v32  }
0x104: {  	v2 =	vand.u32 v1, v30;
	v1 =	vld.idx.msk [tilespmem:v11+s18+$0x0], $0xffff;
	_ =	sdelay $0x4  }
0x105: {  	[tilespmem:$0x1FED0] =	vst v1;
	v1 =	vld [tilespmem:$0x1FCC0];
	_ =	sdelay $0x4  }
0x106: {  	v23 =	vand.u32 v1, v44;
	v1 =	vld.idx.msk [tilespmem:v34+s18+$0x0], $0xffff;
	_ =	sdelay $0x4  }
0x107: {  	[tilespmem:$0x1FF00] =	vst v1;
	v1 =	vld [tilespmem:$0x1FCD0];
	_ =	sdelay $0x4  }
0x108: {  	v21 =	vand.u32 v1, v21;
	v1 =	vld.idx.msk [tilespmem:v41+s18+$0x0], $0xffff;
	_ =	sdelay $0x4  }
0x109: {  	vm0 =	veq.f32 v16, v0;
	vm1 =	veq.f32 v18, v0;
	[tilespmem:$0x1FF10] =	vst v1;
	v1 =	vld [tilespmem:$0x1FCF0]  }
0x10a: {  	v10 =	vnsel vm0, $0x4E6E6B28, v10;
	v12 =	vnsel vm1, $0x4E6E6B28, v12;
	vm0 =	veq.f32 v20, v0  }
0x10b: {  	v10 =	vmin.f32 v10, v12;
	v12 =	vnsel vm0, $0x4E6E6B28, v13;
	vm0 =	veq.f32 v22, v0  }
0x10c: {  	v22 =	vnsel vm0, $0x4E6E6B28, v63;
	vm0 =	veq.f32 v29, v0  }
0x10d: {  	v15 =	vnsel vm0, $0x4E6E6B28, v15;
	vm0 =	veq.f32 v40, v0  }
0x10e: {  	v17 =	vnsel vm0, $0x4E6E6B28, v17;
	vm0 =	veq.f32 v1, v0;
	v1 =	vld [tilespmem:$0x1FD00];
	_ =	sdelay $0x3  }
0x10f: {  	v41 =	vor.u32 s26, v28  }
0x110: {  	v33 =	vand.u32 v1, v41;
	v1 =	vld [tilespmem:$0x1FD10];
	_ =	sdelay $0x4  }
0x111: {  	v44 =	vor.u32 s26, v1;
	v1 =	vld [tilespmem:$0x1FD30];
	_ =	sdelay $0x2  }
0x112: {  	v29 =	vor.u32 s26, v27  }
0x113: {  	v29 =	vand.u32 v62, v29;
	[tilespmem:$0x1FCE0] =	vst v62;
	v62 =	vor.u32 s26, v26  }
0x114: {  	v36 =	vand.u32 v1, v62;
	v1 =	vld [tilespmem:$0x1FD40];
	_ =	sdelay $0x4  }
0x115: {  	v63 =	vor.u32 s26, v1;
	v1 =	vld [tilespmem:$0x1FD60];
	_ =	sdelay $0x1  }
0x116: {  	v16 =	vor.u32 s26, v14  }
0x117: {  	v20 =	vand.u32 v39, v16;
	_ =	sdelay $0x1  }
0x118: {  	v40 =	vor.u32 s26, v1;
	v1 =	vld [tilespmem:$0x1FD80];
	_ =	sdelay $0x2  }
0x119: {  	v10 =	vmin.f32 v10, v12;
	v25 =	vld.idx.msk [tilespmem:v20+s17+$0x0], $0xffff  }
0x11a: {  	v10 =	vmin.f32 v10, v22;
	v22 =	vld.idx.msk [tilespmem:v2+s17+$0x0], $0xffff;
	[tilespmem:$0x1FD20] =	vst v42  }
0x11b: {  	v34 =	vand.u32 v42, v44;
	v42 =	vld.idx.msk [tilespmem:v23+s17+$0x0], $0xffff;
	v1 =	vor.u32 s26, v1  }
0x11c: {  	[tilespmem:$0x1FD50] =	vst v38;
	v41 =	vand.u32 v38, v63;
	v38 =	vand.u32 v31, v1;
	v1 =	vld [tilespmem:$0x1FDA0];
	_ =	sdelay $0x4  }
0x11d: {  	v30 =	vor.u32 s26, v1;
	v1 =	vld [tilespmem:$0x1FDC0];
	_ =	sdelay $0x1  }
0x11e: {  	v44 =	vld.idx.msk [tilespmem:v21+s17+$0x0], $0xffff;
	[tilespmem:$0x1FD70] =	vst v43  }
0x11f: {  	v63 =	vld.idx.msk [tilespmem:v29+s17+$0x0], $0xffff;
	[tilespmem:$0x1FD90] =	vst v31  }
0x120: {  	v31 =	vld.idx.msk [tilespmem:v33+s17+$0x0], $0xffff;
	[tilespmem:$0x1FDB0] =	vst v8  }
0x121: {  	v18 =	vld.idx.msk [tilespmem:v34+s17+$0x0], $0xffff;
	v1 =	vor.u32 s26, v1  }
0x122: {  	v3 =	vand.u32 v43, v40;
	[tilespmem:$0x1FDD0] =	vst v9;
	v43 =	vand.u32 v9, v1;
	v9 =	vld [tilespmem:$0x1FDE0]  }
0x123: {  	v4 =	vld [tilespmem:$0x1FE00]  }
0x124: {  	v19 =	vnsel vm0, $0x4E6E6B28, v19;
	vm0 =	veq.f32 v6, v0;
	v6 =	vld [tilespmem:$0x1FE10];
	_ =	sdelay $0x2  }
0x125: {  	v1 =	vor.u32 s26, v9  }
0x126: {  	vm1 =	veq.f32 v7, v0;
	v7 =	vand.u32 v24, v1;
	v1 =	vor.u32 s26, v4  }
0x127: {  	v62 =	vnsel vm1, $0x4E6E6B28, v6;
	v6 =	vand.u32 v35, v1;
	v1 =	vld [tilespmem:$0x1FE40];
	_ =	sdelay $0x1  }
0x128: {  	v10 =	vmin.f32 v10, v15  }
0x129: {  	v10 =	vmin.f32 v10, v17  }
0x12a: {  	v11 =	vmin.f32 v10, v19  }
0x12b: {  	v11 =	vmin.f32 v11, v62;
	v62 =	vnsel vm0, $0x4E6E6B28, v1;
	v1 =	vld [tilespmem:$0x1FE50];
	_ =	sdelay $0x3  }
0x12c: {  	vm1 =	veq.f32 v5, v0  }
0x12d: {  	v11 =	vmin.f32 v11, v62;
	v62 =	vnsel vm1, $0x4E6E6B28, v1;
	v1 =	vld [tilespmem:$0x1FE60];
	_ =	sdelay $0x4  }
0x12e: {  	vm0 =	veq.f32 v1, v0;
	v1 =	vld [tilespmem:$0x1FE70];
	_ =	sdelay $0x4  }
0x12f: {  	vm1 =	veq.f32 v1, v0;
	v1 =	vld [tilespmem:$0x1FE80]  }
0x130: {  	v16 =	vld.idx.msk [tilespmem:v36+s17+$0x0], $0xffff;
	[tilespmem:$0x1FDF0] =	vst v24  }
0x131: {  	v12 =	vld.idx.msk [tilespmem:v41+s17+$0x0], $0xffff;
	[tilespmem:$0x1FE20] =	vst v35  }
0x132: {  	v13 =	vld.idx.msk [tilespmem:v3+s17+$0x0], $0xffff  }
0x133: {  	v40 =	vld.idx.msk [tilespmem:v38+s17+$0x0], $0xffff  }
0x134: {  	[tilespmem:$0x1FE30] =	vst v37;
	v35 =	vor.u32 s26, v37;
	v37 =	vnsel vm0, $0x4E6E6B28, v1;
	v1 =	vld [tilespmem:$0x1FE90];
	_ =	sdelay $0x3  }
0x135: {  	v11 =	vmin.f32 v11, v62  }
0x136: {  	v11 =	vmin.f32 v11, v37;
	v37 =	vnsel vm1, $0x4E6E6B28, v1;
	v1 =	vld [tilespmem:$0x1FEA0];
	_ =	sdelay $0x4  }
0x137: {  	vm0 =	veq.f32 v1, v0;
	v1 =	vld [tilespmem:$0x1FEB0];
	_ =	sdelay $0x4  }
0x138: {  	vm1 =	veq.f32 v1, v0;
	v1 =	vld [tilespmem:$0x1FEC0];
	_ =	sdelay $0x4  }
0x139: {  	v11 =	vmin.f32 v11, v37;
	v37 =	vnsel vm0, $0x4E6E6B28, v1;
	v1 =	vld [tilespmem:$0x1FED0];
	_ =	sdelay $0x2  }
0x13a: {  	v8 =	vand.u32 v8, v30  }
0x13b: {  	v10 =	vmax.f32 v25, v22  }
0x13c: {  	v10 =	vmax.f32 v10, v42;
	v11 =	vmin.f32 v11, v37;
	v37 =	vnsel vm1, $0x4E6E6B28, v1;
	v1 =	vld [tilespmem:$0x1FEE0]  }
0x13d: {  	v10 =	vmax.f32 v10, v44  }
0x13e: {  	v10 =	vmax.f32 v10, v63  }
0x13f: {  	v10 =	vmax.f32 v10, v31;
	v17 =	vld.idx.msk [tilespmem:v8+s17+$0x0], $0xffff  }
0x140: {  	v10 =	vmax.f32 v10, v18;
	v15 =	vld.idx.msk [tilespmem:v43+s17+$0x0], $0xffff  }
0x141: {  	v10 =	vmax.f32 v10, v16;
	vm1 =	veq.f32 v1, v0;
	v1 =	vld [tilespmem:$0x1FEF0]  }
0x142: {  	v10 =	vmax.f32 v10, v12;
	v39 =	vld.idx.msk [tilespmem:v7+s17+$0x0], $0xffff  }
0x143: {  	v10 =	vmax.f32 v10, v13;
	v19 =	vld.idx.msk [tilespmem:v6+s17+$0x0], $0xffff  }
0x144: {  	v10 =	vmax.f32 v10, v40;
	v30 =	vld.idx.msk [tilespmem:v35+s17+$0x0], $0xffff  }
0x145: {  	v20 =	vld.idx.msk [tilespmem:v20+s18+$0x0], $0xffff;
	v10 =	vmax.f32 v10, v17  }
0x146: {  	v10 =	vmax.f32 v10, v15;
	vm0 =	veq.f32 v1, v0;
	v1 =	vld [tilespmem:$0x1FF00]  }
0x147: {  	v24 =	vld.idx.msk [tilespmem:v2+s18+$0x0], $0xffff;
	v10 =	vmax.f32 v10, v39  }
0x148: {  	v23 =	vld.idx.msk [tilespmem:v23+s18+$0x0], $0xffff;
	v10 =	vmax.f32 v10, v19  }
0x149: {  	v21 =	vld.idx.msk [tilespmem:v21+s18+$0x0], $0xffff;
	v62 =	vmax.f32 v10, v30  }
0x14a: {  	v29 =	vld.idx.msk [tilespmem:v29+s18+$0x0], $0xffff;
	vm2 =	veq.f32 v22, v62;
	vm3 =	veq.f32 v42, v62  }
0x14b: {  	v10 =	vld.idx.msk [tilespmem:v33+s18+$0x0], $0xffff;
	v11 =	vmin.f32 v11, v37;
	v1 =	vnsel vm1, $0x4E6E6B28, v1;
	vm1 =	veq.f32 v25, v62  }
0x14c: {  	v22 =	vnsel vm2, $0x4E6E6B28, v24;
	v1 =	vmin.f32 v11, v1;
	v11 =	vld.idx.msk [tilespmem:v34+s18+$0x0], $0xffff;
	v20 =	vnsel vm1, $0x4E6E6B28, v20  }
0x14d: {  	v42 =	vld.idx.msk [tilespmem:v36+s18+$0x0], $0xffff;
	v23 =	vnsel vm3, $0x4E6E6B28, v23;
	vm1 =	veq.f32 v44, v62;
	v20 =	vmin.f32 v20, v22  }
0x14e: {  	vm2 =	veq.f32 v63, v62;
	v63 =	vld.idx.msk [tilespmem:v3+s18+$0x0], $0xffff;
	v21 =	vnsel vm1, $0x4E6E6B28, v21;
	v20 =	vmin.f32 v20, v23  }
0x14f: {  	v24 =	vnsel vm2, $0x4E6E6B28, v29;
	v44 =	vld.idx.msk [tilespmem:v41+s18+$0x0], $0xffff;
	vm1 =	veq.f32 v31, v62;
	v20 =	vmin.f32 v20, v21  }
0x150: {  	vm2 =	veq.f32 v18, v62;
	v18 =	vld.idx.msk [tilespmem:v38+s18+$0x0], $0xffff;
	v10 =	vnsel vm1, $0x4E6E6B28, v10;
	v20 =	vmin.f32 v20, v24  }
0x151: {  	v2 =	vld [tilespmem:$0x1FF10];
	vm1 =	veq.f32 v16, v62;
	v10 =	vmin.f32 v20, v10;
	v11 =	vnsel vm2, $0x4E6E6B28, v11  }
0x152: {  	vm2 =	veq.f32 v12, v62;
	v12 =	vnsel vm1, $0x4E6E6B28, v42;
	vm1 =	veq.f32 v13, v62  }
0x153: {  	v10 =	vmin.f32 v10, v11;
	v13 =	vnsel vm1, $0x4E6E6B28, v63  }
0x154: {  	v11 =	vld.idx.msk [tilespmem:v8+s18+$0x0], $0xffff;
	v10 =	vmin.f32 v10, v12;
	v12 =	vnsel vm2, $0x4E6E6B28, v44;
	vm2 =	veq.f32 v40, v62  }
0x155: {  	v10 =	vmin.f32 v10, v12;
	v12 =	vld.idx.msk [tilespmem:v43+s18+$0x0], $0xffff;
	v16 =	vnsel vm2, $0x4E6E6B28, v18;
	vm2 =	vlt.f32 v0, $-1.000000000e+00  }
0x156: {  	v10 =	vmin.f32 v10, v13;
	v13 =	vnsel vm0, $0x4E6E6B28, v2;
	v0 =	vsel vm2, $0xBF800000, v0  }
0x157: {  	v1 =	vmin.f32 v1, v13;
	v13 =	vld.idx.msk [tilespmem:v7+s18+$0x0], $0xffff;
	[tilespmem:s24+$0x0] =	vst v0  }
0x158: {  	vm1 =	veq.f32 v15, v62;
	vm0 =	veq.f32 v17, v62;
	v1 =	vsel vm2, $0x43000000, v1;
	v2 =	vld [tilespmem:$0x1FF20]  }
0x159: {  	v10 =	vmin.f32 v10, v16;
	v11 =	vnsel vm0, $0x4E6E6B28, v11;
	v1 =	vtrunc.f32 v1  }
0x15a: {  	v10 =	vmin.f32 v10, v11;
	v11 =	vnsel vm1, $0x4E6E6B28, v12;
	v12 =	vcvt.f32.s32 v1  }
0x15b: {  	vm0 =	veq.f32 v39, v62  }
0x15c: {  	s26 =	simm.s32 $0x200;
	v16 =	vld.idx.msk [tilespmem:v6+s18+$0x0], $0xffff;
	v11 =	vmin.f32 v10, v11;
	v13 =	vnsel vm0, $0x4E6E6B28, v13;
	[tilespmem:s23+$0x0] =	vst v12  }
0x15d: {  	v15 =	vmin.f32 v11, v13;
	v6 =	vmov v2;
	v11 =	vor.u32 s26, v2;
	v2 =	vld [tilespmem:$0x1FF30];
	_ =	sdelay $0x2  }
0x15e: {  	v0 =	vor.u32 s26, v4  }
0x15f: {  	vm1 =	veq.f32 v19, v62;
	v1 =	vor.u32 s26, v9;
	v10 =	vor.u32 s26, v14  }
0x160: {  	s28 =	simm.s32 $0x300;
	s30 =	smov.u32 s24;
	s31 =	smov.u32 s23;
	v8 =	vmovc v4;
	vm0 =	veq.f32 v30, v62;
	v16 =	vnsel vm1, $0x4E6E6B28, v16;
	v13 =	vld.idx.msk [tilespmem:v35+s18+$0x0], $0xffff;
	v7 =	vmovc v2;
	v12 =	vor.u32 s26, v2  }
.LBB2_5:
0x161: {  	v2 =	vld [tilespmem:$0x1FCD0];
	_ =	sdelay $0x3  }
0x162: {  	v17 =	vor.u32 $0xFFFFFF80, v61;
	v15 =	vmin.f32 v15, v16;
	v16 =	vor.u32 s26, v32  }
0x163: {  	v18 =	vor.u32 $0xFFFFFF84, v61;
	v13 =	vnsel vm0, $0x4E6E6B28, v13;
	v11 =	vand.u32 v2, v11;
	v2 =	vld [tilespmem:$0x1FD10]  }
0x164: {  	v10 =	vand.u32 v17, v10;
	v13 =	vmin.f32 v15, v13;
	v15 =	vor.u32 $0xFFFFFF81, v61  }
0x165: {  	vm0 =	vlt.f32 v62, $-1.000000000e+00;
	v15 =	vand.u32 v15, v16;
	v16 =	vor.u32 $0xFFFFFF82, v61  }
0x166: {  	s30 =	sadd.s32 $0x10, s30;
	v17 =	vor.u32 s26, v27;
	v12 =	vand.u32 v16, v12;
	v16 =	vsel vm0, $0xBF800000, v62  }
0x167: {  	[tilespmem:s30+$0x0] =	vst v16;
	v16 =	vand.u32 v18, v17;
	v17 =	vor.u32 s26, v28;
	v18 =	vor.u32 $0xFFFFFF85, v61  }
0x168: {  	v17 =	vand.u32 v18, v17;
	v18 =	vor.u32 s26, v2;
	v2 =	vld [tilespmem:$0x1FD40];
	_ =	sdelay $0x4  }
0x169: {  	v43 =	vor.u32 s26, v2;
	v2 =	vld [tilespmem:$0x1FD60];
	_ =	sdelay $0x4  }
0x16a: {  	v44 =	vor.u32 s26, v2;
	v2 =	vld [tilespmem:$0x1FD80]  }
0x16b: {  	v19 =	vor.u32 $0xFFFFFF86, v61  }
0x16c: {  	v21 =	vor.u32 $0xFFFFFF87, v61;
	v23 =	vor.u32 $0xFFFFFF88, v61;
	v13 =	vsel vm0, $0x43000000, v13  }
0x16d: {  	v13 =	vtrunc.f32 v13;
	v18 =	vand.u32 v19, v18;
	v19 =	vor.u32 s26, v26  }
0x16e: {  	v25 =	vor.u32 $0xFFFFFF89, v61;
	v13 =	vcvt.f32.s32 v13;
	v19 =	vand.u32 v21, v19  }
0x16f: {  	v21 =	vand.u32 v23, v43;
	v23 =	vand.u32 v25, v44;
	v25 =	vor.u32 s26, v2;
	v2 =	vld [tilespmem:$0x1FDA0]  }
0x170: {  	s31 =	sadd.s32 $0x10, s31  }
0x171: {  	[tilespmem:s31+$0x0] =	vst v13  }
0x172: {  	v13 =	vld.idx.msk [tilespmem:v10+s17+$0x0], $0xffff  }
0x173: {  	v30 =	vor.u32 $0xFFFFFF8A, v61;
	v20 =	vld.idx.msk [tilespmem:v15+s17+$0x0], $0xffff  }
0x174: {  	v25 =	vand.u32 v30, v25;
	v30 =	vor.u32 s26, v2;
	v2 =	vld [tilespmem:$0x1FDC0]  }
0x175: {  	v22 =	vld.idx.msk [tilespmem:v12+s17+$0x0], $0xffff  }
0x176: {  	v24 =	vld.idx.msk [tilespmem:v11+s17+$0x0], $0xffff  }
0x177: {  	v29 =	vld.idx.msk [tilespmem:v16+s17+$0x0], $0xffff  }
0x178: {  	v33 =	vor.u32 $0xFFFFFF8B, v61;
	v35 =	vor.u32 $0xFFFFFF8C, v61;
	v31 =	vld.idx.msk [tilespmem:v17+s17+$0x0], $0xffff  }
0x179: {  	v34 =	vld.idx.msk [tilespmem:v18+s17+$0x0], $0xffff;
	v36 =	vmax.f32 v13, v20;
	v30 =	vand.u32 v33, v30;
	v62 =	vor.u32 s26, v2  }
0x17a: {  	v63 =	vor.u32 $0xFFFFFF8D, v61;
	v37 =	vld.idx.msk [tilespmem:v19+s17+$0x0], $0xffff;
	v36 =	vmax.f32 v36, v22;
	v33 =	vand.u32 v35, v62  }
0x17b: {  	v36 =	vmax.f32 v36, v24;
	v38 =	vld.idx.msk [tilespmem:v21+s17+$0x0], $0xffff;
	v35 =	vand.u32 v63, v1;
	v1 =	vor.u32 $0xFFFFFF8E, v61  }
0x17c: {  	v39 =	vld.idx.msk [tilespmem:v23+s17+$0x0], $0xffff;
	v40 =	vand.u32 v1, v0;
	v0 =	vor.u32 $0xF, v14;
	v1 =	vmax.f32 v36, v29  }
0x17d: {  	v36 =	vld.idx.msk [tilespmem:v25+s17+$0x0], $0xffff;
	v41 =	vor.u32 s26, v0;
	v0 =	vmax.f32 v1, v31  }
0x17e: {  	v42 =	vld.idx.msk [tilespmem:v30+s17+$0x0], $0xffff;
	v0 =	vmax.f32 v0, v34  }
0x17f: {  	v0 =	vmax.f32 v0, v37;
	v43 =	vld.idx.msk [tilespmem:v33+s17+$0x0], $0xffff  }
0x180: {  	v44 =	vld.idx.msk [tilespmem:v35+s17+$0x0], $0xffff;
	v0 =	vmax.f32 v0, v38  }
0x181: {  	v63 =	vld.idx.msk [tilespmem:v40+s17+$0x0], $0xffff;
	v0 =	vmax.f32 v0, v39  }
0x182: {  	v2 =	vmov v26;
	v26 =	vld.idx.msk [tilespmem:v41+s17+$0x0], $0xffff;
	v0 =	vmax.f32 v0, v36  }
0x183: {  	v3 =	vmov v27;
	v27 =	vld.idx.msk [tilespmem:v10+s18+$0x0], $0xffff;
	v0 =	vmax.f32 v0, v42  }
0x184: {  	v15 =	vld.idx.msk [tilespmem:v15+s18+$0x0], $0xffff;
	v0 =	vmax.f32 v0, v43  }
0x185: {  	v4 =	vmov v28;
	v28 =	vld.idx.msk [tilespmem:v12+s18+$0x0], $0xffff;
	v12 =	vmax.f32 v0, v44  }
0x186: {  	v5 =	vmovc v32;
	v10 =	vor.u32 s28, v14;
	v32 =	vld.idx.msk [tilespmem:v11+s18+$0x0], $0xffff;
	v11 =	vor.u32 s28, v6;
	v12 =	vmax.f32 v12, v63  }
0x187: {  	v16 =	vld.idx.msk [tilespmem:v16+s18+$0x0], $0xffff;
	v1 =	vor.u32 s28, v9;
	v0 =	vor.u32 s28, v8;
	v62 =	vmax.f32 v12, v26  }
0x188: {  	v17 =	vld.idx.msk [tilespmem:v17+s18+$0x0], $0xffff;
	v12 =	vor.u32 s28, v7;
	vm0 =	veq.f32 v13, v62;
	vm1 =	veq.f32 v20, v62  }
0x189: {  	v13 =	vld.idx.msk [tilespmem:v18+s18+$0x0], $0xffff;
	v18 =	vnsel vm0, $0x4E6E6B28, v27;
	v15 =	vnsel vm1, $0x4E6E6B28, v15;
	vm0 =	veq.f32 v22, v62  }
0x18a: {  	v19 =	vld.idx.msk [tilespmem:v19+s18+$0x0], $0xffff;
	v15 =	vmin.f32 v18, v15;
	v18 =	vnsel vm0, $0x4E6E6B28, v28;
	vm0 =	veq.f32 v24, v62  }
0x18b: {  	v20 =	vld.idx.msk [tilespmem:v21+s18+$0x0], $0xffff;
	v15 =	vmin.f32 v15, v18;
	v18 =	vnsel vm0, $0x4E6E6B28, v32;
	vm0 =	veq.f32 v29, v62  }
0x18c: {  	v21 =	vld.idx.msk [tilespmem:v23+s18+$0x0], $0xffff;
	v15 =	vmin.f32 v15, v18;
	v16 =	vnsel vm0, $0x4E6E6B28, v16;
	vm0 =	veq.f32 v31, v62  }
0x18d: {  	v18 =	vld.idx.msk [tilespmem:v25+s18+$0x0], $0xffff;
	v15 =	vmin.f32 v15, v16;
	v16 =	vnsel vm0, $0x4E6E6B28, v17;
	vm0 =	veq.f32 v34, v62  }
0x18e: {  	v17 =	vld.idx.msk [tilespmem:v30+s18+$0x0], $0xffff;
	v15 =	vmin.f32 v15, v16;
	v13 =	vnsel vm0, $0x4E6E6B28, v13;
	vm0 =	veq.f32 v37, v62  }
0x18f: {  	v16 =	vld.idx.msk [tilespmem:v33+s18+$0x0], $0xffff;
	v13 =	vmin.f32 v15, v13;
	v15 =	vnsel vm0, $0x4E6E6B28, v19;
	vm0 =	veq.f32 v38, v62  }
0x190: {  	v19 =	vld.idx.msk [tilespmem:v35+s18+$0x0], $0xffff;
	v13 =	vmin.f32 v13, v15;
	v15 =	vnsel vm0, $0x4E6E6B28, v20;
	vm0 =	veq.f32 v39, v62  }
0x191: {  	p0 =	sne.s32 s28, $0xF00;
	v40 =	vld.idx.msk [tilespmem:v40+s18+$0x0], $0xffff;
	v15 =	vmin.f32 v13, v15;
	v21 =	vnsel vm0, $0x4E6E6B28, v21;
	vm0 =	veq.f32 v36, v62  }
.Ltmp1:
0x192: {  	v15 =	vmin.f32 v15, v21;
	v18 =	vnsel vm0, $0x4E6E6B28, v18;
	vm0 =	veq.f32 v42, v62;
	(pc) =	sbr.rel @p0 .LBB2_5-.Ltmp1, $4  }
0x193: {  	v15 =	vmin.f32 v15, v18;
	v17 =	vnsel vm0, $0x4E6E6B28, v17;
	vm0 =	veq.f32 v43, v62  }
0x194: {  	v27 =	vmovc v3;
	v15 =	vmin.f32 v15, v17;
	v16 =	vnsel vm0, $0x4E6E6B28, v16;
	vm0 =	veq.f32 v44, v62  }
0x195: {  	v28 =	vmovc v4;
	v32 =	vmovc v5;
	v15 =	vmin.f32 v15, v16;
	v16 =	vnsel vm0, $0x4E6E6B28, v19;
	vm0 =	veq.f32 v63, v62  }
0x196: {  	s26 =	smov.u32 s28;
	s28 =	sadd.s32 $0x100, s28;
	v13 =	vld.idx.msk [tilespmem:v41+s18+$0x0], $0xffff;
	v15 =	vmin.f32 v15, v16;
	v16 =	vnsel vm0, $0x4E6E6B28, v40;
	vm0 =	veq.f32 v26, v62;
	v26 =	vmovc v2  }
0x197: {  	v8 =	vld [tilespmem:$0x1FCA0];
	_ =	sdelay $0x4  }
0x198: {  	v10 =	vand.u32 v8, v10;
	v8 =	vld [tilespmem:$0x1FCB0];
	_ =	sdelay $0x3  }
0x199: {  	v17 =	vor.u32 s26, v32  }
0x19a: {  	v17 =	vand.u32 v8, v17;
	v8 =	vld [tilespmem:$0x1FCC0];
	_ =	sdelay $0x4  }
0x19b: {  	v12 =	vand.u32 v8, v12;
	v8 =	vld [tilespmem:$0x1FCE0];
	_ =	sdelay $0x3  }
0x19c: {  	v18 =	vor.u32 s26, v27  }
0x19d: {  	v18 =	vand.u32 v8, v18;
	v8 =	vld [tilespmem:$0x1FD00];
	_ =	sdelay $0x3  }
0x19e: {  	v19 =	vor.u32 s26, v28  }
0x19f: {  	v19 =	vand.u32 v8, v19;
	v8 =	vld [tilespmem:$0x1FD10];
	_ =	sdelay $0x4  }
0x1a0: {  	v21 =	vor.u32 s26, v8;
	v8 =	vld [tilespmem:$0x1FD20];
	_ =	sdelay $0x4  }
0x1a1: {  	v21 =	vand.u32 v8, v21;
	v8 =	vld [tilespmem:$0x1FD30];
	_ =	sdelay $0x3  }
0x1a2: {  	v23 =	vor.u32 s26, v26  }
0x1a3: {  	v23 =	vand.u32 v8, v23;
	v8 =	vld [tilespmem:$0x1FD40];
	_ =	sdelay $0x4  }
0x1a4: {  	v25 =	vor.u32 s26, v8;
	v8 =	vld [tilespmem:$0x1FD50];
	_ =	sdelay $0x4  }
0x1a5: {  	v25 =	vand.u32 v8, v25;
	v8 =	vld [tilespmem:$0x1FD60];
	_ =	sdelay $0x4  }
0x1a6: {  	v44 =	vor.u32 s26, v8;
	v8 =	vld [tilespmem:$0x1FD70];
	_ =	sdelay $0x4  }
0x1a7: {  	v27 =	vand.u32 v8, v44;
	v8 =	vld [tilespmem:$0x1FD80];
	_ =	sdelay $0x4  }
0x1a8: {  	v29 =	vor.u32 s26, v8;
	v8 =	vld [tilespmem:$0x1FD90];
	_ =	sdelay $0x4  }
0x1a9: {  	v29 =	vand.u32 v8, v29;
	v8 =	vld [tilespmem:$0x1FDA0];
	_ =	sdelay $0x4  }
0x1aa: {  	v31 =	vor.u32 s26, v8;
	v8 =	vld [tilespmem:$0x1FDB0];
	_ =	sdelay $0x2  }
0x1ab: {  	v6 =	vld [tilespmem:$0x1FCD0]  }
0x1ac: {  	v9 =	vld [tilespmem:$0x1FDC0]  }
0x1ad: {  	v31 =	vand.u32 v8, v31;
	v8 =	vld [tilespmem:$0x1FDD0];
	_ =	sdelay $0x3  }
0x1ae: {  	v11 =	vand.u32 v6, v11;
	v33 =	vor.u32 s26, v9  }
0x1af: {  	v33 =	vand.u32 v8, v33;
	v8 =	vld [tilespmem:$0x1FDF0];
	_ =	sdelay $0x2  }
0x1b0: {  	v20 =	vld.idx.msk [tilespmem:v10+s17+$0x0], $0xffff  }
0x1b1: {  	v26 =	vld.idx.msk [tilespmem:v11+s17+$0x0], $0xffff  }
0x1b2: {  	v1 =	vand.u32 v8, v1;
	v8 =	vld [tilespmem:$0x1FE20]  }
0x1b3: {  	v22 =	vld.idx.msk [tilespmem:v17+s17+$0x0], $0xffff  }
0x1b4: {  	v24 =	vld.idx.msk [tilespmem:v12+s17+$0x0], $0xffff  }
0x1b5: {  	v28 =	vld.idx.msk [tilespmem:v18+s17+$0x0], $0xffff  }
0x1b6: {  	v30 =	vld.idx.msk [tilespmem:v19+s17+$0x0], $0xffff  }
0x1b7: {  	v0 =	vand.u32 v8, v0;
	v8 =	vld [tilespmem:$0x1FE30]  }
0x1b8: {  	v34 =	vmax.f32 v20, v22;
	v32 =	vld.idx.msk [tilespmem:v21+s17+$0x0], $0xffff  }
0x1b9: {  	v34 =	vmax.f32 v34, v24;
	v35 =	vld.idx.msk [tilespmem:v23+s17+$0x0], $0xffff  }
0x1ba: {  	v34 =	vmax.f32 v34, v26;
	v36 =	vld.idx.msk [tilespmem:v25+s17+$0x0], $0xffff  }
0x1bb: {  	v34 =	vmax.f32 v34, v28;
	v37 =	vld.idx.msk [tilespmem:v27+s17+$0x0], $0xffff  }
0x1bc: {  	v34 =	vmax.f32 v34, v30;
	v38 =	vld.idx.msk [tilespmem:v29+s17+$0x0], $0xffff;
	v39 =	vor.u32 s26, v8  }
0x1bd: {  	v34 =	vmax.f32 v34, v32;
	v40 =	vld.idx.msk [tilespmem:v31+s17+$0x0], $0xffff  }
0x1be: {  	v34 =	vmax.f32 v34, v35;
	v41 =	vld.idx.msk [tilespmem:v33+s17+$0x0], $0xffff  }
0x1bf: {  	v34 =	vmax.f32 v34, v36;
	v42 =	vld.idx.msk [tilespmem:v1+s17+$0x0], $0xffff  }
0x1c0: {  	v34 =	vmax.f32 v34, v37;
	v43 =	vld.idx.msk [tilespmem:v0+s17+$0x0], $0xffff  }
0x1c1: {  	v34 =	vmax.f32 v34, v38;
	v44 =	vld.idx.msk [tilespmem:v39+s17+$0x0], $0xffff  }
0x1c2: {  	v10 =	vld.idx.msk [tilespmem:v10+s18+$0x0], $0xffff;
	v34 =	vmax.f32 v34, v40  }
0x1c3: {  	v17 =	vld.idx.msk [tilespmem:v17+s18+$0x0], $0xffff;
	v34 =	vmax.f32 v34, v41  }
0x1c4: {  	v12 =	vld.idx.msk [tilespmem:v12+s18+$0x0], $0xffff;
	v34 =	vmax.f32 v34, v42  }
0x1c5: {  	v15 =	vmin.f32 v15, v16;
	v13 =	vnsel vm0, $0x4E6E6B28, v13;
	v11 =	vld.idx.msk [tilespmem:v11+s18+$0x0], $0xffff;
	v16 =	vmax.f32 v34, v43  }
0x1c6: {  	v13 =	vmin.f32 v15, v13;
	v15 =	vld.idx.msk [tilespmem:v18+s18+$0x0], $0xffff;
	v16 =	vmax.f32 v16, v44  }
0x1c7: {  	vm0 =	vlt.f32 v62, $-1.000000000e+00;
	v61 =	vld.idx.msk [tilespmem:v19+s18+$0x0], $0xffff;
	vm1 =	veq.f32 v20, v16;
	vm2 =	veq.f32 v22, v16  }
0x1c8: {  	v63 =	vld.idx.msk [tilespmem:v21+s18+$0x0], $0xffff;
	vm3 =	veq.f32 v24, v16;
	v10 =	vnsel vm1, $0x4E6E6B28, v10;
	v17 =	vnsel vm2, $0x4E6E6B28, v17  }
0x1c9: {  	v24 =	vld.idx.msk [tilespmem:v23+s18+$0x0], $0xffff;
	v12 =	vnsel vm3, $0x4E6E6B28, v12;
	vm1 =	veq.f32 v26, v16;
	v10 =	vmin.f32 v10, v17  }
0x1ca: {  	v17 =	vld.idx.msk [tilespmem:v25+s18+$0x0], $0xffff;
	v11 =	vnsel vm1, $0x4E6E6B28, v11;
	vm1 =	veq.f32 v28, v16;
	v10 =	vmin.f32 v10, v12  }
0x1cb: {  	v12 =	vld.idx.msk [tilespmem:v27+s18+$0x0], $0xffff;
	v10 =	vmin.f32 v10, v11;
	v11 =	vnsel vm1, $0x4E6E6B28, v15;
	vm1 =	veq.f32 v30, v16  }
0x1cc: {  	v15 =	vld.idx.msk [tilespmem:v29+s18+$0x0], $0xffff;
	v10 =	vmin.f32 v10, v11;
	v11 =	vnsel vm1, $0x4E6E6B28, v61;
	vm1 =	veq.f32 v32, v16  }
0x1cd: {  	v34 =	vld.idx.msk [tilespmem:v31+s18+$0x0], $0xffff;
	v10 =	vmin.f32 v10, v11;
	v11 =	vnsel vm1, $0x4E6E6B28, v63;
	vm1 =	veq.f32 v35, v16  }
0x1ce: {  	v35 =	vld.idx.msk [tilespmem:v33+s18+$0x0], $0xffff;
	v10 =	vmin.f32 v10, v11;
	v11 =	vnsel vm1, $0x4E6E6B28, v24;
	vm1 =	veq.f32 v36, v16  }
0x1cf: {  	v1 =	vld.idx.msk [tilespmem:v1+s18+$0x0], $0xffff;
	v10 =	vmin.f32 v10, v11;
	v11 =	vnsel vm1, $0x4E6E6B28, v17;
	vm1 =	veq.f32 v37, v16  }
0x1d0: {  	v0 =	vld.idx.msk [tilespmem:v0+s18+$0x0], $0xffff;
	v10 =	vmin.f32 v10, v11;
	v11 =	vnsel vm1, $0x4E6E6B28, v12;
	vm1 =	veq.f32 v38, v16  }
0x1d1: {  	v12 =	vld.idx.msk [tilespmem:v39+s18+$0x0], $0xffff;
	v10 =	vmin.f32 v10, v11;
	v11 =	vnsel vm1, $0x4E6E6B28, v15;
	vm1 =	veq.f32 v40, v16  }
0x1d2: {  	v10 =	vmin.f32 v10, v11;
	v11 =	vnsel vm1, $0x4E6E6B28, v34;
	vm1 =	veq.f32 v41, v16  }
0x1d3: {  	v10 =	vmin.f32 v10, v11;
	v11 =	vnsel vm1, $0x4E6E6B28, v35;
	vm1 =	veq.f32 v42, v16  }
0x1d4: {  	v10 =	vmin.f32 v10, v11;
	v1 =	vnsel vm1, $0x4E6E6B28, v1;
	vm1 =	veq.f32 v43, v16  }
0x1d5: {  	v1 =	vmin.f32 v10, v1;
	v0 =	vnsel vm1, $0x4E6E6B28, v0;
	vm1 =	veq.f32 v44, v16  }
0x1d6: {  	v10 =	vsel vm0, $0x43000000, v13;
	v0 =	vmin.f32 v1, v0;
	v1 =	vnsel vm1, $0x4E6E6B28, v12  }
0x1d7: {  	v10 =	vtrunc.f32 v10;
	vm1 =	vlt.f32 v16, $-1.000000000e+00;
	v0 =	vmin.f32 v0, v1  }
0x1d8: {  	s6 =	sadd.s32 $0x10, s30;
	v1 =	vsel vm0, $0xBF800000, v62;
	v10 =	vcvt.f32.s32 v10;
	v0 =	vsel vm1, $0x43000000, v0  }
0x1d9: {  	s8 =	sadd.s32 $0x10, s31;
	[tilespmem:s6+$0x0] =	vst v1;
	v0 =	vtrunc.f32 v0  }
0x1da: {  	v1 =	vsel vm1, $0xBF800000, v16;
	s6 =	sadd.s32 $0x10, s6;
	[tilespmem:s8+$0x0] =	vst v10;
	v0 =	vcvt.f32.s32 v0  }
0x1db: {  	p0 =	seq.s32 s22, $0x9;
	[tilespmem:s6+$0x0] =	vst v1;
	s8 =	sadd.s32 $0x10, s8  }
0x1dc: {  	s6 =	sshll.u32 @!p0 s22, $0x10;
	[tilespmem:s8+$0x0] =	vst v0  }
0x1dd: {  	s6 =	sadd.s32 @!p0 s6, s7;
	_ =	swait.ge [sflag:s19], $0x8000  }
0x1de: {  	s9 =	simm.s32 $0x8080;
	s6 =	sshrl.u32 @!p0 s6, $0x3;
	[sflag:s19] =	ssyncset.done $0x0  }
0x1df: {  	s6 =	sadd.s32 @!p0 s2, s6;
	s8 =	simm.s32 @!p0 $0x0;
	[sflag:s19] =	ssyncadd.s32 $0xFFFF8000  }
0x1e0: {  	[tilespmem:s8], [sflag:$0x1] =	stream.linear.gather @!p0 [hbm4b:s6+s8], $0x8000, $0x38;
	[tilespmem:$0x18A00] =	vst v63  }
0x1e1: {  	v1 =	vld [tilespmem:s9+$0xFFFFFF80]  }
0x1e2: {  	v10 =	vld [tilespmem:s9+$0xFFFFFF90]  }
0x1e3: {  	v11 =	vld [tilespmem:s9+$0xFFFFFFA0]  }
0x1e4: {  	v16 =	vld [tilespmem:s9+$0x0]  }
0x1e5: {  	v12 =	vld [tilespmem:s9+$0xFFFFFFB0]  }
0x1e6: {  	v13 =	vld [tilespmem:s9+$0xFFFFFFC0]  }
0x1e7: {  	v15 =	vld [tilespmem:s9+$0xFFFFFFD0];
	vm7 =	vgt.f32 v1, v60  }
0x1e8: {  	v17 =	vld [tilespmem:s9+$0x10];
	v38 =	vsel vm7, v1, v60  }
0x1e9: {  	v6 =	vimm.s32 $0x0;
	v18 =	vld [tilespmem:s9+$0x20];
	vm0 =	vgt.f32 v16, v38  }
0x1ea: {  	v20 =	vld [tilespmem:s9+$0x30];
	v6 =	vsel vm0, $0xFFFFFFFF, v6  }
0x1eb: {  	v22 =	vld [tilespmem:s9+$0x40];
	[tilespmem:$0x1FC80] =	vst v6  }
0x1ec: {  	v0 =	vmax.f32 v1, v10;
	v37 =	vmax.f32 v11, v12;
	vm8 =	vgt.f32 v10, v59;
	v23 =	vld [tilespmem:s9+$0xFFFFFFE0]  }
0x1ed: {  	v40 =	vmax.f32 v13, v15;
	vm5 =	vgt.f32 v11, v55;
	vm15 =	vgt.f32 v12, v56;
	v41 =	vld [tilespmem:s9+$0xFFFFFFF0]  }
0x1ee: {  	vm3 =	vgt.f32 v13, v54;
	vm12 =	vgt.f32 v15, v53;
	v0 =	vmax.f32 v0, v37;
	v26 =	vld [tilespmem:s9+$0x50]  }
0x1ef: {  	v39 =	vsel vm8, v10, v59;
	v42 =	vsel vm5, v11, v55;
	v43 =	vsel vm15, v12, v56;
	v29 =	vld [tilespmem:s9+$0x60]  }
0x1f0: {  	v44 =	vsel vm3, v13, v54;
	v32 =	vsel vm12, v15, v53;
	v54 =	vmax.f32 v16, v17;
	v31 =	vld [tilespmem:s9+$0x70]  }
0x1f1: {  	v55 =	vmax.f32 v18, v20;
	vm9 =	vgt.f32 v17, v39;
	vm6 =	vgt.f32 v18, v42  }
0x1f2: {  	v21 =	vsel vm0, v16, v38;
	vm0 =	vgt.f32 v22, v44;
	v6 =	vimm.s32 $0x0  }
0x1f3: {  	v30 =	vsel vm0, v22, v44;
	vm10 =	vgt.f32 v23, v57;
	vm11 =	vgt.f32 v41, v58  }
0x1f4: {  	v62 =	vld [tilespmem:$0x1FF80];
	v53 =	vmax.f32 v23, v41;
	v56 =	vmax.f32 v22, v26;
	v33 =	vsel vm10, v23, v57  }
0x1f5: {  	v63 =	vld [tilespmem:$0x1FFB0];
	v34 =	vsel vm11, v41, v58;
	v24 =	vmax.f32 v40, v53;
	v57 =	vmax.f32 v29, v31  }
0x1f6: {  	v58 =	vmax.f32 v54, v55;
	v55 =	vld [tilespmem:$0x1FFA0];
	v0 =	vmax.f32 v0, v24;
	v35 =	vmax.f32 v56, v57  }
0x1f7: {  	s8 =	sadd.s32 $0xFFFFFFFE, s1;
	v6 =	vsel vm0, $0xFFFFFFFF, v6;
	vm0 =	veq.f32 v1, v0;
	v1 =	vmax.f32 v58, v35;
	v58 =	vld [tilespmem:$0x1FF90]  }
0x1f8: {  	v8 =	vld [tilespmem:$0x1FFE0];
	vm4 =	vgt.f32 v20, v43;
	v19 =	vsel vm9, v17, v39;
	v27 =	vsel vm6, v18, v42;
	s9 =	sadd.s32 $0x102, s8  }
0x1f9: {  	v28 =	vsel vm4, v20, v43;
	[tilespmem:$0x1FC70] =	vst v6;
	v6 =	vld [tilespmem:$0x1FFC0];
	v49 =	vsel vm12, s9, v49;
	vm14 =	vgt.f32 v26, v32  }
0x1fa: {  	v7 =	vld [tilespmem:$0x1FFD0];
	v50 =	vsel vm10, s9, v50;
	vm13 =	vgt.f32 v29, v33;
	vm2 =	vgt.f32 v31, v34  }
0x1fb: {  	v9 =	vld [tilespmem:$0x1FFF0];
	vm1 =	veq.f32 v10, v0;
	v10 =	vnsel vm0, $0x4E6E6B28, v62;
	vm0 =	veq.f32 v11, v0  }
0x1fc: {  	s26 =	simm.s32 $0x8180;
	v35 =	vnsel vm0, $0x4E6E6B28, v55;
	v11 =	vnsel vm1, $0x4E6E6B28, v58;
	vm1 =	veq.f32 v12, v0  }
0x1fd: {  	v36 =	vld [tilespmem:s26+$0xFFFFFF80];
	vm0 =	veq.f32 v13, v0;
	v13 =	vnsel vm1, $0x4E6E6B28, v63;
	vm1 =	veq.f32 v15, v0  }
0x1fe: {  	v37 =	vld [tilespmem:s26+$0xFFFFFFB0];
	v15 =	vnsel vm0, $0x4E6E6B28, v6;
	vm0 =	veq.f32 v23, v0;
	v10 =	vmin.f32 v10, v11  }
0x1ff: {  	v39 =	vld [tilespmem:s26+$0xFFFFFFD0];
	v38 =	vnsel vm1, $0x4E6E6B28, v8;
	vm1 =	veq.f32 v41, v0;
	v25 =	vnsel vm0, $0x4E6E6B28, v7  }
0x200: {  	v44 =	vld [tilespmem:s26+$0x20];
	vm0 =	veq.f32 v16, v1;
	v11 =	vmin.f32 v35, v13;
	v16 =	vnsel vm1, $0x4E6E6B28, v9  }
0x201: {  	v61 =	vld [tilespmem:s26+$0x40];
	vm1 =	veq.f32 v17, v1;
	v40 =	vnsel vm0, $0x4E6E6B28, v62;
	vm0 =	veq.f32 v18, v1  }
0x202: {  	v12 =	vld [tilespmem:s26+$0xFFFFFFA0];
	v15 =	vmin.f32 v15, v38;
	v10 =	vmin.f32 v10, v11;
	v18 =	vnsel vm1, $0x4E6E6B28, v58  }
0x203: {  	v24 =	vld [tilespmem:s26+$0xFFFFFF90];
	vm1 =	veq.f32 v20, v1;
	v20 =	vnsel vm0, $0x4E6E6B28, v55;
	vm0 =	veq.f32 v22, v1  }
0x204: {  	v23 =	vld [tilespmem:s26+$0xFFFFFFC0];
	v16 =	vmin.f32 v25, v16;
	v42 =	vnsel vm1, $0x4E6E6B28, v63;
	vm1 =	veq.f32 v26, v1  }
0x205: {  	v57 =	vld [tilespmem:s26+$0x30];
	v43 =	vnsel vm0, $0x4E6E6B28, v6;
	vm0 =	veq.f32 v29, v1;
	v26 =	vsel vm14, v26, v32  }
0x206: {  	v41 =	vld [tilespmem:s26+$0x10];
	v29 =	vsel vm13, v29, v33;
	v18 =	vmin.f32 v40, v18;
	v15 =	vmin.f32 v15, v16  }
0x207: {  	v13 =	vld [tilespmem:s26+$0x50];
	vm10 =	vgt.f32 v12, v27;
	v53 =	vnsel vm1, $0x4E6E6B28, v8;
	v59 =	vnsel vm0, $0x4E6E6B28, v7  }
0x208: {  	v17 =	vld [tilespmem:s26+$0x0];
	vm0 =	veq.f32 v31, v1;
	v31 =	vsel vm2, v31, v34;
	v20 =	vmin.f32 v20, v42  }
0x209: {  	v22 =	vld [tilespmem:s26+$0xFFFFFFE0];
	v10 =	vmin.f32 v10, v15;
	v15 =	vmax.f32 v23, v39;
	vm1 =	vgt.f32 v36, v21  }
0x20a: {  	v25 =	vld [tilespmem:s26+$0x60];
	v27 =	vsel vm10, v12, v27;
	vm12 =	vgt.f32 v23, v30;
	v60 =	vnsel vm0, $0x4E6E6B28, v9  }
0x20b: {  	v33 =	vld [tilespmem:s26+$0xFFFFFFF0];
	v11 =	vmin.f32 v43, v53;
	v43 =	vmax.f32 v36, v24;
	v53 =	vmax.f32 v12, v37  }
0x20c: {  	v34 =	vld [tilespmem:s26+$0x70];
	v16 =	vmin.f32 v18, v20;
	v40 =	vmax.f32 v61, v13;
	v21 =	vsel vm1, v36, v21  }
0x20d: {  	v30 =	vsel vm12, v23, v30;
	v32 =	vmin.f32 v59, v60;
	v54 =	vmax.f32 v43, v53  }
0x20e: {  	v59 =	vmax.f32 v17, v41;
	v60 =	vmax.f32 v44, v57;
	v43 =	vsel vm8, s9, v45  }
0x20f: {  	v45 =	vimm.s32 $0x0;
	v11 =	vmin.f32 v11, v32;
	v32 =	vmax.f32 v59, v60  }
0x210: {  	v56 =	vmax.f32 v22, v33;
	v11 =	vmin.f32 v16, v11;
	v16 =	vsel vm7, s9, v52  }
0x211: {  	s6 =	sadd.s32 $0x103, s8;
	v52 =	vsel vm11, s9, v51;
	vm11 =	vgt.f32 v37, v28;
	v42 =	vmax.f32 v25, v34  }
0x212: {  	v15 =	vmax.f32 v15, v56;
	v53 =	vsel vm2, s6, v52;
	v20 =	vmax.f32 v40, v42  }
0x213: {  	v15 =	vmax.f32 v54, v15;
	v40 =	vsel vm5, s9, v48;
	v42 =	vsel vm15, s9, v46  }
0x214: {  	vm15 =	vgt.f32 v33, v31;
	v18 =	vmax.f32 v32, v20;
	vm0 =	veq.f32 v36, v15  }
0x215: {  	v20 =	vsel vm9, s6, v43;
	vm9 =	veq.f32 v24, v15;
	vm7 =	veq.f32 v12, v15  }
0x216: {  	v12 =	vsel vm13, s6, v50;
	vm8 =	veq.f32 v37, v15;
	v32 =	vsel vm0, $0xFFFFFFFF, v45;
	v45 =	vld [tilespmem:$0x1FC70]  }
0x217: {  	v46 =	vld [tilespmem:$0x1FC80];
	vm5 =	veq.f32 v23, v15;
	v43 =	vsel vm3, s9, v47;
	vm13 =	vgt.f32 v39, v26  }
0x218: {  	v35 =	vsel vm6, s6, v40;
	vm6 =	vgt.f32 v22, v29;
	vm2 =	veq.f32 v39, v15  }
0x219: {  	v23 =	vsel vm4, s6, v42;
	vm3 =	veq.f32 v22, v15;
	v31 =	vsel vm15, v33, v31  }
0x21a: {  	vm0 =	vgt.f32 v24, v19;
	v26 =	vsel vm13, v39, v26;
	v29 =	vsel vm6, v22, v29  }
0x21b: {  	[tilespmem:$0x1FC90] =	vst v32;
	v19 =	vsel vm0, v24, v19;
	v32 =	vsel vm14, s6, v49;
	vm4 =	vnez.u8 v45  }
0x21c: {  	s26 =	sadd.s32 $0x0, s1;
	vm14 =	vgt.f32 v17, v21;
	v22 =	vsel vm4, s6, v43;
	vm4 =	vnez.u8 v46  }
0x21d: {  	v24 =	vsel vm11, v37, v28;
	v60 =	vsel vm14, v17, v21;
	v16 =	vsel vm4, s6, v16;
	s6 =	sadd.s32 $0x102, s26  }
0x21e: {  	vm4 =	veq.f32 v41, v18;
	v20 =	vsel vm0, s6, v20;
	v16 =	vsel vm1, s6, v16  }
0x21f: {  	s9 =	simm.s32 $0x12810;
	vm1 =	vgt.f32 v41, v19;
	vm0 =	veq.f32 v33, v15;
	v12 =	vsel vm6, s6, v12  }
0x220: {  	[tilespmem:s9+$0xFFFFFFF0] =	vst v0;
	v47 =	vsel vm15, s6, v53;
	vm6 =	vgt.f32 v13, v26;
	v0 =	vsel vm10, s6, v35  }
0x221: {  	s28 =	simm.s32 $0x12830;
	s8 =	sadd.s32 $0x103, s26;
	[tilespmem:s9+$0x0] =	vst v1;
	vm15 =	vgt.f32 v57, v24;
	v1 =	vsel vm12, s6, v22;
	vm10 =	veq.f32 v57, v18  }
0x222: {  	[tilespmem:s28+$0xFFFFFFF0] =	vst v15;
	vm12 =	veq.f32 v61, v18;
	v59 =	vsel vm1, v41, v19;
	v45 =	vsel vm1, s8, v20  }
0x223: {  	[tilespmem:s28+$0x0] =	vst v18;
	s26 =	simm.s32 $0x13810;
	vm1 =	veq.f32 v17, v18;
	v17 =	vsel vm13, s6, v32;
	vm13 =	vgt.f32 v44, v27  }
0x224: {  	v35 =	vmovc v58;
	[tilespmem:s26+$0xFFFFFFF0] =	vst v10;
	v54 =	vsel vm6, v13, v26;
	v58 =	vsel vm15, v57, v24;
	v43 =	vsel vm14, s8, v16  }
0x225: {  	vm14 =	veq.f32 v34, v18;
	v15 =	vnsel vm9, $0x4E6E6B28, v35;
	v42 =	vsel vm13, s8, v0;
	v0 =	vld [tilespmem:$0x1FC90]  }
0x226: {  	v56 =	vsel vm13, v44, v27;
	v39 =	vsel vm6, s8, v17;
	vm6 =	vgt.f32 v25, v29  }
0x227: {  	vm13 =	veq.f32 v13, v18;
	v53 =	vsel vm6, v25, v29;
	v38 =	vsel vm6, s8, v12  }
0x228: {  	vm6 =	vgt.f32 v34, v31;
	v12 =	vsel vm11, s6, v23;
	vm11 =	vgt.f32 v61, v30  }
0x229: {  	v51 =	vsel vm6, v34, v31;
	v37 =	vsel vm6, s8, v47;
	vm6 =	veq.f32 v44, v18  }
0x22a: {  	v57 =	vsel vm11, v61, v30;
	v41 =	vsel vm15, s8, v12;
	vm15 =	vnez.u8 v0  }
0x22b: {  	s30 =	simm.s32 $0x2;
	s31 =	simm.s32 $0x8280;
	[tilespmem:s26+$0x0] =	vst v11;
	v40 =	vsel vm11, s8, v1;
	vm11 =	veq.f32 v25, v18;
	v13 =	vnsel vm15, $0x4E6E6B28, v62  }
.LBB2_7:
0x22c: {  	v0 =	vld [tilespmem:s31+$0xFFFFFF80];
	v16 =	vnsel vm7, $0x4E6E6B28, v55;
	v17 =	vnsel vm8, $0x4E6E6B28, v63;
	v18 =	vnsel vm5, $0x4E6E6B28, v6;
	s6 =	smov.u32 s30  }
0x22d: {  	v19 =	vnsel vm2, $0x4E6E6B28, v8;
	v20 =	vnsel vm3, $0x4E6E6B28, v7;
	v21 =	vnsel vm0, $0x4E6E6B28, v9;
	v1 =	vld [tilespmem:s31+$0xFFFFFF90]  }
0x22e: {  	v22 =	vnsel vm1, $0x4E6E6B28, v62;
	v23 =	vnsel vm4, $0x4E6E6B28, v35;
	v24 =	vnsel vm6, $0x4E6E6B28, v55;
	v10 =	vld [tilespmem:s31+$0xFFFFFFA0]  }
0x22f: {  	v25 =	vnsel vm10, $0x4E6E6B28, v63;
	v26 =	vnsel vm12, $0x4E6E6B28, v6;
	v27 =	vnsel vm13, $0x4E6E6B28, v8;
	v11 =	vld [tilespmem:s31+$0xFFFFFFB0]  }
0x230: {  	v13 =	vmin.f32 v13, v15;
	v15 =	vnsel vm11, $0x4E6E6B28, v7;
	v28 =	vnsel vm14, $0x4E6E6B28, v9;
	v12 =	vld [tilespmem:s31+$0xFFFFFFC0]  }
0x231: {  	v16 =	vmin.f32 v16, v17;
	v17 =	vmin.f32 v18, v19;
	v18 =	vmin.f32 v20, v21;
	v29 =	vld [tilespmem:s31+$0xFFFFFFD0]  }
0x232: {  	v21 =	vmin.f32 v22, v23;
	v22 =	vmin.f32 v24, v25;
	v19 =	vmax.f32 v0, v1;
	v20 =	vld [tilespmem:s31+$0x0]  }
0x233: {  	v15 =	vmin.f32 v15, v28;
	v13 =	vmin.f32 v13, v16;
	v16 =	vmin.f32 v26, v27;
	v23 =	vld [tilespmem:s31+$0x10]  }
0x234: {  	s30 =	sadd.s32 $0x2, s30;
	v17 =	vmin.f32 v17, v18;
	v18 =	vmin.f32 v21, v22;
	v24 =	vld [tilespmem:s31+$0xFFFFFFE0];
	v25 =	vmax.f32 v10, v11  }
0x235: {  	s26 =	sadd.s32 $0x20, s26;
	s6 =	sadd.s32 s6, s1;
	p0 =	slt.u32 s30, $0xFE;
	v13 =	vmin.f32 v13, v17;
	v15 =	vmin.f32 v16, v15;
	v19 =	vmax.f32 v19, v25;
	v21 =	vld [tilespmem:s31+$0x20]  }
0x236: {  	s8 =	sadd.s32 $0x102, s6;
	vm0 =	vgt.f32 v0, v60;
	vm1 =	vgt.f32 v1, v59;
	v16 =	vmax.f32 v12, v29;
	v17 =	vld [tilespmem:s31+$0x30];
	[tilespmem:s26+$0xFFFFFFF0] =	vst v13  }
0x237: {  	v22 =	vsel vm1, v1, v59;
	v25 =	vsel vm1, s8, v45;
	v13 =	vsel vm0, v0, v60;
	v26 =	vld [tilespmem:s31+$0x40]  }
0x238: {  	s9 =	sadd.s32 $0x103, s6;
	v28 =	vsel vm0, s8, v43;
	vm0 =	vgt.f32 v20, v13;
	v27 =	vld [tilespmem:s31+$0xFFFFFFF0];
	vm1 =	vgt.f32 v23, v22  }
0x239: {  	v60 =	vsel vm0, v20, v13;
	v30 =	vld [tilespmem:s31+$0x50];
	v59 =	vsel vm1, v23, v22;
	v45 =	vsel vm1, s9, v25  }
0x23a: {  	vm2 =	vgt.f32 v11, v58;
	vm3 =	vgt.f32 v12, v57;
	vm1 =	vgt.f32 v10, v56;
	v13 =	vld [tilespmem:s31+$0x60]  }
0x23b: {  	v31 =	vsel vm3, v12, v57;
	v25 =	vsel vm2, v11, v58;
	v22 =	vsel vm1, v10, v56;
	v32 =	vld [tilespmem:s31+$0x70]  }
0x23c: {  	vm4 =	vgt.f32 v21, v22;
	vm5 =	vgt.f32 v17, v25;
	vm6 =	vgt.f32 v26, v31  }
0x23d: {  	v56 =	vsel vm4, v21, v22;
	v58 =	vsel vm5, v17, v25;
	v57 =	vsel vm6, v26, v31  }
0x23e: {  	vm7 =	vgt.f32 v29, v54;
	vm8 =	vgt.f32 v24, v53;
	vm9 =	vgt.f32 v27, v51  }
0x23f: {  	v22 =	vsel vm7, v29, v54;
	v25 =	vsel vm8, v24, v53;
	v31 =	vsel vm9, v27, v51  }
0x240: {  	vm10 =	vgt.f32 v30, v22;
	vm11 =	vgt.f32 v13, v25;
	vm12 =	vgt.f32 v32, v31  }
0x241: {  	s6 =	simm.s32 $0x0;
	v54 =	vsel vm10, v30, v22;
	v53 =	vsel vm11, v13, v25;
	v51 =	vsel vm12, v32, v31  }
0x242: {  	v22 =	vsel vm7, s8, v39;
	v25 =	vsel vm8, s8, v38;
	v31 =	vsel vm9, s8, v37  }
0x243: {  	v39 =	vsel vm10, s9, v22;
	v38 =	vsel vm11, s9, v25;
	v37 =	vsel vm12, s9, v31  }
0x244: {  	v22 =	vsel vm1, s8, v42;
	v25 =	vsel vm2, s8, v41;
	v31 =	vsel vm3, s8, v40  }
0x245: {  	v42 =	vsel vm4, s9, v22;
	v41 =	vsel vm5, s9, v25;
	v40 =	vsel vm6, s9, v31  }
0x246: {  	v43 =	vsel vm0, s9, v28;
	v22 =	vmax.f32 v24, v27;
	v25 =	vmax.f32 v20, v23  }
0x247: {  	v28 =	vmax.f32 v21, v17;
	v33 =	vmax.f32 v13, v32;
	v31 =	vmax.f32 v26, v30  }
0x248: {  	v16 =	vmax.f32 v16, v22;
	v22 =	vmax.f32 v25, v28;
	v25 =	vmax.f32 v31, v33  }
0x249: {  	s28 =	sadd.s32 $0x20, s28;
	v15 =	vmin.f32 v18, v15;
	v16 =	vmax.f32 v19, v16;
	v19 =	vmax.f32 v22, v25  }
0x24a: {  	vm9 =	veq.f32 v0, v16;
	vm14 =	veq.f32 v1, v16;
	vm7 =	veq.f32 v10, v16;
	[tilespmem:s28+$0xFFFFFFF0] =	vst v16  }
.Ltmp2:
0x24b: {  	vm8 =	veq.f32 v11, v16;
	vm5 =	veq.f32 v12, v16;
	vm2 =	veq.f32 v29, v16;
	[tilespmem:s28+$0x0] =	vst v19;
	(pc) =	sbr.rel @p0 .LBB2_7-.Ltmp2, $4  }
0x24c: {  	vm3 =	veq.f32 v24, v16;
	vm0 =	veq.f32 v27, v16;
	vm1 =	veq.f32 v20, v19;
	[tilespmem:s26+$0x0] =	vst v15  }
0x24d: {  	vm4 =	veq.f32 v23, v19;
	vm6 =	veq.f32 v21, v19;
	vm10 =	veq.f32 v17, v19  }
0x24e: {  	vm12 =	veq.f32 v26, v19;
	vm13 =	veq.f32 v30, v19;
	vm11 =	veq.f32 v13, v19  }
0x24f: {  	s31 =	sadd.s32 $0x100, s31;
	v13 =	vnsel vm9, $0x4E6E6B28, v62;
	v15 =	vnsel vm14, $0x4E6E6B28, v35;
	vm14 =	veq.f32 v32, v19  }
0x250: {  	v0 =	vnsel vm7, $0x4E6E6B28, v55;
	v1 =	vnsel vm8, $0x4E6E6B28, v63;
	v10 =	vnsel vm5, $0x4E6E6B28, v6  }
0x251: {  	[tilespmem:$0x1FAE0] =	vst v45;
	v11 =	vnsel vm2, $0x4E6E6B28, v8;
	v12 =	vnsel vm3, $0x4E6E6B28, v7;
	v16 =	vnsel vm0, $0x4E6E6B28, v9  }
0x252: {  	[tilespmem:$0x1FAF0] =	vst v43;
	v17 =	vnsel vm1, $0x4E6E6B28, v62;
	v18 =	vnsel vm4, $0x4E6E6B28, v35;
	v19 =	vnsel vm6, $0x4E6E6B28, v55  }
0x253: {  	[tilespmem:$0x1FB00] =	vst v42;
	v20 =	vnsel vm10, $0x4E6E6B28, v63;
	v0 =	vmin.f32 v0, v1;
	v1 =	vmin.f32 v10, v11  }
0x254: {  	[tilespmem:$0x1FB10] =	vst v41;
	v10 =	vmin.f32 v12, v16;
	v11 =	vmin.f32 v17, v18;
	v12 =	vmin.f32 v19, v20  }
0x255: {  	v62 =	vmov v5;
	[tilespmem:$0x1FC30] =	vst v5;
	v11 =	vmin.f32 v11, v12;
	v12 =	vor.u32 s6, v5;
	v5 =	vld [tilespmem:$0x1FCB0]  }
0x256: {  	[tilespmem:$0x1FB20] =	vst v40;
	v21 =	vnsel vm12, $0x4E6E6B28, v6  }
0x257: {  	[tilespmem:$0x1FB30] =	vst v39;
	v22 =	vnsel vm13, $0x4E6E6B28, v8;
	v13 =	vmin.f32 v13, v15;
	v15 =	vnsel vm11, $0x4E6E6B28, v7;
	v41 =	vld [tilespmem:$0x1FCA0]  }
0x258: {  	[tilespmem:$0x1FB40] =	vst v38;
	v23 =	vnsel vm14, $0x4E6E6B28, v9;
	v46 =	vld [tilespmem:$0x1FF30];
	v0 =	vmin.f32 v13, v0;
	v1 =	vmin.f32 v1, v10  }
0x259: {  	[tilespmem:$0x1FB50] =	vst v37;
	s8 =	sadd.s32 $0x20, s26;
	v45 =	vld [tilespmem:$0x1FF20];
	v15 =	vmin.f32 v15, v23;
	v13 =	vmin.f32 v21, v22;
	v0 =	vmin.f32 v0, v1  }
0x25a: {  	v13 =	vmin.f32 v13, v15;
	v12 =	vand.u32 v5, v12;
	v5 =	vld [tilespmem:$0x1FCC0];
	[tilespmem:s8+$0xFFFFFFF0] =	vst v0  }
0x25b: {  	v0 =	vmin.f32 v11, v13;
	[tilespmem:$0x1FC10] =	vst v3  }
0x25c: {  	v11 =	vor.u32 s6, v3;
	v3 =	vld [tilespmem:$0x1FCD0];
	[tilespmem:s8+$0x0] =	vst v0  }
0x25d: {  	v9 =	vld [tilespmem:$0x1FD10]  }
0x25e: {  	v48 =	vld [tilespmem:$0x1FD00]  }
0x25f: {  	v7 =	vld [tilespmem:$0x1FD40]  }
0x260: {  	v8 =	vld [tilespmem:$0x1FD60]  }
0x261: {  	v47 =	vld [tilespmem:$0x1FD70]  }
0x262: {  	v6 =	vld [tilespmem:$0x1FDA0]  }
0x263: {  	v10 =	vor.u32 s6, v14;
	v49 =	vld [tilespmem:$0x1FD90]  }
0x264: {  	v24 =	vand.u32 v41, v10;
	v38 =	vld [tilespmem:$0x1FDB0]  }
0x265: {  	v43 =	vmov v4;
	v0 =	vor.u32 s6, v4;
	[tilespmem:$0x1FC20] =	vst v4;
	v4 =	vld [tilespmem:$0x1FDE0]  }
0x266: {  	v15 =	vor.u32 s6, v45;
	v35 =	vld [tilespmem:$0x1FDD0]  }
0x267: {  	v13 =	vand.u32 v3, v15;
	v3 =	vld [tilespmem:$0x1FCE0]  }
0x268: {  	v37 =	vld [tilespmem:$0x1FDF0]  }
0x269: {  	v16 =	vld.idx.msk [tilespmem:v24+s17+$0x0], $0xffff  }
0x26a: {  	v33 =	vmov v2;
	v17 =	vor.u32 s6, v2;
	[tilespmem:$0x1FC00] =	vst v2;
	v2 =	vld [tilespmem:$0x1FD50]  }
0x26b: {  	v1 =	vor.u32 s6, v46;
	v40 =	vld [tilespmem:$0x1FE20]  }
0x26c: {  	v22 =	vand.u32 v5, v1;
	v11 =	vand.u32 v3, v11;
	v3 =	vld [tilespmem:$0x1FDC0]  }
0x26d: {  	v26 =	vand.u32 v48, v0;
	v0 =	vld [tilespmem:$0x1FD20]  }
0x26e: {  	v5 =	vld [tilespmem:$0x1FD80];
	v19 =	vor.u32 s6, v7  }
0x26f: {  	v18 =	vld.idx.msk [tilespmem:v12+s17+$0x0], $0xffff;
	v21 =	vor.u32 s6, v8;
	v19 =	vand.u32 v2, v19  }
0x270: {  	v25 =	vor.u32 s6, v6;
	v21 =	vand.u32 v47, v21;
	v2 =	vld [tilespmem:$0x1FE00]  }
0x271: {  	v15 =	vor.u32 s6, v9;
	v25 =	vand.u32 v38, v25;
	v20 =	vld.idx.msk [tilespmem:v22+s17+$0x0], $0xffff;
	v27 =	vor.u32 s6, v3  }
0x272: {  	v15 =	vand.u32 v0, v15;
	v0 =	vld [tilespmem:$0x1FD30];
	v27 =	vand.u32 v35, v27  }
0x273: {  	v23 =	vor.u32 s6, v5;
	v34 =	vld.idx.msk [tilespmem:v26+s17+$0x0], $0xffff  }
0x274: {  	v23 =	vand.u32 v49, v23;
	v44 =	vld.idx.msk [tilespmem:v19+s17+$0x0], $0xffff  }
0x275: {  	v52 =	vld.idx.msk [tilespmem:v21+s17+$0x0], $0xffff  }
0x276: {  	v61 =	vld.idx.msk [tilespmem:v25+s17+$0x0], $0xffff  }
0x277: {  	v30 =	vor.u32 s6, v4;
	v28 =	vand.u32 v0, v17;
	v0 =	vld.idx.msk [tilespmem:v27+s17+$0x0], $0xffff  }
0x278: {  	v30 =	vand.u32 v37, v30;
	v31 =	vld.idx.msk [tilespmem:v11+s17+$0x0], $0xffff  }
0x279: {  	v55 =	vld.idx.msk [tilespmem:v23+s17+$0x0], $0xffff  }
0x27a: {  	v17 =	vld.idx.msk [tilespmem:v13+s17+$0x0], $0xffff  }
0x27b: {  	v39 =	vld.idx.msk [tilespmem:v15+s17+$0x0], $0xffff  }
0x27c: {  	v50 =	vld.idx.msk [tilespmem:v28+s17+$0x0], $0xffff;
	[tilespmem:$0x1FBB0] =	vst v0  }
0x27d: {  	v32 =	vor.u32 s6, v2;
	v63 =	vld.idx.msk [tilespmem:v30+s17+$0x0], $0xffff  }
0x27e: {  	v32 =	vand.u32 v40, v32  }
0x27f: {  	v42 =	vld [tilespmem:$0x1FE30];
	_ =	sdelay $0x2  }
0x280: {  	[tilespmem:$0x1FBD0] =	vst v63  }
0x281: {  	v1 =	vld.idx.msk [tilespmem:v32+s17+$0x0], $0xffff  }
0x282: {  	v36 =	vor.u32 s6, v42;
	v29 =	vmax.f32 v16, v18  }
0x283: {  	v29 =	vmax.f32 v29, v20  }
0x284: {  	v29 =	vmax.f32 v29, v17  }
0x285: {  	v29 =	vmax.f32 v29, v31  }
0x286: {  	v29 =	vmax.f32 v29, v34;
	[tilespmem:$0x1FBE0] =	vst v1  }
0x287: {  	v29 =	vmax.f32 v29, v39;
	v10 =	vld.idx.msk [tilespmem:v36+s17+$0x0], $0xffff  }
0x288: {  	v29 =	vmax.f32 v29, v50  }
0x289: {  	v29 =	vmax.f32 v29, v44  }
0x28a: {  	v29 =	vmax.f32 v29, v52  }
0x28b: {  	v29 =	vmax.f32 v29, v55  }
0x28c: {  	s26 =	simm.s32 $0x100;
	v29 =	vmax.f32 v29, v61;
	[tilespmem:$0x1FBF0] =	vst v10  }
0x28d: {  	v29 =	vmax.f32 v29, v0;
	v0 =	vor.u32 s26, v2;
	v24 =	vld.idx.msk [tilespmem:v24+s18+$0x0], $0xffff  }
0x28e: {  	v12 =	vld.idx.msk [tilespmem:v12+s18+$0x0], $0xffff;
	[tilespmem:$0x1FBC0] =	vst v0;
	v0 =	vor.u32 s26, v3  }
0x28f: {  	v22 =	vld.idx.msk [tilespmem:v22+s18+$0x0], $0xffff;
	[tilespmem:$0x1FB90] =	vst v0;
	v0 =	vor.u32 s26, v4  }
0x290: {  	[tilespmem:$0x1FBA0] =	vst v0;
	v0 =	vor.u32 s26, v5  }
0x291: {  	v29 =	vmax.f32 v29, v63;
	v13 =	vld.idx.msk [tilespmem:v13+s18+$0x0], $0xffff;
	[tilespmem:$0x1FB70] =	vst v0;
	v0 =	vor.u32 s26, v6  }
0x292: {  	v29 =	vmax.f32 v29, v1;
	[tilespmem:$0x1FB80] =	vst v0  }
0x293: {  	v29 =	vmax.f32 v29, v10;
	v11 =	vld.idx.msk [tilespmem:v11+s18+$0x0], $0xffff  }
0x294: {  	v1 =	vor.u32 s26, v8;
	vm0 =	veq.f32 v16, v29;
	vm1 =	veq.f32 v18, v29  }
0x295: {  	vm2 =	veq.f32 v20, v29;
	v10 =	vnsel vm0, $0x4E6E6B28, v24;
	v12 =	vnsel vm1, $0x4E6E6B28, v12  }
0x296: {  	v0 =	vld.idx.msk [tilespmem:v26+s18+$0x0], $0xffff;
	[tilespmem:$0x1FB60] =	vst v1;
	vm0 =	veq.f32 v17, v29;
	v10 =	vmin.f32 v10, v12;
	v1 =	vnsel vm2, $0x4E6E6B28, v22  }
0x297: {  	v1 =	vmin.f32 v10, v1;
	v13 =	vnsel vm0, $0x4E6E6B28, v13;
	vm0 =	veq.f32 v31, v29  }
0x298: {  	v1 =	vmin.f32 v1, v13;
	v11 =	vnsel vm0, $0x4E6E6B28, v11  }
0x299: {  	v1 =	vmin.f32 v1, v11;
	v11 =	vld [tilespmem:$0x1FCC0];
	_ =	sdelay $0x3  }
0x29a: {  	v26 =	vor.u32 s26, v46  }
0x29b: {  	v26 =	vand.u32 v11, v26;
	v11 =	vld [tilespmem:$0x1FC10]  }
0x29c: {  	v16 =	vld [tilespmem:$0x1FCB0]  }
0x29d: {  	v18 =	vld.idx.msk [tilespmem:v15+s18+$0x0], $0xffff  }
0x29e: {  	v15 =	vld.idx.msk [tilespmem:v28+s18+$0x0], $0xffff;
	v10 =	vor.u32 s26, v43  }
0x29f: {  	v20 =	vand.u32 v48, v10;
	v10 =	vld [tilespmem:$0x1FCD0]  }
0x2a0: {  	v28 =	vor.u32 s26, v11;
	v11 =	vld [tilespmem:$0x1FD20];
	_ =	sdelay $0x2  }
0x2a1: {  	v13 =	vor.u32 s26, v62  }
0x2a2: {  	v12 =	vor.u32 s26, v9;
	v62 =	vand.u32 v16, v13;
	v16 =	vld.idx.msk [tilespmem:v27+s18+$0x0], $0xffff;
	v13 =	vor.u32 s26, v45  }
0x2a3: {  	v27 =	vand.u32 v10, v13;
	v13 =	vand.u32 v11, v12;
	v11 =	vld [tilespmem:$0x1FCE0];
	_ =	sdelay $0x4  }
0x2a4: {  	v28 =	vand.u32 v11, v28;
	v11 =	vld [tilespmem:$0x1FD50];
	_ =	sdelay $0x3  }
0x2a5: {  	v63 =	vor.u32 s26, v7  }
0x2a6: {  	v63 =	vand.u32 v11, v63;
	v11 =	vld [tilespmem:$0x1FB60]  }
0x2a7: {  	v24 =	vor.u32 s26, v14  }
0x2a8: {  	v19 =	vld.idx.msk [tilespmem:v19+s18+$0x0], $0xffff;
	v24 =	vand.u32 v41, v24  }
0x2a9: {  	v21 =	vld.idx.msk [tilespmem:v21+s18+$0x0], $0xffff  }
0x2aa: {  	vm1 =	veq.f32 v39, v29;
	v23 =	vld.idx.msk [tilespmem:v23+s18+$0x0], $0xffff;
	vm0 =	veq.f32 v34, v29  }
0x2ab: {  	v0 =	vnsel vm0, $0x4E6E6B28, v0;
	vm0 =	veq.f32 v50, v29;
	v50 =	vand.u32 v47, v11;
	v11 =	vld [tilespmem:$0x1FB70]  }
0x2ac: {  	v25 =	vld.idx.msk [tilespmem:v25+s18+$0x0], $0xffff;
	v0 =	vmin.f32 v1, v0;
	v1 =	vnsel vm1, $0x4E6E6B28, v18  }
0x2ad: {  	v18 =	vld.idx.msk [tilespmem:v24+s17+$0x0], $0xffff;
	v0 =	vmin.f32 v0, v1;
	v1 =	vnsel vm0, $0x4E6E6B28, v15;
	vm0 =	veq.f32 v44, v29  }
0x2ae: {  	v0 =	vmin.f32 v0, v1;
	v1 =	vnsel vm0, $0x4E6E6B28, v19;
	v17 =	vld.idx.msk [tilespmem:v62+s17+$0x0], $0xffff  }
0x2af: {  	vm0 =	veq.f32 v52, v29;
	v0 =	vmin.f32 v0, v1;
	v19 =	vld.idx.msk [tilespmem:v26+s17+$0x0], $0xffff  }
0x2b0: {  	v12 =	vnsel vm0, $0x4E6E6B28, v21;
	vm0 =	veq.f32 v55, v29;
	v52 =	vand.u32 v49, v11;
	v11 =	vld.idx.msk [tilespmem:v13+s17+$0x0], $0xffff  }
0x2b1: {  	v0 =	vmin.f32 v0, v12;
	v12 =	vnsel vm0, $0x4E6E6B28, v23;
	v55 =	vmov v13;
	v13 =	vld [tilespmem:$0x1FB80]  }
0x2b2: {  	v0 =	vmin.f32 v0, v12;
	v12 =	vld [tilespmem:$0x1FB90];
	_ =	sdelay $0x3  }
0x2b3: {  	vm0 =	veq.f32 v61, v29;
	v61 =	vand.u32 v38, v13;
	v13 =	vmax.f32 v18, v17  }
0x2b4: {  	v15 =	vand.u32 v35, v12;
	v12 =	vmax.f32 v13, v19;
	v13 =	vnsel vm0, $0x4E6E6B28, v25;
	v25 =	vld [tilespmem:$0x1FBA0];
	_ =	sdelay $0x4  }
0x2b5: {  	v38 =	vand.u32 v37, v25;
	v25 =	vld [tilespmem:$0x1FBB0];
	_ =	sdelay $0x1  }
0x2b6: {  	v31 =	vld [tilespmem:$0x1FD30]  }
0x2b7: {  	v1 =	vld.idx.msk [tilespmem:v27+s17+$0x0], $0xffff  }
0x2b8: {  	v21 =	vld.idx.msk [tilespmem:v28+s17+$0x0], $0xffff  }
0x2b9: {  	vm0 =	veq.f32 v25, v29;
	v25 =	vld [tilespmem:$0x1FBC0]  }
0x2ba: {  	v22 =	vor.u32 s26, v33;
	v23 =	vld.idx.msk [tilespmem:v20+s17+$0x0], $0xffff  }
0x2bb: {  	v22 =	vand.u32 v31, v22  }
0x2bc: {  	v30 =	vld.idx.msk [tilespmem:v30+s18+$0x0], $0xffff  }
0x2bd: {  	v10 =	vld.idx.msk [tilespmem:v32+s18+$0x0], $0xffff;
	v12 =	vmax.f32 v12, v1  }
0x2be: {  	v32 =	vld.idx.msk [tilespmem:v36+s18+$0x0], $0xffff;
	v44 =	vand.u32 v40, v25;
	v25 =	vmax.f32 v12, v21  }
0x2bf: {  	[tilespmem:$0x1FC40] =	vst v61;
	v0 =	vmin.f32 v0, v13;
	v13 =	vmax.f32 v25, v23;
	v25 =	vld [tilespmem:$0x1FBD0]  }
0x2c0: {  	v39 =	vld.idx.msk [tilespmem:v22+s17+$0x0], $0xffff;
	[tilespmem:$0x1FC60] =	vst v15  }
0x2c1: {  	v37 =	vld.idx.msk [tilespmem:v63+s17+$0x0], $0xffff;
	_ =	sdelay $0x1  }
0x2c2: {  	v35 =	vld.idx.msk [tilespmem:v50+s17+$0x0], $0xffff  }
0x2c3: {  	v34 =	vld.idx.msk [tilespmem:v15+s17+$0x0], $0xffff;
	v16 =	vnsel vm0, $0x4E6E6B28, v16;
	v13 =	vmax.f32 v13, v11;
	vm0 =	veq.f32 v25, v29  }
0x2c4: {  	v15 =	vld [tilespmem:$0x1FBE0];
	v0 =	vmin.f32 v0, v16;
	v13 =	vmax.f32 v13, v39;
	v16 =	vnsel vm0, $0x4E6E6B28, v30  }
0x2c5: {  	v0 =	vmin.f32 v0, v16;
	v16 =	vmax.f32 v13, v37;
	v13 =	vld [tilespmem:$0x1FBF0]  }
0x2c6: {  	v33 =	vld.idx.msk [tilespmem:v52+s17+$0x0], $0xffff;
	v12 =	vor.u32 s26, v42  }
0x2c7: {  	v36 =	vld.idx.msk [tilespmem:v61+s17+$0x0], $0xffff;
	_ =	sdelay $0x1  }
0x2c8: {  	vm0 =	veq.f32 v15, v29;
	v30 =	vld.idx.msk [tilespmem:v38+s17+$0x0], $0xffff  }
0x2c9: {  	v10 =	vnsel vm0, $0x4E6E6B28, v10;
	v16 =	vmax.f32 v16, v35;
	vm0 =	veq.f32 v13, v29;
	v13 =	vld.idx.msk [tilespmem:v44+s17+$0x0], $0xffff  }
0x2ca: {  	v10 =	vmin.f32 v0, v10;
	v0 =	vld.idx.msk [tilespmem:v12+s17+$0x0], $0xffff;
	v16 =	vmax.f32 v16, v33  }
0x2cb: {  	v16 =	vmax.f32 v16, v36  }
0x2cc: {  	v16 =	vmax.f32 v16, v34  }
0x2cd: {  	v24 =	vld.idx.msk [tilespmem:v24+s18+$0x0], $0xffff;
	v16 =	vmax.f32 v16, v30;
	v25 =	vnsel vm0, $0x4E6E6B28, v32  }
0x2ce: {  	v10 =	vmin.f32 v10, v25;
	v25 =	vld.idx.msk [tilespmem:v62+s18+$0x0], $0xffff;
	v16 =	vmax.f32 v16, v13  }
0x2cf: {  	v26 =	vld.idx.msk [tilespmem:v26+s18+$0x0], $0xffff;
	vm0 =	vlt.f32 v29, $-1.000000000e+00;
	v61 =	vmax.f32 v16, v0  }
0x2d0: {  	v29 =	vsel vm0, $0xBF800000, v29;
	v10 =	vsel vm0, $0x43000000, v10;
	vm0 =	veq.f32 v18, v61;
	v18 =	vld [tilespmem:$0x1FC00];
	_ =	sdelay $0x1  }
0x2d1: {  	vm1 =	veq.f32 v17, v61  }
0x2d2: {  	v17 =	vnsel vm0, $0x4E6E6B28, v24;
	v24 =	vnsel vm1, $0x4E6E6B28, v25;
	vm0 =	veq.f32 v19, v61  }
0x2d3: {  	s26 =	simm.s32 $0x200;
	v19 =	vmin.f32 v17, v24;
	v26 =	vnsel vm0, $0x4E6E6B28, v26  }
0x2d4: {  	vm0 =	veq.f32 v1, v61;
	v1 =	vmin.f32 v19, v26;
	v26 =	vor.u32 s26, v18;
	v18 =	vld [tilespmem:$0x1FC10];
	_ =	sdelay $0x2  }
0x2d5: {  	v27 =	vld.idx.msk [tilespmem:v27+s18+$0x0], $0xffff  }
0x2d6: {  	v28 =	vld.idx.msk [tilespmem:v28+s18+$0x0], $0xffff  }
0x2d7: {  	v42 =	vor.u32 s26, v18;
	v18 =	vld [tilespmem:$0x1FC20];
	_ =	sdelay $0x3  }
0x2d8: {  	vm1 =	veq.f32 v21, v61;
	v21 =	vnsel vm0, $0x4E6E6B28, v27  }
0x2d9: {  	v1 =	vmin.f32 v1, v21;
	v21 =	vnsel vm1, $0x4E6E6B28, v28;
	v28 =	vor.u32 s26, v18;
	v18 =	vld.idx.msk [tilespmem:v55+s18+$0x0], $0xffff  }
0x2da: {  	v24 =	vld.idx.msk [tilespmem:v20+s18+$0x0], $0xffff;
	_ =	sdelay $0x3  }
0x2db: {  	vm0 =	veq.f32 v23, v61;
	[tilespmem:$0x1FC50] =	vst v18  }
0x2dc: {  	v1 =	vmin.f32 v1, v21;
	v21 =	vld.idx.msk [tilespmem:v22+s18+$0x0], $0xffff;
	v22 =	vnsel vm0, $0x4E6E6B28, v24;
	[tilespmem:s3+$0x0] =	vst v29  }
0x2dd: {  	v24 =	vmin.f32 v1, v22;
	v1 =	vld [tilespmem:$0x1FC30];
	_ =	sdelay $0x4  }
0x2de: {  	v25 =	vor.u32 s26, v1;
	v1 =	vld [tilespmem:$0x1FD50];
	_ =	sdelay $0x3  }
0x2df: {  	v62 =	vor.u32 s26, v7  }
0x2e0: {  	v62 =	vand.u32 v1, v62;
	v1 =	vld [tilespmem:$0x1FD20];
	_ =	sdelay $0x3  }
0x2e1: {  	v20 =	vor.u32 s26, v9;
	v22 =	vld.idx.msk [tilespmem:v63+s18+$0x0], $0xffff  }
0x2e2: {  	v63 =	vand.u32 v31, v26;
	v31 =	vand.u32 v1, v20;
	v1 =	vld [tilespmem:$0x1FCD0];
	_ =	sdelay $0x3  }
0x2e3: {  	v18 =	vor.u32 s26, v45  }
0x2e4: {  	v29 =	vand.u32 v1, v18;
	v1 =	vld [tilespmem:$0x1FCE0]  }
0x2e5: {  	v18 =	vld [tilespmem:$0x1FCA0];
	_ =	sdelay $0x1  }
0x2e6: {  	v10 =	vtrunc.f32 v10  }
0x2e7: {  	v43 =	vcvt.f32.s32 v10  }
0x2e8: {  	v19 =	vor.u32 s26, v14;
	v23 =	vld.idx.msk [tilespmem:v50+s18+$0x0], $0xffff  }
0x2e9: {  	v1 =	vand.u32 v1, v42;
	v50 =	vmov v18;
	v42 =	vand.u32 v18, v19;
	v18 =	vld [tilespmem:$0x1FC40];
	[tilespmem:s0+$0x0] =	vst v43  }
0x2ea: {  	v19 =	vld [tilespmem:$0x1FCC0];
	_ =	sdelay $0x3  }
0x2eb: {  	v27 =	vor.u32 s26, v46  }
0x2ec: {  	vm0 =	veq.f32 v39, v61;
	v55 =	vmov v19;
	v39 =	vand.u32 v19, v27;
	v19 =	vld [tilespmem:$0x1FCB0];
	_ =	sdelay $0x3  }
0x2ed: {  	v20 =	vld.idx.msk [tilespmem:v52+s18+$0x0], $0xffff  }
0x2ee: {  	v52 =	vmov v19;
	v43 =	vand.u32 v19, v25;
	v19 =	vld [tilespmem:$0x1FC50];
	_ =	sdelay $0x3  }
0x2ef: {  	vm1 =	veq.f32 v11, v61  }
0x2f0: {  	v25 =	vnsel vm1, $0x4E6E6B28, v19;
	v19 =	vld [tilespmem:$0x1FC60];
	_ =	sdelay $0x5  }
0x2f1: {  	v40 =	vor.u32 s26, v3  }
0x2f2: {  	v41 =	vor.u32 s26, v4;
	v15 =	vor.u32 s26, v6;
	v10 =	vor.u32 s26, v2;
	v18 =	vld.idx.msk [tilespmem:v18+s18+$0x0], $0xffff  }
0x2f3: {  	s28 =	simm.s32 $0x300;
	s31 =	smov.u32 s3;
	s30 =	smov.u32 s0;
	v16 =	vor.u32 s26, v5;
	v17 =	vor.u32 s26, v8;
	v11 =	vand.u32 v48, v28;
	v19 =	vld.idx.msk [tilespmem:v19+s18+$0x0], $0xffff  }
.LBB2_9:
0x2f4: {  	v24 =	vmin.f32 v24, v25;
	v25 =	vld.idx.msk [tilespmem:v38+s18+$0x0], $0xffff  }
0x2f5: {  	v12 =	vld.idx.msk [tilespmem:v12+s18+$0x0], $0xffff  }
0x2f6: {  	v26 =	vld.idx.msk [tilespmem:v31+s17+$0x0], $0xffff  }
0x2f7: {  	v21 =	vnsel vm0, $0x4E6E6B28, v21;
	vm0 =	veq.f32 v37, v61;
	v28 =	vld.idx.msk [tilespmem:v63+s17+$0x0], $0xffff  }
0x2f8: {  	v37 =	vld.idx.msk [tilespmem:v62+s17+$0x0], $0xffff;
	v21 =	vmin.f32 v24, v21;
	v22 =	vnsel vm0, $0x4E6E6B28, v22;
	vm0 =	veq.f32 v35, v61  }
0x2f9: {  	v24 =	vld.idx.msk [tilespmem:v44+s18+$0x0], $0xffff;
	v21 =	vmin.f32 v21, v22;
	v22 =	vnsel vm0, $0x4E6E6B28, v23;
	vm0 =	veq.f32 v33, v61  }
0x2fa: {  	v23 =	vld.idx.msk [tilespmem:v29+s17+$0x0], $0xffff;
	v21 =	vmin.f32 v21, v22;
	v20 =	vnsel vm0, $0x4E6E6B28, v20;
	vm0 =	veq.f32 v36, v61  }
0x2fb: {  	v22 =	vld.idx.msk [tilespmem:v42+s17+$0x0], $0xffff;
	v20 =	vmin.f32 v21, v20;
	v18 =	vnsel vm0, $0x4E6E6B28, v18;
	vm0 =	veq.f32 v34, v61  }
0x2fc: {  	v21 =	vld.idx.msk [tilespmem:v43+s17+$0x0], $0xffff;
	v18 =	vmin.f32 v20, v18;
	v19 =	vnsel vm0, $0x4E6E6B28, v19;
	vm0 =	veq.f32 v30, v61  }
0x2fd: {  	v20 =	vld.idx.msk [tilespmem:v39+s17+$0x0], $0xffff;
	v18 =	vmin.f32 v18, v19;
	v19 =	vnsel vm0, $0x4E6E6B28, v25  }
0x2fe: {  	vm0 =	veq.f32 v13, v61;
	v25 =	vand.u32 v49, v16;
	v16 =	vor.u32 s28, v5;
	v5 =	vld [tilespmem:$0x1FC20]  }
0x2ff: {  	v13 =	vmin.f32 v18, v19;
	v18 =	vnsel vm0, $0x4E6E6B28, v24;
	v19 =	vld.idx.msk [tilespmem:v1+s17+$0x0], $0xffff;
	v24 =	vand.u32 v47, v17  }
0x300: {  	vm0 =	veq.f32 v0, v61;
	v0 =	vmin.f32 v13, v18;
	v13 =	vld [tilespmem:$0x1FDD0]  }
0x301: {  	v47 =	vld [tilespmem:$0x1FD50];
	v12 =	vnsel vm0, $0x4E6E6B28, v12  }
0x302: {  	v0 =	vmin.f32 v0, v12;
	v12 =	vld [tilespmem:$0x1FDB0]  }
0x303: {  	v18 =	vld.idx.msk [tilespmem:v11+s17+$0x0], $0xffff;
	vm0 =	vlt.f32 v61, $-1.000000000e+00  }
0x304: {  	v0 =	vsel vm0, $0x43000000, v0;
	v35 =	vld.idx.msk [tilespmem:v24+s17+$0x0], $0xffff  }
0x305: {  	v0 =	vtrunc.f32 v0;
	v32 =	vand.u32 v13, v40;
	v40 =	vor.u32 s28, v3;
	v3 =	vld [tilespmem:$0x1FC00]  }
0x306: {  	v13 =	vsel vm0, $0xBF800000, v61;
	v61 =	vor.u32 s28, v7;
	v7 =	vor.u32 s28, v46;
	v46 =	vld [tilespmem:$0x1FD30]  }
0x307: {  	s31 =	sadd.s32 $0x10, s31;
	v0 =	vcvt.f32.s32 v0;
	v27 =	vand.u32 v12, v15;
	v12 =	vld [tilespmem:$0x1FDF0]  }
0x308: {  	s30 =	sadd.s32 $0x10, s30;
	v15 =	vld [tilespmem:$0x1FE20];
	[tilespmem:s31+$0x0] =	vst v13  }
0x309: {  	v5 =	vor.u32 s28, v5;
	v33 =	vld.idx.msk [tilespmem:v25+s17+$0x0], $0xffff;
	[tilespmem:s30+$0x0] =	vst v0  }
0x30a: {  	v5 =	vand.u32 v48, v5;
	v48 =	vld.idx.msk [tilespmem:v29+s18+$0x0], $0xffff  }
0x30b: {  	v29 =	vld [tilespmem:$0x1FCD0]  }
0x30c: {  	v34 =	vld.idx.msk [tilespmem:v32+s17+$0x0], $0xffff  }
0x30d: {  	v17 =	vor.u32 s28, v8;
	v44 =	vand.u32 v15, v10;
	v10 =	vor.u32 s28, v2;
	v2 =	vld [tilespmem:$0x1FE30]  }
0x30e: {  	v8 =	vor.u32 s28, v45;
	v38 =	vand.u32 v12, v41;
	v12 =	vmax.f32 v22, v21;
	v36 =	vld.idx.msk [tilespmem:v27+s17+$0x0], $0xffff  }
0x30f: {  	v3 =	vor.u32 s28, v3;
	v41 =	vor.u32 s28, v4;
	v4 =	vld [tilespmem:$0x1FC10];
	v12 =	vmax.f32 v12, v20  }
0x310: {  	v3 =	vand.u32 v46, v3;
	v46 =	vand.u32 v47, v61;
	v61 =	vld [tilespmem:$0x1FD20];
	v12 =	vmax.f32 v12, v23  }
0x311: {  	v29 =	vand.u32 v29, v8;
	v8 =	vld.idx.msk [tilespmem:v1+s18+$0x0], $0xffff;
	v13 =	vmax.f32 v12, v19  }
0x312: {  	v0 =	vmax.f32 v13, v18;
	v12 =	vor.u32 s26, v2;
	v2 =	vor.u32 s28, v9;
	v9 =	vld.idx.msk [tilespmem:v42+s18+$0x0], $0xffff  }
0x313: {  	v49 =	vmov v14;
	v0 =	vmax.f32 v0, v26;
	v42 =	vor.u32 s28, v14;
	v14 =	vld [tilespmem:$0x1FC30]  }
0x314: {  	v1 =	vld [tilespmem:$0x1FCE0];
	v0 =	vmax.f32 v0, v28  }
0x315: {  	v30 =	vld.idx.msk [tilespmem:v38+s17+$0x0], $0xffff;
	v0 =	vmax.f32 v0, v37  }
0x316: {  	v15 =	vor.u32 s28, v6;
	v13 =	vld.idx.msk [tilespmem:v44+s17+$0x0], $0xffff;
	v6 =	vmax.f32 v0, v35  }
0x317: {  	v6 =	vmax.f32 v6, v33;
	v0 =	vld.idx.msk [tilespmem:v12+s17+$0x0], $0xffff  }
0x318: {  	v45 =	vld.idx.msk [tilespmem:v43+s18+$0x0], $0xffff;
	v14 =	vor.u32 s28, v14;
	v6 =	vmax.f32 v6, v36  }
0x319: {  	v47 =	vld.idx.msk [tilespmem:v39+s18+$0x0], $0xffff;
	v4 =	vor.u32 s28, v4;
	v6 =	vmax.f32 v6, v34  }
0x31a: {  	v1 =	vand.u32 v1, v4;
	v4 =	vld.idx.msk [tilespmem:v11+s18+$0x0], $0xffff;
	v6 =	vmax.f32 v6, v30  }
0x31b: {  	v43 =	vand.u32 v52, v14;
	v6 =	vmax.f32 v6, v13;
	v14 =	vmov v49;
	v49 =	vld [tilespmem:$0x1FD90]  }
0x31c: {  	v2 =	vand.u32 v61, v2;
	v61 =	vmax.f32 v6, v0;
	v6 =	vld.idx.msk [tilespmem:v31+s18+$0x0], $0xffff  }
0x31d: {  	vm1 =	veq.f32 v21, v61;
	v21 =	vld.idx.msk [tilespmem:v63+s18+$0x0], $0xffff  }
0x31e: {  	vm0 =	veq.f32 v22, v61;
	v22 =	vld.idx.msk [tilespmem:v62+s18+$0x0], $0xffff  }
0x31f: {  	v62 =	vmov v46;
	v46 =	vld [tilespmem:$0x1FF30]  }
0x320: {  	v39 =	vand.u32 v55, v7;
	v7 =	vnsel vm0, $0x4E6E6B28, v9;
	v9 =	vnsel vm1, $0x4E6E6B28, v45;
	v45 =	vld [tilespmem:$0x1FF20]  }
0x321: {  	vm0 =	veq.f32 v20, v61;
	v20 =	vld.idx.msk [tilespmem:v25+s18+$0x0], $0xffff  }
0x322: {  	v63 =	vmov v3;
	v3 =	vmin.f32 v7, v9;
	v9 =	vld [tilespmem:$0x1FD10]  }
0x323: {  	v7 =	vld [tilespmem:$0x1FD40]  }
0x324: {  	v11 =	vmov v5;
	v5 =	vnsel vm0, $0x4E6E6B28, v47;
	v47 =	vld [tilespmem:$0x1FD70]  }
0x325: {  	vm0 =	veq.f32 v23, v61;
	v23 =	vld.idx.msk [tilespmem:v24+s18+$0x0], $0xffff  }
0x326: {  	v3 =	vmin.f32 v3, v5;
	v5 =	vnsel vm0, $0x4E6E6B28, v48;
	v48 =	vld [tilespmem:$0x1FD00]  }
0x327: {  	vm0 =	veq.f32 v19, v61;
	v19 =	vld.idx.msk [tilespmem:v32+s18+$0x0], $0xffff  }
0x328: {  	v31 =	vmov v2;
	v2 =	vmin.f32 v3, v5;
	v5 =	vld [tilespmem:$0x1FD80]  }
0x329: {  	p0 =	sne.s32 s28, $0xF00;
	v3 =	vnsel vm0, $0x4E6E6B28, v8;
	v8 =	vld [tilespmem:$0x1FD60]  }
.Ltmp3:
0x32a: {  	vm0 =	veq.f32 v18, v61;
	v18 =	vld.idx.msk [tilespmem:v27+s18+$0x0], $0xffff;
	(pc) =	sbr.rel @p0 .LBB2_9-.Ltmp3, $4  }
0x32b: {  	v2 =	vmin.f32 v2, v3;
	v3 =	vnsel vm0, $0x4E6E6B28, v4;
	v4 =	vld [tilespmem:$0x1FDE0]  }
0x32c: {  	v24 =	vmin.f32 v2, v3;
	v3 =	vld [tilespmem:$0x1FDC0]  }
0x32d: {  	vm0 =	veq.f32 v26, v61;
	v2 =	vld [tilespmem:$0x1FE00]  }
0x32e: {  	s26 =	smov.u32 s28;
	v42 =	vand.u32 v50, v42;
	s28 =	sadd.s32 $0x100, s28;
	v25 =	vnsel vm0, $0x4E6E6B28, v6;
	v6 =	vld [tilespmem:$0x1FDA0];
	vm0 =	veq.f32 v28, v61  }
0x32f: {  	_ =	sdelay $0x3  }
0x330: {  	v2 =	vld.idx.msk [tilespmem:v38+s18+$0x0], $0xffff  }
0x331: {  	v3 =	vld.idx.msk [tilespmem:v44+s18+$0x0], $0xffff  }
0x332: {  	v4 =	vld.idx.msk [tilespmem:v42+s17+$0x0], $0xffff  }
0x333: {  	v5 =	vld.idx.msk [tilespmem:v43+s17+$0x0], $0xffff  }
0x334: {  	v6 =	vld.idx.msk [tilespmem:v39+s17+$0x0], $0xffff  }
0x335: {  	v7 =	vld.idx.msk [tilespmem:v29+s17+$0x0], $0xffff  }
0x336: {  	v8 =	vld.idx.msk [tilespmem:v1+s17+$0x0], $0xffff  }
0x337: {  	v14 =	vld.idx.msk [tilespmem:v11+s17+$0x0], $0xffff  }
0x338: {  	v9 =	vand.u32 v47, v17;
	v17 =	vld.idx.msk [tilespmem:v31+s17+$0x0], $0xffff  }
0x339: {  	v26 =	vld [tilespmem:$0x1FDB0]  }
0x33a: {  	v50 =	vld [tilespmem:$0x1FDD0]  }
0x33b: {  	v28 =	vld [tilespmem:$0x1FDF0]  }
0x33c: {  	v52 =	vld [tilespmem:$0x1FE20]  }
0x33d: {  	v16 =	vand.u32 v49, v16;
	v24 =	vmin.f32 v24, v25;
	vm1 =	veq.f32 v37, v61;
	v55 =	vld [tilespmem:$0x1FE30]  }
0x33e: {  	v27 =	vld.idx.msk [tilespmem:v63+s17+$0x0], $0xffff;
	v21 =	vnsel vm0, $0x4E6E6B28, v21;
	v15 =	vand.u32 v26, v15;
	v49 =	vmax.f32 v4, v5  }
0x33f: {  	v32 =	vld.idx.msk [tilespmem:v62+s17+$0x0], $0xffff;
	vm4 =	veq.f32 v35, v61;
	v25 =	vand.u32 v50, v40;
	v26 =	vmax.f32 v49, v6  }
0x340: {  	vm5 =	veq.f32 v33, v61;
	v12 =	vld.idx.msk [tilespmem:v12+s18+$0x0], $0xffff;
	v28 =	vand.u32 v28, v41;
	v26 =	vmax.f32 v26, v7  }
0x341: {  	vm6 =	veq.f32 v36, v61;
	v10 =	vand.u32 v52, v10;
	v37 =	vld.idx.msk [tilespmem:v9+s17+$0x0], $0xffff;
	v26 =	vmax.f32 v26, v8  }
0x342: {  	v21 =	vmin.f32 v24, v21;
	v24 =	vld.idx.msk [tilespmem:v16+s17+$0x0], $0xffff;
	v38 =	vor.u32 s26, v55;
	v26 =	vmax.f32 v26, v14  }
0x343: {  	vm7 =	veq.f32 v34, v61;
	vm8 =	veq.f32 v30, v61;
	v35 =	vld.idx.msk [tilespmem:v15+s17+$0x0], $0xffff;
	v26 =	vmax.f32 v26, v17  }
0x344: {  	vm9 =	veq.f32 v13, v61;
	vm10 =	veq.f32 v0, v61;
	v41 =	vld.idx.msk [tilespmem:v25+s17+$0x0], $0xffff;
	v26 =	vmax.f32 v26, v27  }
0x345: {  	vm0 =	vlt.f32 v61, $-1.000000000e+00;
	v22 =	vnsel vm1, $0x4E6E6B28, v22;
	v44 =	vld.idx.msk [tilespmem:v28+s17+$0x0], $0xffff;
	v26 =	vmax.f32 v26, v32  }
0x346: {  	v21 =	vmin.f32 v21, v22;
	v40 =	vnsel vm4, $0x4E6E6B28, v23;
	v45 =	vld.idx.msk [tilespmem:v10+s17+$0x0], $0xffff;
	v26 =	vmax.f32 v26, v37  }
0x347: {  	v20 =	vnsel vm5, $0x4E6E6B28, v20;
	v21 =	vmin.f32 v21, v40;
	v46 =	vld.idx.msk [tilespmem:v38+s17+$0x0], $0xffff;
	v26 =	vmax.f32 v26, v24  }
0x348: {  	v48 =	vld.idx.msk [tilespmem:v42+s18+$0x0], $0xffff;
	v18 =	vnsel vm6, $0x4E6E6B28, v18;
	v20 =	vmin.f32 v21, v20;
	v47 =	vmax.f32 v26, v35  }
0x349: {  	v19 =	vnsel vm7, $0x4E6E6B28, v19;
	v49 =	vld.idx.msk [tilespmem:v43+s18+$0x0], $0xffff;
	v18 =	vmin.f32 v20, v18;
	v20 =	vmax.f32 v47, v41  }
0x34a: {  	v2 =	vnsel vm8, $0x4E6E6B28, v2;
	v50 =	vld.idx.msk [tilespmem:v39+s18+$0x0], $0xffff;
	v18 =	vmin.f32 v18, v19;
	v20 =	vmax.f32 v20, v44  }
0x34b: {  	v0 =	vld.idx.msk [tilespmem:v29+s18+$0x0], $0xffff;
	v3 =	vnsel vm9, $0x4E6E6B28, v3;
	v2 =	vmin.f32 v18, v2;
	v52 =	vmax.f32 v20, v45  }
0x34c: {  	v1 =	vld.idx.msk [tilespmem:v1+s18+$0x0], $0xffff;
	v2 =	vmin.f32 v2, v3;
	v3 =	vnsel vm10, $0x4E6E6B28, v12;
	v18 =	vmax.f32 v52, v46  }
0x34d: {  	v2 =	vmin.f32 v2, v3;
	v3 =	vld.idx.msk [tilespmem:v11+s18+$0x0], $0xffff;
	vm11 =	veq.f32 v4, v18;
	vm12 =	veq.f32 v5, v18  }
0x34e: {  	v55 =	vld.idx.msk [tilespmem:v31+s18+$0x0], $0xffff;
	vm13 =	veq.f32 v6, v18;
	v4 =	vnsel vm11, $0x4E6E6B28, v48;
	v11 =	vnsel vm12, $0x4E6E6B28, v49  }
0x34f: {  	v6 =	vld.idx.msk [tilespmem:v63+s18+$0x0], $0xffff;
	vm14 =	veq.f32 v7, v18;
	v4 =	vmin.f32 v4, v11;
	v11 =	vnsel vm13, $0x4E6E6B28, v50  }
0x350: {  	v7 =	vld.idx.msk [tilespmem:v62+s18+$0x0], $0xffff;
	vm15 =	veq.f32 v8, v18;
	v0 =	vnsel vm14, $0x4E6E6B28, v0;
	v4 =	vmin.f32 v4, v11  }
0x351: {  	v8 =	vld.idx.msk [tilespmem:v9+s18+$0x0], $0xffff;
	vm4 =	veq.f32 v14, v18;
	v1 =	vnsel vm15, $0x4E6E6B28, v1;
	v0 =	vmin.f32 v4, v0  }
0x352: {  	v62 =	vld.idx.msk [tilespmem:v16+s18+$0x0], $0xffff;
	vm5 =	veq.f32 v17, v18;
	v0 =	vmin.f32 v0, v1;
	v1 =	vnsel vm4, $0x4E6E6B28, v3  }
0x353: {  	vm6 =	veq.f32 v27, v18;
	v3 =	vld.idx.msk [tilespmem:v15+s18+$0x0], $0xffff;
	v0 =	vmin.f32 v0, v1;
	v1 =	vnsel vm5, $0x4E6E6B28, v55  }
0x354: {  	v63 =	vld.idx.msk [tilespmem:v25+s18+$0x0], $0xffff;
	vm7 =	veq.f32 v32, v18;
	v0 =	vmin.f32 v0, v1;
	v1 =	vnsel vm6, $0x4E6E6B28, v6  }
0x355: {  	vm8 =	veq.f32 v37, v18;
	v6 =	vld.idx.msk [tilespmem:v28+s18+$0x0], $0xffff;
	v0 =	vmin.f32 v0, v1;
	v1 =	vnsel vm7, $0x4E6E6B28, v7  }
0x356: {  	vm9 =	veq.f32 v24, v18;
	v7 =	vld.idx.msk [tilespmem:v10+s18+$0x0], $0xffff;
	v0 =	vmin.f32 v0, v1;
	v1 =	vnsel vm8, $0x4E6E6B28, v8  }
0x357: {  	vm10 =	veq.f32 v35, v18;
	v8 =	vld.idx.msk [tilespmem:v38+s18+$0x0], $0xffff;
	v0 =	vmin.f32 v0, v1;
	v1 =	vnsel vm9, $0x4E6E6B28, v62  }
0x358: {  	vm11 =	veq.f32 v41, v18;
	v0 =	vmin.f32 v0, v1;
	v1 =	vnsel vm10, $0x4E6E6B28, v3  }
0x359: {  	vm12 =	veq.f32 v44, v18;
	v0 =	vmin.f32 v0, v1;
	v1 =	vnsel vm11, $0x4E6E6B28, v63  }
0x35a: {  	vm13 =	veq.f32 v45, v18;
	v0 =	vmin.f32 v0, v1;
	v1 =	vnsel vm12, $0x4E6E6B28, v6  }
0x35b: {  	vm14 =	veq.f32 v46, v18;
	v0 =	vmin.f32 v0, v1;
	v1 =	vnsel vm13, $0x4E6E6B28, v7  }
0x35c: {  	v2 =	vsel vm0, $0x43000000, v2;
	v0 =	vmin.f32 v0, v1;
	v1 =	vnsel vm14, $0x4E6E6B28, v8  }
0x35d: {  	v2 =	vtrunc.f32 v2;
	vm15 =	vlt.f32 v18, $-1.000000000e+00;
	v0 =	vmin.f32 v0, v1  }
0x35e: {  	s6 =	sadd.s32 $0x10, s31;
	v2 =	vcvt.f32.s32 v2;
	v1 =	vsel vm0, $0xBF800000, v61;
	v0 =	vsel vm15, $0x43000000, v0  }
0x35f: {  	s8 =	sadd.s32 $0x10, s30;
	[tilespmem:s6+$0x0] =	vst v1;
	v0 =	vtrunc.f32 v0  }
0x360: {  	v1 =	vsel vm15, $0xBF800000, v18;
	s6 =	sadd.s32 $0x10, s6;
	[tilespmem:s8+$0x0] =	vst v2;
	v0 =	vcvt.f32.s32 v0  }
0x361: {  	s8 =	sadd.s32 $0x10, s8;
	[tilespmem:s6+$0x0] =	vst v1  }
0x362: {  	[tilespmem:s8+$0x0] =	vst v0  }
0x363: {  	v8 =	vld [tilespmem:$0x1FFE0]  }
0x364: {  	v9 =	vld [tilespmem:$0x1FFF0]  }
0x365: {  	v45 =	vld [tilespmem:$0x1FB50]  }
0x366: {  	s22 =	sadd.s32 $0x1, s22;
	v46 =	vld [tilespmem:$0x1FB40]  }
0x367: {  	p0 =	sne.s32 s22, $0xA;
	v47 =	vld [tilespmem:$0x1FB30]  }
.Ltmp4:
0x368: {  	v48 =	vld [tilespmem:$0x1FB20];
	(pc) =	sbr.rel @p0 .LBB2_2-.Ltmp4, $4  }
0x369: {  	v49 =	vld [tilespmem:$0x1FB10]  }
0x36a: {  	v50 =	vld [tilespmem:$0x1FB00]  }
0x36b: {  	s1 =	sadd.s32 $0x200, s1;
	s24 =	sadd.s32 $0x200, s24;
	v52 =	vld [tilespmem:$0x1FAF0]  }
0x36c: {  	s23 =	sadd.s32 $0x200, s23;
	s3 =	sadd.s32 $0x200, s3;
	s0 =	sadd.s32 $0x200, s0;
	v2 =	vld [tilespmem:$0x1FAE0]  }
0x36d: {  	[tilespmem:$0x18400] =	vst v60  }
0x36e: {  	[tilespmem:$0x18410] =	vst v59  }
0x36f: {  	[tilespmem:$0x18420] =	vst v56  }
0x370: {  	[tilespmem:$0x18430] =	vst v58  }
0x371: {  	[tilespmem:$0x18440] =	vst v57  }
0x372: {  	[tilespmem:$0x184C0] =	vst v48  }
0x373: {  	[tilespmem:$0x18450] =	vst v54  }
0x374: {  	[tilespmem:$0x184D0] =	vst v47  }
0x375: {  	[tilespmem:$0x18460] =	vst v53  }
0x376: {  	[tilespmem:$0x184E0] =	vst v46  }
0x377: {  	[tilespmem:$0x18470] =	vst v51  }
0x378: {  	[tilespmem:$0x184F0] =	vst v45  }
0x379: {  	[tilespmem:$0x184B0] =	vst v49  }
0x37a: {  	[tilespmem:$0x184A0] =	vst v50  }
0x37b: {  	[tilespmem:$0x18480] =	vst v52  }
0x37c: {  	s0 =	rddreg [dreg:$0x7];
	s1 =	simm.s32 $0x18400;
	[tilespmem:$0x18490] =	vst v2  }
0x37d: {  	[spmem:s0] =	stream.linear.scatter [tilespmem:s1], [sflag:$0x3], $0x80, $0x38;
	[tilespmem:$0x18A00] =	vst v63  }
0x37e: {  	_ =	swait.ge [sflag:s21], $0x80  }
0x37f: {  	[sflag:s21] =	ssyncset.done $0x0  }
0x380: {  	s28 =	simm.s32 $0x18480;
	s26 =	rddreg [dreg:$0x8];
	[sflag:s21] =	ssyncadd.s32 $0xFFFFFF80  }
0x381: {  	[spmem:s26] =	stream.linear.scatter [tilespmem:s28], [sflag:$0x3], $0x80, $0x38;
	[tilespmem:$0x18A00] =	vst v63  }
0x382: {  	_ =	swait.ge [sflag:s21], $0x80  }
0x383: {  	[sflag:s21] =	ssyncset.done $0x0  }
0x384: {  	[sflag:s21] =	ssyncadd.s32 $0xFFFFFF80  }
0x385: {  	s30 =	simm.s32 $0x18500;
	[bflag:$0x0] =	sbarrier.arrive $0xFFFF  }
0x386: {  	[tilespmem:s30], [sflag:$0x3] =	stream.linear.gather [spmem:s10], $0x200, $0x38;
	[tilespmem:$0x18A00] =	vst v63  }
0x387: {  	_ =	swait.ge [sflag:s21], $0x200  }
0x388: {  	[sflag:s21] =	ssyncset.done $0x0  }
0x389: {  	s31 =	simm.s32 $0x18700;
	[sflag:s21] =	ssyncadd.s32 $0xFFFFFE00  }
0x38a: {  	[tilespmem:s31], [sflag:$0x3] =	stream.linear.gather [spmem:s11], $0x200, $0x38;
	[tilespmem:$0x18A00] =	vst v63  }
0x38b: {  	_ =	swait.ge [sflag:s21], $0x200  }
0x38c: {  	[sflag:s21] =	ssyncset.done $0x0  }
0x38d: {  	[sflag:s21] =	ssyncadd.s32 $0xFFFFFE00  }
0x38e: {  	v20 =	vld [tilespmem:$0x18500]  }
0x38f: {  	v0 =	vld [tilespmem:$0x18700]  }
0x390: {  	v21 =	vld [tilespmem:$0x18580]  }
0x391: {  	v19 =	vld [tilespmem:$0x18600]  }
0x392: {  	v28 =	vld [tilespmem:$0x18510]  }
0x393: {  	v29 =	vld [tilespmem:$0x18590]  }
0x394: {  	v26 =	vld [tilespmem:$0x18790]  }
0x395: {  	v27 =	vld [tilespmem:$0x18610]  }
0x396: {  	v25 =	vld [tilespmem:$0x18690]  }
0x397: {  	v35 =	vld [tilespmem:$0x18520]  }
0x398: {  	v32 =	vld [tilespmem:$0x18720]  }
0x399: {  	v1 =	vld [tilespmem:$0x185A0]  }
0x39a: {  	v12 =	vld [tilespmem:$0x187A0]  }
0x39b: {  	v34 =	vld [tilespmem:$0x18620]  }
0x39c: {  	v31 =	vld [tilespmem:$0x18820]  }
0x39d: {  	v33 =	vld [tilespmem:$0x186A0]  }
0x39e: {  	v30 =	vld [tilespmem:$0x188A0]  }
0x39f: {  	v38 =	vld [tilespmem:$0x18530]  }
0x3a0: {  	v11 =	vld [tilespmem:$0x18730]  }
0x3a1: {  	v39 =	vld [tilespmem:$0x185B0]  }
0x3a2: {  	v36 =	vld [tilespmem:$0x187B0]  }
0x3a3: {  	v37 =	vld [tilespmem:$0x18630]  }
0x3a4: {  	v10 =	vld [tilespmem:$0x18830]  }
0x3a5: {  	v13 =	vld [tilespmem:$0x186B0]  }
0x3a6: {  	v46 =	vld [tilespmem:$0x18540]  }
0x3a7: {  	v42 =	vld [tilespmem:$0x18740]  }
0x3a8: {  	v47 =	vld [tilespmem:$0x185C0]  }
0x3a9: {  	[tilespmem:$0x1FA60] =	vst v0;
	v0 =	vld [tilespmem:$0x18780]  }
0x3aa: {  	v44 =	vld [tilespmem:$0x187C0]  }
0x3ab: {  	v45 =	vld [tilespmem:$0x18640]  }
0x3ac: {  	v41 =	vld [tilespmem:$0x18840]  }
0x3ad: {  	v43 =	vld [tilespmem:$0x186C0]  }
0x3ae: {  	[tilespmem:$0x1FA70] =	vst v0;
	v0 =	vld [tilespmem:$0x18800]  }
0x3af: {  	v40 =	vld [tilespmem:$0x188C0]  }
0x3b0: {  	v54 =	vld [tilespmem:$0x18550]  }
0x3b1: {  	v50 =	vld [tilespmem:$0x18750]  }
0x3b2: {  	v55 =	vld [tilespmem:$0x185D0]  }
0x3b3: {  	[tilespmem:$0x1FA80] =	vst v0;
	v0 =	vld [tilespmem:$0x18680]  }
0x3b4: {  	v52 =	vld [tilespmem:$0x187D0]  }
0x3b5: {  	v53 =	vld [tilespmem:$0x18650]  }
0x3b6: {  	v49 =	vld [tilespmem:$0x18850]  }
0x3b7: {  	v51 =	vld [tilespmem:$0x186D0]  }
0x3b8: {  	[tilespmem:$0x1FA90] =	vst v0;
	v0 =	vld [tilespmem:$0x18880]  }
0x3b9: {  	v48 =	vld [tilespmem:$0x188D0]  }
0x3ba: {  	v62 =	vld [tilespmem:$0x18560]  }
0x3bb: {  	v58 =	vld [tilespmem:$0x18760]  }
0x3bc: {  	v63 =	vld [tilespmem:$0x185E0]  }
0x3bd: {  	[tilespmem:$0x1FAA0] =	vst v0;
	v0 =	vld [tilespmem:$0x18710]  }
0x3be: {  	v60 =	vld [tilespmem:$0x187E0]  }
0x3bf: {  	v61 =	vld [tilespmem:$0x18660]  }
0x3c0: {  	v57 =	vld [tilespmem:$0x18860]  }
0x3c1: {  	v59 =	vld [tilespmem:$0x186E0]  }
0x3c2: {  	[tilespmem:$0x1FAB0] =	vst v0;
	v0 =	vld [tilespmem:$0x18810]  }
0x3c3: {  	v56 =	vld [tilespmem:$0x188E0]  }
0x3c4: {  	v15 =	vld [tilespmem:$0x18570]  }
0x3c5: {  	v14 =	vld [tilespmem:$0x18770]  }
0x3c6: {  	v22 =	vld [tilespmem:$0x185F0]  }
0x3c7: {  	[tilespmem:$0x1FAC0] =	vst v0;
	v0 =	vld [tilespmem:$0x18890]  }
0x3c8: {  	v17 =	vld [tilespmem:$0x187F0]  }
0x3c9: {  	v18 =	vld [tilespmem:$0x18670]  }
0x3ca: {  	v16 =	vld [tilespmem:$0x18870]  }
0x3cb: {  	v23 =	vld [tilespmem:$0x186F0]  }
0x3cc: {  	v4 =	vimm.s32 $0x7F000000;
	s0 =	simm.s32 $0x14810;
	v24 =	vld [tilespmem:$0x188F0];
	[tilespmem:$0x1FAD0] =	vst v0  }
0x3cd: {  	s1 =	simm.s32 $0x0;
	v0 =	vld [tilespmem:$0x188B0];
	[tilespmem:s0+$0xFFFFFFF0] =	vst v4  }
.LBB2_12:
0x3ce: {  	s1 =	sadd.s32 $0x2, s1  }
0x3cf: {  	p0 =	slt.u32 s1, $0x13E  }
.Ltmp5:
0x3d0: {  	_ = 	snop;
	(pc) =	sbr.rel @p0 .LBB2_12-.Ltmp5, $3  }
0x3d1: {  	_ =	sdelay $0x1  }
0x3d2: {  	[tilespmem:s0+$0x0] =	vst v4;
	s0 =	sadd.s32 $0x20, s0  }
0x3d3: {  	[tilespmem:s0+$0xFFFFFFF0] =	vst v4  }
0x3d4: {  	vm0 =	vgt.f32 v22, v15  }
0x3d5: {  	v6 =	vld [tilespmem:$0x1FF40];
	[tilespmem:s0+$0x0] =	vst v4;
	v2 =	vsel vm0, v22, v15  }
0x3d6: {  	v4 =	vld [tilespmem:$0x1FF70];
	vm1 =	vgt.f32 v18, v2  }
0x3d7: {  	v3 =	vsel vm0, v17, v14;
	v2 =	vsel vm1, v18, v2  }
0x3d8: {  	vm0 =	vgt.f32 v23, v2;
	v2 =	vsel vm1, v16, v3  }
0x3d9: {  	v3 =	vld [tilespmem:$0x1FF50];
	v2 =	vsel vm0, v24, v2  }
0x3da: {  	v2 =	vsub.s32 v2, v6  }
0x3db: {  	vm1 =	vcmask $0x3F3C;
	vm6 =	vnez.u8 v4;
	vm0 =	vlt.u32 v2, $0x1400  }
0x3dc: {  	vm2 =	vcmask $0x3B38;
	vm1 =	vmand vm0, vm1  }
0x3dd: {  	vm2 =	vmand vm0, vm2  }
0x3de: {  	vm3 =	vcmask $0x3734  }
0x3df: {  	vm4 =	vcmask $0x3330;
	vm5 =	vcmask $0x2F2C;
	vm3 =	vmand vm0, vm3  }
0x3e0: {  	v7 =	vlaneseq.u32;
	v24 =	vimm.s32 $0x80;
	vm4 =	vmand vm0, vm4  }
0x3e1: {  	vm13 =	vcmask $0x2B28;
	vm5 =	vmand vm0, vm5;
	[tilespmem:v3+s25+$0x0] =	vst.idx.msk vm6, v24;
	v3 =	vor.u32 $0x70, v7  }
0x3e2: {  	vm6 =	vmand vm0, vm13;
	[tilespmem:v2+s25+$0x0] =	vst.idx.msk vm1, v3;
	vm1 =	vcmask $0x2724  }
0x3e3: {  	vm1 =	vmand vm0, vm1;
	[tilespmem:v2+s25+$0x0] =	vst.idx.msk vm2, v3;
	vm2 =	vcmask $0x2320  }
0x3e4: {  	vm15 =	vcmask $0x1F1C;
	vm2 =	vmand vm0, vm2  }
0x3e5: {  	vm14 =	vcmask $0x1B18;
	[tilespmem:v2+s25+$0x0] =	vst.idx.msk vm3, v3;
	vm3 =	vmand vm0, vm15  }
0x3e6: {  	vm7 =	vgt.f32 v63, v62;
	vm13 =	vcmask $0x1714;
	[tilespmem:v2+s25+$0x0] =	vst.idx.msk vm4, v3;
	vm4 =	vmand vm0, vm14  }
0x3e7: {  	vm12 =	vcmask $0x1310;
	v22 =	vsel vm7, v63, v62;
	v24 =	vld [tilespmem:$0x1FF60];
	[tilespmem:v2+s25+$0x0] =	vst.idx.msk vm5, v3;
	vm5 =	vmand vm0, vm13  }
0x3e8: {  	vm11 =	vcmask $0xF0C;
	vm8 =	vgt.f32 v61, v22;
	vm14 =	vmand vm0, vm12;
	[tilespmem:v2+s25+$0x0] =	vst.idx.msk vm6, v3  }
0x3e9: {  	v5 =	vsel vm7, v60, v58;
	v4 =	vsel vm8, v61, v22;
	[tilespmem:v2+s25+$0x0] =	vst.idx.msk vm1, v3;
	vm1 =	vmand vm0, vm11  }
0x3ea: {  	vm10 =	vcmask $0xB08;
	v23 =	vsel vm8, v57, v5;
	vm15 =	vgt.f32 v59, v4;
	[tilespmem:v2+s25+$0x0] =	vst.idx.msk vm2, v3  }
0x3eb: {  	vm9 =	vcmask $0x704;
	v4 =	vsel vm15, v56, v23;
	vm2 =	vmand vm0, vm10;
	[tilespmem:v2+s25+$0x0] =	vst.idx.msk vm3, v3  }
0x3ec: {  	v4 =	vsub.s32 v4, v6;
	vm10 =	vnez.u8 v24;
	vm3 =	vmand vm0, vm9;
	[tilespmem:v2+s25+$0x0] =	vst.idx.msk vm4, v3  }
0x3ed: {  	vm9 =	vcmask $0x3F3C;
	vm4 =	vmand vm0, vm10;
	vm0 =	vlt.u32 v4, $0x1400;
	[tilespmem:v2+s25+$0x0] =	vst.idx.msk vm5, v3  }
0x3ee: {  	vm11 =	vcmask $0x3B38;
	vm5 =	vmand vm0, vm9;
	[tilespmem:v2+s25+$0x0] =	vst.idx.msk vm14, v3  }
0x3ef: {  	vm6 =	vmand vm0, vm11;
	[tilespmem:v2+s25+$0x0] =	vst.idx.msk vm1, v3;
	vm1 =	vcmask $0x3734  }
0x3f0: {  	vm1 =	vmand vm0, vm1  }
0x3f1: {  	[tilespmem:v2+s25+$0x0] =	vst.idx.msk vm2, v3;
	vm2 =	vcmask $0x3330  }
0x3f2: {  	vm15 =	vcmask $0x2F2C;
	vm2 =	vmand vm0, vm2;
	[tilespmem:v2+s25+$0x0] =	vst.idx.msk vm3, v3  }
0x3f3: {  	vm14 =	vcmask $0x2B28;
	vm3 =	vmand vm0, vm15;
	[tilespmem:v2+s25+$0x0] =	vst.idx.msk vm4, v3;
	v2 =	vor.u32 $0x60, v7  }
0x3f4: {  	vm13 =	vcmask $0x2724;
	vm4 =	vmand vm0, vm14;
	[tilespmem:v4+s25+$0x0] =	vst.idx.msk vm5, v2  }
0x3f5: {  	vm12 =	vcmask $0x2320;
	vm5 =	vmand vm0, vm13;
	[tilespmem:v4+s25+$0x0] =	vst.idx.msk vm6, v2  }
0x3f6: {  	vm7 =	vgt.f32 v55, v54;
	vm6 =	vmand vm0, vm12;
	[tilespmem:v4+s25+$0x0] =	vst.idx.msk vm1, v2;
	vm1 =	vcmask $0x1F1C  }
0x3f7: {  	v3 =	vsel vm7, v55, v54;
	vm1 =	vmand vm0, vm1  }
0x3f8: {  	v52 =	vsel vm7, v52, v50;
	vm8 =	vgt.f32 v53, v3;
	[tilespmem:v4+s25+$0x0] =	vst.idx.msk vm2, v2;
	vm2 =	vcmask $0x1B18  }
0x3f9: {  	v3 =	vsel vm8, v53, v3;
	vm2 =	vmand vm0, vm2;
	[tilespmem:v4+s25+$0x0] =	vst.idx.msk vm3, v2;
	vm3 =	vcmask $0x1714  }
0x3fa: {  	vm7 =	vgt.f32 v51, v3;
	vm3 =	vmand vm0, vm3;
	[tilespmem:v4+s25+$0x0] =	vst.idx.msk vm4, v2;
	vm4 =	vcmask $0x1310  }
0x3fb: {  	v3 =	vsel vm8, v49, v52;
	vm8 =	vcmask $0xF0C;
	vm4 =	vmand vm0, vm4;
	[tilespmem:v4+s25+$0x0] =	vst.idx.msk vm5, v2  }
0x3fc: {  	vm5 =	vmand vm0, vm8;
	[tilespmem:v4+s25+$0x0] =	vst.idx.msk vm6, v2;
	vm6 =	vcmask $0xB08  }
0x3fd: {  	v3 =	vsel vm7, v48, v3;
	vm6 =	vmand vm0, vm6;
	[tilespmem:v4+s25+$0x0] =	vst.idx.msk vm1, v2;
	vm1 =	vcmask $0x704  }
0x3fe: {  	v3 =	vsub.s32 v3, v6;
	vm1 =	vmand vm0, vm1  }
0x3ff: {  	[tilespmem:v4+s25+$0x0] =	vst.idx.msk vm2, v2;
	vm2 =	vmand vm0, vm10;
	vm0 =	vlt.u32 v3, $0x1400  }
0x400: {  	[tilespmem:v4+s25+$0x0] =	vst.idx.msk vm3, v2;
	vm3 =	vmand vm0, vm9  }
0x401: {  	vm9 =	vcmask $0x3734;
	[tilespmem:v4+s25+$0x0] =	vst.idx.msk vm4, v2;
	vm4 =	vmand vm0, vm11  }
0x402: {  	vm11 =	vcmask $0x3330;
	[tilespmem:v4+s25+$0x0] =	vst.idx.msk vm5, v2;
	vm5 =	vmand vm0, vm9  }
0x403: {  	[tilespmem:v4+s25+$0x0] =	vst.idx.msk vm6, v2;
	vm6 =	vmand vm0, vm11  }
0x404: {  	[tilespmem:v4+s25+$0x0] =	vst.idx.msk vm1, v2;
	vm1 =	vmand vm0, vm15  }
0x405: {  	[tilespmem:v4+s25+$0x0] =	vst.idx.msk vm2, v2;
	v2 =	vor.u32 $0x50, v7;
	vm2 =	vmand vm0, vm14  }
0x406: {  	[tilespmem:v3+s25+$0x0] =	vst.idx.msk vm3, v2;
	vm3 =	vmand vm0, vm13  }
0x407: {  	[tilespmem:v3+s25+$0x0] =	vst.idx.msk vm4, v2  }
0x408: {  	vm9 =	vcmask $0x1F1C;
	vm4 =	vmand vm0, vm12;
	[tilespmem:v3+s25+$0x0] =	vst.idx.msk vm5, v2  }
0x409: {  	vm11 =	vcmask $0x1B18;
	vm5 =	vmand vm0, vm9;
	[tilespmem:v3+s25+$0x0] =	vst.idx.msk vm6, v2  }
0x40a: {  	vm7 =	vgt.f32 v47, v46;
	vm6 =	vmand vm0, vm11;
	[tilespmem:v3+s25+$0x0] =	vst.idx.msk vm1, v2;
	vm1 =	vcmask $0x1714  }
0x40b: {  	v54 =	vsel vm7, v47, v46;
	vm1 =	vmand vm0, vm1;
	[tilespmem:v3+s25+$0x0] =	vst.idx.msk vm2, v2;
	vm2 =	vcmask $0x1310  }
0x40c: {  	vm8 =	vgt.f32 v45, v54;
	vm2 =	vmand vm0, vm2;
	[tilespmem:v3+s25+$0x0] =	vst.idx.msk vm3, v2;
	vm3 =	vcmask $0xF0C  }
0x40d: {  	v55 =	vsel vm7, v44, v42;
	v4 =	vsel vm8, v45, v54;
	vm3 =	vmand vm0, vm3  }
0x40e: {  	v56 =	vsel vm8, v41, v55;
	vm9 =	vgt.f32 v43, v4;
	vm11 =	vcmask $0xB08;
	[tilespmem:v3+s25+$0x0] =	vst.idx.msk vm4, v2  }
0x40f: {  	vm8 =	vcmask $0x704;
	v4 =	vsel vm9, v40, v56;
	vm4 =	vmand vm0, vm11;
	[tilespmem:v3+s25+$0x0] =	vst.idx.msk vm5, v2  }
0x410: {  	v4 =	vsub.s32 v4, v6;
	vm5 =	vmand vm0, vm8;
	[tilespmem:v3+s25+$0x0] =	vst.idx.msk vm6, v2  }
0x411: {  	vm9 =	vmand vm0, vm10;
	vm0 =	vlt.u32 v4, $0x1400;
	[tilespmem:v3+s25+$0x0] =	vst.idx.msk vm1, v2;
	vm1 =	vcmask $0x3F3C  }
0x412: {  	vm1 =	vmand vm0, vm1;
	[tilespmem:v3+s25+$0x0] =	vst.idx.msk vm2, v2;
	vm2 =	vcmask $0x3B38  }
0x413: {  	vm2 =	vmand vm0, vm2;
	[tilespmem:v3+s25+$0x0] =	vst.idx.msk vm3, v2;
	vm3 =	vcmask $0x3734  }
0x414: {  	vm11 =	vmmov vm10;
	vm10 =	vcmask $0x3330;
	vm3 =	vmand vm0, vm3  }
0x415: {  	[tilespmem:v3+s25+$0x0] =	vst.idx.msk vm4, v2;
	vm4 =	vmand vm0, vm10  }
0x416: {  	[tilespmem:v3+s25+$0x0] =	vst.idx.msk vm5, v2;
	vm5 =	vmand vm0, vm15  }
0x417: {  	vm6 =	vmand vm0, vm14;
	[tilespmem:v3+s25+$0x0] =	vst.idx.msk vm9, v2;
	v2 =	vor.u32 $0x40, v7  }
0x418: {  	vm15 =	vmmov vm14;
	vm9 =	vmand vm0, vm13;
	[tilespmem:v4+s25+$0x0] =	vst.idx.msk vm1, v2  }
0x419: {  	vm14 =	vmmov vm13;
	vm13 =	vcmask $0x1F1C;
	[tilespmem:v4+s25+$0x0] =	vst.idx.msk vm2, v2;
	vm2 =	vmand vm0, vm12  }
0x41a: {  	vm7 =	vgt.f32 v39, v38;
	[tilespmem:v4+s25+$0x0] =	vst.idx.msk vm3, v2;
	vm3 =	vmand vm0, vm13  }
0x41b: {  	v57 =	vsel vm7, v36, v11;
	vm10 =	vcmask $0x1B18;
	[tilespmem:v4+s25+$0x0] =	vst.idx.msk vm4, v2  }
0x41c: {  	v3 =	vsel vm7, v39, v38;
	vm1 =	vcmask $0x1714;
	vm4 =	vmand vm0, vm10;
	[tilespmem:v4+s25+$0x0] =	vst.idx.msk vm5, v2  }
0x41d: {  	vm8 =	vgt.f32 v37, v3;
	vm5 =	vmand vm0, vm1;
	vm1 =	vcmask $0x1310;
	[tilespmem:v4+s25+$0x0] =	vst.idx.msk vm6, v2  }
0x41e: {  	v3 =	vsel vm8, v37, v3;
	vm6 =	vmand vm0, vm1;
	[tilespmem:v4+s25+$0x0] =	vst.idx.msk vm9, v2;
	vm9 =	vcmask $0xF0C  }
0x41f: {  	vm7 =	vgt.f32 v13, v3;
	vm1 =	vmand vm0, vm9;
	[tilespmem:v4+s25+$0x0] =	vst.idx.msk vm2, v2;
	vm2 =	vcmask $0xB08  }
0x420: {  	v3 =	vsel vm8, v10, v57;
	vm2 =	vmand vm0, vm2;
	[tilespmem:v4+s25+$0x0] =	vst.idx.msk vm3, v2;
	vm3 =	vcmask $0x704  }
0x421: {  	v0 =	vsel vm7, v0, v3;
	vm3 =	vmand vm0, vm3  }
0x422: {  	v0 =	vsub.s32 v0, v6;
	[tilespmem:v4+s25+$0x0] =	vst.idx.msk vm4, v2  }
0x423: {  	vm8 =	vcmask $0x3F3C;
	vm4 =	vmand vm0, vm11;
	vm0 =	vlt.u32 v0, $0x1400;
	[tilespmem:v4+s25+$0x0] =	vst.idx.msk vm5, v2  }
0x424: {  	vm5 =	vmand vm0, vm8;
	[tilespmem:v4+s25+$0x0] =	vst.idx.msk vm6, v2;
	vm6 =	vcmask $0x3B38  }
0x425: {  	vm6 =	vmand vm0, vm6;
	[tilespmem:v4+s25+$0x0] =	vst.idx.msk vm1, v2;
	vm1 =	vcmask $0x3734  }
0x426: {  	vm1 =	vmand vm0, vm1;
	[tilespmem:v4+s25+$0x0] =	vst.idx.msk vm2, v2;
	vm2 =	vcmask $0x3330  }
0x427: {  	vm2 =	vmand vm0, vm2;
	[tilespmem:v4+s25+$0x0] =	vst.idx.msk vm3, v2;
	vm3 =	vcmask $0x2F2C  }
0x428: {  	vm3 =	vmand vm0, vm3  }
0x429: {  	[tilespmem:v4+s25+$0x0] =	vst.idx.msk vm4, v2;
	v2 =	vor.u32 $0x30, v7;
	vm4 =	vmand vm0, vm15  }
0x42a: {  	[tilespmem:v0+s25+$0x0] =	vst.idx.msk vm5, v2;
	vm5 =	vmand vm0, vm14  }
0x42b: {  	[tilespmem:v0+s25+$0x0] =	vst.idx.msk vm6, v2;
	vm6 =	vmand vm0, vm12  }
0x42c: {  	[tilespmem:v0+s25+$0x0] =	vst.idx.msk vm1, v2;
	vm1 =	vmand vm0, vm13  }
0x42d: {  	[tilespmem:v0+s25+$0x0] =	vst.idx.msk vm2, v2  }
0x42e: {  	vm12 =	vcmask $0x1714;
	vm2 =	vmand vm0, vm10;
	[tilespmem:v0+s25+$0x0] =	vst.idx.msk vm3, v2  }
0x42f: {  	vm3 =	vmand vm0, vm12;
	[tilespmem:v0+s25+$0x0] =	vst.idx.msk vm4, v2;
	vm4 =	vcmask $0x1310  }
0x430: {  	vm4 =	vmand vm0, vm4;
	[tilespmem:v0+s25+$0x0] =	vst.idx.msk vm5, v2  }
0x431: {  	vm7 =	vgt.f32 v1, v35;
	vm5 =	vmand vm0, vm9;
	[tilespmem:v0+s25+$0x0] =	vst.idx.msk vm6, v2;
	vm6 =	vcmask $0xB08  }
0x432: {  	v1 =	vsel vm7, v1, v35;
	vm6 =	vmand vm0, vm6;
	[tilespmem:v0+s25+$0x0] =	vst.idx.msk vm1, v2;
	vm1 =	vcmask $0x704  }
0x433: {  	vm8 =	vgt.f32 v34, v1;
	vm1 =	vmand vm0, vm1  }
0x434: {  	v3 =	vsel vm7, v12, v32;
	v1 =	vsel vm8, v34, v1;
	[tilespmem:v0+s25+$0x0] =	vst.idx.msk vm2, v2;
	vm2 =	vmand vm0, vm11  }
0x435: {  	vm7 =	vgt.f32 v33, v1;
	v1 =	vsel vm8, v31, v3;
	[tilespmem:v0+s25+$0x0] =	vst.idx.msk vm3, v2  }
0x436: {  	v1 =	vsel vm7, v30, v1;
	[tilespmem:v0+s25+$0x0] =	vst.idx.msk vm4, v2  }
0x437: {  	v1 =	vsub.s32 v1, v6;
	[tilespmem:v0+s25+$0x0] =	vst.idx.msk vm5, v2  }
0x438: {  	v3 =	vld [tilespmem:$0x1FAB0];
	vm0 =	vlt.u32 v1, $0x1400;
	vm3 =	vcmask $0x3F3C;
	[tilespmem:v0+s25+$0x0] =	vst.idx.msk vm6, v2  }
0x439: {  	vm8 =	vcmask $0x3B38;
	vm7 =	vgt.f32 v29, v28;
	vm3 =	vmand vm0, vm3;
	[tilespmem:v0+s25+$0x0] =	vst.idx.msk vm1, v2  }
0x43a: {  	vm4 =	vmand vm0, vm8;
	vm8 =	vcmask $0x3734;
	[tilespmem:v0+s25+$0x0] =	vst.idx.msk vm2, v2;
	v2 =	vsel vm7, v29, v28  }
0x43b: {  	vm5 =	vmand vm0, vm8;
	vm6 =	vcmask $0x3330;
	vm8 =	vgt.f32 v27, v2  }
0x43c: {  	vm6 =	vmand vm0, vm6;
	vm1 =	vcmask $0x2F2C;
	v2 =	vsel vm8, v27, v2  }
0x43d: {  	v3 =	vsel vm7, v26, v3;
	vm1 =	vmand vm0, vm1;
	vm7 =	vgt.f32 v25, v2;
	v2 =	vld [tilespmem:$0x1FAC0]  }
0x43e: {  	v0 =	vor.u32 $0x20, v7;
	vm2 =	vmand vm0, vm15  }
0x43f: {  	vm15 =	vcmask $0x2320;
	[tilespmem:v1+s25+$0x0] =	vst.idx.msk vm3, v0;
	vm3 =	vmand vm0, vm14  }
0x440: {  	[tilespmem:v1+s25+$0x0] =	vst.idx.msk vm4, v0;
	vm4 =	vmand vm0, vm15  }
0x441: {  	[tilespmem:v1+s25+$0x0] =	vst.idx.msk vm5, v0;
	vm5 =	vmand vm0, vm13  }
0x442: {  	[tilespmem:v1+s25+$0x0] =	vst.idx.msk vm6, v0;
	vm6 =	vmand vm0, vm10;
	v2 =	vsel vm8, v2, v3;
	v3 =	vld [tilespmem:$0x1FAD0]  }
0x443: {  	vm10 =	vcmask $0x1310;
	[tilespmem:v1+s25+$0x0] =	vst.idx.msk vm1, v0;
	vm1 =	vmand vm0, vm12  }
0x444: {  	[tilespmem:v1+s25+$0x0] =	vst.idx.msk vm2, v0;
	vm2 =	vmand vm0, vm10  }
0x445: {  	[tilespmem:v1+s25+$0x0] =	vst.idx.msk vm3, v0;
	vm3 =	vmand vm0, vm9;
	vm8 =	vcmask $0xB08  }
0x446: {  	[tilespmem:v1+s25+$0x0] =	vst.idx.msk vm4, v0;
	vm4 =	vmand vm0, vm8;
	vm8 =	vcmask $0x704  }
0x447: {  	[tilespmem:v1+s25+$0x0] =	vst.idx.msk vm5, v0;
	vm5 =	vmand vm0, vm8;
	v2 =	vsel vm7, v3, v2  }
0x448: {  	[tilespmem:v1+s25+$0x0] =	vst.idx.msk vm6, v0;
	vm6 =	vmand vm0, vm11;
	v2 =	vsub.s32 v2, v6  }
0x449: {  	[tilespmem:v1+s25+$0x0] =	vst.idx.msk vm1, v0;
	vm1 =	vcmask $0x3F3C;
	vm0 =	vlt.u32 v2, $0x1400  }
0x44a: {  	[tilespmem:v1+s25+$0x0] =	vst.idx.msk vm2, v0;
	vm2 =	vcmask $0x3B38;
	vm1 =	vmand vm0, vm1  }
0x44b: {  	[tilespmem:v1+s25+$0x0] =	vst.idx.msk vm3, v0;
	vm3 =	vcmask $0x3734;
	vm2 =	vmand vm0, vm2  }
0x44c: {  	vm8 =	vcmask $0x3330;
	[tilespmem:v1+s25+$0x0] =	vst.idx.msk vm4, v0;
	vm3 =	vmand vm0, vm3  }
0x44d: {  	vm4 =	vmand vm0, vm8;
	[tilespmem:v1+s25+$0x0] =	vst.idx.msk vm5, v0;
	vm8 =	vcmask $0x2F2C  }
0x44e: {  	vm5 =	vmand vm0, vm8;
	[tilespmem:v1+s25+$0x0] =	vst.idx.msk vm6, v0;
	vm6 =	vcmask $0x2B28  }
0x44f: {  	v0 =	vor.u32 $0x10, v7;
	vm6 =	vmand vm0, vm6  }
0x450: {  	v60 =	vld [tilespmem:$0x1FA90];
	vm7 =	vgt.f32 v21, v20;
	[tilespmem:v2+s25+$0x0] =	vst.idx.msk vm1, v0  }
0x451: {  	v1 =	vsel vm7, v21, v20;
	vm8 =	vcmask $0x1B18;
	[tilespmem:v2+s25+$0x0] =	vst.idx.msk vm2, v0  }
0x452: {  	v58 =	vld [tilespmem:$0x1FA70];
	vm1 =	vmand vm0, vm14;
	vm14 =	vmmov vm13;
	vm2 =	vmand vm0, vm15;
	[tilespmem:v2+s25+$0x0] =	vst.idx.msk vm3, v0  }
0x453: {  	v3 =	vld [tilespmem:$0x1FA60];
	vm3 =	vmand vm0, vm13;
	[tilespmem:v2+s25+$0x0] =	vst.idx.msk vm4, v0;
	vm4 =	vmand vm0, vm8;
	vm8 =	vgt.f32 v19, v1  }
0x454: {  	v59 =	vld [tilespmem:$0x1FA80];
	vm13 =	vmmov vm12;
	[tilespmem:v2+s25+$0x0] =	vst.idx.msk vm5, v0;
	vm5 =	vmand vm0, vm12;
	v1 =	vsel vm8, v19, v1  }
0x455: {  	vm12 =	vmmov vm10;
	[tilespmem:v2+s25+$0x0] =	vst.idx.msk vm6, v0;
	vm6 =	vmand vm0, vm10;
	vm10 =	vgt.f32 v60, v1;
	v1 =	vld [tilespmem:$0x1FAA0];
	_ =	sdelay $0x2  }
0x456: {  	v3 =	vsel vm7, v58, v3  }
0x457: {  	v3 =	vsel vm8, v59, v3  }
0x458: {  	[tilespmem:v2+s25+$0x0] =	vst.idx.msk vm1, v0;
	vm1 =	vmand vm0, vm9;
	v1 =	vsel vm10, v1, v3;
	vm10 =	vcmask $0xB08  }
0x459: {  	[tilespmem:v2+s25+$0x0] =	vst.idx.msk vm2, v0;
	vm2 =	vmand vm0, vm10  }
0x45a: {  	vm8 =	vcmask $0x704;
	[tilespmem:v2+s25+$0x0] =	vst.idx.msk vm3, v0  }
0x45b: {  	vm3 =	vmand vm0, vm8;
	[tilespmem:v2+s25+$0x0] =	vst.idx.msk vm4, v0;
	v1 =	vsub.s32 v1, v6  }
0x45c: {  	[tilespmem:v2+s25+$0x0] =	vst.idx.msk vm5, v0;
	vm5 =	vcmask $0x3F3C;
	vm0 =	vmand vm0, vm11;
	vm4 =	vlt.u32 v1, $0x1400  }
0x45d: {  	[tilespmem:v2+s25+$0x0] =	vst.idx.msk vm6, v0;
	vm6 =	vcmask $0x3B38;
	vm5 =	vmand vm4, vm5  }
0x45e: {  	[tilespmem:v2+s25+$0x0] =	vst.idx.msk vm1, v0;
	vm1 =	vcmask $0x3734;
	vm6 =	vmand vm4, vm6  }
0x45f: {  	vm1 =	vmand vm4, vm1;
	[tilespmem:v2+s25+$0x0] =	vst.idx.msk vm2, v0;
	vm2 =	vcmask $0x3330  }
0x460: {  	vm2 =	vmand vm4, vm2  }
0x461: {  	[tilespmem:v2+s25+$0x0] =	vst.idx.msk vm3, v0;
	vm3 =	vcmask $0x2F2C  }
0x462: {  	vm3 =	vmand vm4, vm3;
	[tilespmem:v2+s25+$0x0] =	vst.idx.msk vm0, v0;
	vm0 =	vcmask $0x2B28  }
0x463: {  	vm0 =	vmand vm4, vm0;
	[tilespmem:v1+s25+$0x0] =	vst.idx.msk vm5, v7;
	vm5 =	vcmask $0x2724  }
0x464: {  	vm5 =	vmand vm4, vm5;
	[tilespmem:v1+s25+$0x0] =	vst.idx.msk vm6, v7  }
0x465: {  	vm15 =	vmand vm4, vm15;
	[tilespmem:v1+s25+$0x0] =	vst.idx.msk vm1, v7  }
0x466: {  	vm1 =	vmand vm4, vm14;
	[tilespmem:v1+s25+$0x0] =	vst.idx.msk vm2, v7;
	vm2 =	vcmask $0x1B18  }
0x467: {  	vm2 =	vmand vm4, vm2  }
0x468: {  	[tilespmem:v1+s25+$0x0] =	vst.idx.msk vm3, v7;
	vm3 =	vmand vm4, vm13  }
0x469: {  	[tilespmem:v1+s25+$0x0] =	vst.idx.msk vm0, v7;
	vm0 =	vmand vm4, vm12  }
0x46a: {  	vm14 =	vmand vm4, vm9;
	[tilespmem:v1+s25+$0x0] =	vst.idx.msk vm5, v7  }
0x46b: {  	[tilespmem:v1+s25+$0x0] =	vst.idx.msk vm15, v7;
	vm15 =	vmand vm4, vm10  }
0x46c: {  	[tilespmem:v1+s25+$0x0] =	vst.idx.msk vm1, v7;
	vm1 =	vmand vm4, vm8  }
0x46d: {  	[tilespmem:v1+s25+$0x0] =	vst.idx.msk vm2, v7;
	vm2 =	vmand vm4, vm11  }
0x46e: {  	[tilespmem:v1+s25+$0x0] =	vst.idx.msk vm3, v7  }
0x46f: {  	[tilespmem:v1+s25+$0x0] =	vst.idx.msk vm0, v7  }
0x470: {  	[tilespmem:v1+s25+$0x0] =	vst.idx.msk vm14, v7  }
0x471: {  	[tilespmem:v1+s25+$0x0] =	vst.idx.msk vm15, v7  }
0x472: {  	[tilespmem:v1+s25+$0x0] =	vst.idx.msk vm1, v7  }
0x473: {  	s31 =	simm.s32 $0x11410;
	[tilespmem:v1+s25+$0x0] =	vst.idx.msk vm2, v7  }
0x474: {  	s1 =	simm.s32 $0x14810;
	v2 =	vld [tilespmem:s31+$0x0]  }
0x475: {  	s3 =	simm.s32 $0x10010;
	v3 =	vld [tilespmem:s1+$0xFFFFFFF0]  }
0x476: {  	v61 =	vld [tilespmem:s3+$0x0]  }
0x477: {  	v62 =	vld [tilespmem:s1+$0x0]  }
0x478: {  	v6 =	vld [tilespmem:s3+$0xFFFFFFF0]  }
0x479: {  	s6 =	simm.s32 $0x11430;
	v7 =	vld [tilespmem:s31+$0xFFFFFFF0]  }
0x47a: {  	s0 =	simm.s32 $0x14830;
	v11 =	vld [tilespmem:s6+$0x0]  }
0x47b: {  	v16 =	vimm.s32 $0xFFFFFFFF;
	v0 =	vld [tilespmem:s0+$0xFFFFFFF0];
	vm0 =	vge.f32 v61, $4.000000060e-01  }
0x47c: {  	s3 =	simm.s32 $0x10030;
	v10 =	vld [tilespmem:s0+$0x0];
	vm1 =	vlt.s32 v62, $0x7F000000;
	vm2 =	vge.f32 v61, $5.000000000e-01;
	v63 =	vsel vm0, $0xFFFFFFFE, v16  }
0x47d: {  	s22 =	simm.s32 $0x15C10;
	v1 =	vld [tilespmem:s3+$0x0];
	vm0 =	vlt.s32 v3, $0x7F000000;
	v2 =	vsel vm1, v62, v2;
	vm1 =	vmor vm1, vm2  }
0x47e: {  	s8 =	simm.s32 $0x2;
	s1 =	simm.s32 $0x17010;
	v13 =	vld [tilespmem:s6+$0xFFFFFFF0];
	vm2 =	vge.f32 v6, $4.000000060e-01;
	v4 =	vsel vm1, $0x1, v63;
	vm1 =	vge.f32 v6, $5.000000000e-01;
	[tilespmem:s22+$0x0] =	vst v2  }
0x47f: {  	s23 =	simm.s32 $0x11450;
	s24 =	simm.s32 $0x17010;
	s6 =	simm.s32 $0x15C30;
	v12 =	vld [tilespmem:s3+$0xFFFFFFF0];
	v14 =	vsel vm2, $0xFFFFFFFE, v16;
	v15 =	vsel vm0, v3, v7;
	vm0 =	vmor vm0, vm1;
	[tilespmem:s1+$0x0] =	vst v4  }
.LBB2_14:
0x480: {  	s8 =	sadd.s32 $0x2, s8  }
0x481: {  	v2 =	vld [tilespmem:s23+$0x0];
	s0 =	sadd.s32 $0x20, s0;
	[tilespmem:s22+$0xFFFFFFF0] =	vst v15;
	v3 =	vsel vm0, $0x1, v14;
	s1 =	sadd.s32 $0x20, s1;
	v4 =	vmov v0;
	p0 =	slt.u32 s8, $0x13E  }
.Ltmp6:
0x482: {  	s3 =	sadd.s32 $0x20, s3;
	v0 =	vld [tilespmem:s0+$0xFFFFFFF0];
	vm0 =	vlt.s32 v4, $0x7F000000;
	vm1 =	vge.f32 v1, $4.000000060e-01;
	[tilespmem:s24+$0xFFFFFFF0] =	vst v3;
	(pc) =	sbr.rel @p0 .LBB2_14-.Ltmp6, $4  }
0x483: {  	s22 =	smov.u32 s6;
	vm3 =	vge.f32 v1, $5.000000000e-01;
	s24 =	smov.u32 s1;
	vm2 =	vlt.s32 v10, $0x7F000000;
	v1 =	vld [tilespmem:s3+$0x0];
	v3 =	vsel vm1, $0xFFFFFFFE, v16  }
0x484: {  	vm1 =	vge.f32 v12, $4.000000060e-01;
	v5 =	vsel vm2, v10, v11;
	v10 =	vld [tilespmem:s0+$0x0];
	vm2 =	vmor vm2, vm3  }
0x485: {  	vm3 =	vge.f32 v12, $5.000000000e-01;
	v12 =	vld [tilespmem:s3+$0xFFFFFFF0];
	v14 =	vsel vm1, $0xFFFFFFFE, v16;
	[tilespmem:s6+$0x0] =	vst v5;
	v3 =	vsel vm2, $0x1, v3  }
0x486: {  	v15 =	vsel vm0, v4, v13;
	vm0 =	vmor vm0, vm3;
	s6 =	sadd.s32 $0x20, s6;
	v13 =	vld [tilespmem:s23+$0xFFFFFFF0];
	s23 =	sadd.s32 $0x20, s23;
	[tilespmem:s1+$0x0] =	vst v3;
	v11 =	vmov v2  }
0x487: {  	_ = 	snop  }
0x488: {  	v2 =	vsel vm0, $0x1, v14;
	vm12 =	vlt.s32 v0, $0x7F000000  }
0x489: {  	[tilespmem:s22+$0xFFFFFFF0] =	vst v15;
	vm1 =	vge.f32 v1, $4.000000060e-01;
	vm3 =	vge.f32 v1, $5.000000000e-01;
	vm2 =	vlt.s32 v10, $0x7F000000  }
0x48a: {  	[tilespmem:s24+$0xFFFFFFF0] =	vst v2;
	v60 =	vsel vm1, $0xFFFFFFFE, v16;
	v61 =	vsel vm2, v10, v11;
	vm13 =	vmor vm2, vm3  }
0x48b: {  	s0 =	sadd.s32 $0x20, s1;
	vm14 =	vge.f32 v12, $4.000000060e-01;
	vm15 =	vge.f32 v12, $5.000000000e-01;
	[tilespmem:s6+$0x0] =	vst v61;
	v1 =	vsel vm13, $0x1, v60  }
0x48c: {  	v62 =	vsel vm14, $0xFFFFFFFE, v16;
	v0 =	vsel vm12, v0, v13;
	vm0 =	vmor vm12, vm15;
	[tilespmem:s0+$0x0] =	vst v1  }
0x48d: {  	[tilespmem:s6+$0xFFFFFFF0] =	vst v0;
	v63 =	vsel vm0, $0x1, v62  }
0x48e: {  	s30 =	simm.s32 $0x15C00;
	[tilespmem:s0+$0xFFFFFFF0] =	vst v63  }
0x48f: {  	[hbm4b:s12+s4] =	stream.linear.scatter [tilespmem:s30], [sflag:$0x3], $0x1400, $0x38;
	[tilespmem:$0x18A00] =	vst v63  }
0x490: {  	s29 =	sadd.s32 $0x1, s29;
	_ =	swait.ge [sflag:s21], $0x1400  }
0x491: {  	p0 =	sne.s32 s29, s14;
	[sflag:s21] =	ssyncset.done $0x0  }
.Ltmp7:
0x492: {  	s31 =	simm.s32 $0x17000;
	[sflag:s21] =	ssyncadd.s32 $0xFFFFEC00;
	(pc) =	sbr.rel @p0 .LBB2_1-.Ltmp7, $4  }
0x493: {  	[hbm4b:s13+s4] =	stream.linear.scatter [tilespmem:s31], [sflag:$0x3], $0x1400, $0x38;
	[tilespmem:$0x18A00] =	vst v63  }
0x494: {  	_ =	swait.ge [sflag:s21], $0x1400  }
0x495: {  	[sflag:s21] =	ssyncset.done $0x0  }
0x496: {  	[sflag:s21] =	ssyncadd.s32 $0xFFFFEC00  }
0x497: {  	_ =	sfence.sel $0x180000  }
0x498: {  	[bflag:$0x0] =	sbarrier.arrive $0xFFFF  }
0x499: {  	_ =	strace $0x90000047  }
0x49a: {  	s0 =	stileid.u32;
	[bflag:$0x2] =	sbarrier.arrive $0xFFFF  }
0x49b: {  	p0 =	sne.s32 s0, $0x0;
	s0 =	rddreg [dreg:$0x5]  }
0x49c: {  	s0 =	sadd.s32 @!p0 $0x100000, s0  }
0x49d: {  	[sflag:s0] =	ssyncadd.tile.s32 @!p0 $0x1;
	_ =	shalt  }
.Lfunc_end2:
_tile_overlayer_lowered:
.L_overlay_start_2:
0x49e: {  	(tag) =	ssettag $0x2  }
0x49f: {  	s0 =	rddreg [dreg:$0x0];
	s2 =	stileid.u32  }
0x4a0: {  	s1 =	rddreg [dreg:$0x1];
	p0 =	sne.s32 s2, $0x0  }
0x4a1: {  	s3 =	rddreg [dreg:$0x2];
	[bflag:$0x3] =	sbarrier.arrive $0xFFFF;
	s2 =	simm.s32 @!p0 $0x1C03  }
0x4a2: {  	[timem:s3], [sflag:s2] =	dma.local @!p0 [hbm:s0], s1  }
0x4a3: {  	s0 =	simm.s32 @!p0 $0x3  }
0x4a4: {  	_ =	swait.ge @!p0 [sflag:s0], s1  }
0x4a5: {  	s1 =	ssub.s32 @!p0 $0x0, s1;
	[sflag:s0] =	ssyncset.done @!p0 $0x0  }
0x4a6: {  	[sflag:s0] =	ssyncadd.s32 @!p0 s1  }
0x4a7: {  	[bflag:$0x3] =	sbarrier.arrive $0xFFFF  }
0x4a8: {  	_ =	shalt  }

</sc_bundles>
